<compile_context>
chip_gen: v7x
topology: tpu7x:2x2x1
jax: 0.10.2.dev20260603
libtpu: 0.0.44.dev20260713+nightly
codegen_flags: <defaults>
</compile_context>

<pallas_src>
import functools

import jax
import jax.numpy as jnp
from jax import lax
from jax.experimental import pallas as pl
from jax.experimental.pallas import tpu as pltpu
from jax.experimental.pallas import tpu_sc as plsc

_N = 10000
_E = 320000
_D = 128
_H = 128
_C = 64

_NC = 2
_NS = 16
_NW = _NC * _NS
_EPW = _E // _NW
_CH = 40
_NCHUNK = _EPW // _CH
_RPT = 624
_TAIL0 = _RPT * _NS
_TAILN = _N - _TAIL0
_DEGW = 128

def _deg_body(src_hbm, dst_hbm, ones_hbm, zeros_hbm, out_hbm,
              src_v, dst_v, src_v2, dst_v2, ones_v, acc,
              ix0, ix1, ss0, ss1):
    cid = lax.axis_index("c")
    sid = lax.axis_index("s")
    wid = sid * _NC + cid
    row0 = sid * _RPT
    pltpu.sync_copy(zeros_hbm.at[pl.ds(row0, _RPT)], acc.at[pl.ds(row0, _RPT)])

    @pl.when(sid == 0)
    def _():
        pltpu.sync_copy(zeros_hbm.at[pl.ds(_TAIL0, _TAILN)], acc.at[pl.ds(_TAIL0, _TAILN)])

    pltpu.sync_copy(ones_hbm, ones_v)
    plsc.subcore_barrier()

    base0 = wid * _EPW

    def idx_start(i, sv, dv, sem):
        base = base0 + i * _CH
        pltpu.async_copy(src_hbm.at[pl.ds(base, _CH)], sv, sem)
        pltpu.async_copy(dst_hbm.at[pl.ds(base, _CH)], dv, sem)

    def idx_wait(i, sv, dv, sem):
        base = base0 + i * _CH
        pltpu.make_async_copy(src_hbm.at[pl.ds(base, _CH)], sv, sem).wait()
        pltpu.make_async_copy(dst_hbm.at[pl.ds(base, _CH)], dv, sem).wait()

    def pair_wait(sv, dv, sem):
        pltpu.make_async_copy(ones_v.at[0], acc.at[sv], sem).wait()
        pltpu.make_async_copy(ones_v.at[1], acc.at[dv], sem).wait()

    idx_start(0, src_v, dst_v, ix0)
    idx_start(1, src_v2, dst_v2, ix1)

    def half(i, sv, dv, ixs, ss, nsv, ndv, nixs, ns):
        idx_wait(i, sv, dv, ixs)
        pltpu.async_copy(ones_v.at[0], acc.at[sv], ss, add=True)
        pltpu.async_copy(ones_v.at[1], acc.at[dv], ss, add=True)

        @pl.when(i >= 1)
        def _():
            pair_wait(nsv, ndv, ns)

            @pl.when(i + 1 < _NCHUNK)
            def _():
                idx_start(i + 1, nsv, ndv, nixs)

    def body(k, carry):
        i0 = 2 * k
        half(i0, src_v, dst_v, ix0, ss0, src_v2, dst_v2, ix1, ss1)
        half(i0 + 1, src_v2, dst_v2, ix1, ss1, src_v, dst_v, ix0, ss0)
        return carry

    lax.fori_loop(0, _NCHUNK // 2, body, 0)
    pair_wait(src_v2, dst_v2, ss1)
    plsc.subcore_barrier()
    pltpu.sync_copy(acc.at[pl.ds(row0, _RPT)], out_hbm.at[cid, pl.ds(row0, _RPT)])

    @pl.when(sid == 0)
    def _():
        pltpu.sync_copy(acc.at[pl.ds(_TAIL0, _TAILN)], out_hbm.at[cid, pl.ds(_TAIL0, _TAILN)])


@functools.cache
def _deg_call():
    mesh = plsc.VectorSubcoreMesh(
        core_axis_name="c", subcore_axis_name="s",
        num_cores=_NC, num_subcores=_NS,
    )
    return pl.kernel(
        _deg_body,
        out_type=jax.ShapeDtypeStruct((_NC, _N, _DEGW), jnp.float32),
        mesh=mesh,
        scratch_types=[
            pltpu.VMEM((_CH,), jnp.int32),
            pltpu.VMEM((_CH,), jnp.int32),
            pltpu.VMEM((_CH,), jnp.int32),
            pltpu.VMEM((_CH,), jnp.int32),
            pltpu.VMEM((2, _CH, _DEGW), jnp.float32),
            pltpu.VMEM_SHARED((_N, _DEGW), jnp.float32),
            pltpu.SemaphoreType.DMA,
            pltpu.SemaphoreType.DMA,
            pltpu.SemaphoreType.DMA,
            pltpu.SemaphoreType.DMA,
        ],
    )


_MCH = 40
_MNCH = 250


def _mp_body(h_hbm, src_hbm, dst_hbm, zeros_hbm, out_hbm,
             sv0, sv1, sv2, sv3,
             dv0a, dv1a, dv2a, dv3a, dv0b, dv1b, dv2b, dv3b,
             rows0, rows1, rows2, rows3, acc,
             i0s, i1s, i2s, i3s, g0, g1, g2, g3, s0, s1, s2, s3):
    cid = lax.axis_index("c")
    sid = lax.axis_index("s")
    wid = sid * _NC + cid
    row0 = sid * _RPT
    pltpu.sync_copy(zeros_hbm.at[pl.ds(row0, _RPT)], acc.at[pl.ds(row0, _RPT)])

    @pl.when(sid == 0)
    def _():
        pltpu.sync_copy(zeros_hbm.at[pl.ds(_TAIL0, _TAILN)], acc.at[pl.ds(_TAIL0, _TAILN)])

    plsc.subcore_barrier()

    S0 = (sv0, (dv0a, dv0b), rows0, i0s, g0, s0)
    S1 = (sv1, (dv1a, dv1b), rows1, i1s, g1, s1)
    S2 = (sv2, (dv2a, dv2b), rows2, i2s, g2, s2)
    S3 = (sv3, (dv3a, dv3b), rows3, i3s, g3, s3)

    def iissue(i, slot, gen):
        pltpu.async_copy(src_hbm.at[wid, i], slot[0], slot[3])
        pltpu.async_copy(dst_hbm.at[wid, i], slot[1][gen], slot[3])

    def iwait(i, slot, gen):
        pltpu.make_async_copy(src_hbm.at[wid, i], slot[0], slot[3]).wait()
        pltpu.make_async_copy(dst_hbm.at[wid, i], slot[1][gen], slot[3]).wait()

    def gissue(slot):
        pltpu.async_copy(h_hbm.at[slot[0]], slot[2], slot[4])

    def gwait(slot):
        pltpu.make_async_copy(h_hbm.at[slot[0]], slot[2], slot[4]).wait()

    def sissue(slot, gen):
        pltpu.async_copy(slot[2], acc.at[slot[1][gen]], slot[5], add=True)

    def swait(slot, gen):
        pltpu.make_async_copy(slot[2], acc.at[slot[1][gen]], slot[5]).wait()

    iissue(0, S0, 0)
    iissue(1, S1, 0)
    iissue(2, S2, 0)
    iissue(3, S3, 0)
    iwait(0, S0, 0)
    gissue(S0)
    iwait(1, S1, 0)
    gissue(S1)

    def pair(k, pa, pb, qa, qb, gen_p, gen_qprev, gen_iw):
        i0 = 2 * k
        gwait(pa)
        sissue(pa, gen_p)
        gwait(pb)
        sissue(pb, gen_p)

        @pl.when(i0 + 2 < _MNCH)
        def _():
            @pl.when(k >= 1)
            def _():
                swait(qa, gen_qprev)
                swait(qb, gen_qprev)

            iwait(i0 + 2, qa, gen_iw)
            iwait(i0 + 3, qb, gen_iw)
            gissue(qa)
            gissue(qb)

        @pl.when(i0 + 4 < _MNCH)
        def _():
            iissue(i0 + 4, pa, 1 - gen_p)
            iissue(i0 + 5, pb, 1 - gen_p)

    def body(k, carry):
        m = k % 4

        @pl.when(m == 0)
        def _():
            pair(k, S0, S1, S2, S3, 0, 1, 0)

        @pl.when(m == 1)
        def _():
            pair(k, S2, S3, S0, S1, 0, 0, 1)

        @pl.when(m == 2)
        def _():
            pair(k, S0, S1, S2, S3, 1, 0, 1)

        @pl.when(m == 3)
        def _():
            pair(k, S2, S3, S0, S1, 1, 1, 0)

        return carry

    lax.fori_loop(0, _MNCH // 2, body, 0)
    swait(S2, 1)
    swait(S3, 1)
    swait(S0, 0)
    swait(S1, 0)
    plsc.subcore_barrier()
    pltpu.sync_copy(acc.at[pl.ds(row0, _RPT)], out_hbm.at[cid, pl.ds(row0, _RPT)])

    @pl.when(sid == 0)
    def _():
        pltpu.sync_copy(acc.at[pl.ds(_TAIL0, _TAILN)], out_hbm.at[cid, pl.ds(_TAIL0, _TAILN)])


@functools.cache
def _mp_call():
    mesh = plsc.VectorSubcoreMesh(
        core_axis_name="c", subcore_axis_name="s",
        num_cores=_NC, num_subcores=_NS,
    )
    idx = pltpu.VMEM((_MCH,), jnp.int32)
    rowb = pltpu.VMEM((_MCH, _H), jnp.float32)
    sem = pltpu.SemaphoreType.DMA
    return pl.kernel(
        _mp_body,
        out_type=jax.ShapeDtypeStruct((_NC, _N, _H), jnp.float32),
        mesh=mesh,
        scratch_types=(
            [idx] * 12 + [rowb] * 4
            + [pltpu.VMEM_SHARED((_N, _H), jnp.float32)]
            + [sem] * 12
        ),
    )


_RB = 1000
_NGRID = _N // _RB


def _dense1_body(x_ref, w_ref, dego_ref, out_ref):
    ns = lax.rsqrt(jnp.maximum(dego_ref[0] + dego_ref[1], 1.0))
    out_ref[...] = jnp.dot(x_ref[...], w_ref[...],
                           preferred_element_type=jnp.float32) * ns


def _dense1(x, W, dego_p):
    return pl.pallas_call(
        _dense1_body,
        grid=(_NGRID,),
        in_specs=[
            pl.BlockSpec((_RB, _D), lambda j: (j, 0)),
            pl.BlockSpec((_D, _H), lambda j: (0, 0)),
            pl.BlockSpec((2, _RB, 1), lambda j: (0, j, 0)),
        ],
        out_specs=pl.BlockSpec((_RB, _H), lambda j: (j, 0)),
        out_shape=jax.ShapeDtypeStruct((_N, _H), jnp.float32),
    )(x, W, dego_p)


def _dense2_body(p_ref, degi_ref, dego_ref, b1_ref, w_ref, out_ref):
    agg = p_ref[0] + p_ref[1]
    nd = lax.rsqrt(jnp.maximum(degi_ref[0] + degi_ref[1], 1.0))
    h = agg * nd + b1_ref[...]
    h = jnp.where(h > 0, h, jnp.exp(h) - 1.0)
    ns = lax.rsqrt(jnp.maximum(dego_ref[0] + dego_ref[1], 1.0))
    out_ref[...] = jnp.dot(h, w_ref[...],
                           preferred_element_type=jnp.float32) * ns


def _dense2(p, degi_p, dego_p, b1, W):
    return pl.pallas_call(
        _dense2_body,
        grid=(_NGRID,),
        in_specs=[
            pl.BlockSpec((2, _RB, _H), lambda j: (0, j, 0)),
            pl.BlockSpec((2, _RB, 1), lambda j: (0, j, 0)),
            pl.BlockSpec((2, _RB, 1), lambda j: (0, j, 0)),
            pl.BlockSpec((1, _H), lambda j: (0, 0)),
            pl.BlockSpec((_H, _H), lambda j: (0, 0)),
        ],
        out_specs=pl.BlockSpec((_RB, _H), lambda j: (j, 0)),
        out_shape=jax.ShapeDtypeStruct((_N, _H), jnp.float32),
    )(p, degi_p, dego_p, b1, W)


def _final_body(p_ref, degi_ref, b2_ref, wc_ref, bc_ref, out_ref, acc_ref):
    j = pl.program_id(0)

    @pl.when(j == 0)
    def _():
        acc_ref[...] = jnp.zeros_like(acc_ref)

    agg = p_ref[0] + p_ref[1]
    nd = lax.rsqrt(jnp.maximum(degi_ref[0] + degi_ref[1], 1.0))
    z = agg * nd + b2_ref[...]
    z = jnp.where(z > 0, z, jnp.exp(z) - 1.0)
    acc_ref[...] += jnp.sum(z, axis=0, keepdims=True)

    @pl.when(j == pl.num_programs(0) - 1)
    def _():
        out_ref[...] = jnp.dot(acc_ref[...] * (1.0 / _N), wc_ref[...],
                               preferred_element_type=jnp.float32) + bc_ref[...]


def _final(p, degi_p, b2, Wc, bc):
    return pl.pallas_call(
        _final_body,
        grid=(_NGRID,),
        in_specs=[
            pl.BlockSpec((2, _RB, _H), lambda j: (0, j, 0)),
            pl.BlockSpec((2, _RB, 1), lambda j: (0, j, 0)),
            pl.BlockSpec((1, _H), lambda j: (0, 0)),
            pl.BlockSpec((_H, _C), lambda j: (0, 0)),
            pl.BlockSpec((1, _C), lambda j: (0, 0)),
        ],
        out_specs=pl.BlockSpec((1, _C), lambda j: (0, 0)),
        out_shape=jax.ShapeDtypeStruct((1, _C), jnp.float32),
        scratch_shapes=[pltpu.VMEM((1, _H), jnp.float32)],
    )(p, degi_p, b2, Wc, bc)


def kernel(features, edge_index, W1, b1, W2, b2, Wc, bc):
    src = edge_index[0]
    dst = edge_index[1]

    lane = jnp.arange(_DEGW, dtype=jnp.int32)
    ones = jnp.stack([
        jnp.where(lane == 0, 1.0, 0.0),
        jnp.where(lane == 1, 1.0, 0.0),
    ]).astype(jnp.float32)[:, None, :] * jnp.ones((2, _CH, _DEGW), jnp.float32)
    zeros_h = jnp.zeros((_N, _H), jnp.float32)
    zeros_d = jnp.zeros((_N, _DEGW), jnp.float32)

    src3 = src.reshape(_NW, _MNCH, _MCH)
    dst3 = dst.reshape(_NW, _MNCH, _MCH)

    degp = _deg_call()(src, dst, ones, zeros_d)
    dego_p = degp[:, :, 0:1]
    degi_p = degp[:, :, 1:2]

    b1r = b1.reshape(1, _H)
    b2r = b2.reshape(1, _H)
    bcr = bc.reshape(1, _C)

    hs1 = _dense1(features, W1, dego_p)
    p1 = _mp_call()(hs1, src3, dst3, zeros_h)
    hs2 = _dense2(p1, degi_p, dego_p, b1r, W2)
    p2 = _mp_call()(hs2, src3, dst3, zeros_h)
    return _final(p2, degi_p, b2r, Wc, bcr)

# --- scband reference (transcript-rebuilt; emitter-appended) ---
"""Pipeline reference for scband-gnnmodel-dgl-10015863734373 (READ-ONLY COPY).

The authoritative reference and input builder live on the scoring server;
editing this copy changes nothing except your own understanding.
"""

import jax, jax.numpy as jnp
import numpy as np

N = 10000
E = 320000
D = 128
H = 128
C = 64


def _glorot(key, fan_in, fan_out):
    limit = np.sqrt(6.0 / (fan_in + fan_out))
    return jax.random.uniform(key, (fan_in, fan_out), dtype=jnp.float32, minval=-limit, maxval=limit)


def setup_inputs(seed: int = 0) -> dict:
    key = jax.random.key(seed)
    ks = jax.random.split(key, 8)
    features = jax.random.normal(ks[0], (N, D), dtype=jnp.float32)
    edge_index = jax.random.randint(ks[1], (2, E), 0, N, dtype=jnp.int32)
    W1 = _glorot(ks[2], D, H)
    b1 = jnp.zeros((H,), dtype=jnp.float32)
    W2 = _glorot(ks[3], H, H)
    b2 = jnp.zeros((H,), dtype=jnp.float32)
    Wc = _glorot(ks[4], H, C)
    bc = jnp.zeros((C,), dtype=jnp.float32)
    return {"features": features, "edge_index": edge_index, "W1": W1, "b1": b1, "W2": W2, "b2": b2, "Wc": Wc, "bc": bc}


def _gcn_layer(x, src, dst, W, b, n_nodes):
    # DGL GraphConv with norm='both': D_out^{-1/2} A D_in^{-1/2} X W + b
    ones = jnp.ones((src.shape[0],), dtype=jnp.float32)
    deg_out = jnp.zeros((n_nodes,), dtype=jnp.float32).at[src].add(ones)
    deg_in = jnp.zeros((n_nodes,), dtype=jnp.float32).at[dst].add(ones)
    norm_src = jnp.power(jnp.clip(deg_out, 1.0, None), -0.5)
    norm_dst = jnp.power(jnp.clip(deg_in, 1.0, None), -0.5)
    h = x @ W
    h = h * norm_src[:, None]
    msgs = jnp.take(h, src, axis=0)
    agg = jnp.zeros_like(h).at[dst].add(msgs)
    agg = agg * norm_dst[:, None]
    return jax.nn.elu(agg + b)


def reference(features, edge_index, W1, b1, W2, b2, Wc, bc):
    src = edge_index[0]
    dst = edge_index[1]
    # dropout p=0.0 -> identity
    h = _gcn_layer(features, src, dst, W1, b1, N)
    logits = _gcn_layer(h, src, dst, W2, b2, N)
    # dgl.mean_nodes over a single (batched-size-1) graph
    graph_embedding = jnp.mean(logits, axis=0, keepdims=True)
    # with_arcface=False -> classify linear head
    out = graph_embedding @ Wc + bc
    return out

if __name__ == "__main__":
    import jax
    _d = setup_inputs()
    print(jax.jit(kernel)(*tuple(_d.values())))

</pallas_src>

<mosaic_0001>
#map = affine_map<(d0, d1) -> (0)>
#map1 = affine_map<(d0, d1) -> (0, 0, 0)>
#map2 = affine_map<(d0, d1) -> (0, 0)>
module attributes {stable_mosaic.version = 14 : i64} {
  func.func @_deg_body(%arg0: i32, %arg1: i32, %arg2: memref<320000xi32, #tpu.memory_space<hbm>>, %arg3: memref<320000xi32, #tpu.memory_space<hbm>>, %arg4: memref<2x40x128xf32, #tpu.memory_space<hbm>>, %arg5: memref<10000x128xf32, #tpu.memory_space<hbm>>, %arg6: memref<2x10000x128xf32, #tpu.memory_space<hbm>>, %arg7: memref<40xi32, #tpu.memory_space<vmem>>, %arg8: memref<40xi32, #tpu.memory_space<vmem>>, %arg9: memref<40xi32, #tpu.memory_space<vmem>>, %arg10: memref<40xi32, #tpu.memory_space<vmem>>, %arg11: memref<2x40x128xf32, #tpu.memory_space<vmem>>, %arg12: memref<10000x128xf32, #tpu.memory_space<vmem_shared>>, %arg13: memref<!tpu.dma_semaphore, #tpu.memory_space<semaphore_mem>>, %arg14: memref<!tpu.dma_semaphore, #tpu.memory_space<semaphore_mem>>, %arg15: memref<!tpu.dma_semaphore, #tpu.memory_space<semaphore_mem>>, %arg16: memref<!tpu.dma_semaphore, #tpu.memory_space<semaphore_mem>>) attributes {dimension_semantics = [#tpu.dimension_semantics<core_parallel>, #tpu.dimension_semantics<subcore_parallel>], iteration_bounds = array<i64: 2, 16>, scalar_prefetch = 0 : i64, scratch_operands = 10 : i64, tpu.core_type = #tpu.core_type<sc_vector_subcore>, window_params = [{transform_indices = #map}, {transform_indices = #map}, {transform_indices = #map1}, {transform_indices = #map2}, {transform_indices = #map1}]} {
    %mul3A = arith.constant 2 : i32
    %mul3A_0 = arith.muli %arg1, %mul3A : i32
    %add3A = arith.addi %mul3A_0, %arg0 : i32
    %mul3A_1 = arith.constant 624 : i32
    %mul3A_2 = arith.muli %arg1, %mul3A_1 : i32
    "tpu.region"() ({
      %run_scoped3A = tpu.sem_alloc : memref<!tpu.dma_semaphore, #tpu.memory_space<semaphore_mem>>
      %dma_start3A_44 = arith.constant 0 : i32
      %dma_start3A_45 = tpu.memref_slice %arg12[%mul3A_2, %dma_start3A_44] : memref<10000x128xf32, #tpu.memory_space<vmem_shared>> -> memref<624x128xf32, #tpu.memory_space<vmem_shared>>
      %dma_start3A_46 = arith.constant 0 : i32
      %dma_start3A_47 = tpu.memref_slice %arg5[%mul3A_2, %dma_start3A_46] : memref<10000x128xf32, #tpu.memory_space<hbm>> -> memref<624x128xf32, #tpu.memory_space<hbm>>
      tpu.enqueue_dma source(%dma_start3A_47 : memref<624x128xf32, #tpu.memory_space<hbm>>) target(%dma_start3A_45 : memref<624x128xf32, #tpu.memory_space<vmem_shared>>) target_semaphore(%run_scoped3A : memref<!tpu.dma_semaphore, #tpu.memory_space<semaphore_mem>>)
      %dma_wait3A_48 = arith.constant 0 : i32
      %dma_wait3A_49 = tpu.memref_slice %arg12[%mul3A_2, %dma_wait3A_48] : memref<10000x128xf32, #tpu.memory_space<vmem_shared>> -> memref<624x128xf32, #tpu.memory_space<vmem_shared>>
      %dma_wait3A_50 = arith.constant 0 : i32
      %dma_wait3A_51 = tpu.memref_slice %arg5[%mul3A_2, %dma_wait3A_50] : memref<10000x128xf32, #tpu.memory_space<hbm>> -> memref<624x128xf32, #tpu.memory_space<hbm>>
      tpu.wait_dma2 semaphore(%run_scoped3A : memref<!tpu.dma_semaphore, #tpu.memory_space<semaphore_mem>>) src(%dma_wait3A_51 : memref<624x128xf32, #tpu.memory_space<hbm>>) dst(%dma_wait3A_49 : memref<624x128xf32, #tpu.memory_space<vmem_shared>>)
      tpu.yield
    }) : () -> ()
    %eq3A = arith.constant 0 : i32
    %eq3A_3 = arith.cmpi eq, %arg1, %eq3A : i32
    %convert_element_type3A = arith.extui %eq3A_3 : i1 to i32
    %cond3A = arith.constant 0 : i32
    %cond3A_4 = arith.cmpi ne, %convert_element_type3A, %cond3A : i32
    scf.if %cond3A_4 {
      "tpu.region"() ({
        %run_scoped3A = tpu.sem_alloc : memref<!tpu.dma_semaphore, #tpu.memory_space<semaphore_mem>>
        %dma_start3A_44 = arith.constant 9984 : i32
        %dma_start3A_45 = arith.constant 0 : i32
        %dma_start3A_46 = tpu.memref_slice %arg12[%dma_start3A_44, %dma_start3A_45] : memref<10000x128xf32, #tpu.memory_space<vmem_shared>> -> memref<16x128xf32, #tpu.memory_space<vmem_shared>>
        %dma_start3A_47 = arith.constant 9984 : i32
        %dma_start3A_48 = arith.constant 0 : i32
        %dma_start3A_49 = tpu.memref_slice %arg5[%dma_start3A_47, %dma_start3A_48] : memref<10000x128xf32, #tpu.memory_space<hbm>> -> memref<16x128xf32, #tpu.memory_space<hbm>>
        tpu.enqueue_dma source(%dma_start3A_49 : memref<16x128xf32, #tpu.memory_space<hbm>>) target(%dma_start3A_46 : memref<16x128xf32, #tpu.memory_space<vmem_shared>>) target_semaphore(%run_scoped3A : memref<!tpu.dma_semaphore, #tpu.memory_space<semaphore_mem>>)
        %dma_wait3A_50 = arith.constant 9984 : i32
        %dma_wait3A_51 = arith.constant 0 : i32
        %dma_wait3A_52 = tpu.memref_slice %arg12[%dma_wait3A_50, %dma_wait3A_51] : memref<10000x128xf32, #tpu.memory_space<vmem_shared>> -> memref<16x128xf32, #tpu.memory_space<vmem_shared>>
        %dma_wait3A_53 = arith.constant 9984 : i32
        %dma_wait3A_54 = arith.constant 0 : i32
        %dma_wait3A_55 = tpu.memref_slice %arg5[%dma_wait3A_53, %dma_wait3A_54] : memref<10000x128xf32, #tpu.memory_space<hbm>> -> memref<16x128xf32, #tpu.memory_space<hbm>>
        tpu.wait_dma2 semaphore(%run_scoped3A : memref<!tpu.dma_semaphore, #tpu.memory_space<semaphore_mem>>) src(%dma_wait3A_55 : memref<16x128xf32, #tpu.memory_space<hbm>>) dst(%dma_wait3A_52 : memref<16x128xf32, #tpu.memory_space<vmem_shared>>)
        tpu.yield
      }) : () -> ()
    } else {
    }
    "tpu.region"() ({
      %run_scoped3A = tpu.sem_alloc : memref<!tpu.dma_semaphore, #tpu.memory_space<semaphore_mem>>
      tpu.enqueue_dma source(%arg4 : memref<2x40x128xf32, #tpu.memory_space<hbm>>) target(%arg11 : memref<2x40x128xf32, #tpu.memory_space<vmem>>) target_semaphore(%run_scoped3A : memref<!tpu.dma_semaphore, #tpu.memory_space<semaphore_mem>>)
      tpu.wait_dma2 semaphore(%run_scoped3A : memref<!tpu.dma_semaphore, #tpu.memory_space<semaphore_mem>>) src(%arg4 : memref<2x40x128xf32, #tpu.memory_space<hbm>>) dst(%arg11 : memref<2x40x128xf32, #tpu.memory_space<vmem>>)
      tpu.yield
    }) : () -> ()
    %barrier3A = arith.constant 0 : index
    tpu.barrier barrier_id(%barrier3A)
    %mul3A_5 = arith.constant 10000 : i32
    %mul3A_6 = arith.muli %add3A, %mul3A_5 : i32
    %add3A_7 = arith.constant 0 : i32
    %add3A_8 = arith.addi %mul3A_6, %add3A_7 : i32
    %dma_start3A = tpu.memref_slice %arg2[%add3A_8] : memref<320000xi32, #tpu.memory_space<hbm>> -> memref<40xi32, #tpu.memory_space<hbm>>
    %dma_start3A_9 = tpu.memref_slice %arg2[%add3A_8] : memref<320000xi32, #tpu.memory_space<hbm>> -> memref<40xi32, #tpu.memory_space<hbm>>
    tpu.enqueue_dma source(%dma_start3A_9 : memref<40xi32, #tpu.memory_space<hbm>>) target(%arg7 : memref<40xi32, #tpu.memory_space<vmem>>) target_semaphore(%arg13 : memref<!tpu.dma_semaphore, #tpu.memory_space<semaphore_mem>>)
    %dma_start3A_10 = tpu.memref_slice %arg3[%add3A_8] : memref<320000xi32, #tpu.memory_space<hbm>> -> memref<40xi32, #tpu.memory_space<hbm>>
    %dma_start3A_11 = tpu.memref_slice %arg3[%add3A_8] : memref<320000xi32, #tpu.memory_space<hbm>> -> memref<40xi32, #tpu.memory_space<hbm>>
    tpu.enqueue_dma source(%dma_start3A_11 : memref<40xi32, #tpu.memory_space<hbm>>) target(%arg8 : memref<40xi32, #tpu.memory_space<vmem>>) target_semaphore(%arg13 : memref<!tpu.dma_semaphore, #tpu.memory_space<semaphore_mem>>)
    %add3A_12 = arith.constant 40 : i32
    %add3A_13 = arith.addi %mul3A_6, %add3A_12 : i32
    %dma_start3A_14 = tpu.memref_slice %arg2[%add3A_13] : memref<320000xi32, #tpu.memory_space<hbm>> -> memref<40xi32, #tpu.memory_space<hbm>>
    %dma_start3A_15 = tpu.memref_slice %arg2[%add3A_13] : memref<320000xi32, #tpu.memory_space<hbm>> -> memref<40xi32, #tpu.memory_space<hbm>>
    tpu.enqueue_dma source(%dma_start3A_15 : memref<40xi32, #tpu.memory_space<hbm>>) target(%arg9 : memref<40xi32, #tpu.memory_space<vmem>>) target_semaphore(%arg14 : memref<!tpu.dma_semaphore, #tpu.memory_space<semaphore_mem>>)
    %dma_start3A_16 = tpu.memref_slice %arg3[%add3A_13] : memref<320000xi32, #tpu.memory_space<hbm>> -> memref<40xi32, #tpu.memory_space<hbm>>
    %dma_start3A_17 = tpu.memref_slice %arg3[%add3A_13] : memref<320000xi32, #tpu.memory_space<hbm>> -> memref<40xi32, #tpu.memory_space<hbm>>
    tpu.enqueue_dma source(%dma_start3A_17 : memref<40xi32, #tpu.memory_space<hbm>>) target(%arg10 : memref<40xi32, #tpu.memory_space<vmem>>) target_semaphore(%arg14 : memref<!tpu.dma_semaphore, #tpu.memory_space<semaphore_mem>>)
    %scan3A = arith.constant 0 : i32
    %scan3A_18 = arith.constant 0 : i32
    %scan3A_19 = arith.constant 125 : i32
    %scan3A_20 = arith.addi %scan3A_18, %scan3A_19 : i32
    %scan3A_21 = arith.constant 1 : i32
    scf.for %scan3A_44 = %scan3A_18 to %scan3A_20 step %scan3A_21  : i32 {
      %mul3A_45 = arith.constant 2 : i32
      %mul3A_46 = arith.muli %mul3A_45, %scan3A_44 : i32
      %mul3A_47 = arith.constant 40 : i32
      %mul3A_48 = arith.muli %mul3A_46, %mul3A_47 : i32
      %add3A_49 = arith.addi %mul3A_6, %mul3A_48 : i32
      %dma_wait3A_50 = tpu.memref_slice %arg2[%add3A_49] : memref<320000xi32, #tpu.memory_space<hbm>> -> memref<40xi32, #tpu.memory_space<hbm>>
      %dma_wait3A_51 = tpu.memref_slice %arg2[%add3A_49] : memref<320000xi32, #tpu.memory_space<hbm>> -> memref<40xi32, #tpu.memory_space<hbm>>
      tpu.wait_dma2 semaphore(%arg13 : memref<!tpu.dma_semaphore, #tpu.memory_space<semaphore_mem>>) src(%dma_wait3A_51 : memref<40xi32, #tpu.memory_space<hbm>>) dst(%arg7 : memref<40xi32, #tpu.memory_space<vmem>>)
      %dma_wait3A_52 = tpu.memref_slice %arg3[%add3A_49] : memref<320000xi32, #tpu.memory_space<hbm>> -> memref<40xi32, #tpu.memory_space<hbm>>
      %dma_wait3A_53 = tpu.memref_slice %arg3[%add3A_49] : memref<320000xi32, #tpu.memory_space<hbm>> -> memref<40xi32, #tpu.memory_space<hbm>>
      tpu.wait_dma2 semaphore(%arg13 : memref<!tpu.dma_semaphore, #tpu.memory_space<semaphore_mem>>) src(%dma_wait3A_53 : memref<40xi32, #tpu.memory_space<hbm>>) dst(%arg8 : memref<40xi32, #tpu.memory_space<vmem>>)
      %dma_start3A_54 = arith.constant 0 : i32
      %dma_start3A_55 = arith.constant 0 : i32
      %dma_start3A_56 = arith.constant 0 : i32
      %dma_start3A_57 = tpu.memref_slice %arg11[%dma_start3A_54, %dma_start3A_55, %dma_start3A_56] : memref<2x40x128xf32, #tpu.memory_space<vmem>> -> memref<1x40x128xf32, #tpu.memory_space<vmem>>
      %dma_start3A_58 = tpu.memref_squeeze %dma_start3A_57 : memref<1x40x128xf32, #tpu.memory_space<vmem>> -> memref<40x128xf32, #tpu.memory_space<vmem>>
      %dma_start3A_59 = arith.constant 0 : i32
      %dma_start3A_60 = arith.constant 0 : i32
      %dma_start3A_61 = tpu.memref_slice %arg12[%dma_start3A_59, %dma_start3A_60] : memref<10000x128xf32, #tpu.memory_space<vmem_shared>> -> memref<10000x128xf32, #tpu.memory_space<vmem_shared>>
      tpu.enqueue_indirect_dma source(%dma_start3A_58 : memref<40x128xf32, #tpu.memory_space<vmem>>) target(%dma_start3A_61 : memref<10000x128xf32, #tpu.memory_space<vmem_shared>>) offsets(%arg7 : memref<40xi32, #tpu.memory_space<vmem>>) semaphore(%arg15 : memref<!tpu.dma_semaphore, #tpu.memory_space<semaphore_mem>>) {add = true}
      %dma_start3A_62 = arith.constant 1 : i32
      %dma_start3A_63 = arith.constant 0 : i32
      %dma_start3A_64 = arith.constant 0 : i32
      %dma_start3A_65 = tpu.memref_slice %arg11[%dma_start3A_62, %dma_start3A_63, %dma_start3A_64] : memref<2x40x128xf32, #tpu.memory_space<vmem>> -> memref<1x40x128xf32, #tpu.memory_space<vmem>>
      %dma_start3A_66 = tpu.memref_squeeze %dma_start3A_65 : memref<1x40x128xf32, #tpu.memory_space<vmem>> -> memref<40x128xf32, #tpu.memory_space<vmem>>
      %dma_start3A_67 = arith.constant 0 : i32
      %dma_start3A_68 = arith.constant 0 : i32
      %dma_start3A_69 = tpu.memref_slice %arg12[%dma_start3A_67, %dma_start3A_68] : memref<10000x128xf32, #tpu.memory_space<vmem_shared>> -> memref<10000x128xf32, #tpu.memory_space<vmem_shared>>
      tpu.enqueue_indirect_dma source(%dma_start3A_66 : memref<40x128xf32, #tpu.memory_space<vmem>>) target(%dma_start3A_69 : memref<10000x128xf32, #tpu.memory_space<vmem_shared>>) offsets(%arg8 : memref<40xi32, #tpu.memory_space<vmem>>) semaphore(%arg15 : memref<!tpu.dma_semaphore, #tpu.memory_space<semaphore_mem>>) {add = true}
      %ge3A = arith.constant 1 : i32
      %ge3A_70 = arith.cmpi sge, %mul3A_46, %ge3A : i32
      %convert_element_type3A_71 = arith.extui %ge3A_70 : i1 to i32
      %cond3A_72 = arith.constant 0 : i32
      %cond3A_73 = arith.cmpi ne, %convert_element_type3A_71, %cond3A_72 : i32
      scf.if %cond3A_73 {
        %dma_wait3A_104 = arith.constant 0 : i32
        %dma_wait3A_105 = arith.constant 0 : i32
        %dma_wait3A_106 = arith.constant 0 : i32
        %dma_wait3A_107 = tpu.memref_slice %arg11[%dma_wait3A_104, %dma_wait3A_105, %dma_wait3A_106] : memref<2x40x128xf32, #tpu.memory_space<vmem>> -> memref<1x40x128xf32, #tpu.memory_space<vmem>>
        %dma_wait3A_108 = tpu.memref_squeeze %dma_wait3A_107 : memref<1x40x128xf32, #tpu.memory_space<vmem>> -> memref<40x128xf32, #tpu.memory_space<vmem>>
        %dma_wait3A_109 = arith.constant 0 : i32
        %dma_wait3A_110 = arith.constant 0 : i32
        %dma_wait3A_111 = tpu.memref_slice %arg12[%dma_wait3A_109, %dma_wait3A_110] : memref<10000x128xf32, #tpu.memory_space<vmem_shared>> -> memref<10000x128xf32, #tpu.memory_space<vmem_shared>>
        tpu.wait_indirect_dma semaphore(%arg16 : memref<!tpu.dma_semaphore, #tpu.memory_space<semaphore_mem>>) src(%dma_wait3A_108 : memref<40x128xf32, #tpu.memory_space<vmem>>) dst(%dma_wait3A_111 : memref<10000x128xf32, #tpu.memory_space<vmem_shared>>)
        %dma_wait3A_112 = arith.constant 1 : i32
        %dma_wait3A_113 = arith.constant 0 : i32
        %dma_wait3A_114 = arith.constant 0 : i32
        %dma_wait3A_115 = tpu.memref_slice %arg11[%dma_wait3A_112, %dma_wait3A_113, %dma_wait3A_114] : memref<2x40x128xf32, #tpu.memory_space<vmem>> -> memref<1x40x128xf32, #tpu.memory_space<vmem>>
        %dma_wait3A_116 = tpu.memref_squeeze %dma_wait3A_115 : memref<1x40x128xf32, #tpu.memory_space<vmem>> -> memref<40x128xf32, #tpu.memory_space<vmem>>
        %dma_wait3A_117 = arith.constant 0 : i32
        %dma_wait3A_118 = arith.constant 0 : i32
        %dma_wait3A_119 = tpu.memref_slice %arg12[%dma_wait3A_117, %dma_wait3A_118] : memref<10000x128xf32, #tpu.memory_space<vmem_shared>> -> memref<10000x128xf32, #tpu.memory_space<vmem_shared>>
        tpu.wait_indirect_dma semaphore(%arg16 : memref<!tpu.dma_semaphore, #tpu.memory_space<semaphore_mem>>) src(%dma_wait3A_116 : memref<40x128xf32, #tpu.memory_space<vmem>>) dst(%dma_wait3A_119 : memref<10000x128xf32, #tpu.memory_space<vmem_shared>>)
        %add3A_120 = arith.constant 1 : i32
        %add3A_121 = arith.addi %mul3A_46, %add3A_120 : i32
        %lt3A = arith.constant 250 : i32
        %lt3A_122 = arith.cmpi slt, %add3A_121, %lt3A : i32
        %convert_element_type3A_123 = arith.extui %lt3A_122 : i1 to i32
        %cond3A_124 = arith.constant 0 : i32
        %cond3A_125 = arith.cmpi ne, %convert_element_type3A_123, %cond3A_124 : i32
        scf.if %cond3A_125 {
          %add3A_126 = arith.constant 1 : i32
          %add3A_127 = arith.addi %mul3A_46, %add3A_126 : i32
          %mul3A_128 = arith.constant 40 : i32
          %mul3A_129 = arith.muli %add3A_127, %mul3A_128 : i32
          %add3A_130 = arith.addi %mul3A_6, %mul3A_129 : i32
          %dma_start3A_131 = tpu.memref_slice %arg2[%add3A_130] : memref<320000xi32, #tpu.memory_space<hbm>> -> memref<40xi32, #tpu.memory_space<hbm>>
          %dma_start3A_132 = tpu.memref_slice %arg2[%add3A_130] : memref<320000xi32, #tpu.memory_space<hbm>> -> memref<40xi32, #tpu.memory_space<hbm>>
          tpu.enqueue_dma source(%dma_start3A_132 : memref<40xi32, #tpu.memory_space<hbm>>) target(%arg9 : memref<40xi32, #tpu.memory_space<vmem>>) target_semaphore(%arg14 : memref<!tpu.dma_semaphore, #tpu.memory_space<semaphore_mem>>)
          %dma_start3A_133 = tpu.memref_slice %arg3[%add3A_130] : memref<320000xi32, #tpu.memory_space<hbm>> -> memref<40xi32, #tpu.memory_space<hbm>>
          %dma_start3A_134 = tpu.memref_slice %arg3[%add3A_130] : memref<320000xi32, #tpu.memory_space<hbm>> -> memref<40xi32, #tpu.memory_space<hbm>>
          tpu.enqueue_dma source(%dma_start3A_134 : memref<40xi32, #tpu.memory_space<hbm>>) target(%arg10 : memref<40xi32, #tpu.memory_space<vmem>>) target_semaphore(%arg14 : memref<!tpu.dma_semaphore, #tpu.memory_space<semaphore_mem>>)
        } else {
        }
      } else {
      }
      %add3A_74 = arith.constant 1 : i32
      %add3A_75 = arith.addi %mul3A_46, %add3A_74 : i32
      %mul3A_76 = arith.constant 40 : i32
      %mul3A_77 = arith.muli %add3A_75, %mul3A_76 : i32
      %add3A_78 = arith.addi %mul3A_6, %mul3A_77 : i32
      %dma_wait3A_79 = tpu.memref_slice %arg2[%add3A_78] : memref<320000xi32, #tpu.memory_space<hbm>> -> memref<40xi32, #tpu.memory_space<hbm>>
      %dma_wait3A_80 = tpu.memref_slice %arg2[%add3A_78] : memref<320000xi32, #tpu.memory_space<hbm>> -> memref<40xi32, #tpu.memory_space<hbm>>
      tpu.wait_dma2 semaphore(%arg14 : memref<!tpu.dma_semaphore, #tpu.memory_space<semaphore_mem>>) src(%dma_wait3A_80 : memref<40xi32, #tpu.memory_space<hbm>>) dst(%arg9 : memref<40xi32, #tpu.memory_space<vmem>>)
      %dma_wait3A_81 = tpu.memref_slice %arg3[%add3A_78] : memref<320000xi32, #tpu.memory_space<hbm>> -> memref<40xi32, #tpu.memory_space<hbm>>
      %dma_wait3A_82 = tpu.memref_slice %arg3[%add3A_78] : memref<320000xi32, #tpu.memory_space<hbm>> -> memref<40xi32, #tpu.memory_space<hbm>>
      tpu.wait_dma2 semaphore(%arg14 : memref<!tpu.dma_semaphore, #tpu.memory_space<semaphore_mem>>) src(%dma_wait3A_82 : memref<40xi32, #tpu.memory_space<hbm>>) dst(%arg10 : memref<40xi32, #tpu.memory_space<vmem>>)
      %dma_start3A_83 = arith.constant 0 : i32
      %dma_start3A_84 = arith.constant 0 : i32
      %dma_start3A_85 = arith.constant 0 : i32
      %dma_start3A_86 = tpu.memref_slice %arg11[%dma_start3A_83, %dma_start3A_84, %dma_start3A_85] : memref<2x40x128xf32, #tpu.memory_space<vmem>> -> memref<1x40x128xf32, #tpu.memory_space<vmem>>
      %dma_start3A_87 = tpu.memref_squeeze %dma_start3A_86 : memref<1x40x128xf32, #tpu.memory_space<vmem>> -> memref<40x128xf32, #tpu.memory_space<vmem>>
      %dma_start3A_88 = arith.constant 0 : i32
      %dma_start3A_89 = arith.constant 0 : i32
      %dma_start3A_90 = tpu.memref_slice %arg12[%dma_start3A_88, %dma_start3A_89] : memref<10000x128xf32, #tpu.memory_space<vmem_shared>> -> memref<10000x128xf32, #tpu.memory_space<vmem_shared>>
      tpu.enqueue_indirect_dma source(%dma_start3A_87 : memref<40x128xf32, #tpu.memory_space<vmem>>) target(%dma_start3A_90 : memref<10000x128xf32, #tpu.memory_space<vmem_shared>>) offsets(%arg9 : memref<40xi32, #tpu.memory_space<vmem>>) semaphore(%arg16 : memref<!tpu.dma_semaphore, #tpu.memory_space<semaphore_mem>>) {add = true}
      %dma_start3A_91 = arith.constant 1 : i32
      %dma_start3A_92 = arith.constant 0 : i32
      %dma_start3A_93 = arith.constant 0 : i32
      %dma_start3A_94 = tpu.memref_slice %arg11[%dma_start3A_91, %dma_start3A_92, %dma_start3A_93] : memref<2x40x128xf32, #tpu.memory_space<vmem>> -> memref<1x40x128xf32, #tpu.memory_space<vmem>>
      %dma_start3A_95 = tpu.memref_squeeze %dma_start3A_94 : memref<1x40x128xf32, #tpu.memory_space<vmem>> -> memref<40x128xf32, #tpu.memory_space<vmem>>
      %dma_start3A_96 = arith.constant 0 : i32
      %dma_start3A_97 = arith.constant 0 : i32
      %dma_start3A_98 = tpu.memref_slice %arg12[%dma_start3A_96, %dma_start3A_97] : memref<10000x128xf32, #tpu.memory_space<vmem_shared>> -> memref<10000x128xf32, #tpu.memory_space<vmem_shared>>
      tpu.enqueue_indirect_dma source(%dma_start3A_95 : memref<40x128xf32, #tpu.memory_space<vmem>>) target(%dma_start3A_98 : memref<10000x128xf32, #tpu.memory_space<vmem_shared>>) offsets(%arg10 : memref<40xi32, #tpu.memory_space<vmem>>) semaphore(%arg16 : memref<!tpu.dma_semaphore, #tpu.memory_space<semaphore_mem>>) {add = true}
      %ge3A_99 = arith.constant 1 : i32
      %ge3A_100 = arith.cmpi sge, %add3A_75, %ge3A_99 : i32
      %convert_element_type3A_101 = arith.extui %ge3A_100 : i1 to i32
      %cond3A_102 = arith.constant 0 : i32
      %cond3A_103 = arith.cmpi ne, %convert_element_type3A_101, %cond3A_102 : i32
      scf.if %cond3A_103 {
        %dma_wait3A_104 = arith.constant 0 : i32
        %dma_wait3A_105 = arith.constant 0 : i32
        %dma_wait3A_106 = arith.constant 0 : i32
        %dma_wait3A_107 = tpu.memref_slice %arg11[%dma_wait3A_104, %dma_wait3A_105, %dma_wait3A_106] : memref<2x40x128xf32, #tpu.memory_space<vmem>> -> memref<1x40x128xf32, #tpu.memory_space<vmem>>
        %dma_wait3A_108 = tpu.memref_squeeze %dma_wait3A_107 : memref<1x40x128xf32, #tpu.memory_space<vmem>> -> memref<40x128xf32, #tpu.memory_space<vmem>>
        %dma_wait3A_109 = arith.constant 0 : i32
        %dma_wait3A_110 = arith.constant 0 : i32
        %dma_wait3A_111 = tpu.memref_slice %arg12[%dma_wait3A_109, %dma_wait3A_110] : memref<10000x128xf32, #tpu.memory_space<vmem_shared>> -> memref<10000x128xf32, #tpu.memory_space<vmem_shared>>
        tpu.wait_indirect_dma semaphore(%arg15 : memref<!tpu.dma_semaphore, #tpu.memory_space<semaphore_mem>>) src(%dma_wait3A_108 : memref<40x128xf32, #tpu.memory_space<vmem>>) dst(%dma_wait3A_111 : memref<10000x128xf32, #tpu.memory_space<vmem_shared>>)
        %dma_wait3A_112 = arith.constant 1 : i32
        %dma_wait3A_113 = arith.constant 0 : i32
        %dma_wait3A_114 = arith.constant 0 : i32
        %dma_wait3A_115 = tpu.memref_slice %arg11[%dma_wait3A_112, %dma_wait3A_113, %dma_wait3A_114] : memref<2x40x128xf32, #tpu.memory_space<vmem>> -> memref<1x40x128xf32, #tpu.memory_space<vmem>>
        %dma_wait3A_116 = tpu.memref_squeeze %dma_wait3A_115 : memref<1x40x128xf32, #tpu.memory_space<vmem>> -> memref<40x128xf32, #tpu.memory_space<vmem>>
        %dma_wait3A_117 = arith.constant 0 : i32
        %dma_wait3A_118 = arith.constant 0 : i32
        %dma_wait3A_119 = tpu.memref_slice %arg12[%dma_wait3A_117, %dma_wait3A_118] : memref<10000x128xf32, #tpu.memory_space<vmem_shared>> -> memref<10000x128xf32, #tpu.memory_space<vmem_shared>>
        tpu.wait_indirect_dma semaphore(%arg15 : memref<!tpu.dma_semaphore, #tpu.memory_space<semaphore_mem>>) src(%dma_wait3A_116 : memref<40x128xf32, #tpu.memory_space<vmem>>) dst(%dma_wait3A_119 : memref<10000x128xf32, #tpu.memory_space<vmem_shared>>)
        %add3A_120 = arith.constant 1 : i32
        %add3A_121 = arith.addi %add3A_75, %add3A_120 : i32
        %lt3A = arith.constant 250 : i32
        %lt3A_122 = arith.cmpi slt, %add3A_121, %lt3A : i32
        %convert_element_type3A_123 = arith.extui %lt3A_122 : i1 to i32
        %cond3A_124 = arith.constant 0 : i32
        %cond3A_125 = arith.cmpi ne, %convert_element_type3A_123, %cond3A_124 : i32
        scf.if %cond3A_125 {
          %add3A_126 = arith.constant 1 : i32
          %add3A_127 = arith.addi %add3A_75, %add3A_126 : i32
          %mul3A_128 = arith.constant 40 : i32
          %mul3A_129 = arith.muli %add3A_127, %mul3A_128 : i32
          %add3A_130 = arith.addi %mul3A_6, %mul3A_129 : i32
          %dma_start3A_131 = tpu.memref_slice %arg2[%add3A_130] : memref<320000xi32, #tpu.memory_space<hbm>> -> memref<40xi32, #tpu.memory_space<hbm>>
          %dma_start3A_132 = tpu.memref_slice %arg2[%add3A_130] : memref<320000xi32, #tpu.memory_space<hbm>> -> memref<40xi32, #tpu.memory_space<hbm>>
          tpu.enqueue_dma source(%dma_start3A_132 : memref<40xi32, #tpu.memory_space<hbm>>) target(%arg7 : memref<40xi32, #tpu.memory_space<vmem>>) target_semaphore(%arg13 : memref<!tpu.dma_semaphore, #tpu.memory_space<semaphore_mem>>)
          %dma_start3A_133 = tpu.memref_slice %arg3[%add3A_130] : memref<320000xi32, #tpu.memory_space<hbm>> -> memref<40xi32, #tpu.memory_space<hbm>>
          %dma_start3A_134 = tpu.memref_slice %arg3[%add3A_130] : memref<320000xi32, #tpu.memory_space<hbm>> -> memref<40xi32, #tpu.memory_space<hbm>>
          tpu.enqueue_dma source(%dma_start3A_134 : memref<40xi32, #tpu.memory_space<hbm>>) target(%arg8 : memref<40xi32, #tpu.memory_space<vmem>>) target_semaphore(%arg13 : memref<!tpu.dma_semaphore, #tpu.memory_space<semaphore_mem>>)
        } else {
        }
      } else {
      }
    }
    %scan3A_22 = arith.constant 125 : i32
    %dma_wait3A = arith.constant 0 : i32
    %dma_wait3A_23 = arith.constant 0 : i32
    %dma_wait3A_24 = arith.constant 0 : i32
    %dma_wait3A_25 = tpu.memref_slice %arg11[%dma_wait3A, %dma_wait3A_23, %dma_wait3A_24] : memref<2x40x128xf32, #tpu.memory_space<vmem>> -> memref<1x40x128xf32, #tpu.memory_space<vmem>>
    %dma_wait3A_26 = tpu.memref_squeeze %dma_wait3A_25 : memref<1x40x128xf32, #tpu.memory_space<vmem>> -> memref<40x128xf32, #tpu.memory_space<vmem>>
    %dma_wait3A_27 = arith.constant 0 : i32
    %dma_wait3A_28 = arith.constant 0 : i32
    %dma_wait3A_29 = tpu.memref_slice %arg12[%dma_wait3A_27, %dma_wait3A_28] : memref<10000x128xf32, #tpu.memory_space<vmem_shared>> -> memref<10000x128xf32, #tpu.memory_space<vmem_shared>>
    tpu.wait_indirect_dma semaphore(%arg16 : memref<!tpu.dma_semaphore, #tpu.memory_space<semaphore_mem>>) src(%dma_wait3A_26 : memref<40x128xf32, #tpu.memory_space<vmem>>) dst(%dma_wait3A_29 : memref<10000x128xf32, #tpu.memory_space<vmem_shared>>)
    %dma_wait3A_30 = arith.constant 1 : i32
    %dma_wait3A_31 = arith.constant 0 : i32
    %dma_wait3A_32 = arith.constant 0 : i32
    %dma_wait3A_33 = tpu.memref_slice %arg11[%dma_wait3A_30, %dma_wait3A_31, %dma_wait3A_32] : memref<2x40x128xf32, #tpu.memory_space<vmem>> -> memref<1x40x128xf32, #tpu.memory_space<vmem>>
    %dma_wait3A_34 = tpu.memref_squeeze %dma_wait3A_33 : memref<1x40x128xf32, #tpu.memory_space<vmem>> -> memref<40x128xf32, #tpu.memory_space<vmem>>
    %dma_wait3A_35 = arith.constant 0 : i32
    %dma_wait3A_36 = arith.constant 0 : i32
    %dma_wait3A_37 = tpu.memref_slice %arg12[%dma_wait3A_35, %dma_wait3A_36] : memref<10000x128xf32, #tpu.memory_space<vmem_shared>> -> memref<10000x128xf32, #tpu.memory_space<vmem_shared>>
    tpu.wait_indirect_dma semaphore(%arg16 : memref<!tpu.dma_semaphore, #tpu.memory_space<semaphore_mem>>) src(%dma_wait3A_34 : memref<40x128xf32, #tpu.memory_space<vmem>>) dst(%dma_wait3A_37 : memref<10000x128xf32, #tpu.memory_space<vmem_shared>>)
    %barrier3A_38 = arith.constant 0 : index
    tpu.barrier barrier_id(%barrier3A_38)
    "tpu.region"() ({
      %run_scoped3A = tpu.sem_alloc : memref<!tpu.dma_semaphore, #tpu.memory_space<semaphore_mem>>
      %dma_start3A_44 = arith.constant 0 : i32
      %dma_start3A_45 = tpu.memref_slice %arg6[%arg0, %mul3A_2, %dma_start3A_44] : memref<2x10000x128xf32, #tpu.memory_space<hbm>> -> memref<1x624x128xf32, #tpu.memory_space<hbm>>
      %dma_start3A_46 = tpu.memref_squeeze %dma_start3A_45 : memref<1x624x128xf32, #tpu.memory_space<hbm>> -> memref<624x128xf32, #tpu.memory_space<hbm>>
      %dma_start3A_47 = arith.constant 0 : i32
      %dma_start3A_48 = tpu.memref_slice %arg12[%mul3A_2, %dma_start3A_47] : memref<10000x128xf32, #tpu.memory_space<vmem_shared>> -> memref<624x128xf32, #tpu.memory_space<vmem_shared>>
      tpu.enqueue_dma source(%dma_start3A_48 : memref<624x128xf32, #tpu.memory_space<vmem_shared>>) target(%dma_start3A_46 : memref<624x128xf32, #tpu.memory_space<hbm>>) target_semaphore(%run_scoped3A : memref<!tpu.dma_semaphore, #tpu.memory_space<semaphore_mem>>)
      %dma_wait3A_49 = arith.constant 0 : i32
      %dma_wait3A_50 = tpu.memref_slice %arg6[%arg0, %mul3A_2, %dma_wait3A_49] : memref<2x10000x128xf32, #tpu.memory_space<hbm>> -> memref<1x624x128xf32, #tpu.memory_space<hbm>>
      %dma_wait3A_51 = tpu.memref_squeeze %dma_wait3A_50 : memref<1x624x128xf32, #tpu.memory_space<hbm>> -> memref<624x128xf32, #tpu.memory_space<hbm>>
      %dma_wait3A_52 = arith.constant 0 : i32
      %dma_wait3A_53 = tpu.memref_slice %arg12[%mul3A_2, %dma_wait3A_52] : memref<10000x128xf32, #tpu.memory_space<vmem_shared>> -> memref<624x128xf32, #tpu.memory_space<vmem_shared>>
      tpu.wait_dma2 semaphore(%run_scoped3A : memref<!tpu.dma_semaphore, #tpu.memory_space<semaphore_mem>>) src(%dma_wait3A_53 : memref<624x128xf32, #tpu.memory_space<vmem_shared>>) dst(%dma_wait3A_51 : memref<624x128xf32, #tpu.memory_space<hbm>>)
      tpu.yield
    }) : () -> ()
    %eq3A_39 = arith.constant 0 : i32
    %eq3A_40 = arith.cmpi eq, %arg1, %eq3A_39 : i32
    %convert_element_type3A_41 = arith.extui %eq3A_40 : i1 to i32
    %cond3A_42 = arith.constant 0 : i32
    %cond3A_43 = arith.cmpi ne, %convert_element_type3A_41, %cond3A_42 : i32
    scf.if %cond3A_43 {
      "tpu.region"() ({
        %run_scoped3A = tpu.sem_alloc : memref<!tpu.dma_semaphore, #tpu.memory_space<semaphore_mem>>
        %dma_start3A_44 = arith.constant 9984 : i32
        %dma_start3A_45 = arith.constant 0 : i32
        %dma_start3A_46 = tpu.memref_slice %arg6[%arg0, %dma_start3A_44, %dma_start3A_45] : memref<2x10000x128xf32, #tpu.memory_space<hbm>> -> memref<1x16x128xf32, #tpu.memory_space<hbm>>
        %dma_start3A_47 = tpu.memref_squeeze %dma_start3A_46 : memref<1x16x128xf32, #tpu.memory_space<hbm>> -> memref<16x128xf32, #tpu.memory_space<hbm>>
        %dma_start3A_48 = arith.constant 9984 : i32
        %dma_start3A_49 = arith.constant 0 : i32
        %dma_start3A_50 = tpu.memref_slice %arg12[%dma_start3A_48, %dma_start3A_49] : memref<10000x128xf32, #tpu.memory_space<vmem_shared>> -> memref<16x128xf32, #tpu.memory_space<vmem_shared>>
        tpu.enqueue_dma source(%dma_start3A_50 : memref<16x128xf32, #tpu.memory_space<vmem_shared>>) target(%dma_start3A_47 : memref<16x128xf32, #tpu.memory_space<hbm>>) target_semaphore(%run_scoped3A : memref<!tpu.dma_semaphore, #tpu.memory_space<semaphore_mem>>)
        %dma_wait3A_51 = arith.constant 9984 : i32
        %dma_wait3A_52 = arith.constant 0 : i32
        %dma_wait3A_53 = tpu.memref_slice %arg6[%arg0, %dma_wait3A_51, %dma_wait3A_52] : memref<2x10000x128xf32, #tpu.memory_space<hbm>> -> memref<1x16x128xf32, #tpu.memory_space<hbm>>
        %dma_wait3A_54 = tpu.memref_squeeze %dma_wait3A_53 : memref<1x16x128xf32, #tpu.memory_space<hbm>> -> memref<16x128xf32, #tpu.memory_space<hbm>>
        %dma_wait3A_55 = arith.constant 9984 : i32
        %dma_wait3A_56 = arith.constant 0 : i32
        %dma_wait3A_57 = tpu.memref_slice %arg12[%dma_wait3A_55, %dma_wait3A_56] : memref<10000x128xf32, #tpu.memory_space<vmem_shared>> -> memref<16x128xf32, #tpu.memory_space<vmem_shared>>
        tpu.wait_dma2 semaphore(%run_scoped3A : memref<!tpu.dma_semaphore, #tpu.memory_space<semaphore_mem>>) src(%dma_wait3A_57 : memref<16x128xf32, #tpu.memory_space<vmem_shared>>) dst(%dma_wait3A_54 : memref<16x128xf32, #tpu.memory_space<hbm>>)
        tpu.yield
      }) : () -> ()
    } else {
    }
    return
  }
}

#map = affine_map<(d0, d1) -> (0, 0)>
#map1 = affine_map<(d0, d1) -> (0, 0, 0)>
module attributes {stable_mosaic.version = 14 : i64} {
  func.func @_mp_body(%arg0: i32, %arg1: i32, %arg2: memref<10000x128xf32, #tpu.memory_space<hbm>>, %arg3: memref<32x250x40xi32, #tpu.memory_space<hbm>>, %arg4: memref<32x250x40xi32, #tpu.memory_space<hbm>>, %arg5: memref<10000x128xf32, #tpu.memory_space<hbm>>, %arg6: memref<2x10000x128xf32, #tpu.memory_space<hbm>>, %arg7: memref<40xi32, #tpu.memory_space<vmem>>, %arg8: memref<40xi32, #tpu.memory_space<vmem>>, %arg9: memref<40xi32, #tpu.memory_space<vmem>>, %arg10: memref<40xi32, #tpu.memory_space<vmem>>, %arg11: memref<40xi32, #tpu.memory_space<vmem>>, %arg12: memref<40xi32, #tpu.memory_space<vmem>>, %arg13: memref<40xi32, #tpu.memory_space<vmem>>, %arg14: memref<40xi32, #tpu.memory_space<vmem>>, %arg15: memref<40xi32, #tpu.memory_space<vmem>>, %arg16: memref<40xi32, #tpu.memory_space<vmem>>, %arg17: memref<40xi32, #tpu.memory_space<vmem>>, %arg18: memref<40xi32, #tpu.memory_space<vmem>>, %arg19: memref<40x128xf32, #tpu.memory_space<vmem>>, %arg20: memref<40x128xf32, #tpu.memory_space<vmem>>, %arg21: memref<40x128xf32, #tpu.memory_space<vmem>>, %arg22: memref<40x128xf32, #tpu.memory_space<vmem>>, %arg23: memref<10000x128xf32, #tpu.memory_space<vmem_shared>>, %arg24: memref<!tpu.dma_semaphore, #tpu.memory_space<semaphore_mem>>, %arg25: memref<!tpu.dma_semaphore, #tpu.memory_space<semaphore_mem>>, %arg26: memref<!tpu.dma_semaphore, #tpu.memory_space<semaphore_mem>>, %arg27: memref<!tpu.dma_semaphore, #tpu.memory_space<semaphore_mem>>, %arg28: memref<!tpu.dma_semaphore, #tpu.memory_space<semaphore_mem>>, %arg29: memref<!tpu.dma_semaphore, #tpu.memory_space<semaphore_mem>>, %arg30: memref<!tpu.dma_semaphore, #tpu.memory_space<semaphore_mem>>, %arg31: memref<!tpu.dma_semaphore, #tpu.memory_space<semaphore_mem>>, %arg32: memref<!tpu.dma_semaphore, #tpu.memory_space<semaphore_mem>>, %arg33: memref<!tpu.dma_semaphore, #tpu.memory_space<semaphore_mem>>, %arg34: memref<!tpu.dma_semaphore, #tpu.memory_space<semaphore_mem>>, %arg35: memref<!tpu.dma_semaphore, #tpu.memory_space<semaphore_mem>>) attributes {dimension_semantics = [#tpu.dimension_semantics<core_parallel>, #tpu.dimension_semantics<subcore_parallel>], iteration_bounds = array<i64: 2, 16>, scalar_prefetch = 0 : i64, scratch_operands = 29 : i64, tpu.core_type = #tpu.core_type<sc_vector_subcore>, window_params = [{transform_indices = #map}, {transform_indices = #map1}, {transform_indices = #map1}, {transform_indices = #map}, {transform_indices = #map1}]} {
    %mul3A = arith.constant 2 : i32
    %mul3A_0 = arith.muli %arg1, %mul3A : i32
    %add3A = arith.addi %mul3A_0, %arg0 : i32
    %mul3A_1 = arith.constant 624 : i32
    %mul3A_2 = arith.muli %arg1, %mul3A_1 : i32
    "tpu.region"() ({
      %run_scoped3A = tpu.sem_alloc : memref<!tpu.dma_semaphore, #tpu.memory_space<semaphore_mem>>
      %dma_start3A_116 = arith.constant 0 : i32
      %dma_start3A_117 = tpu.memref_slice %arg23[%mul3A_2, %dma_start3A_116] : memref<10000x128xf32, #tpu.memory_space<vmem_shared>> -> memref<624x128xf32, #tpu.memory_space<vmem_shared>>
      %dma_start3A_118 = arith.constant 0 : i32
      %dma_start3A_119 = tpu.memref_slice %arg5[%mul3A_2, %dma_start3A_118] : memref<10000x128xf32, #tpu.memory_space<hbm>> -> memref<624x128xf32, #tpu.memory_space<hbm>>
      tpu.enqueue_dma source(%dma_start3A_119 : memref<624x128xf32, #tpu.memory_space<hbm>>) target(%dma_start3A_117 : memref<624x128xf32, #tpu.memory_space<vmem_shared>>) target_semaphore(%run_scoped3A : memref<!tpu.dma_semaphore, #tpu.memory_space<semaphore_mem>>)
      %dma_wait3A_120 = arith.constant 0 : i32
      %dma_wait3A_121 = tpu.memref_slice %arg23[%mul3A_2, %dma_wait3A_120] : memref<10000x128xf32, #tpu.memory_space<vmem_shared>> -> memref<624x128xf32, #tpu.memory_space<vmem_shared>>
      %dma_wait3A_122 = arith.constant 0 : i32
      %dma_wait3A_123 = tpu.memref_slice %arg5[%mul3A_2, %dma_wait3A_122] : memref<10000x128xf32, #tpu.memory_space<hbm>> -> memref<624x128xf32, #tpu.memory_space<hbm>>
      tpu.wait_dma2 semaphore(%run_scoped3A : memref<!tpu.dma_semaphore, #tpu.memory_space<semaphore_mem>>) src(%dma_wait3A_123 : memref<624x128xf32, #tpu.memory_space<hbm>>) dst(%dma_wait3A_121 : memref<624x128xf32, #tpu.memory_space<vmem_shared>>)
      tpu.yield
    }) : () -> ()
    %eq3A = arith.constant 0 : i32
    %eq3A_3 = arith.cmpi eq, %arg1, %eq3A : i32
    %convert_element_type3A = arith.extui %eq3A_3 : i1 to i32
    %cond3A = arith.constant 0 : i32
    %cond3A_4 = arith.cmpi ne, %convert_element_type3A, %cond3A : i32
    scf.if %cond3A_4 {
      "tpu.region"() ({
        %run_scoped3A = tpu.sem_alloc : memref<!tpu.dma_semaphore, #tpu.memory_space<semaphore_mem>>
        %dma_start3A_116 = arith.constant 9984 : i32
        %dma_start3A_117 = arith.constant 0 : i32
        %dma_start3A_118 = tpu.memref_slice %arg23[%dma_start3A_116, %dma_start3A_117] : memref<10000x128xf32, #tpu.memory_space<vmem_shared>> -> memref<16x128xf32, #tpu.memory_space<vmem_shared>>
        %dma_start3A_119 = arith.constant 9984 : i32
        %dma_start3A_120 = arith.constant 0 : i32
        %dma_start3A_121 = tpu.memref_slice %arg5[%dma_start3A_119, %dma_start3A_120] : memref<10000x128xf32, #tpu.memory_space<hbm>> -> memref<16x128xf32, #tpu.memory_space<hbm>>
        tpu.enqueue_dma source(%dma_start3A_121 : memref<16x128xf32, #tpu.memory_space<hbm>>) target(%dma_start3A_118 : memref<16x128xf32, #tpu.memory_space<vmem_shared>>) target_semaphore(%run_scoped3A : memref<!tpu.dma_semaphore, #tpu.memory_space<semaphore_mem>>)
        %dma_wait3A_122 = arith.constant 9984 : i32
        %dma_wait3A_123 = arith.constant 0 : i32
        %dma_wait3A_124 = tpu.memref_slice %arg23[%dma_wait3A_122, %dma_wait3A_123] : memref<10000x128xf32, #tpu.memory_space<vmem_shared>> -> memref<16x128xf32, #tpu.memory_space<vmem_shared>>
        %dma_wait3A_125 = arith.constant 9984 : i32
        %dma_wait3A_126 = arith.constant 0 : i32
        %dma_wait3A_127 = tpu.memref_slice %arg5[%dma_wait3A_125, %dma_wait3A_126] : memref<10000x128xf32, #tpu.memory_space<hbm>> -> memref<16x128xf32, #tpu.memory_space<hbm>>
        tpu.wait_dma2 semaphore(%run_scoped3A : memref<!tpu.dma_semaphore, #tpu.memory_space<semaphore_mem>>) src(%dma_wait3A_127 : memref<16x128xf32, #tpu.memory_space<hbm>>) dst(%dma_wait3A_124 : memref<16x128xf32, #tpu.memory_space<vmem_shared>>)
        tpu.yield
      }) : () -> ()
    } else {
    }
    %barrier3A = arith.constant 0 : index
    tpu.barrier barrier_id(%barrier3A)
    %dma_start3A = arith.constant 0 : i32
    %dma_start3A_5 = arith.constant 0 : i32
    %dma_start3A_6 = tpu.memref_slice %arg3[%add3A, %dma_start3A, %dma_start3A_5] : memref<32x250x40xi32, #tpu.memory_space<hbm>> -> memref<1x1x40xi32, #tpu.memory_space<hbm>>
    %dma_start3A_7 = tpu.memref_squeeze %dma_start3A_6 : memref<1x1x40xi32, #tpu.memory_space<hbm>> -> memref<40xi32, #tpu.memory_space<hbm>>
    %dma_start3A_8 = arith.constant 0 : i32
    %dma_start3A_9 = tpu.memref_slice %arg3[%add3A, %dma_start3A, %dma_start3A_8] : memref<32x250x40xi32, #tpu.memory_space<hbm>> -> memref<1x1x40xi32, #tpu.memory_space<hbm>>
    %dma_start3A_10 = tpu.memref_squeeze %dma_start3A_9 : memref<1x1x40xi32, #tpu.memory_space<hbm>> -> memref<40xi32, #tpu.memory_space<hbm>>
    tpu.enqueue_dma source(%dma_start3A_10 : memref<40xi32, #tpu.memory_space<hbm>>) target(%arg7 : memref<40xi32, #tpu.memory_space<vmem>>) target_semaphore(%arg24 : memref<!tpu.dma_semaphore, #tpu.memory_space<semaphore_mem>>)
    %dma_start3A_11 = arith.constant 0 : i32
    %dma_start3A_12 = arith.constant 0 : i32
    %dma_start3A_13 = tpu.memref_slice %arg4[%add3A, %dma_start3A_11, %dma_start3A_12] : memref<32x250x40xi32, #tpu.memory_space<hbm>> -> memref<1x1x40xi32, #tpu.memory_space<hbm>>
    %dma_start3A_14 = tpu.memref_squeeze %dma_start3A_13 : memref<1x1x40xi32, #tpu.memory_space<hbm>> -> memref<40xi32, #tpu.memory_space<hbm>>
    %dma_start3A_15 = arith.constant 0 : i32
    %dma_start3A_16 = tpu.memref_slice %arg4[%add3A, %dma_start3A_11, %dma_start3A_15] : memref<32x250x40xi32, #tpu.memory_space<hbm>> -> memref<1x1x40xi32, #tpu.memory_space<hbm>>
    %dma_start3A_17 = tpu.memref_squeeze %dma_start3A_16 : memref<1x1x40xi32, #tpu.memory_space<hbm>> -> memref<40xi32, #tpu.memory_space<hbm>>
    tpu.enqueue_dma source(%dma_start3A_17 : memref<40xi32, #tpu.memory_space<hbm>>) target(%arg11 : memref<40xi32, #tpu.memory_space<vmem>>) target_semaphore(%arg24 : memref<!tpu.dma_semaphore, #tpu.memory_space<semaphore_mem>>)
    %dma_start3A_18 = arith.constant 1 : i32
    %dma_start3A_19 = arith.constant 0 : i32
    %dma_start3A_20 = tpu.memref_slice %arg3[%add3A, %dma_start3A_18, %dma_start3A_19] : memref<32x250x40xi32, #tpu.memory_space<hbm>> -> memref<1x1x40xi32, #tpu.memory_space<hbm>>
    %dma_start3A_21 = tpu.memref_squeeze %dma_start3A_20 : memref<1x1x40xi32, #tpu.memory_space<hbm>> -> memref<40xi32, #tpu.memory_space<hbm>>
    %dma_start3A_22 = arith.constant 0 : i32
    %dma_start3A_23 = tpu.memref_slice %arg3[%add3A, %dma_start3A_18, %dma_start3A_22] : memref<32x250x40xi32, #tpu.memory_space<hbm>> -> memref<1x1x40xi32, #tpu.memory_space<hbm>>
    %dma_start3A_24 = tpu.memref_squeeze %dma_start3A_23 : memref<1x1x40xi32, #tpu.memory_space<hbm>> -> memref<40xi32, #tpu.memory_space<hbm>>
    tpu.enqueue_dma source(%dma_start3A_24 : memref<40xi32, #tpu.memory_space<hbm>>) target(%arg8 : memref<40xi32, #tpu.memory_space<vmem>>) target_semaphore(%arg25 : memref<!tpu.dma_semaphore, #tpu.memory_space<semaphore_mem>>)
    %dma_start3A_25 = arith.constant 1 : i32
    %dma_start3A_26 = arith.constant 0 : i32
    %dma_start3A_27 = tpu.memref_slice %arg4[%add3A, %dma_start3A_25, %dma_start3A_26] : memref<32x250x40xi32, #tpu.memory_space<hbm>> -> memref<1x1x40xi32, #tpu.memory_space<hbm>>
    %dma_start3A_28 = tpu.memref_squeeze %dma_start3A_27 : memref<1x1x40xi32, #tpu.memory_space<hbm>> -> memref<40xi32, #tpu.memory_space<hbm>>
    %dma_start3A_29 = arith.constant 0 : i32
    %dma_start3A_30 = tpu.memref_slice %arg4[%add3A, %dma_start3A_25, %dma_start3A_29] : memref<32x250x40xi32, #tpu.memory_space<hbm>> -> memref<1x1x40xi32, #tpu.memory_space<hbm>>
    %dma_start3A_31 = tpu.memref_squeeze %dma_start3A_30 : memref<1x1x40xi32, #tpu.memory_space<hbm>> -> memref<40xi32, #tpu.memory_space<hbm>>
    tpu.enqueue_dma source(%dma_start3A_31 : memref<40xi32, #tpu.memory_space<hbm>>) target(%arg12 : memref<40xi32, #tpu.memory_space<vmem>>) target_semaphore(%arg25 : memref<!tpu.dma_semaphore, #tpu.memory_space<semaphore_mem>>)
    %dma_start3A_32 = arith.constant 2 : i32
    %dma_start3A_33 = arith.constant 0 : i32
    %dma_start3A_34 = tpu.memref_slice %arg3[%add3A, %dma_start3A_32, %dma_start3A_33] : memref<32x250x40xi32, #tpu.memory_space<hbm>> -> memref<1x1x40xi32, #tpu.memory_space<hbm>>
    %dma_start3A_35 = tpu.memref_squeeze %dma_start3A_34 : memref<1x1x40xi32, #tpu.memory_space<hbm>> -> memref<40xi32, #tpu.memory_space<hbm>>
    %dma_start3A_36 = arith.constant 0 : i32
    %dma_start3A_37 = tpu.memref_slice %arg3[%add3A, %dma_start3A_32, %dma_start3A_36] : memref<32x250x40xi32, #tpu.memory_space<hbm>> -> memref<1x1x40xi32, #tpu.memory_space<hbm>>
    %dma_start3A_38 = tpu.memref_squeeze %dma_start3A_37 : memref<1x1x40xi32, #tpu.memory_space<hbm>> -> memref<40xi32, #tpu.memory_space<hbm>>
    tpu.enqueue_dma source(%dma_start3A_38 : memref<40xi32, #tpu.memory_space<hbm>>) target(%arg9 : memref<40xi32, #tpu.memory_space<vmem>>) target_semaphore(%arg26 : memref<!tpu.dma_semaphore, #tpu.memory_space<semaphore_mem>>)
    %dma_start3A_39 = arith.constant 2 : i32
    %dma_start3A_40 = arith.constant 0 : i32
    %dma_start3A_41 = tpu.memref_slice %arg4[%add3A, %dma_start3A_39, %dma_start3A_40] : memref<32x250x40xi32, #tpu.memory_space<hbm>> -> memref<1x1x40xi32, #tpu.memory_space<hbm>>
    %dma_start3A_42 = tpu.memref_squeeze %dma_start3A_41 : memref<1x1x40xi32, #tpu.memory_space<hbm>> -> memref<40xi32, #tpu.memory_space<hbm>>
    %dma_start3A_43 = arith.constant 0 : i32
    %dma_start3A_44 = tpu.memref_slice %arg4[%add3A, %dma_start3A_39, %dma_start3A_43] : memref<32x250x40xi32, #tpu.memory_space<hbm>> -> memref<1x1x40xi32, #tpu.memory_space<hbm>>
    %dma_start3A_45 = tpu.memref_squeeze %dma_start3A_44 : memref<1x1x40xi32, #tpu.memory_space<hbm>> -> memref<40xi32, #tpu.memory_space<hbm>>
    tpu.enqueue_dma source(%dma_start3A_45 : memref<40xi32, #tpu.memory_space<hbm>>) target(%arg13 : memref<40xi32, #tpu.memory_space<vmem>>) target_semaphore(%arg26 : memref<!tpu.dma_semaphore, #tpu.memory_space<semaphore_mem>>)
    %dma_start3A_46 = arith.constant 3 : i32
    %dma_start3A_47 = arith.constant 0 : i32
    %dma_start3A_48 = tpu.memref_slice %arg3[%add3A, %dma_start3A_46, %dma_start3A_47] : memref<32x250x40xi32, #tpu.memory_space<hbm>> -> memref<1x1x40xi32, #tpu.memory_space<hbm>>
    %dma_start3A_49 = tpu.memref_squeeze %dma_start3A_48 : memref<1x1x40xi32, #tpu.memory_space<hbm>> -> memref<40xi32, #tpu.memory_space<hbm>>
    %dma_start3A_50 = arith.constant 0 : i32
    %dma_start3A_51 = tpu.memref_slice %arg3[%add3A, %dma_start3A_46, %dma_start3A_50] : memref<32x250x40xi32, #tpu.memory_space<hbm>> -> memref<1x1x40xi32, #tpu.memory_space<hbm>>
    %dma_start3A_52 = tpu.memref_squeeze %dma_start3A_51 : memref<1x1x40xi32, #tpu.memory_space<hbm>> -> memref<40xi32, #tpu.memory_space<hbm>>
    tpu.enqueue_dma source(%dma_start3A_52 : memref<40xi32, #tpu.memory_space<hbm>>) target(%arg10 : memref<40xi32, #tpu.memory_space<vmem>>) target_semaphore(%arg27 : memref<!tpu.dma_semaphore, #tpu.memory_space<semaphore_mem>>)
    %dma_start3A_53 = arith.constant 3 : i32
    %dma_start3A_54 = arith.constant 0 : i32
    %dma_start3A_55 = tpu.memref_slice %arg4[%add3A, %dma_start3A_53, %dma_start3A_54] : memref<32x250x40xi32, #tpu.memory_space<hbm>> -> memref<1x1x40xi32, #tpu.memory_space<hbm>>
    %dma_start3A_56 = tpu.memref_squeeze %dma_start3A_55 : memref<1x1x40xi32, #tpu.memory_space<hbm>> -> memref<40xi32, #tpu.memory_space<hbm>>
    %dma_start3A_57 = arith.constant 0 : i32
    %dma_start3A_58 = tpu.memref_slice %arg4[%add3A, %dma_start3A_53, %dma_start3A_57] : memref<32x250x40xi32, #tpu.memory_space<hbm>> -> memref<1x1x40xi32, #tpu.memory_space<hbm>>
    %dma_start3A_59 = tpu.memref_squeeze %dma_start3A_58 : memref<1x1x40xi32, #tpu.memory_space<hbm>> -> memref<40xi32, #tpu.memory_space<hbm>>
    tpu.enqueue_dma source(%dma_start3A_59 : memref<40xi32, #tpu.memory_space<hbm>>) target(%arg14 : memref<40xi32, #tpu.memory_space<vmem>>) target_semaphore(%arg27 : memref<!tpu.dma_semaphore, #tpu.memory_space<semaphore_mem>>)
    %dma_wait3A = arith.constant 0 : i32
    %dma_wait3A_60 = arith.constant 0 : i32
    %dma_wait3A_61 = tpu.memref_slice %arg3[%add3A, %dma_wait3A, %dma_wait3A_60] : memref<32x250x40xi32, #tpu.memory_space<hbm>> -> memref<1x1x40xi32, #tpu.memory_space<hbm>>
    %dma_wait3A_62 = tpu.memref_squeeze %dma_wait3A_61 : memref<1x1x40xi32, #tpu.memory_space<hbm>> -> memref<40xi32, #tpu.memory_space<hbm>>
    %dma_wait3A_63 = arith.constant 0 : i32
    %dma_wait3A_64 = tpu.memref_slice %arg3[%add3A, %dma_wait3A, %dma_wait3A_63] : memref<32x250x40xi32, #tpu.memory_space<hbm>> -> memref<1x1x40xi32, #tpu.memory_space<hbm>>
    %dma_wait3A_65 = tpu.memref_squeeze %dma_wait3A_64 : memref<1x1x40xi32, #tpu.memory_space<hbm>> -> memref<40xi32, #tpu.memory_space<hbm>>
    tpu.wait_dma2 semaphore(%arg24 : memref<!tpu.dma_semaphore, #tpu.memory_space<semaphore_mem>>) src(%dma_wait3A_65 : memref<40xi32, #tpu.memory_space<hbm>>) dst(%arg7 : memref<40xi32, #tpu.memory_space<vmem>>)
    %dma_wait3A_66 = arith.constant 0 : i32
    %dma_wait3A_67 = arith.constant 0 : i32
    %dma_wait3A_68 = tpu.memref_slice %arg4[%add3A, %dma_wait3A_66, %dma_wait3A_67] : memref<32x250x40xi32, #tpu.memory_space<hbm>> -> memref<1x1x40xi32, #tpu.memory_space<hbm>>
    %dma_wait3A_69 = tpu.memref_squeeze %dma_wait3A_68 : memref<1x1x40xi32, #tpu.memory_space<hbm>> -> memref<40xi32, #tpu.memory_space<hbm>>
    %dma_wait3A_70 = arith.constant 0 : i32
    %dma_wait3A_71 = tpu.memref_slice %arg4[%add3A, %dma_wait3A_66, %dma_wait3A_70] : memref<32x250x40xi32, #tpu.memory_space<hbm>> -> memref<1x1x40xi32, #tpu.memory_space<hbm>>
    %dma_wait3A_72 = tpu.memref_squeeze %dma_wait3A_71 : memref<1x1x40xi32, #tpu.memory_space<hbm>> -> memref<40xi32, #tpu.memory_space<hbm>>
    tpu.wait_dma2 semaphore(%arg24 : memref<!tpu.dma_semaphore, #tpu.memory_space<semaphore_mem>>) src(%dma_wait3A_72 : memref<40xi32, #tpu.memory_space<hbm>>) dst(%arg11 : memref<40xi32, #tpu.memory_space<vmem>>)
    %dma_start3A_73 = arith.constant 0 : i32
    %dma_start3A_74 = arith.constant 0 : i32
    %dma_start3A_75 = tpu.memref_slice %arg2[%dma_start3A_73, %dma_start3A_74] : memref<10000x128xf32, #tpu.memory_space<hbm>> -> memref<10000x128xf32, #tpu.memory_space<hbm>>
    tpu.enqueue_indirect_dma source(%dma_start3A_75 : memref<10000x128xf32, #tpu.memory_space<hbm>>) target(%arg19 : memref<40x128xf32, #tpu.memory_space<vmem>>) offsets(%arg7 : memref<40xi32, #tpu.memory_space<vmem>>) semaphore(%arg28 : memref<!tpu.dma_semaphore, #tpu.memory_space<semaphore_mem>>)
    %dma_wait3A_76 = arith.constant 1 : i32
    %dma_wait3A_77 = arith.constant 0 : i32
    %dma_wait3A_78 = tpu.memref_slice %arg3[%add3A, %dma_wait3A_76, %dma_wait3A_77] : memref<32x250x40xi32, #tpu.memory_space<hbm>> -> memref<1x1x40xi32, #tpu.memory_space<hbm>>
    %dma_wait3A_79 = tpu.memref_squeeze %dma_wait3A_78 : memref<1x1x40xi32, #tpu.memory_space<hbm>> -> memref<40xi32, #tpu.memory_space<hbm>>
    %dma_wait3A_80 = arith.constant 0 : i32
    %dma_wait3A_81 = tpu.memref_slice %arg3[%add3A, %dma_wait3A_76, %dma_wait3A_80] : memref<32x250x40xi32, #tpu.memory_space<hbm>> -> memref<1x1x40xi32, #tpu.memory_space<hbm>>
    %dma_wait3A_82 = tpu.memref_squeeze %dma_wait3A_81 : memref<1x1x40xi32, #tpu.memory_space<hbm>> -> memref<40xi32, #tpu.memory_space<hbm>>
    tpu.wait_dma2 semaphore(%arg25 : memref<!tpu.dma_semaphore, #tpu.memory_space<semaphore_mem>>) src(%dma_wait3A_82 : memref<40xi32, #tpu.memory_space<hbm>>) dst(%arg8 : memref<40xi32, #tpu.memory_space<vmem>>)
    %dma_wait3A_83 = arith.constant 1 : i32
    %dma_wait3A_84 = arith.constant 0 : i32
    %dma_wait3A_85 = tpu.memref_slice %arg4[%add3A, %dma_wait3A_83, %dma_wait3A_84] : memref<32x250x40xi32, #tpu.memory_space<hbm>> -> memref<1x1x40xi32, #tpu.memory_space<hbm>>
    %dma_wait3A_86 = tpu.memref_squeeze %dma_wait3A_85 : memref<1x1x40xi32, #tpu.memory_space<hbm>> -> memref<40xi32, #tpu.memory_space<hbm>>
    %dma_wait3A_87 = arith.constant 0 : i32
    %dma_wait3A_88 = tpu.memref_slice %arg4[%add3A, %dma_wait3A_83, %dma_wait3A_87] : memref<32x250x40xi32, #tpu.memory_space<hbm>> -> memref<1x1x40xi32, #tpu.memory_space<hbm>>
    %dma_wait3A_89 = tpu.memref_squeeze %dma_wait3A_88 : memref<1x1x40xi32, #tpu.memory_space<hbm>> -> memref<40xi32, #tpu.memory_space<hbm>>
    tpu.wait_dma2 semaphore(%arg25 : memref<!tpu.dma_semaphore, #tpu.memory_space<semaphore_mem>>) src(%dma_wait3A_89 : memref<40xi32, #tpu.memory_space<hbm>>) dst(%arg12 : memref<40xi32, #tpu.memory_space<vmem>>)
    %dma_start3A_90 = arith.constant 0 : i32
    %dma_start3A_91 = arith.constant 0 : i32
    %dma_start3A_92 = tpu.memref_slice %arg2[%dma_start3A_90, %dma_start3A_91] : memref<10000x128xf32, #tpu.memory_space<hbm>> -> memref<10000x128xf32, #tpu.memory_space<hbm>>
    tpu.enqueue_indirect_dma source(%dma_start3A_92 : memref<10000x128xf32, #tpu.memory_space<hbm>>) target(%arg20 : memref<40x128xf32, #tpu.memory_space<vmem>>) offsets(%arg8 : memref<40xi32, #tpu.memory_space<vmem>>) semaphore(%arg29 : memref<!tpu.dma_semaphore, #tpu.memory_space<semaphore_mem>>)
    %scan3A = arith.constant 0 : i32
    %scan3A_93 = arith.constant 0 : i32
    %scan3A_94 = arith.constant 125 : i32
    %scan3A_95 = arith.addi %scan3A_93, %scan3A_94 : i32
    %scan3A_96 = arith.constant 1 : i32
    scf.for %scan3A_116 = %scan3A_93 to %scan3A_95 step %scan3A_96  : i32 {
      %jit3A = arith.constant 4 : i32
      %eq3A_117 = arith.constant 0 : i32
      %eq3A_118 = arith.cmpi eq, %jit3A, %eq3A_117 : i32
      %jit3A_119 = arith.constant 1 : i32
      %select_n3A = arith.select %eq3A_118, %jit3A_119, %jit3A : i32
      %rem3A = arith.remsi %scan3A_116, %select_n3A : i32
      %ne3A = arith.constant 0 : i32
      %ne3A_120 = arith.cmpi ne, %rem3A, %ne3A : i32
      %lt3A = arith.constant 0 : i32
      %lt3A_121 = arith.cmpi slt, %rem3A, %lt3A : i32
      %lt3A_122 = arith.constant 0 : i32
      %lt3A_123 = arith.cmpi slt, %select_n3A, %lt3A_122 : i32
      %ne3A_124 = arith.xori %lt3A_121, %lt3A_123 : i1
      %and3A = arith.andi %ne3A_124, %ne3A_120 : i1
      %add3A_125 = arith.addi %rem3A, %select_n3A : i32
      %select_n3A_126 = arith.select %and3A, %add3A_125, %rem3A : i32
      %eq3A_127 = arith.constant 0 : i32
      %eq3A_128 = arith.cmpi eq, %select_n3A_126, %eq3A_127 : i32
      %convert_element_type3A_129 = arith.extui %eq3A_128 : i1 to i32
      %cond3A_130 = arith.constant 0 : i32
      %cond3A_131 = arith.cmpi ne, %convert_element_type3A_129, %cond3A_130 : i32
      scf.if %cond3A_131 {
        %mul3A_147 = arith.constant 2 : i32
        %mul3A_148 = arith.muli %mul3A_147, %scan3A_116 : i32
        %dma_wait3A_149 = arith.constant 0 : i32
        %dma_wait3A_150 = arith.constant 0 : i32
        %dma_wait3A_151 = tpu.memref_slice %arg2[%dma_wait3A_149, %dma_wait3A_150] : memref<10000x128xf32, #tpu.memory_space<hbm>> -> memref<10000x128xf32, #tpu.memory_space<hbm>>
        tpu.wait_indirect_dma semaphore(%arg28 : memref<!tpu.dma_semaphore, #tpu.memory_space<semaphore_mem>>) src(%dma_wait3A_151 : memref<10000x128xf32, #tpu.memory_space<hbm>>) dst(%arg19 : memref<40x128xf32, #tpu.memory_space<vmem>>)
        %dma_start3A_152 = arith.constant 0 : i32
        %dma_start3A_153 = arith.constant 0 : i32
        %dma_start3A_154 = tpu.memref_slice %arg23[%dma_start3A_152, %dma_start3A_153] : memref<10000x128xf32, #tpu.memory_space<vmem_shared>> -> memref<10000x128xf32, #tpu.memory_space<vmem_shared>>
        tpu.enqueue_indirect_dma source(%arg19 : memref<40x128xf32, #tpu.memory_space<vmem>>) target(%dma_start3A_154 : memref<10000x128xf32, #tpu.memory_space<vmem_shared>>) offsets(%arg11 : memref<40xi32, #tpu.memory_space<vmem>>) semaphore(%arg32 : memref<!tpu.dma_semaphore, #tpu.memory_space<semaphore_mem>>) {add = true}
        %dma_wait3A_155 = arith.constant 0 : i32
        %dma_wait3A_156 = arith.constant 0 : i32
        %dma_wait3A_157 = tpu.memref_slice %arg2[%dma_wait3A_155, %dma_wait3A_156] : memref<10000x128xf32, #tpu.memory_space<hbm>> -> memref<10000x128xf32, #tpu.memory_space<hbm>>
        tpu.wait_indirect_dma semaphore(%arg29 : memref<!tpu.dma_semaphore, #tpu.memory_space<semaphore_mem>>) src(%dma_wait3A_157 : memref<10000x128xf32, #tpu.memory_space<hbm>>) dst(%arg20 : memref<40x128xf32, #tpu.memory_space<vmem>>)
        %dma_start3A_158 = arith.constant 0 : i32
        %dma_start3A_159 = arith.constant 0 : i32
        %dma_start3A_160 = tpu.memref_slice %arg23[%dma_start3A_158, %dma_start3A_159] : memref<10000x128xf32, #tpu.memory_space<vmem_shared>> -> memref<10000x128xf32, #tpu.memory_space<vmem_shared>>
        tpu.enqueue_indirect_dma source(%arg20 : memref<40x128xf32, #tpu.memory_space<vmem>>) target(%dma_start3A_160 : memref<10000x128xf32, #tpu.memory_space<vmem_shared>>) offsets(%arg12 : memref<40xi32, #tpu.memory_space<vmem>>) semaphore(%arg33 : memref<!tpu.dma_semaphore, #tpu.memory_space<semaphore_mem>>) {add = true}
        %add3A_161 = arith.constant 2 : i32
        %add3A_162 = arith.addi %mul3A_148, %add3A_161 : i32
        %lt3A_163 = arith.constant 250 : i32
        %lt3A_164 = arith.cmpi slt, %add3A_162, %lt3A_163 : i32
        %convert_element_type3A_165 = arith.extui %lt3A_164 : i1 to i32
        %cond3A_166 = arith.constant 0 : i32
        %cond3A_167 = arith.cmpi ne, %convert_element_type3A_165, %cond3A_166 : i32
        scf.if %cond3A_167 {
          %ge3A = arith.constant 1 : i32
          %ge3A_175 = arith.cmpi sge, %scan3A_116, %ge3A : i32
          %convert_element_type3A_176 = arith.extui %ge3A_175 : i1 to i32
          %cond3A_177 = arith.constant 0 : i32
          %cond3A_178 = arith.cmpi ne, %convert_element_type3A_176, %cond3A_177 : i32
          scf.if %cond3A_178 {
            %dma_wait3A_213 = arith.constant 0 : i32
            %dma_wait3A_214 = arith.constant 0 : i32
            %dma_wait3A_215 = tpu.memref_slice %arg23[%dma_wait3A_213, %dma_wait3A_214] : memref<10000x128xf32, #tpu.memory_space<vmem_shared>> -> memref<10000x128xf32, #tpu.memory_space<vmem_shared>>
            tpu.wait_indirect_dma semaphore(%arg34 : memref<!tpu.dma_semaphore, #tpu.memory_space<semaphore_mem>>) src(%arg21 : memref<40x128xf32, #tpu.memory_space<vmem>>) dst(%dma_wait3A_215 : memref<10000x128xf32, #tpu.memory_space<vmem_shared>>)
            %dma_wait3A_216 = arith.constant 0 : i32
            %dma_wait3A_217 = arith.constant 0 : i32
            %dma_wait3A_218 = tpu.memref_slice %arg23[%dma_wait3A_216, %dma_wait3A_217] : memref<10000x128xf32, #tpu.memory_space<vmem_shared>> -> memref<10000x128xf32, #tpu.memory_space<vmem_shared>>
            tpu.wait_indirect_dma semaphore(%arg35 : memref<!tpu.dma_semaphore, #tpu.memory_space<semaphore_mem>>) src(%arg22 : memref<40x128xf32, #tpu.memory_space<vmem>>) dst(%dma_wait3A_218 : memref<10000x128xf32, #tpu.memory_space<vmem_shared>>)
          } else {
          }
          %add3A_179 = arith.constant 2 : i32
          %add3A_180 = arith.addi %mul3A_148, %add3A_179 : i32
          %dma_wait3A_181 = arith.constant 0 : i32
          %dma_wait3A_182 = tpu.memref_slice %arg3[%add3A, %add3A_180, %dma_wait3A_181] : memref<32x250x40xi32, #tpu.memory_space<hbm>> -> memref<1x1x40xi32, #tpu.memory_space<hbm>>
          %dma_wait3A_183 = tpu.memref_squeeze %dma_wait3A_182 : memref<1x1x40xi32, #tpu.memory_space<hbm>> -> memref<40xi32, #tpu.memory_space<hbm>>
          %dma_wait3A_184 = arith.constant 0 : i32
          %dma_wait3A_185 = tpu.memref_slice %arg3[%add3A, %add3A_180, %dma_wait3A_184] : memref<32x250x40xi32, #tpu.memory_space<hbm>> -> memref<1x1x40xi32, #tpu.memory_space<hbm>>
          %dma_wait3A_186 = tpu.memref_squeeze %dma_wait3A_185 : memref<1x1x40xi32, #tpu.memory_space<hbm>> -> memref<40xi32, #tpu.memory_space<hbm>>
          tpu.wait_dma2 semaphore(%arg26 : memref<!tpu.dma_semaphore, #tpu.memory_space<semaphore_mem>>) src(%dma_wait3A_186 : memref<40xi32, #tpu.memory_space<hbm>>) dst(%arg9 : memref<40xi32, #tpu.memory_space<vmem>>)
          %dma_wait3A_187 = arith.constant 0 : i32
          %dma_wait3A_188 = tpu.memref_slice %arg4[%add3A, %add3A_180, %dma_wait3A_187] : memref<32x250x40xi32, #tpu.memory_space<hbm>> -> memref<1x1x40xi32, #tpu.memory_space<hbm>>
          %dma_wait3A_189 = tpu.memref_squeeze %dma_wait3A_188 : memref<1x1x40xi32, #tpu.memory_space<hbm>> -> memref<40xi32, #tpu.memory_space<hbm>>
          %dma_wait3A_190 = arith.constant 0 : i32
          %dma_wait3A_191 = tpu.memref_slice %arg4[%add3A, %add3A_180, %dma_wait3A_190] : memref<32x250x40xi32, #tpu.memory_space<hbm>> -> memref<1x1x40xi32, #tpu.memory_space<hbm>>
          %dma_wait3A_192 = tpu.memref_squeeze %dma_wait3A_191 : memref<1x1x40xi32, #tpu.memory_space<hbm>> -> memref<40xi32, #tpu.memory_space<hbm>>
          tpu.wait_dma2 semaphore(%arg26 : memref<!tpu.dma_semaphore, #tpu.memory_space<semaphore_mem>>) src(%dma_wait3A_192 : memref<40xi32, #tpu.memory_space<hbm>>) dst(%arg13 : memref<40xi32, #tpu.memory_space<vmem>>)
          %add3A_193 = arith.constant 3 : i32
          %add3A_194 = arith.addi %mul3A_148, %add3A_193 : i32
          %dma_wait3A_195 = arith.constant 0 : i32
          %dma_wait3A_196 = tpu.memref_slice %arg3[%add3A, %add3A_194, %dma_wait3A_195] : memref<32x250x40xi32, #tpu.memory_space<hbm>> -> memref<1x1x40xi32, #tpu.memory_space<hbm>>
          %dma_wait3A_197 = tpu.memref_squeeze %dma_wait3A_196 : memref<1x1x40xi32, #tpu.memory_space<hbm>> -> memref<40xi32, #tpu.memory_space<hbm>>
          %dma_wait3A_198 = arith.constant 0 : i32
          %dma_wait3A_199 = tpu.memref_slice %arg3[%add3A, %add3A_194, %dma_wait3A_198] : memref<32x250x40xi32, #tpu.memory_space<hbm>> -> memref<1x1x40xi32, #tpu.memory_space<hbm>>
          %dma_wait3A_200 = tpu.memref_squeeze %dma_wait3A_199 : memref<1x1x40xi32, #tpu.memory_space<hbm>> -> memref<40xi32, #tpu.memory_space<hbm>>
          tpu.wait_dma2 semaphore(%arg27 : memref<!tpu.dma_semaphore, #tpu.memory_space<semaphore_mem>>) src(%dma_wait3A_200 : memref<40xi32, #tpu.memory_space<hbm>>) dst(%arg10 : memref<40xi32, #tpu.memory_space<vmem>>)
          %dma_wait3A_201 = arith.constant 0 : i32
          %dma_wait3A_202 = tpu.memref_slice %arg4[%add3A, %add3A_194, %dma_wait3A_201] : memref<32x250x40xi32, #tpu.memory_space<hbm>> -> memref<1x1x40xi32, #tpu.memory_space<hbm>>
          %dma_wait3A_203 = tpu.memref_squeeze %dma_wait3A_202 : memref<1x1x40xi32, #tpu.memory_space<hbm>> -> memref<40xi32, #tpu.memory_space<hbm>>
          %dma_wait3A_204 = arith.constant 0 : i32
          %dma_wait3A_205 = tpu.memref_slice %arg4[%add3A, %add3A_194, %dma_wait3A_204] : memref<32x250x40xi32, #tpu.memory_space<hbm>> -> memref<1x1x40xi32, #tpu.memory_space<hbm>>
          %dma_wait3A_206 = tpu.memref_squeeze %dma_wait3A_205 : memref<1x1x40xi32, #tpu.memory_space<hbm>> -> memref<40xi32, #tpu.memory_space<hbm>>
          tpu.wait_dma2 semaphore(%arg27 : memref<!tpu.dma_semaphore, #tpu.memory_space<semaphore_mem>>) src(%dma_wait3A_206 : memref<40xi32, #tpu.memory_space<hbm>>) dst(%arg14 : memref<40xi32, #tpu.memory_space<vmem>>)
          %dma_start3A_207 = arith.constant 0 : i32
          %dma_start3A_208 = arith.constant 0 : i32
          %dma_start3A_209 = tpu.memref_slice %arg2[%dma_start3A_207, %dma_start3A_208] : memref<10000x128xf32, #tpu.memory_space<hbm>> -> memref<10000x128xf32, #tpu.memory_space<hbm>>
          tpu.enqueue_indirect_dma source(%dma_start3A_209 : memref<10000x128xf32, #tpu.memory_space<hbm>>) target(%arg21 : memref<40x128xf32, #tpu.memory_space<vmem>>) offsets(%arg9 : memref<40xi32, #tpu.memory_space<vmem>>) semaphore(%arg30 : memref<!tpu.dma_semaphore, #tpu.memory_space<semaphore_mem>>)
          %dma_start3A_210 = arith.constant 0 : i32
          %dma_start3A_211 = arith.constant 0 : i32
          %dma_start3A_212 = tpu.memref_slice %arg2[%dma_start3A_210, %dma_start3A_211] : memref<10000x128xf32, #tpu.memory_space<hbm>> -> memref<10000x128xf32, #tpu.memory_space<hbm>>
          tpu.enqueue_indirect_dma source(%dma_start3A_212 : memref<10000x128xf32, #tpu.memory_space<hbm>>) target(%arg22 : memref<40x128xf32, #tpu.memory_space<vmem>>) offsets(%arg10 : memref<40xi32, #tpu.memory_space<vmem>>) semaphore(%arg31 : memref<!tpu.dma_semaphore, #tpu.memory_space<semaphore_mem>>)
        } else {
        }
        %add3A_168 = arith.constant 4 : i32
        %add3A_169 = arith.addi %mul3A_148, %add3A_168 : i32
        %lt3A_170 = arith.constant 250 : i32
        %lt3A_171 = arith.cmpi slt, %add3A_169, %lt3A_170 : i32
        %convert_element_type3A_172 = arith.extui %lt3A_171 : i1 to i32
        %cond3A_173 = arith.constant 0 : i32
        %cond3A_174 = arith.cmpi ne, %convert_element_type3A_172, %cond3A_173 : i32
        scf.if %cond3A_174 {
          %add3A_175 = arith.constant 4 : i32
          %add3A_176 = arith.addi %mul3A_148, %add3A_175 : i32
          %dma_start3A_177 = arith.constant 0 : i32
          %dma_start3A_178 = tpu.memref_slice %arg3[%add3A, %add3A_176, %dma_start3A_177] : memref<32x250x40xi32, #tpu.memory_space<hbm>> -> memref<1x1x40xi32, #tpu.memory_space<hbm>>
          %dma_start3A_179 = tpu.memref_squeeze %dma_start3A_178 : memref<1x1x40xi32, #tpu.memory_space<hbm>> -> memref<40xi32, #tpu.memory_space<hbm>>
          %dma_start3A_180 = arith.constant 0 : i32
          %dma_start3A_181 = tpu.memref_slice %arg3[%add3A, %add3A_176, %dma_start3A_180] : memref<32x250x40xi32, #tpu.memory_space<hbm>> -> memref<1x1x40xi32, #tpu.memory_space<hbm>>
          %dma_start3A_182 = tpu.memref_squeeze %dma_start3A_181 : memref<1x1x40xi32, #tpu.memory_space<hbm>> -> memref<40xi32, #tpu.memory_space<hbm>>
          tpu.enqueue_dma source(%dma_start3A_182 : memref<40xi32, #tpu.memory_space<hbm>>) target(%arg7 : memref<40xi32, #tpu.memory_space<vmem>>) target_semaphore(%arg24 : memref<!tpu.dma_semaphore, #tpu.memory_space<semaphore_mem>>)
          %dma_start3A_183 = arith.constant 0 : i32
          %dma_start3A_184 = tpu.memref_slice %arg4[%add3A, %add3A_176, %dma_start3A_183] : memref<32x250x40xi32, #tpu.memory_space<hbm>> -> memref<1x1x40xi32, #tpu.memory_space<hbm>>
          %dma_start3A_185 = tpu.memref_squeeze %dma_start3A_184 : memref<1x1x40xi32, #tpu.memory_space<hbm>> -> memref<40xi32, #tpu.memory_space<hbm>>
          %dma_start3A_186 = arith.constant 0 : i32
          %dma_start3A_187 = tpu.memref_slice %arg4[%add3A, %add3A_176, %dma_start3A_186] : memref<32x250x40xi32, #tpu.memory_space<hbm>> -> memref<1x1x40xi32, #tpu.memory_space<hbm>>
          %dma_start3A_188 = tpu.memref_squeeze %dma_start3A_187 : memref<1x1x40xi32, #tpu.memory_space<hbm>> -> memref<40xi32, #tpu.memory_space<hbm>>
          tpu.enqueue_dma source(%dma_start3A_188 : memref<40xi32, #tpu.memory_space<hbm>>) target(%arg15 : memref<40xi32, #tpu.memory_space<vmem>>) target_semaphore(%arg24 : memref<!tpu.dma_semaphore, #tpu.memory_space<semaphore_mem>>)
          %add3A_189 = arith.constant 5 : i32
          %add3A_190 = arith.addi %mul3A_148, %add3A_189 : i32
          %dma_start3A_191 = arith.constant 0 : i32
          %dma_start3A_192 = tpu.memref_slice %arg3[%add3A, %add3A_190, %dma_start3A_191] : memref<32x250x40xi32, #tpu.memory_space<hbm>> -> memref<1x1x40xi32, #tpu.memory_space<hbm>>
          %dma_start3A_193 = tpu.memref_squeeze %dma_start3A_192 : memref<1x1x40xi32, #tpu.memory_space<hbm>> -> memref<40xi32, #tpu.memory_space<hbm>>
          %dma_start3A_194 = arith.constant 0 : i32
          %dma_start3A_195 = tpu.memref_slice %arg3[%add3A, %add3A_190, %dma_start3A_194] : memref<32x250x40xi32, #tpu.memory_space<hbm>> -> memref<1x1x40xi32, #tpu.memory_space<hbm>>
          %dma_start3A_196 = tpu.memref_squeeze %dma_start3A_195 : memref<1x1x40xi32, #tpu.memory_space<hbm>> -> memref<40xi32, #tpu.memory_space<hbm>>
          tpu.enqueue_dma source(%dma_start3A_196 : memref<40xi32, #tpu.memory_space<hbm>>) target(%arg8 : memref<40xi32, #tpu.memory_space<vmem>>) target_semaphore(%arg25 : memref<!tpu.dma_semaphore, #tpu.memory_space<semaphore_mem>>)
          %dma_start3A_197 = arith.constant 0 : i32
          %dma_start3A_198 = tpu.memref_slice %arg4[%add3A, %add3A_190, %dma_start3A_197] : memref<32x250x40xi32, #tpu.memory_space<hbm>> -> memref<1x1x40xi32, #tpu.memory_space<hbm>>
          %dma_start3A_199 = tpu.memref_squeeze %dma_start3A_198 : memref<1x1x40xi32, #tpu.memory_space<hbm>> -> memref<40xi32, #tpu.memory_space<hbm>>
          %dma_start3A_200 = arith.constant 0 : i32
          %dma_start3A_201 = tpu.memref_slice %arg4[%add3A, %add3A_190, %dma_start3A_200] : memref<32x250x40xi32, #tpu.memory_space<hbm>> -> memref<1x1x40xi32, #tpu.memory_space<hbm>>
          %dma_start3A_202 = tpu.memref_squeeze %dma_start3A_201 : memref<1x1x40xi32, #tpu.memory_space<hbm>> -> memref<40xi32, #tpu.memory_space<hbm>>
          tpu.enqueue_dma source(%dma_start3A_202 : memref<40xi32, #tpu.memory_space<hbm>>) target(%arg16 : memref<40xi32, #tpu.memory_space<vmem>>) target_semaphore(%arg25 : memref<!tpu.dma_semaphore, #tpu.memory_space<semaphore_mem>>)
        } else {
        }
      } else {
      }
      %eq3A_132 = arith.constant 1 : i32
      %eq3A_133 = arith.cmpi eq, %select_n3A_126, %eq3A_132 : i32
      %convert_element_type3A_134 = arith.extui %eq3A_133 : i1 to i32
      %cond3A_135 = arith.constant 0 : i32
      %cond3A_136 = arith.cmpi ne, %convert_element_type3A_134, %cond3A_135 : i32
      scf.if %cond3A_136 {
        %mul3A_147 = arith.constant 2 : i32
        %mul3A_148 = arith.muli %mul3A_147, %scan3A_116 : i32
        %dma_wait3A_149 = arith.constant 0 : i32
        %dma_wait3A_150 = arith.constant 0 : i32
        %dma_wait3A_151 = tpu.memref_slice %arg2[%dma_wait3A_149, %dma_wait3A_150] : memref<10000x128xf32, #tpu.memory_space<hbm>> -> memref<10000x128xf32, #tpu.memory_space<hbm>>
        tpu.wait_indirect_dma semaphore(%arg30 : memref<!tpu.dma_semaphore, #tpu.memory_space<semaphore_mem>>) src(%dma_wait3A_151 : memref<10000x128xf32, #tpu.memory_space<hbm>>) dst(%arg21 : memref<40x128xf32, #tpu.memory_space<vmem>>)
        %dma_start3A_152 = arith.constant 0 : i32
        %dma_start3A_153 = arith.constant 0 : i32
        %dma_start3A_154 = tpu.memref_slice %arg23[%dma_start3A_152, %dma_start3A_153] : memref<10000x128xf32, #tpu.memory_space<vmem_shared>> -> memref<10000x128xf32, #tpu.memory_space<vmem_shared>>
        tpu.enqueue_indirect_dma source(%arg21 : memref<40x128xf32, #tpu.memory_space<vmem>>) target(%dma_start3A_154 : memref<10000x128xf32, #tpu.memory_space<vmem_shared>>) offsets(%arg13 : memref<40xi32, #tpu.memory_space<vmem>>) semaphore(%arg34 : memref<!tpu.dma_semaphore, #tpu.memory_space<semaphore_mem>>) {add = true}
        %dma_wait3A_155 = arith.constant 0 : i32
        %dma_wait3A_156 = arith.constant 0 : i32
        %dma_wait3A_157 = tpu.memref_slice %arg2[%dma_wait3A_155, %dma_wait3A_156] : memref<10000x128xf32, #tpu.memory_space<hbm>> -> memref<10000x128xf32, #tpu.memory_space<hbm>>
        tpu.wait_indirect_dma semaphore(%arg31 : memref<!tpu.dma_semaphore, #tpu.memory_space<semaphore_mem>>) src(%dma_wait3A_157 : memref<10000x128xf32, #tpu.memory_space<hbm>>) dst(%arg22 : memref<40x128xf32, #tpu.memory_space<vmem>>)
        %dma_start3A_158 = arith.constant 0 : i32
        %dma_start3A_159 = arith.constant 0 : i32
        %dma_start3A_160 = tpu.memref_slice %arg23[%dma_start3A_158, %dma_start3A_159] : memref<10000x128xf32, #tpu.memory_space<vmem_shared>> -> memref<10000x128xf32, #tpu.memory_space<vmem_shared>>
        tpu.enqueue_indirect_dma source(%arg22 : memref<40x128xf32, #tpu.memory_space<vmem>>) target(%dma_start3A_160 : memref<10000x128xf32, #tpu.memory_space<vmem_shared>>) offsets(%arg14 : memref<40xi32, #tpu.memory_space<vmem>>) semaphore(%arg35 : memref<!tpu.dma_semaphore, #tpu.memory_space<semaphore_mem>>) {add = true}
        %add3A_161 = arith.constant 2 : i32
        %add3A_162 = arith.addi %mul3A_148, %add3A_161 : i32
        %lt3A_163 = arith.constant 250 : i32
        %lt3A_164 = arith.cmpi slt, %add3A_162, %lt3A_163 : i32
        %convert_element_type3A_165 = arith.extui %lt3A_164 : i1 to i32
        %cond3A_166 = arith.constant 0 : i32
        %cond3A_167 = arith.cmpi ne, %convert_element_type3A_165, %cond3A_166 : i32
        scf.if %cond3A_167 {
          %ge3A = arith.constant 1 : i32
          %ge3A_175 = arith.cmpi sge, %scan3A_116, %ge3A : i32
          %convert_element_type3A_176 = arith.extui %ge3A_175 : i1 to i32
          %cond3A_177 = arith.constant 0 : i32
          %cond3A_178 = arith.cmpi ne, %convert_element_type3A_176, %cond3A_177 : i32
          scf.if %cond3A_178 {
            %dma_wait3A_213 = arith.constant 0 : i32
            %dma_wait3A_214 = arith.constant 0 : i32
            %dma_wait3A_215 = tpu.memref_slice %arg23[%dma_wait3A_213, %dma_wait3A_214] : memref<10000x128xf32, #tpu.memory_space<vmem_shared>> -> memref<10000x128xf32, #tpu.memory_space<vmem_shared>>
            tpu.wait_indirect_dma semaphore(%arg32 : memref<!tpu.dma_semaphore, #tpu.memory_space<semaphore_mem>>) src(%arg19 : memref<40x128xf32, #tpu.memory_space<vmem>>) dst(%dma_wait3A_215 : memref<10000x128xf32, #tpu.memory_space<vmem_shared>>)
            %dma_wait3A_216 = arith.constant 0 : i32
            %dma_wait3A_217 = arith.constant 0 : i32
            %dma_wait3A_218 = tpu.memref_slice %arg23[%dma_wait3A_216, %dma_wait3A_217] : memref<10000x128xf32, #tpu.memory_space<vmem_shared>> -> memref<10000x128xf32, #tpu.memory_space<vmem_shared>>
            tpu.wait_indirect_dma semaphore(%arg33 : memref<!tpu.dma_semaphore, #tpu.memory_space<semaphore_mem>>) src(%arg20 : memref<40x128xf32, #tpu.memory_space<vmem>>) dst(%dma_wait3A_218 : memref<10000x128xf32, #tpu.memory_space<vmem_shared>>)
          } else {
          }
          %add3A_179 = arith.constant 2 : i32
          %add3A_180 = arith.addi %mul3A_148, %add3A_179 : i32
          %dma_wait3A_181 = arith.constant 0 : i32
          %dma_wait3A_182 = tpu.memref_slice %arg3[%add3A, %add3A_180, %dma_wait3A_181] : memref<32x250x40xi32, #tpu.memory_space<hbm>> -> memref<1x1x40xi32, #tpu.memory_space<hbm>>
          %dma_wait3A_183 = tpu.memref_squeeze %dma_wait3A_182 : memref<1x1x40xi32, #tpu.memory_space<hbm>> -> memref<40xi32, #tpu.memory_space<hbm>>
          %dma_wait3A_184 = arith.constant 0 : i32
          %dma_wait3A_185 = tpu.memref_slice %arg3[%add3A, %add3A_180, %dma_wait3A_184] : memref<32x250x40xi32, #tpu.memory_space<hbm>> -> memref<1x1x40xi32, #tpu.memory_space<hbm>>
          %dma_wait3A_186 = tpu.memref_squeeze %dma_wait3A_185 : memref<1x1x40xi32, #tpu.memory_space<hbm>> -> memref<40xi32, #tpu.memory_space<hbm>>
          tpu.wait_dma2 semaphore(%arg24 : memref<!tpu.dma_semaphore, #tpu.memory_space<semaphore_mem>>) src(%dma_wait3A_186 : memref<40xi32, #tpu.memory_space<hbm>>) dst(%arg7 : memref<40xi32, #tpu.memory_space<vmem>>)
          %dma_wait3A_187 = arith.constant 0 : i32
          %dma_wait3A_188 = tpu.memref_slice %arg4[%add3A, %add3A_180, %dma_wait3A_187] : memref<32x250x40xi32, #tpu.memory_space<hbm>> -> memref<1x1x40xi32, #tpu.memory_space<hbm>>
          %dma_wait3A_189 = tpu.memref_squeeze %dma_wait3A_188 : memref<1x1x40xi32, #tpu.memory_space<hbm>> -> memref<40xi32, #tpu.memory_space<hbm>>
          %dma_wait3A_190 = arith.constant 0 : i32
          %dma_wait3A_191 = tpu.memref_slice %arg4[%add3A, %add3A_180, %dma_wait3A_190] : memref<32x250x40xi32, #tpu.memory_space<hbm>> -> memref<1x1x40xi32, #tpu.memory_space<hbm>>
          %dma_wait3A_192 = tpu.memref_squeeze %dma_wait3A_191 : memref<1x1x40xi32, #tpu.memory_space<hbm>> -> memref<40xi32, #tpu.memory_space<hbm>>
          tpu.wait_dma2 semaphore(%arg24 : memref<!tpu.dma_semaphore, #tpu.memory_space<semaphore_mem>>) src(%dma_wait3A_192 : memref<40xi32, #tpu.memory_space<hbm>>) dst(%arg15 : memref<40xi32, #tpu.memory_space<vmem>>)
          %add3A_193 = arith.constant 3 : i32
          %add3A_194 = arith.addi %mul3A_148, %add3A_193 : i32
          %dma_wait3A_195 = arith.constant 0 : i32
          %dma_wait3A_196 = tpu.memref_slice %arg3[%add3A, %add3A_194, %dma_wait3A_195] : memref<32x250x40xi32, #tpu.memory_space<hbm>> -> memref<1x1x40xi32, #tpu.memory_space<hbm>>
          %dma_wait3A_197 = tpu.memref_squeeze %dma_wait3A_196 : memref<1x1x40xi32, #tpu.memory_space<hbm>> -> memref<40xi32, #tpu.memory_space<hbm>>
          %dma_wait3A_198 = arith.constant 0 : i32
          %dma_wait3A_199 = tpu.memref_slice %arg3[%add3A, %add3A_194, %dma_wait3A_198] : memref<32x250x40xi32, #tpu.memory_space<hbm>> -> memref<1x1x40xi32, #tpu.memory_space<hbm>>
          %dma_wait3A_200 = tpu.memref_squeeze %dma_wait3A_199 : memref<1x1x40xi32, #tpu.memory_space<hbm>> -> memref<40xi32, #tpu.memory_space<hbm>>
          tpu.wait_dma2 semaphore(%arg25 : memref<!tpu.dma_semaphore, #tpu.memory_space<semaphore_mem>>) src(%dma_wait3A_200 : memref<40xi32, #tpu.memory_space<hbm>>) dst(%arg8 : memref<40xi32, #tpu.memory_space<vmem>>)
          %dma_wait3A_201 = arith.constant 0 : i32
          %dma_wait3A_202 = tpu.memref_slice %arg4[%add3A, %add3A_194, %dma_wait3A_201] : memref<32x250x40xi32, #tpu.memory_space<hbm>> -> memref<1x1x40xi32, #tpu.memory_space<hbm>>
          %dma_wait3A_203 = tpu.memref_squeeze %dma_wait3A_202 : memref<1x1x40xi32, #tpu.memory_space<hbm>> -> memref<40xi32, #tpu.memory_space<hbm>>
          %dma_wait3A_204 = arith.constant 0 : i32
          %dma_wait3A_205 = tpu.memref_slice %arg4[%add3A, %add3A_194, %dma_wait3A_204] : memref<32x250x40xi32, #tpu.memory_space<hbm>> -> memref<1x1x40xi32, #tpu.memory_space<hbm>>
          %dma_wait3A_206 = tpu.memref_squeeze %dma_wait3A_205 : memref<1x1x40xi32, #tpu.memory_space<hbm>> -> memref<40xi32, #tpu.memory_space<hbm>>
          tpu.wait_dma2 semaphore(%arg25 : memref<!tpu.dma_semaphore, #tpu.memory_space<semaphore_mem>>) src(%dma_wait3A_206 : memref<40xi32, #tpu.memory_space<hbm>>) dst(%arg16 : memref<40xi32, #tpu.memory_space<vmem>>)
          %dma_start3A_207 = arith.constant 0 : i32
          %dma_start3A_208 = arith.constant 0 : i32
          %dma_start3A_209 = tpu.memref_slice %arg2[%dma_start3A_207, %dma_start3A_208] : memref<10000x128xf32, #tpu.memory_space<hbm>> -> memref<10000x128xf32, #tpu.memory_space<hbm>>
          tpu.enqueue_indirect_dma source(%dma_start3A_209 : memref<10000x128xf32, #tpu.memory_space<hbm>>) target(%arg19 : memref<40x128xf32, #tpu.memory_space<vmem>>) offsets(%arg7 : memref<40xi32, #tpu.memory_space<vmem>>) semaphore(%arg28 : memref<!tpu.dma_semaphore, #tpu.memory_space<semaphore_mem>>)
          %dma_start3A_210 = arith.constant 0 : i32
          %dma_start3A_211 = arith.constant 0 : i32
          %dma_start3A_212 = tpu.memref_slice %arg2[%dma_start3A_210, %dma_start3A_211] : memref<10000x128xf32, #tpu.memory_space<hbm>> -> memref<10000x128xf32, #tpu.memory_space<hbm>>
          tpu.enqueue_indirect_dma source(%dma_start3A_212 : memref<10000x128xf32, #tpu.memory_space<hbm>>) target(%arg20 : memref<40x128xf32, #tpu.memory_space<vmem>>) offsets(%arg8 : memref<40xi32, #tpu.memory_space<vmem>>) semaphore(%arg29 : memref<!tpu.dma_semaphore, #tpu.memory_space<semaphore_mem>>)
        } else {
        }
        %add3A_168 = arith.constant 4 : i32
        %add3A_169 = arith.addi %mul3A_148, %add3A_168 : i32
        %lt3A_170 = arith.constant 250 : i32
        %lt3A_171 = arith.cmpi slt, %add3A_169, %lt3A_170 : i32
        %convert_element_type3A_172 = arith.extui %lt3A_171 : i1 to i32
        %cond3A_173 = arith.constant 0 : i32
        %cond3A_174 = arith.cmpi ne, %convert_element_type3A_172, %cond3A_173 : i32
        scf.if %cond3A_174 {
          %add3A_175 = arith.constant 4 : i32
          %add3A_176 = arith.addi %mul3A_148, %add3A_175 : i32
          %dma_start3A_177 = arith.constant 0 : i32
          %dma_start3A_178 = tpu.memref_slice %arg3[%add3A, %add3A_176, %dma_start3A_177] : memref<32x250x40xi32, #tpu.memory_space<hbm>> -> memref<1x1x40xi32, #tpu.memory_space<hbm>>
          %dma_start3A_179 = tpu.memref_squeeze %dma_start3A_178 : memref<1x1x40xi32, #tpu.memory_space<hbm>> -> memref<40xi32, #tpu.memory_space<hbm>>
          %dma_start3A_180 = arith.constant 0 : i32
          %dma_start3A_181 = tpu.memref_slice %arg3[%add3A, %add3A_176, %dma_start3A_180] : memref<32x250x40xi32, #tpu.memory_space<hbm>> -> memref<1x1x40xi32, #tpu.memory_space<hbm>>
          %dma_start3A_182 = tpu.memref_squeeze %dma_start3A_181 : memref<1x1x40xi32, #tpu.memory_space<hbm>> -> memref<40xi32, #tpu.memory_space<hbm>>
          tpu.enqueue_dma source(%dma_start3A_182 : memref<40xi32, #tpu.memory_space<hbm>>) target(%arg9 : memref<40xi32, #tpu.memory_space<vmem>>) target_semaphore(%arg26 : memref<!tpu.dma_semaphore, #tpu.memory_space<semaphore_mem>>)
          %dma_start3A_183 = arith.constant 0 : i32
          %dma_start3A_184 = tpu.memref_slice %arg4[%add3A, %add3A_176, %dma_start3A_183] : memref<32x250x40xi32, #tpu.memory_space<hbm>> -> memref<1x1x40xi32, #tpu.memory_space<hbm>>
          %dma_start3A_185 = tpu.memref_squeeze %dma_start3A_184 : memref<1x1x40xi32, #tpu.memory_space<hbm>> -> memref<40xi32, #tpu.memory_space<hbm>>
          %dma_start3A_186 = arith.constant 0 : i32
          %dma_start3A_187 = tpu.memref_slice %arg4[%add3A, %add3A_176, %dma_start3A_186] : memref<32x250x40xi32, #tpu.memory_space<hbm>> -> memref<1x1x40xi32, #tpu.memory_space<hbm>>
          %dma_start3A_188 = tpu.memref_squeeze %dma_start3A_187 : memref<1x1x40xi32, #tpu.memory_space<hbm>> -> memref<40xi32, #tpu.memory_space<hbm>>
          tpu.enqueue_dma source(%dma_start3A_188 : memref<40xi32, #tpu.memory_space<hbm>>) target(%arg17 : memref<40xi32, #tpu.memory_space<vmem>>) target_semaphore(%arg26 : memref<!tpu.dma_semaphore, #tpu.memory_space<semaphore_mem>>)
          %add3A_189 = arith.constant 5 : i32
          %add3A_190 = arith.addi %mul3A_148, %add3A_189 : i32
          %dma_start3A_191 = arith.constant 0 : i32
          %dma_start3A_192 = tpu.memref_slice %arg3[%add3A, %add3A_190, %dma_start3A_191] : memref<32x250x40xi32, #tpu.memory_space<hbm>> -> memref<1x1x40xi32, #tpu.memory_space<hbm>>
          %dma_start3A_193 = tpu.memref_squeeze %dma_start3A_192 : memref<1x1x40xi32, #tpu.memory_space<hbm>> -> memref<40xi32, #tpu.memory_space<hbm>>
          %dma_start3A_194 = arith.constant 0 : i32
          %dma_start3A_195 = tpu.memref_slice %arg3[%add3A, %add3A_190, %dma_start3A_194] : memref<32x250x40xi32, #tpu.memory_space<hbm>> -> memref<1x1x40xi32, #tpu.memory_space<hbm>>
          %dma_start3A_196 = tpu.memref_squeeze %dma_start3A_195 : memref<1x1x40xi32, #tpu.memory_space<hbm>> -> memref<40xi32, #tpu.memory_space<hbm>>
          tpu.enqueue_dma source(%dma_start3A_196 : memref<40xi32, #tpu.memory_space<hbm>>) target(%arg10 : memref<40xi32, #tpu.memory_space<vmem>>) target_semaphore(%arg27 : memref<!tpu.dma_semaphore, #tpu.memory_space<semaphore_mem>>)
          %dma_start3A_197 = arith.constant 0 : i32
          %dma_start3A_198 = tpu.memref_slice %arg4[%add3A, %add3A_190, %dma_start3A_197] : memref<32x250x40xi32, #tpu.memory_space<hbm>> -> memref<1x1x40xi32, #tpu.memory_space<hbm>>
          %dma_start3A_199 = tpu.memref_squeeze %dma_start3A_198 : memref<1x1x40xi32, #tpu.memory_space<hbm>> -> memref<40xi32, #tpu.memory_space<hbm>>
          %dma_start3A_200 = arith.constant 0 : i32
          %dma_start3A_201 = tpu.memref_slice %arg4[%add3A, %add3A_190, %dma_start3A_200] : memref<32x250x40xi32, #tpu.memory_space<hbm>> -> memref<1x1x40xi32, #tpu.memory_space<hbm>>
          %dma_start3A_202 = tpu.memref_squeeze %dma_start3A_201 : memref<1x1x40xi32, #tpu.memory_space<hbm>> -> memref<40xi32, #tpu.memory_space<hbm>>
          tpu.enqueue_dma source(%dma_start3A_202 : memref<40xi32, #tpu.memory_space<hbm>>) target(%arg18 : memref<40xi32, #tpu.memory_space<vmem>>) target_semaphore(%arg27 : memref<!tpu.dma_semaphore, #tpu.memory_space<semaphore_mem>>)
        } else {
        }
      } else {
      }
      %eq3A_137 = arith.constant 2 : i32
      %eq3A_138 = arith.cmpi eq, %select_n3A_126, %eq3A_137 : i32
      %convert_element_type3A_139 = arith.extui %eq3A_138 : i1 to i32
      %cond3A_140 = arith.constant 0 : i32
      %cond3A_141 = arith.cmpi ne, %convert_element_type3A_139, %cond3A_140 : i32
      scf.if %cond3A_141 {
        %mul3A_147 = arith.constant 2 : i32
        %mul3A_148 = arith.muli %mul3A_147, %scan3A_116 : i32
        %dma_wait3A_149 = arith.constant 0 : i32
        %dma_wait3A_150 = arith.constant 0 : i32
        %dma_wait3A_151 = tpu.memref_slice %arg2[%dma_wait3A_149, %dma_wait3A_150] : memref<10000x128xf32, #tpu.memory_space<hbm>> -> memref<10000x128xf32, #tpu.memory_space<hbm>>
        tpu.wait_indirect_dma semaphore(%arg28 : memref<!tpu.dma_semaphore, #tpu.memory_space<semaphore_mem>>) src(%dma_wait3A_151 : memref<10000x128xf32, #tpu.memory_space<hbm>>) dst(%arg19 : memref<40x128xf32, #tpu.memory_space<vmem>>)
        %dma_start3A_152 = arith.constant 0 : i32
        %dma_start3A_153 = arith.constant 0 : i32
        %dma_start3A_154 = tpu.memref_slice %arg23[%dma_start3A_152, %dma_start3A_153] : memref<10000x128xf32, #tpu.memory_space<vmem_shared>> -> memref<10000x128xf32, #tpu.memory_space<vmem_shared>>
        tpu.enqueue_indirect_dma source(%arg19 : memref<40x128xf32, #tpu.memory_space<vmem>>) target(%dma_start3A_154 : memref<10000x128xf32, #tpu.memory_space<vmem_shared>>) offsets(%arg15 : memref<40xi32, #tpu.memory_space<vmem>>) semaphore(%arg32 : memref<!tpu.dma_semaphore, #tpu.memory_space<semaphore_mem>>) {add = true}
        %dma_wait3A_155 = arith.constant 0 : i32
        %dma_wait3A_156 = arith.constant 0 : i32
        %dma_wait3A_157 = tpu.memref_slice %arg2[%dma_wait3A_155, %dma_wait3A_156] : memref<10000x128xf32, #tpu.memory_space<hbm>> -> memref<10000x128xf32, #tpu.memory_space<hbm>>
        tpu.wait_indirect_dma semaphore(%arg29 : memref<!tpu.dma_semaphore, #tpu.memory_space<semaphore_mem>>) src(%dma_wait3A_157 : memref<10000x128xf32, #tpu.memory_space<hbm>>) dst(%arg20 : memref<40x128xf32, #tpu.memory_space<vmem>>)
        %dma_start3A_158 = arith.constant 0 : i32
        %dma_start3A_159 = arith.constant 0 : i32
        %dma_start3A_160 = tpu.memref_slice %arg23[%dma_start3A_158, %dma_start3A_159] : memref<10000x128xf32, #tpu.memory_space<vmem_shared>> -> memref<10000x128xf32, #tpu.memory_space<vmem_shared>>
        tpu.enqueue_indirect_dma source(%arg20 : memref<40x128xf32, #tpu.memory_space<vmem>>) target(%dma_start3A_160 : memref<10000x128xf32, #tpu.memory_space<vmem_shared>>) offsets(%arg16 : memref<40xi32, #tpu.memory_space<vmem>>) semaphore(%arg33 : memref<!tpu.dma_semaphore, #tpu.memory_space<semaphore_mem>>) {add = true}
        %add3A_161 = arith.constant 2 : i32
        %add3A_162 = arith.addi %mul3A_148, %add3A_161 : i32
        %lt3A_163 = arith.constant 250 : i32
        %lt3A_164 = arith.cmpi slt, %add3A_162, %lt3A_163 : i32
        %convert_element_type3A_165 = arith.extui %lt3A_164 : i1 to i32
        %cond3A_166 = arith.constant 0 : i32
        %cond3A_167 = arith.cmpi ne, %convert_element_type3A_165, %cond3A_166 : i32
        scf.if %cond3A_167 {
          %ge3A = arith.constant 1 : i32
          %ge3A_175 = arith.cmpi sge, %scan3A_116, %ge3A : i32
          %convert_element_type3A_176 = arith.extui %ge3A_175 : i1 to i32
          %cond3A_177 = arith.constant 0 : i32
          %cond3A_178 = arith.cmpi ne, %convert_element_type3A_176, %cond3A_177 : i32
          scf.if %cond3A_178 {
            %dma_wait3A_213 = arith.constant 0 : i32
            %dma_wait3A_214 = arith.constant 0 : i32
            %dma_wait3A_215 = tpu.memref_slice %arg23[%dma_wait3A_213, %dma_wait3A_214] : memref<10000x128xf32, #tpu.memory_space<vmem_shared>> -> memref<10000x128xf32, #tpu.memory_space<vmem_shared>>
            tpu.wait_indirect_dma semaphore(%arg34 : memref<!tpu.dma_semaphore, #tpu.memory_space<semaphore_mem>>) src(%arg21 : memref<40x128xf32, #tpu.memory_space<vmem>>) dst(%dma_wait3A_215 : memref<10000x128xf32, #tpu.memory_space<vmem_shared>>)
            %dma_wait3A_216 = arith.constant 0 : i32
            %dma_wait3A_217 = arith.constant 0 : i32
            %dma_wait3A_218 = tpu.memref_slice %arg23[%dma_wait3A_216, %dma_wait3A_217] : memref<10000x128xf32, #tpu.memory_space<vmem_shared>> -> memref<10000x128xf32, #tpu.memory_space<vmem_shared>>
            tpu.wait_indirect_dma semaphore(%arg35 : memref<!tpu.dma_semaphore, #tpu.memory_space<semaphore_mem>>) src(%arg22 : memref<40x128xf32, #tpu.memory_space<vmem>>) dst(%dma_wait3A_218 : memref<10000x128xf32, #tpu.memory_space<vmem_shared>>)
          } else {
          }
          %add3A_179 = arith.constant 2 : i32
          %add3A_180 = arith.addi %mul3A_148, %add3A_179 : i32
          %dma_wait3A_181 = arith.constant 0 : i32
          %dma_wait3A_182 = tpu.memref_slice %arg3[%add3A, %add3A_180, %dma_wait3A_181] : memref<32x250x40xi32, #tpu.memory_space<hbm>> -> memref<1x1x40xi32, #tpu.memory_space<hbm>>
          %dma_wait3A_183 = tpu.memref_squeeze %dma_wait3A_182 : memref<1x1x40xi32, #tpu.memory_space<hbm>> -> memref<40xi32, #tpu.memory_space<hbm>>
          %dma_wait3A_184 = arith.constant 0 : i32
          %dma_wait3A_185 = tpu.memref_slice %arg3[%add3A, %add3A_180, %dma_wait3A_184] : memref<32x250x40xi32, #tpu.memory_space<hbm>> -> memref<1x1x40xi32, #tpu.memory_space<hbm>>
          %dma_wait3A_186 = tpu.memref_squeeze %dma_wait3A_185 : memref<1x1x40xi32, #tpu.memory_space<hbm>> -> memref<40xi32, #tpu.memory_space<hbm>>
          tpu.wait_dma2 semaphore(%arg26 : memref<!tpu.dma_semaphore, #tpu.memory_space<semaphore_mem>>) src(%dma_wait3A_186 : memref<40xi32, #tpu.memory_space<hbm>>) dst(%arg9 : memref<40xi32, #tpu.memory_space<vmem>>)
          %dma_wait3A_187 = arith.constant 0 : i32
          %dma_wait3A_188 = tpu.memref_slice %arg4[%add3A, %add3A_180, %dma_wait3A_187] : memref<32x250x40xi32, #tpu.memory_space<hbm>> -> memref<1x1x40xi32, #tpu.memory_space<hbm>>
          %dma_wait3A_189 = tpu.memref_squeeze %dma_wait3A_188 : memref<1x1x40xi32, #tpu.memory_space<hbm>> -> memref<40xi32, #tpu.memory_space<hbm>>
          %dma_wait3A_190 = arith.constant 0 : i32
          %dma_wait3A_191 = tpu.memref_slice %arg4[%add3A, %add3A_180, %dma_wait3A_190] : memref<32x250x40xi32, #tpu.memory_space<hbm>> -> memref<1x1x40xi32, #tpu.memory_space<hbm>>
          %dma_wait3A_192 = tpu.memref_squeeze %dma_wait3A_191 : memref<1x1x40xi32, #tpu.memory_space<hbm>> -> memref<40xi32, #tpu.memory_space<hbm>>
          tpu.wait_dma2 semaphore(%arg26 : memref<!tpu.dma_semaphore, #tpu.memory_space<semaphore_mem>>) src(%dma_wait3A_192 : memref<40xi32, #tpu.memory_space<hbm>>) dst(%arg17 : memref<40xi32, #tpu.memory_space<vmem>>)
          %add3A_193 = arith.constant 3 : i32
          %add3A_194 = arith.addi %mul3A_148, %add3A_193 : i32
          %dma_wait3A_195 = arith.constant 0 : i32
          %dma_wait3A_196 = tpu.memref_slice %arg3[%add3A, %add3A_194, %dma_wait3A_195] : memref<32x250x40xi32, #tpu.memory_space<hbm>> -> memref<1x1x40xi32, #tpu.memory_space<hbm>>
          %dma_wait3A_197 = tpu.memref_squeeze %dma_wait3A_196 : memref<1x1x40xi32, #tpu.memory_space<hbm>> -> memref<40xi32, #tpu.memory_space<hbm>>
          %dma_wait3A_198 = arith.constant 0 : i32
          %dma_wait3A_199 = tpu.memref_slice %arg3[%add3A, %add3A_194, %dma_wait3A_198] : memref<32x250x40xi32, #tpu.memory_space<hbm>> -> memref<1x1x40xi32, #tpu.memory_space<hbm>>
          %dma_wait3A_200 = tpu.memref_squeeze %dma_wait3A_199 : memref<1x1x40xi32, #tpu.memory_space<hbm>> -> memref<40xi32, #tpu.memory_space<hbm>>
          tpu.wait_dma2 semaphore(%arg27 : memref<!tpu.dma_semaphore, #tpu.memory_space<semaphore_mem>>) src(%dma_wait3A_200 : memref<40xi32, #tpu.memory_space<hbm>>) dst(%arg10 : memref<40xi32, #tpu.memory_space<vmem>>)
          %dma_wait3A_201 = arith.constant 0 : i32
          %dma_wait3A_202 = tpu.memref_slice %arg4[%add3A, %add3A_194, %dma_wait3A_201] : memref<32x250x40xi32, #tpu.memory_space<hbm>> -> memref<1x1x40xi32, #tpu.memory_space<hbm>>
          %dma_wait3A_203 = tpu.memref_squeeze %dma_wait3A_202 : memref<1x1x40xi32, #tpu.memory_space<hbm>> -> memref<40xi32, #tpu.memory_space<hbm>>
          %dma_wait3A_204 = arith.constant 0 : i32
          %dma_wait3A_205 = tpu.memref_slice %arg4[%add3A, %add3A_194, %dma_wait3A_204] : memref<32x250x40xi32, #tpu.memory_space<hbm>> -> memref<1x1x40xi32, #tpu.memory_space<hbm>>
          %dma_wait3A_206 = tpu.memref_squeeze %dma_wait3A_205 : memref<1x1x40xi32, #tpu.memory_space<hbm>> -> memref<40xi32, #tpu.memory_space<hbm>>
          tpu.wait_dma2 semaphore(%arg27 : memref<!tpu.dma_semaphore, #tpu.memory_space<semaphore_mem>>) src(%dma_wait3A_206 : memref<40xi32, #tpu.memory_space<hbm>>) dst(%arg18 : memref<40xi32, #tpu.memory_space<vmem>>)
          %dma_start3A_207 = arith.constant 0 : i32
          %dma_start3A_208 = arith.constant 0 : i32
          %dma_start3A_209 = tpu.memref_slice %arg2[%dma_start3A_207, %dma_start3A_208] : memref<10000x128xf32, #tpu.memory_space<hbm>> -> memref<10000x128xf32, #tpu.memory_space<hbm>>
          tpu.enqueue_indirect_dma source(%dma_start3A_209 : memref<10000x128xf32, #tpu.memory_space<hbm>>) target(%arg21 : memref<40x128xf32, #tpu.memory_space<vmem>>) offsets(%arg9 : memref<40xi32, #tpu.memory_space<vmem>>) semaphore(%arg30 : memref<!tpu.dma_semaphore, #tpu.memory_space<semaphore_mem>>)
          %dma_start3A_210 = arith.constant 0 : i32
          %dma_start3A_211 = arith.constant 0 : i32
          %dma_start3A_212 = tpu.memref_slice %arg2[%dma_start3A_210, %dma_start3A_211] : memref<10000x128xf32, #tpu.memory_space<hbm>> -> memref<10000x128xf32, #tpu.memory_space<hbm>>
          tpu.enqueue_indirect_dma source(%dma_start3A_212 : memref<10000x128xf32, #tpu.memory_space<hbm>>) target(%arg22 : memref<40x128xf32, #tpu.memory_space<vmem>>) offsets(%arg10 : memref<40xi32, #tpu.memory_space<vmem>>) semaphore(%arg31 : memref<!tpu.dma_semaphore, #tpu.memory_space<semaphore_mem>>)
        } else {
        }
        %add3A_168 = arith.constant 4 : i32
        %add3A_169 = arith.addi %mul3A_148, %add3A_168 : i32
        %lt3A_170 = arith.constant 250 : i32
        %lt3A_171 = arith.cmpi slt, %add3A_169, %lt3A_170 : i32
        %convert_element_type3A_172 = arith.extui %lt3A_171 : i1 to i32
        %cond3A_173 = arith.constant 0 : i32
        %cond3A_174 = arith.cmpi ne, %convert_element_type3A_172, %cond3A_173 : i32
        scf.if %cond3A_174 {
          %add3A_175 = arith.constant 4 : i32
          %add3A_176 = arith.addi %mul3A_148, %add3A_175 : i32
          %dma_start3A_177 = arith.constant 0 : i32
          %dma_start3A_178 = tpu.memref_slice %arg3[%add3A, %add3A_176, %dma_start3A_177] : memref<32x250x40xi32, #tpu.memory_space<hbm>> -> memref<1x1x40xi32, #tpu.memory_space<hbm>>
          %dma_start3A_179 = tpu.memref_squeeze %dma_start3A_178 : memref<1x1x40xi32, #tpu.memory_space<hbm>> -> memref<40xi32, #tpu.memory_space<hbm>>
          %dma_start3A_180 = arith.constant 0 : i32
          %dma_start3A_181 = tpu.memref_slice %arg3[%add3A, %add3A_176, %dma_start3A_180] : memref<32x250x40xi32, #tpu.memory_space<hbm>> -> memref<1x1x40xi32, #tpu.memory_space<hbm>>
          %dma_start3A_182 = tpu.memref_squeeze %dma_start3A_181 : memref<1x1x40xi32, #tpu.memory_space<hbm>> -> memref<40xi32, #tpu.memory_space<hbm>>
          tpu.enqueue_dma source(%dma_start3A_182 : memref<40xi32, #tpu.memory_space<hbm>>) target(%arg7 : memref<40xi32, #tpu.memory_space<vmem>>) target_semaphore(%arg24 : memref<!tpu.dma_semaphore, #tpu.memory_space<semaphore_mem>>)
          %dma_start3A_183 = arith.constant 0 : i32
          %dma_start3A_184 = tpu.memref_slice %arg4[%add3A, %add3A_176, %dma_start3A_183] : memref<32x250x40xi32, #tpu.memory_space<hbm>> -> memref<1x1x40xi32, #tpu.memory_space<hbm>>
          %dma_start3A_185 = tpu.memref_squeeze %dma_start3A_184 : memref<1x1x40xi32, #tpu.memory_space<hbm>> -> memref<40xi32, #tpu.memory_space<hbm>>
          %dma_start3A_186 = arith.constant 0 : i32
          %dma_start3A_187 = tpu.memref_slice %arg4[%add3A, %add3A_176, %dma_start3A_186] : memref<32x250x40xi32, #tpu.memory_space<hbm>> -> memref<1x1x40xi32, #tpu.memory_space<hbm>>
          %dma_start3A_188 = tpu.memref_squeeze %dma_start3A_187 : memref<1x1x40xi32, #tpu.memory_space<hbm>> -> memref<40xi32, #tpu.memory_space<hbm>>
          tpu.enqueue_dma source(%dma_start3A_188 : memref<40xi32, #tpu.memory_space<hbm>>) target(%arg11 : memref<40xi32, #tpu.memory_space<vmem>>) target_semaphore(%arg24 : memref<!tpu.dma_semaphore, #tpu.memory_space<semaphore_mem>>)
          %add3A_189 = arith.constant 5 : i32
          %add3A_190 = arith.addi %mul3A_148, %add3A_189 : i32
          %dma_start3A_191 = arith.constant 0 : i32
          %dma_start3A_192 = tpu.memref_slice %arg3[%add3A, %add3A_190, %dma_start3A_191] : memref<32x250x40xi32, #tpu.memory_space<hbm>> -> memref<1x1x40xi32, #tpu.memory_space<hbm>>
          %dma_start3A_193 = tpu.memref_squeeze %dma_start3A_192 : memref<1x1x40xi32, #tpu.memory_space<hbm>> -> memref<40xi32, #tpu.memory_space<hbm>>
          %dma_start3A_194 = arith.constant 0 : i32
          %dma_start3A_195 = tpu.memref_slice %arg3[%add3A, %add3A_190, %dma_start3A_194] : memref<32x250x40xi32, #tpu.memory_space<hbm>> -> memref<1x1x40xi32, #tpu.memory_space<hbm>>
          %dma_start3A_196 = tpu.memref_squeeze %dma_start3A_195 : memref<1x1x40xi32, #tpu.memory_space<hbm>> -> memref<40xi32, #tpu.memory_space<hbm>>
          tpu.enqueue_dma source(%dma_start3A_196 : memref<40xi32, #tpu.memory_space<hbm>>) target(%arg8 : memref<40xi32, #tpu.memory_space<vmem>>) target_semaphore(%arg25 : memref<!tpu.dma_semaphore, #tpu.memory_space<semaphore_mem>>)
          %dma_start3A_197 = arith.constant 0 : i32
          %dma_start3A_198 = tpu.memref_slice %arg4[%add3A, %add3A_190, %dma_start3A_197] : memref<32x250x40xi32, #tpu.memory_space<hbm>> -> memref<1x1x40xi32, #tpu.memory_space<hbm>>
          %dma_start3A_199 = tpu.memref_squeeze %dma_start3A_198 : memref<1x1x40xi32, #tpu.memory_space<hbm>> -> memref<40xi32, #tpu.memory_space<hbm>>
          %dma_start3A_200 = arith.constant 0 : i32
          %dma_start3A_201 = tpu.memref_slice %arg4[%add3A, %add3A_190, %dma_start3A_200] : memref<32x250x40xi32, #tpu.memory_space<hbm>> -> memref<1x1x40xi32, #tpu.memory_space<hbm>>
          %dma_start3A_202 = tpu.memref_squeeze %dma_start3A_201 : memref<1x1x40xi32, #tpu.memory_space<hbm>> -> memref<40xi32, #tpu.memory_space<hbm>>
          tpu.enqueue_dma source(%dma_start3A_202 : memref<40xi32, #tpu.memory_space<hbm>>) target(%arg12 : memref<40xi32, #tpu.memory_space<vmem>>) target_semaphore(%arg25 : memref<!tpu.dma_semaphore, #tpu.memory_space<semaphore_mem>>)
        } else {
        }
      } else {
      }
      %eq3A_142 = arith.constant 3 : i32
      %eq3A_143 = arith.cmpi eq, %select_n3A_126, %eq3A_142 : i32
      %convert_element_type3A_144 = arith.extui %eq3A_143 : i1 to i32
      %cond3A_145 = arith.constant 0 : i32
      %cond3A_146 = arith.cmpi ne, %convert_element_type3A_144, %cond3A_145 : i32
      scf.if %cond3A_146 {
        %mul3A_147 = arith.constant 2 : i32
        %mul3A_148 = arith.muli %mul3A_147, %scan3A_116 : i32
        %dma_wait3A_149 = arith.constant 0 : i32
        %dma_wait3A_150 = arith.constant 0 : i32
        %dma_wait3A_151 = tpu.memref_slice %arg2[%dma_wait3A_149, %dma_wait3A_150] : memref<10000x128xf32, #tpu.memory_space<hbm>> -> memref<10000x128xf32, #tpu.memory_space<hbm>>
        tpu.wait_indirect_dma semaphore(%arg30 : memref<!tpu.dma_semaphore, #tpu.memory_space<semaphore_mem>>) src(%dma_wait3A_151 : memref<10000x128xf32, #tpu.memory_space<hbm>>) dst(%arg21 : memref<40x128xf32, #tpu.memory_space<vmem>>)
        %dma_start3A_152 = arith.constant 0 : i32
        %dma_start3A_153 = arith.constant 0 : i32
        %dma_start3A_154 = tpu.memref_slice %arg23[%dma_start3A_152, %dma_start3A_153] : memref<10000x128xf32, #tpu.memory_space<vmem_shared>> -> memref<10000x128xf32, #tpu.memory_space<vmem_shared>>
        tpu.enqueue_indirect_dma source(%arg21 : memref<40x128xf32, #tpu.memory_space<vmem>>) target(%dma_start3A_154 : memref<10000x128xf32, #tpu.memory_space<vmem_shared>>) offsets(%arg17 : memref<40xi32, #tpu.memory_space<vmem>>) semaphore(%arg34 : memref<!tpu.dma_semaphore, #tpu.memory_space<semaphore_mem>>) {add = true}
        %dma_wait3A_155 = arith.constant 0 : i32
        %dma_wait3A_156 = arith.constant 0 : i32
        %dma_wait3A_157 = tpu.memref_slice %arg2[%dma_wait3A_155, %dma_wait3A_156] : memref<10000x128xf32, #tpu.memory_space<hbm>> -> memref<10000x128xf32, #tpu.memory_space<hbm>>
        tpu.wait_indirect_dma semaphore(%arg31 : memref<!tpu.dma_semaphore, #tpu.memory_space<semaphore_mem>>) src(%dma_wait3A_157 : memref<10000x128xf32, #tpu.memory_space<hbm>>) dst(%arg22 : memref<40x128xf32, #tpu.memory_space<vmem>>)
        %dma_start3A_158 = arith.constant 0 : i32
        %dma_start3A_159 = arith.constant 0 : i32
        %dma_start3A_160 = tpu.memref_slice %arg23[%dma_start3A_158, %dma_start3A_159] : memref<10000x128xf32, #tpu.memory_space<vmem_shared>> -> memref<10000x128xf32, #tpu.memory_space<vmem_shared>>
        tpu.enqueue_indirect_dma source(%arg22 : memref<40x128xf32, #tpu.memory_space<vmem>>) target(%dma_start3A_160 : memref<10000x128xf32, #tpu.memory_space<vmem_shared>>) offsets(%arg18 : memref<40xi32, #tpu.memory_space<vmem>>) semaphore(%arg35 : memref<!tpu.dma_semaphore, #tpu.memory_space<semaphore_mem>>) {add = true}
        %add3A_161 = arith.constant 2 : i32
        %add3A_162 = arith.addi %mul3A_148, %add3A_161 : i32
        %lt3A_163 = arith.constant 250 : i32
        %lt3A_164 = arith.cmpi slt, %add3A_162, %lt3A_163 : i32
        %convert_element_type3A_165 = arith.extui %lt3A_164 : i1 to i32
        %cond3A_166 = arith.constant 0 : i32
        %cond3A_167 = arith.cmpi ne, %convert_element_type3A_165, %cond3A_166 : i32
        scf.if %cond3A_167 {
          %ge3A = arith.constant 1 : i32
          %ge3A_175 = arith.cmpi sge, %scan3A_116, %ge3A : i32
          %convert_element_type3A_176 = arith.extui %ge3A_175 : i1 to i32
          %cond3A_177 = arith.constant 0 : i32
          %cond3A_178 = arith.cmpi ne, %convert_element_type3A_176, %cond3A_177 : i32
          scf.if %cond3A_178 {
            %dma_wait3A_213 = arith.constant 0 : i32
            %dma_wait3A_214 = arith.constant 0 : i32
            %dma_wait3A_215 = tpu.memref_slice %arg23[%dma_wait3A_213, %dma_wait3A_214] : memref<10000x128xf32, #tpu.memory_space<vmem_shared>> -> memref<10000x128xf32, #tpu.memory_space<vmem_shared>>
            tpu.wait_indirect_dma semaphore(%arg32 : memref<!tpu.dma_semaphore, #tpu.memory_space<semaphore_mem>>) src(%arg19 : memref<40x128xf32, #tpu.memory_space<vmem>>) dst(%dma_wait3A_215 : memref<10000x128xf32, #tpu.memory_space<vmem_shared>>)
            %dma_wait3A_216 = arith.constant 0 : i32
            %dma_wait3A_217 = arith.constant 0 : i32
            %dma_wait3A_218 = tpu.memref_slice %arg23[%dma_wait3A_216, %dma_wait3A_217] : memref<10000x128xf32, #tpu.memory_space<vmem_shared>> -> memref<10000x128xf32, #tpu.memory_space<vmem_shared>>
            tpu.wait_indirect_dma semaphore(%arg33 : memref<!tpu.dma_semaphore, #tpu.memory_space<semaphore_mem>>) src(%arg20 : memref<40x128xf32, #tpu.memory_space<vmem>>) dst(%dma_wait3A_218 : memref<10000x128xf32, #tpu.memory_space<vmem_shared>>)
          } else {
          }
          %add3A_179 = arith.constant 2 : i32
          %add3A_180 = arith.addi %mul3A_148, %add3A_179 : i32
          %dma_wait3A_181 = arith.constant 0 : i32
          %dma_wait3A_182 = tpu.memref_slice %arg3[%add3A, %add3A_180, %dma_wait3A_181] : memref<32x250x40xi32, #tpu.memory_space<hbm>> -> memref<1x1x40xi32, #tpu.memory_space<hbm>>
          %dma_wait3A_183 = tpu.memref_squeeze %dma_wait3A_182 : memref<1x1x40xi32, #tpu.memory_space<hbm>> -> memref<40xi32, #tpu.memory_space<hbm>>
          %dma_wait3A_184 = arith.constant 0 : i32
          %dma_wait3A_185 = tpu.memref_slice %arg3[%add3A, %add3A_180, %dma_wait3A_184] : memref<32x250x40xi32, #tpu.memory_space<hbm>> -> memref<1x1x40xi32, #tpu.memory_space<hbm>>
          %dma_wait3A_186 = tpu.memref_squeeze %dma_wait3A_185 : memref<1x1x40xi32, #tpu.memory_space<hbm>> -> memref<40xi32, #tpu.memory_space<hbm>>
          tpu.wait_dma2 semaphore(%arg24 : memref<!tpu.dma_semaphore, #tpu.memory_space<semaphore_mem>>) src(%dma_wait3A_186 : memref<40xi32, #tpu.memory_space<hbm>>) dst(%arg7 : memref<40xi32, #tpu.memory_space<vmem>>)
          %dma_wait3A_187 = arith.constant 0 : i32
          %dma_wait3A_188 = tpu.memref_slice %arg4[%add3A, %add3A_180, %dma_wait3A_187] : memref<32x250x40xi32, #tpu.memory_space<hbm>> -> memref<1x1x40xi32, #tpu.memory_space<hbm>>
          %dma_wait3A_189 = tpu.memref_squeeze %dma_wait3A_188 : memref<1x1x40xi32, #tpu.memory_space<hbm>> -> memref<40xi32, #tpu.memory_space<hbm>>
          %dma_wait3A_190 = arith.constant 0 : i32
          %dma_wait3A_191 = tpu.memref_slice %arg4[%add3A, %add3A_180, %dma_wait3A_190] : memref<32x250x40xi32, #tpu.memory_space<hbm>> -> memref<1x1x40xi32, #tpu.memory_space<hbm>>
          %dma_wait3A_192 = tpu.memref_squeeze %dma_wait3A_191 : memref<1x1x40xi32, #tpu.memory_space<hbm>> -> memref<40xi32, #tpu.memory_space<hbm>>
          tpu.wait_dma2 semaphore(%arg24 : memref<!tpu.dma_semaphore, #tpu.memory_space<semaphore_mem>>) src(%dma_wait3A_192 : memref<40xi32, #tpu.memory_space<hbm>>) dst(%arg11 : memref<40xi32, #tpu.memory_space<vmem>>)
          %add3A_193 = arith.constant 3 : i32
          %add3A_194 = arith.addi %mul3A_148, %add3A_193 : i32
          %dma_wait3A_195 = arith.constant 0 : i32
          %dma_wait3A_196 = tpu.memref_slice %arg3[%add3A, %add3A_194, %dma_wait3A_195] : memref<32x250x40xi32, #tpu.memory_space<hbm>> -> memref<1x1x40xi32, #tpu.memory_space<hbm>>
          %dma_wait3A_197 = tpu.memref_squeeze %dma_wait3A_196 : memref<1x1x40xi32, #tpu.memory_space<hbm>> -> memref<40xi32, #tpu.memory_space<hbm>>
          %dma_wait3A_198 = arith.constant 0 : i32
          %dma_wait3A_199 = tpu.memref_slice %arg3[%add3A, %add3A_194, %dma_wait3A_198] : memref<32x250x40xi32, #tpu.memory_space<hbm>> -> memref<1x1x40xi32, #tpu.memory_space<hbm>>
          %dma_wait3A_200 = tpu.memref_squeeze %dma_wait3A_199 : memref<1x1x40xi32, #tpu.memory_space<hbm>> -> memref<40xi32, #tpu.memory_space<hbm>>
          tpu.wait_dma2 semaphore(%arg25 : memref<!tpu.dma_semaphore, #tpu.memory_space<semaphore_mem>>) src(%dma_wait3A_200 : memref<40xi32, #tpu.memory_space<hbm>>) dst(%arg8 : memref<40xi32, #tpu.memory_space<vmem>>)
          %dma_wait3A_201 = arith.constant 0 : i32
          %dma_wait3A_202 = tpu.memref_slice %arg4[%add3A, %add3A_194, %dma_wait3A_201] : memref<32x250x40xi32, #tpu.memory_space<hbm>> -> memref<1x1x40xi32, #tpu.memory_space<hbm>>
          %dma_wait3A_203 = tpu.memref_squeeze %dma_wait3A_202 : memref<1x1x40xi32, #tpu.memory_space<hbm>> -> memref<40xi32, #tpu.memory_space<hbm>>
          %dma_wait3A_204 = arith.constant 0 : i32
          %dma_wait3A_205 = tpu.memref_slice %arg4[%add3A, %add3A_194, %dma_wait3A_204] : memref<32x250x40xi32, #tpu.memory_space<hbm>> -> memref<1x1x40xi32, #tpu.memory_space<hbm>>
          %dma_wait3A_206 = tpu.memref_squeeze %dma_wait3A_205 : memref<1x1x40xi32, #tpu.memory_space<hbm>> -> memref<40xi32, #tpu.memory_space<hbm>>
          tpu.wait_dma2 semaphore(%arg25 : memref<!tpu.dma_semaphore, #tpu.memory_space<semaphore_mem>>) src(%dma_wait3A_206 : memref<40xi32, #tpu.memory_space<hbm>>) dst(%arg12 : memref<40xi32, #tpu.memory_space<vmem>>)
          %dma_start3A_207 = arith.constant 0 : i32
          %dma_start3A_208 = arith.constant 0 : i32
          %dma_start3A_209 = tpu.memref_slice %arg2[%dma_start3A_207, %dma_start3A_208] : memref<10000x128xf32, #tpu.memory_space<hbm>> -> memref<10000x128xf32, #tpu.memory_space<hbm>>
          tpu.enqueue_indirect_dma source(%dma_start3A_209 : memref<10000x128xf32, #tpu.memory_space<hbm>>) target(%arg19 : memref<40x128xf32, #tpu.memory_space<vmem>>) offsets(%arg7 : memref<40xi32, #tpu.memory_space<vmem>>) semaphore(%arg28 : memref<!tpu.dma_semaphore, #tpu.memory_space<semaphore_mem>>)
          %dma_start3A_210 = arith.constant 0 : i32
          %dma_start3A_211 = arith.constant 0 : i32
          %dma_start3A_212 = tpu.memref_slice %arg2[%dma_start3A_210, %dma_start3A_211] : memref<10000x128xf32, #tpu.memory_space<hbm>> -> memref<10000x128xf32, #tpu.memory_space<hbm>>
          tpu.enqueue_indirect_dma source(%dma_start3A_212 : memref<10000x128xf32, #tpu.memory_space<hbm>>) target(%arg20 : memref<40x128xf32, #tpu.memory_space<vmem>>) offsets(%arg8 : memref<40xi32, #tpu.memory_space<vmem>>) semaphore(%arg29 : memref<!tpu.dma_semaphore, #tpu.memory_space<semaphore_mem>>)
        } else {
        }
        %add3A_168 = arith.constant 4 : i32
        %add3A_169 = arith.addi %mul3A_148, %add3A_168 : i32
        %lt3A_170 = arith.constant 250 : i32
        %lt3A_171 = arith.cmpi slt, %add3A_169, %lt3A_170 : i32
        %convert_element_type3A_172 = arith.extui %lt3A_171 : i1 to i32
        %cond3A_173 = arith.constant 0 : i32
        %cond3A_174 = arith.cmpi ne, %convert_element_type3A_172, %cond3A_173 : i32
        scf.if %cond3A_174 {
          %add3A_175 = arith.constant 4 : i32
          %add3A_176 = arith.addi %mul3A_148, %add3A_175 : i32
          %dma_start3A_177 = arith.constant 0 : i32
          %dma_start3A_178 = tpu.memref_slice %arg3[%add3A, %add3A_176, %dma_start3A_177] : memref<32x250x40xi32, #tpu.memory_space<hbm>> -> memref<1x1x40xi32, #tpu.memory_space<hbm>>
          %dma_start3A_179 = tpu.memref_squeeze %dma_start3A_178 : memref<1x1x40xi32, #tpu.memory_space<hbm>> -> memref<40xi32, #tpu.memory_space<hbm>>
          %dma_start3A_180 = arith.constant 0 : i32
          %dma_start3A_181 = tpu.memref_slice %arg3[%add3A, %add3A_176, %dma_start3A_180] : memref<32x250x40xi32, #tpu.memory_space<hbm>> -> memref<1x1x40xi32, #tpu.memory_space<hbm>>
          %dma_start3A_182 = tpu.memref_squeeze %dma_start3A_181 : memref<1x1x40xi32, #tpu.memory_space<hbm>> -> memref<40xi32, #tpu.memory_space<hbm>>
          tpu.enqueue_dma source(%dma_start3A_182 : memref<40xi32, #tpu.memory_space<hbm>>) target(%arg9 : memref<40xi32, #tpu.memory_space<vmem>>) target_semaphore(%arg26 : memref<!tpu.dma_semaphore, #tpu.memory_space<semaphore_mem>>)
          %dma_start3A_183 = arith.constant 0 : i32
          %dma_start3A_184 = tpu.memref_slice %arg4[%add3A, %add3A_176, %dma_start3A_183] : memref<32x250x40xi32, #tpu.memory_space<hbm>> -> memref<1x1x40xi32, #tpu.memory_space<hbm>>
          %dma_start3A_185 = tpu.memref_squeeze %dma_start3A_184 : memref<1x1x40xi32, #tpu.memory_space<hbm>> -> memref<40xi32, #tpu.memory_space<hbm>>
          %dma_start3A_186 = arith.constant 0 : i32
          %dma_start3A_187 = tpu.memref_slice %arg4[%add3A, %add3A_176, %dma_start3A_186] : memref<32x250x40xi32, #tpu.memory_space<hbm>> -> memref<1x1x40xi32, #tpu.memory_space<hbm>>
          %dma_start3A_188 = tpu.memref_squeeze %dma_start3A_187 : memref<1x1x40xi32, #tpu.memory_space<hbm>> -> memref<40xi32, #tpu.memory_space<hbm>>
          tpu.enqueue_dma source(%dma_start3A_188 : memref<40xi32, #tpu.memory_space<hbm>>) target(%arg13 : memref<40xi32, #tpu.memory_space<vmem>>) target_semaphore(%arg26 : memref<!tpu.dma_semaphore, #tpu.memory_space<semaphore_mem>>)
          %add3A_189 = arith.constant 5 : i32
          %add3A_190 = arith.addi %mul3A_148, %add3A_189 : i32
          %dma_start3A_191 = arith.constant 0 : i32
          %dma_start3A_192 = tpu.memref_slice %arg3[%add3A, %add3A_190, %dma_start3A_191] : memref<32x250x40xi32, #tpu.memory_space<hbm>> -> memref<1x1x40xi32, #tpu.memory_space<hbm>>
          %dma_start3A_193 = tpu.memref_squeeze %dma_start3A_192 : memref<1x1x40xi32, #tpu.memory_space<hbm>> -> memref<40xi32, #tpu.memory_space<hbm>>
          %dma_start3A_194 = arith.constant 0 : i32
          %dma_start3A_195 = tpu.memref_slice %arg3[%add3A, %add3A_190, %dma_start3A_194] : memref<32x250x40xi32, #tpu.memory_space<hbm>> -> memref<1x1x40xi32, #tpu.memory_space<hbm>>
          %dma_start3A_196 = tpu.memref_squeeze %dma_start3A_195 : memref<1x1x40xi32, #tpu.memory_space<hbm>> -> memref<40xi32, #tpu.memory_space<hbm>>
          tpu.enqueue_dma source(%dma_start3A_196 : memref<40xi32, #tpu.memory_space<hbm>>) target(%arg10 : memref<40xi32, #tpu.memory_space<vmem>>) target_semaphore(%arg27 : memref<!tpu.dma_semaphore, #tpu.memory_space<semaphore_mem>>)
          %dma_start3A_197 = arith.constant 0 : i32
          %dma_start3A_198 = tpu.memref_slice %arg4[%add3A, %add3A_190, %dma_start3A_197] : memref<32x250x40xi32, #tpu.memory_space<hbm>> -> memref<1x1x40xi32, #tpu.memory_space<hbm>>
          %dma_start3A_199 = tpu.memref_squeeze %dma_start3A_198 : memref<1x1x40xi32, #tpu.memory_space<hbm>> -> memref<40xi32, #tpu.memory_space<hbm>>
          %dma_start3A_200 = arith.constant 0 : i32
          %dma_start3A_201 = tpu.memref_slice %arg4[%add3A, %add3A_190, %dma_start3A_200] : memref<32x250x40xi32, #tpu.memory_space<hbm>> -> memref<1x1x40xi32, #tpu.memory_space<hbm>>
          %dma_start3A_202 = tpu.memref_squeeze %dma_start3A_201 : memref<1x1x40xi32, #tpu.memory_space<hbm>> -> memref<40xi32, #tpu.memory_space<hbm>>
          tpu.enqueue_dma source(%dma_start3A_202 : memref<40xi32, #tpu.memory_space<hbm>>) target(%arg14 : memref<40xi32, #tpu.memory_space<vmem>>) target_semaphore(%arg27 : memref<!tpu.dma_semaphore, #tpu.memory_space<semaphore_mem>>)
        } else {
        }
      } else {
      }
    }
    %scan3A_97 = arith.constant 125 : i32
    %dma_wait3A_98 = arith.constant 0 : i32
    %dma_wait3A_99 = arith.constant 0 : i32
    %dma_wait3A_100 = tpu.memref_slice %arg23[%dma_wait3A_98, %dma_wait3A_99] : memref<10000x128xf32, #tpu.memory_space<vmem_shared>> -> memref<10000x128xf32, #tpu.memory_space<vmem_shared>>
    tpu.wait_indirect_dma semaphore(%arg34 : memref<!tpu.dma_semaphore, #tpu.memory_space<semaphore_mem>>) src(%arg21 : memref<40x128xf32, #tpu.memory_space<vmem>>) dst(%dma_wait3A_100 : memref<10000x128xf32, #tpu.memory_space<vmem_shared>>)
    %dma_wait3A_101 = arith.constant 0 : i32
    %dma_wait3A_102 = arith.constant 0 : i32
    %dma_wait3A_103 = tpu.memref_slice %arg23[%dma_wait3A_101, %dma_wait3A_102] : memref<10000x128xf32, #tpu.memory_space<vmem_shared>> -> memref<10000x128xf32, #tpu.memory_space<vmem_shared>>
    tpu.wait_indirect_dma semaphore(%arg35 : memref<!tpu.dma_semaphore, #tpu.memory_space<semaphore_mem>>) src(%arg22 : memref<40x128xf32, #tpu.memory_space<vmem>>) dst(%dma_wait3A_103 : memref<10000x128xf32, #tpu.memory_space<vmem_shared>>)
    %dma_wait3A_104 = arith.constant 0 : i32
    %dma_wait3A_105 = arith.constant 0 : i32
    %dma_wait3A_106 = tpu.memref_slice %arg23[%dma_wait3A_104, %dma_wait3A_105] : memref<10000x128xf32, #tpu.memory_space<vmem_shared>> -> memref<10000x128xf32, #tpu.memory_space<vmem_shared>>
    tpu.wait_indirect_dma semaphore(%arg32 : memref<!tpu.dma_semaphore, #tpu.memory_space<semaphore_mem>>) src(%arg19 : memref<40x128xf32, #tpu.memory_space<vmem>>) dst(%dma_wait3A_106 : memref<10000x128xf32, #tpu.memory_space<vmem_shared>>)
    %dma_wait3A_107 = arith.constant 0 : i32
    %dma_wait3A_108 = arith.constant 0 : i32
    %dma_wait3A_109 = tpu.memref_slice %arg23[%dma_wait3A_107, %dma_wait3A_108] : memref<10000x128xf32, #tpu.memory_space<vmem_shared>> -> memref<10000x128xf32, #tpu.memory_space<vmem_shared>>
    tpu.wait_indirect_dma semaphore(%arg33 : memref<!tpu.dma_semaphore, #tpu.memory_space<semaphore_mem>>) src(%arg20 : memref<40x128xf32, #tpu.memory_space<vmem>>) dst(%dma_wait3A_109 : memref<10000x128xf32, #tpu.memory_space<vmem_shared>>)
    %barrier3A_110 = arith.constant 0 : index
    tpu.barrier barrier_id(%barrier3A_110)
    "tpu.region"() ({
      %run_scoped3A = tpu.sem_alloc : memref<!tpu.dma_semaphore, #tpu.memory_space<semaphore_mem>>
      %dma_start3A_116 = arith.constant 0 : i32
      %dma_start3A_117 = tpu.memref_slice %arg6[%arg0, %mul3A_2, %dma_start3A_116] : memref<2x10000x128xf32, #tpu.memory_space<hbm>> -> memref<1x624x128xf32, #tpu.memory_space<hbm>>
      %dma_start3A_118 = tpu.memref_squeeze %dma_start3A_117 : memref<1x624x128xf32, #tpu.memory_space<hbm>> -> memref<624x128xf32, #tpu.memory_space<hbm>>
      %dma_start3A_119 = arith.constant 0 : i32
      %dma_start3A_120 = tpu.memref_slice %arg23[%mul3A_2, %dma_start3A_119] : memref<10000x128xf32, #tpu.memory_space<vmem_shared>> -> memref<624x128xf32, #tpu.memory_space<vmem_shared>>
      tpu.enqueue_dma source(%dma_start3A_120 : memref<624x128xf32, #tpu.memory_space<vmem_shared>>) target(%dma_start3A_118 : memref<624x128xf32, #tpu.memory_space<hbm>>) target_semaphore(%run_scoped3A : memref<!tpu.dma_semaphore, #tpu.memory_space<semaphore_mem>>)
      %dma_wait3A_121 = arith.constant 0 : i32
      %dma_wait3A_122 = tpu.memref_slice %arg6[%arg0, %mul3A_2, %dma_wait3A_121] : memref<2x10000x128xf32, #tpu.memory_space<hbm>> -> memref<1x624x128xf32, #tpu.memory_space<hbm>>
      %dma_wait3A_123 = tpu.memref_squeeze %dma_wait3A_122 : memref<1x624x128xf32, #tpu.memory_space<hbm>> -> memref<624x128xf32, #tpu.memory_space<hbm>>
      %dma_wait3A_124 = arith.constant 0 : i32
      %dma_wait3A_125 = tpu.memref_slice %arg23[%mul3A_2, %dma_wait3A_124] : memref<10000x128xf32, #tpu.memory_space<vmem_shared>> -> memref<624x128xf32, #tpu.memory_space<vmem_shared>>
      tpu.wait_dma2 semaphore(%run_scoped3A : memref<!tpu.dma_semaphore, #tpu.memory_space<semaphore_mem>>) src(%dma_wait3A_125 : memref<624x128xf32, #tpu.memory_space<vmem_shared>>) dst(%dma_wait3A_123 : memref<624x128xf32, #tpu.memory_space<hbm>>)
      tpu.yield
    }) : () -> ()
    %eq3A_111 = arith.constant 0 : i32
    %eq3A_112 = arith.cmpi eq, %arg1, %eq3A_111 : i32
    %convert_element_type3A_113 = arith.extui %eq3A_112 : i1 to i32
    %cond3A_114 = arith.constant 0 : i32
    %cond3A_115 = arith.cmpi ne, %convert_element_type3A_113, %cond3A_114 : i32
    scf.if %cond3A_115 {
      "tpu.region"() ({
        %run_scoped3A = tpu.sem_alloc : memref<!tpu.dma_semaphore, #tpu.memory_space<semaphore_mem>>
        %dma_start3A_116 = arith.constant 9984 : i32
        %dma_start3A_117 = arith.constant 0 : i32
        %dma_start3A_118 = tpu.memref_slice %arg6[%arg0, %dma_start3A_116, %dma_start3A_117] : memref<2x10000x128xf32, #tpu.memory_space<hbm>> -> memref<1x16x128xf32, #tpu.memory_space<hbm>>
        %dma_start3A_119 = tpu.memref_squeeze %dma_start3A_118 : memref<1x16x128xf32, #tpu.memory_space<hbm>> -> memref<16x128xf32, #tpu.memory_space<hbm>>
        %dma_start3A_120 = arith.constant 9984 : i32
        %dma_start3A_121 = arith.constant 0 : i32
        %dma_start3A_122 = tpu.memref_slice %arg23[%dma_start3A_120, %dma_start3A_121] : memref<10000x128xf32, #tpu.memory_space<vmem_shared>> -> memref<16x128xf32, #tpu.memory_space<vmem_shared>>
        tpu.enqueue_dma source(%dma_start3A_122 : memref<16x128xf32, #tpu.memory_space<vmem_shared>>) target(%dma_start3A_119 : memref<16x128xf32, #tpu.memory_space<hbm>>) target_semaphore(%run_scoped3A : memref<!tpu.dma_semaphore, #tpu.memory_space<semaphore_mem>>)
        %dma_wait3A_123 = arith.constant 9984 : i32
        %dma_wait3A_124 = arith.constant 0 : i32
        %dma_wait3A_125 = tpu.memref_slice %arg6[%arg0, %dma_wait3A_123, %dma_wait3A_124] : memref<2x10000x128xf32, #tpu.memory_space<hbm>> -> memref<1x16x128xf32, #tpu.memory_space<hbm>>
        %dma_wait3A_126 = tpu.memref_squeeze %dma_wait3A_125 : memref<1x16x128xf32, #tpu.memory_space<hbm>> -> memref<16x128xf32, #tpu.memory_space<hbm>>
        %dma_wait3A_127 = arith.constant 9984 : i32
        %dma_wait3A_128 = arith.constant 0 : i32
        %dma_wait3A_129 = tpu.memref_slice %arg23[%dma_wait3A_127, %dma_wait3A_128] : memref<10000x128xf32, #tpu.memory_space<vmem_shared>> -> memref<16x128xf32, #tpu.memory_space<vmem_shared>>
        tpu.wait_dma2 semaphore(%run_scoped3A : memref<!tpu.dma_semaphore, #tpu.memory_space<semaphore_mem>>) src(%dma_wait3A_129 : memref<16x128xf32, #tpu.memory_space<vmem_shared>>) dst(%dma_wait3A_126 : memref<16x128xf32, #tpu.memory_space<hbm>>)
        tpu.yield
      }) : () -> ()
    } else {
    }
    return
  }
}

#map = affine_map<(d0, d1) -> (0, 0)>
#map1 = affine_map<(d0, d1) -> (0, 0, 0)>
module attributes {stable_mosaic.version = 14 : i64} {
  func.func @_mp_body(%arg0: i32, %arg1: i32, %arg2: memref<10000x128xf32, #tpu.memory_space<hbm>>, %arg3: memref<32x250x40xi32, #tpu.memory_space<hbm>>, %arg4: memref<32x250x40xi32, #tpu.memory_space<hbm>>, %arg5: memref<10000x128xf32, #tpu.memory_space<hbm>>, %arg6: memref<2x10000x128xf32, #tpu.memory_space<hbm>>, %arg7: memref<40xi32, #tpu.memory_space<vmem>>, %arg8: memref<40xi32, #tpu.memory_space<vmem>>, %arg9: memref<40xi32, #tpu.memory_space<vmem>>, %arg10: memref<40xi32, #tpu.memory_space<vmem>>, %arg11: memref<40xi32, #tpu.memory_space<vmem>>, %arg12: memref<40xi32, #tpu.memory_space<vmem>>, %arg13: memref<40xi32, #tpu.memory_space<vmem>>, %arg14: memref<40xi32, #tpu.memory_space<vmem>>, %arg15: memref<40xi32, #tpu.memory_space<vmem>>, %arg16: memref<40xi32, #tpu.memory_space<vmem>>, %arg17: memref<40xi32, #tpu.memory_space<vmem>>, %arg18: memref<40xi32, #tpu.memory_space<vmem>>, %arg19: memref<40x128xf32, #tpu.memory_space<vmem>>, %arg20: memref<40x128xf32, #tpu.memory_space<vmem>>, %arg21: memref<40x128xf32, #tpu.memory_space<vmem>>, %arg22: memref<40x128xf32, #tpu.memory_space<vmem>>, %arg23: memref<10000x128xf32, #tpu.memory_space<vmem_shared>>, %arg24: memref<!tpu.dma_semaphore, #tpu.memory_space<semaphore_mem>>, %arg25: memref<!tpu.dma_semaphore, #tpu.memory_space<semaphore_mem>>, %arg26: memref<!tpu.dma_semaphore, #tpu.memory_space<semaphore_mem>>, %arg27: memref<!tpu.dma_semaphore, #tpu.memory_space<semaphore_mem>>, %arg28: memref<!tpu.dma_semaphore, #tpu.memory_space<semaphore_mem>>, %arg29: memref<!tpu.dma_semaphore, #tpu.memory_space<semaphore_mem>>, %arg30: memref<!tpu.dma_semaphore, #tpu.memory_space<semaphore_mem>>, %arg31: memref<!tpu.dma_semaphore, #tpu.memory_space<semaphore_mem>>, %arg32: memref<!tpu.dma_semaphore, #tpu.memory_space<semaphore_mem>>, %arg33: memref<!tpu.dma_semaphore, #tpu.memory_space<semaphore_mem>>, %arg34: memref<!tpu.dma_semaphore, #tpu.memory_space<semaphore_mem>>, %arg35: memref<!tpu.dma_semaphore, #tpu.memory_space<semaphore_mem>>) attributes {dimension_semantics = [#tpu.dimension_semantics<core_parallel>, #tpu.dimension_semantics<subcore_parallel>], iteration_bounds = array<i64: 2, 16>, scalar_prefetch = 0 : i64, scratch_operands = 29 : i64, tpu.core_type = #tpu.core_type<sc_vector_subcore>, window_params = [{transform_indices = #map}, {transform_indices = #map1}, {transform_indices = #map1}, {transform_indices = #map}, {transform_indices = #map1}]} {
    %mul3A = arith.constant 2 : i32
    %mul3A_0 = arith.muli %arg1, %mul3A : i32
    %add3A = arith.addi %mul3A_0, %arg0 : i32
    %mul3A_1 = arith.constant 624 : i32
    %mul3A_2 = arith.muli %arg1, %mul3A_1 : i32
    "tpu.region"() ({
      %run_scoped3A = tpu.sem_alloc : memref<!tpu.dma_semaphore, #tpu.memory_space<semaphore_mem>>
      %dma_start3A_116 = arith.constant 0 : i32
      %dma_start3A_117 = tpu.memref_slice %arg23[%mul3A_2, %dma_start3A_116] : memref<10000x128xf32, #tpu.memory_space<vmem_shared>> -> memref<624x128xf32, #tpu.memory_space<vmem_shared>>
      %dma_start3A_118 = arith.constant 0 : i32
      %dma_start3A_119 = tpu.memref_slice %arg5[%mul3A_2, %dma_start3A_118] : memref<10000x128xf32, #tpu.memory_space<hbm>> -> memref<624x128xf32, #tpu.memory_space<hbm>>
      tpu.enqueue_dma source(%dma_start3A_119 : memref<624x128xf32, #tpu.memory_space<hbm>>) target(%dma_start3A_117 : memref<624x128xf32, #tpu.memory_space<vmem_shared>>) target_semaphore(%run_scoped3A : memref<!tpu.dma_semaphore, #tpu.memory_space<semaphore_mem>>)
      %dma_wait3A_120 = arith.constant 0 : i32
      %dma_wait3A_121 = tpu.memref_slice %arg23[%mul3A_2, %dma_wait3A_120] : memref<10000x128xf32, #tpu.memory_space<vmem_shared>> -> memref<624x128xf32, #tpu.memory_space<vmem_shared>>
      %dma_wait3A_122 = arith.constant 0 : i32
      %dma_wait3A_123 = tpu.memref_slice %arg5[%mul3A_2, %dma_wait3A_122] : memref<10000x128xf32, #tpu.memory_space<hbm>> -> memref<624x128xf32, #tpu.memory_space<hbm>>
      tpu.wait_dma2 semaphore(%run_scoped3A : memref<!tpu.dma_semaphore, #tpu.memory_space<semaphore_mem>>) src(%dma_wait3A_123 : memref<624x128xf32, #tpu.memory_space<hbm>>) dst(%dma_wait3A_121 : memref<624x128xf32, #tpu.memory_space<vmem_shared>>)
      tpu.yield
    }) : () -> ()
    %eq3A = arith.constant 0 : i32
    %eq3A_3 = arith.cmpi eq, %arg1, %eq3A : i32
    %convert_element_type3A = arith.extui %eq3A_3 : i1 to i32
    %cond3A = arith.constant 0 : i32
    %cond3A_4 = arith.cmpi ne, %convert_element_type3A, %cond3A : i32
    scf.if %cond3A_4 {
      "tpu.region"() ({
        %run_scoped3A = tpu.sem_alloc : memref<!tpu.dma_semaphore, #tpu.memory_space<semaphore_mem>>
        %dma_start3A_116 = arith.constant 9984 : i32
        %dma_start3A_117 = arith.constant 0 : i32
        %dma_start3A_118 = tpu.memref_slice %arg23[%dma_start3A_116, %dma_start3A_117] : memref<10000x128xf32, #tpu.memory_space<vmem_shared>> -> memref<16x128xf32, #tpu.memory_space<vmem_shared>>
        %dma_start3A_119 = arith.constant 9984 : i32
        %dma_start3A_120 = arith.constant 0 : i32
        %dma_start3A_121 = tpu.memref_slice %arg5[%dma_start3A_119, %dma_start3A_120] : memref<10000x128xf32, #tpu.memory_space<hbm>> -> memref<16x128xf32, #tpu.memory_space<hbm>>
        tpu.enqueue_dma source(%dma_start3A_121 : memref<16x128xf32, #tpu.memory_space<hbm>>) target(%dma_start3A_118 : memref<16x128xf32, #tpu.memory_space<vmem_shared>>) target_semaphore(%run_scoped3A : memref<!tpu.dma_semaphore, #tpu.memory_space<semaphore_mem>>)
        %dma_wait3A_122 = arith.constant 9984 : i32
        %dma_wait3A_123 = arith.constant 0 : i32
        %dma_wait3A_124 = tpu.memref_slice %arg23[%dma_wait3A_122, %dma_wait3A_123] : memref<10000x128xf32, #tpu.memory_space<vmem_shared>> -> memref<16x128xf32, #tpu.memory_space<vmem_shared>>
        %dma_wait3A_125 = arith.constant 9984 : i32
        %dma_wait3A_126 = arith.constant 0 : i32
        %dma_wait3A_127 = tpu.memref_slice %arg5[%dma_wait3A_125, %dma_wait3A_126] : memref<10000x128xf32, #tpu.memory_space<hbm>> -> memref<16x128xf32, #tpu.memory_space<hbm>>
        tpu.wait_dma2 semaphore(%run_scoped3A : memref<!tpu.dma_semaphore, #tpu.memory_space<semaphore_mem>>) src(%dma_wait3A_127 : memref<16x128xf32, #tpu.memory_space<hbm>>) dst(%dma_wait3A_124 : memref<16x128xf32, #tpu.memory_space<vmem_shared>>)
        tpu.yield
      }) : () -> ()
    } else {
    }
    %barrier3A = arith.constant 0 : index
    tpu.barrier barrier_id(%barrier3A)
    %dma_start3A = arith.constant 0 : i32
    %dma_start3A_5 = arith.constant 0 : i32
    %dma_start3A_6 = tpu.memref_slice %arg3[%add3A, %dma_start3A, %dma_start3A_5] : memref<32x250x40xi32, #tpu.memory_space<hbm>> -> memref<1x1x40xi32, #tpu.memory_space<hbm>>
    %dma_start3A_7 = tpu.memref_squeeze %dma_start3A_6 : memref<1x1x40xi32, #tpu.memory_space<hbm>> -> memref<40xi32, #tpu.memory_space<hbm>>
    %dma_start3A_8 = arith.constant 0 : i32
    %dma_start3A_9 = tpu.memref_slice %arg3[%add3A, %dma_start3A, %dma_start3A_8] : memref<32x250x40xi32, #tpu.memory_space<hbm>> -> memref<1x1x40xi32, #tpu.memory_space<hbm>>
    %dma_start3A_10 = tpu.memref_squeeze %dma_start3A_9 : memref<1x1x40xi32, #tpu.memory_space<hbm>> -> memref<40xi32, #tpu.memory_space<hbm>>
    tpu.enqueue_dma source(%dma_start3A_10 : memref<40xi32, #tpu.memory_space<hbm>>) target(%arg7 : memref<40xi32, #tpu.memory_space<vmem>>) target_semaphore(%arg24 : memref<!tpu.dma_semaphore, #tpu.memory_space<semaphore_mem>>)
    %dma_start3A_11 = arith.constant 0 : i32
    %dma_start3A_12 = arith.constant 0 : i32
    %dma_start3A_13 = tpu.memref_slice %arg4[%add3A, %dma_start3A_11, %dma_start3A_12] : memref<32x250x40xi32, #tpu.memory_space<hbm>> -> memref<1x1x40xi32, #tpu.memory_space<hbm>>
    %dma_start3A_14 = tpu.memref_squeeze %dma_start3A_13 : memref<1x1x40xi32, #tpu.memory_space<hbm>> -> memref<40xi32, #tpu.memory_space<hbm>>
    %dma_start3A_15 = arith.constant 0 : i32
    %dma_start3A_16 = tpu.memref_slice %arg4[%add3A, %dma_start3A_11, %dma_start3A_15] : memref<32x250x40xi32, #tpu.memory_space<hbm>> -> memref<1x1x40xi32, #tpu.memory_space<hbm>>
    %dma_start3A_17 = tpu.memref_squeeze %dma_start3A_16 : memref<1x1x40xi32, #tpu.memory_space<hbm>> -> memref<40xi32, #tpu.memory_space<hbm>>
    tpu.enqueue_dma source(%dma_start3A_17 : memref<40xi32, #tpu.memory_space<hbm>>) target(%arg11 : memref<40xi32, #tpu.memory_space<vmem>>) target_semaphore(%arg24 : memref<!tpu.dma_semaphore, #tpu.memory_space<semaphore_mem>>)
    %dma_start3A_18 = arith.constant 1 : i32
    %dma_start3A_19 = arith.constant 0 : i32
    %dma_start3A_20 = tpu.memref_slice %arg3[%add3A, %dma_start3A_18, %dma_start3A_19] : memref<32x250x40xi32, #tpu.memory_space<hbm>> -> memref<1x1x40xi32, #tpu.memory_space<hbm>>
    %dma_start3A_21 = tpu.memref_squeeze %dma_start3A_20 : memref<1x1x40xi32, #tpu.memory_space<hbm>> -> memref<40xi32, #tpu.memory_space<hbm>>
    %dma_start3A_22 = arith.constant 0 : i32
    %dma_start3A_23 = tpu.memref_slice %arg3[%add3A, %dma_start3A_18, %dma_start3A_22] : memref<32x250x40xi32, #tpu.memory_space<hbm>> -> memref<1x1x40xi32, #tpu.memory_space<hbm>>
    %dma_start3A_24 = tpu.memref_squeeze %dma_start3A_23 : memref<1x1x40xi32, #tpu.memory_space<hbm>> -> memref<40xi32, #tpu.memory_space<hbm>>
    tpu.enqueue_dma source(%dma_start3A_24 : memref<40xi32, #tpu.memory_space<hbm>>) target(%arg8 : memref<40xi32, #tpu.memory_space<vmem>>) target_semaphore(%arg25 : memref<!tpu.dma_semaphore, #tpu.memory_space<semaphore_mem>>)
    %dma_start3A_25 = arith.constant 1 : i32
    %dma_start3A_26 = arith.constant 0 : i32
    %dma_start3A_27 = tpu.memref_slice %arg4[%add3A, %dma_start3A_25, %dma_start3A_26] : memref<32x250x40xi32, #tpu.memory_space<hbm>> -> memref<1x1x40xi32, #tpu.memory_space<hbm>>
    %dma_start3A_28 = tpu.memref_squeeze %dma_start3A_27 : memref<1x1x40xi32, #tpu.memory_space<hbm>> -> memref<40xi32, #tpu.memory_space<hbm>>
    %dma_start3A_29 = arith.constant 0 : i32
    %dma_start3A_30 = tpu.memref_slice %arg4[%add3A, %dma_start3A_25, %dma_start3A_29] : memref<32x250x40xi32, #tpu.memory_space<hbm>> -> memref<1x1x40xi32, #tpu.memory_space<hbm>>
    %dma_start3A_31 = tpu.memref_squeeze %dma_start3A_30 : memref<1x1x40xi32, #tpu.memory_space<hbm>> -> memref<40xi32, #tpu.memory_space<hbm>>
    tpu.enqueue_dma source(%dma_start3A_31 : memref<40xi32, #tpu.memory_space<hbm>>) target(%arg12 : memref<40xi32, #tpu.memory_space<vmem>>) target_semaphore(%arg25 : memref<!tpu.dma_semaphore, #tpu.memory_space<semaphore_mem>>)
    %dma_start3A_32 = arith.constant 2 : i32
    %dma_start3A_33 = arith.constant 0 : i32
    %dma_start3A_34 = tpu.memref_slice %arg3[%add3A, %dma_start3A_32, %dma_start3A_33] : memref<32x250x40xi32, #tpu.memory_space<hbm>> -> memref<1x1x40xi32, #tpu.memory_space<hbm>>
    %dma_start3A_35 = tpu.memref_squeeze %dma_start3A_34 : memref<1x1x40xi32, #tpu.memory_space<hbm>> -> memref<40xi32, #tpu.memory_space<hbm>>
    %dma_start3A_36 = arith.constant 0 : i32
    %dma_start3A_37 = tpu.memref_slice %arg3[%add3A, %dma_start3A_32, %dma_start3A_36] : memref<32x250x40xi32, #tpu.memory_space<hbm>> -> memref<1x1x40xi32, #tpu.memory_space<hbm>>
    %dma_start3A_38 = tpu.memref_squeeze %dma_start3A_37 : memref<1x1x40xi32, #tpu.memory_space<hbm>> -> memref<40xi32, #tpu.memory_space<hbm>>
    tpu.enqueue_dma source(%dma_start3A_38 : memref<40xi32, #tpu.memory_space<hbm>>) target(%arg9 : memref<40xi32, #tpu.memory_space<vmem>>) target_semaphore(%arg26 : memref<!tpu.dma_semaphore, #tpu.memory_space<semaphore_mem>>)
    %dma_start3A_39 = arith.constant 2 : i32
    %dma_start3A_40 = arith.constant 0 : i32
    %dma_start3A_41 = tpu.memref_slice %arg4[%add3A, %dma_start3A_39, %dma_start3A_40] : memref<32x250x40xi32, #tpu.memory_space<hbm>> -> memref<1x1x40xi32, #tpu.memory_space<hbm>>
    %dma_start3A_42 = tpu.memref_squeeze %dma_start3A_41 : memref<1x1x40xi32, #tpu.memory_space<hbm>> -> memref<40xi32, #tpu.memory_space<hbm>>
    %dma_start3A_43 = arith.constant 0 : i32
    %dma_start3A_44 = tpu.memref_slice %arg4[%add3A, %dma_start3A_39, %dma_start3A_43] : memref<32x250x40xi32, #tpu.memory_space<hbm>> -> memref<1x1x40xi32, #tpu.memory_space<hbm>>
    %dma_start3A_45 = tpu.memref_squeeze %dma_start3A_44 : memref<1x1x40xi32, #tpu.memory_space<hbm>> -> memref<40xi32, #tpu.memory_space<hbm>>
    tpu.enqueue_dma source(%dma_start3A_45 : memref<40xi32, #tpu.memory_space<hbm>>) target(%arg13 : memref<40xi32, #tpu.memory_space<vmem>>) target_semaphore(%arg26 : memref<!tpu.dma_semaphore, #tpu.memory_space<semaphore_mem>>)
    %dma_start3A_46 = arith.constant 3 : i32
    %dma_start3A_47 = arith.constant 0 : i32
    %dma_start3A_48 = tpu.memref_slice %arg3[%add3A, %dma_start3A_46, %dma_start3A_47] : memref<32x250x40xi32, #tpu.memory_space<hbm>> -> memref<1x1x40xi32, #tpu.memory_space<hbm>>
    %dma_start3A_49 = tpu.memref_squeeze %dma_start3A_48 : memref<1x1x40xi32, #tpu.memory_space<hbm>> -> memref<40xi32, #tpu.memory_space<hbm>>
    %dma_start3A_50 = arith.constant 0 : i32
    %dma_start3A_51 = tpu.memref_slice %arg3[%add3A, %dma_start3A_46, %dma_start3A_50] : memref<32x250x40xi32, #tpu.memory_space<hbm>> -> memref<1x1x40xi32, #tpu.memory_space<hbm>>
    %dma_start3A_52 = tpu.memref_squeeze %dma_start3A_51 : memref<1x1x40xi32, #tpu.memory_space<hbm>> -> memref<40xi32, #tpu.memory_space<hbm>>
    tpu.enqueue_dma source(%dma_start3A_52 : memref<40xi32, #tpu.memory_space<hbm>>) target(%arg10 : memref<40xi32, #tpu.memory_space<vmem>>) target_semaphore(%arg27 : memref<!tpu.dma_semaphore, #tpu.memory_space<semaphore_mem>>)
    %dma_start3A_53 = arith.constant 3 : i32
    %dma_start3A_54 = arith.constant 0 : i32
    %dma_start3A_55 = tpu.memref_slice %arg4[%add3A, %dma_start3A_53, %dma_start3A_54] : memref<32x250x40xi32, #tpu.memory_space<hbm>> -> memref<1x1x40xi32, #tpu.memory_space<hbm>>
    %dma_start3A_56 = tpu.memref_squeeze %dma_start3A_55 : memref<1x1x40xi32, #tpu.memory_space<hbm>> -> memref<40xi32, #tpu.memory_space<hbm>>
    %dma_start3A_57 = arith.constant 0 : i32
    %dma_start3A_58 = tpu.memref_slice %arg4[%add3A, %dma_start3A_53, %dma_start3A_57] : memref<32x250x40xi32, #tpu.memory_space<hbm>> -> memref<1x1x40xi32, #tpu.memory_space<hbm>>
    %dma_start3A_59 = tpu.memref_squeeze %dma_start3A_58 : memref<1x1x40xi32, #tpu.memory_space<hbm>> -> memref<40xi32, #tpu.memory_space<hbm>>
    tpu.enqueue_dma source(%dma_start3A_59 : memref<40xi32, #tpu.memory_space<hbm>>) target(%arg14 : memref<40xi32, #tpu.memory_space<vmem>>) target_semaphore(%arg27 : memref<!tpu.dma_semaphore, #tpu.memory_space<semaphore_mem>>)
    %dma_wait3A = arith.constant 0 : i32
    %dma_wait3A_60 = arith.constant 0 : i32
    %dma_wait3A_61 = tpu.memref_slice %arg3[%add3A, %dma_wait3A, %dma_wait3A_60] : memref<32x250x40xi32, #tpu.memory_space<hbm>> -> memref<1x1x40xi32, #tpu.memory_space<hbm>>
    %dma_wait3A_62 = tpu.memref_squeeze %dma_wait3A_61 : memref<1x1x40xi32, #tpu.memory_space<hbm>> -> memref<40xi32, #tpu.memory_space<hbm>>
    %dma_wait3A_63 = arith.constant 0 : i32
    %dma_wait3A_64 = tpu.memref_slice %arg3[%add3A, %dma_wait3A, %dma_wait3A_63] : memref<32x250x40xi32, #tpu.memory_space<hbm>> -> memref<1x1x40xi32, #tpu.memory_space<hbm>>
    %dma_wait3A_65 = tpu.memref_squeeze %dma_wait3A_64 : memref<1x1x40xi32, #tpu.memory_space<hbm>> -> memref<40xi32, #tpu.memory_space<hbm>>
    tpu.wait_dma2 semaphore(%arg24 : memref<!tpu.dma_semaphore, #tpu.memory_space<semaphore_mem>>) src(%dma_wait3A_65 : memref<40xi32, #tpu.memory_space<hbm>>) dst(%arg7 : memref<40xi32, #tpu.memory_space<vmem>>)
    %dma_wait3A_66 = arith.constant 0 : i32
    %dma_wait3A_67 = arith.constant 0 : i32
    %dma_wait3A_68 = tpu.memref_slice %arg4[%add3A, %dma_wait3A_66, %dma_wait3A_67] : memref<32x250x40xi32, #tpu.memory_space<hbm>> -> memref<1x1x40xi32, #tpu.memory_space<hbm>>
    %dma_wait3A_69 = tpu.memref_squeeze %dma_wait3A_68 : memref<1x1x40xi32, #tpu.memory_space<hbm>> -> memref<40xi32, #tpu.memory_space<hbm>>
    %dma_wait3A_70 = arith.constant 0 : i32
    %dma_wait3A_71 = tpu.memref_slice %arg4[%add3A, %dma_wait3A_66, %dma_wait3A_70] : memref<32x250x40xi32, #tpu.memory_space<hbm>> -> memref<1x1x40xi32, #tpu.memory_space<hbm>>
    %dma_wait3A_72 = tpu.memref_squeeze %dma_wait3A_71 : memref<1x1x40xi32, #tpu.memory_space<hbm>> -> memref<40xi32, #tpu.memory_space<hbm>>
    tpu.wait_dma2 semaphore(%arg24 : memref<!tpu.dma_semaphore, #tpu.memory_space<semaphore_mem>>) src(%dma_wait3A_72 : memref<40xi32, #tpu.memory_space<hbm>>) dst(%arg11 : memref<40xi32, #tpu.memory_space<vmem>>)
    %dma_start3A_73 = arith.constant 0 : i32
    %dma_start3A_74 = arith.constant 0 : i32
    %dma_start3A_75 = tpu.memref_slice %arg2[%dma_start3A_73, %dma_start3A_74] : memref<10000x128xf32, #tpu.memory_space<hbm>> -> memref<10000x128xf32, #tpu.memory_space<hbm>>
    tpu.enqueue_indirect_dma source(%dma_start3A_75 : memref<10000x128xf32, #tpu.memory_space<hbm>>) target(%arg19 : memref<40x128xf32, #tpu.memory_space<vmem>>) offsets(%arg7 : memref<40xi32, #tpu.memory_space<vmem>>) semaphore(%arg28 : memref<!tpu.dma_semaphore, #tpu.memory_space<semaphore_mem>>)
    %dma_wait3A_76 = arith.constant 1 : i32
    %dma_wait3A_77 = arith.constant 0 : i32
    %dma_wait3A_78 = tpu.memref_slice %arg3[%add3A, %dma_wait3A_76, %dma_wait3A_77] : memref<32x250x40xi32, #tpu.memory_space<hbm>> -> memref<1x1x40xi32, #tpu.memory_space<hbm>>
    %dma_wait3A_79 = tpu.memref_squeeze %dma_wait3A_78 : memref<1x1x40xi32, #tpu.memory_space<hbm>> -> memref<40xi32, #tpu.memory_space<hbm>>
    %dma_wait3A_80 = arith.constant 0 : i32
    %dma_wait3A_81 = tpu.memref_slice %arg3[%add3A, %dma_wait3A_76, %dma_wait3A_80] : memref<32x250x40xi32, #tpu.memory_space<hbm>> -> memref<1x1x40xi32, #tpu.memory_space<hbm>>
    %dma_wait3A_82 = tpu.memref_squeeze %dma_wait3A_81 : memref<1x1x40xi32, #tpu.memory_space<hbm>> -> memref<40xi32, #tpu.memory_space<hbm>>
    tpu.wait_dma2 semaphore(%arg25 : memref<!tpu.dma_semaphore, #tpu.memory_space<semaphore_mem>>) src(%dma_wait3A_82 : memref<40xi32, #tpu.memory_space<hbm>>) dst(%arg8 : memref<40xi32, #tpu.memory_space<vmem>>)
    %dma_wait3A_83 = arith.constant 1 : i32
    %dma_wait3A_84 = arith.constant 0 : i32
    %dma_wait3A_85 = tpu.memref_slice %arg4[%add3A, %dma_wait3A_83, %dma_wait3A_84] : memref<32x250x40xi32, #tpu.memory_space<hbm>> -> memref<1x1x40xi32, #tpu.memory_space<hbm>>
    %dma_wait3A_86 = tpu.memref_squeeze %dma_wait3A_85 : memref<1x1x40xi32, #tpu.memory_space<hbm>> -> memref<40xi32, #tpu.memory_space<hbm>>
    %dma_wait3A_87 = arith.constant 0 : i32
    %dma_wait3A_88 = tpu.memref_slice %arg4[%add3A, %dma_wait3A_83, %dma_wait3A_87] : memref<32x250x40xi32, #tpu.memory_space<hbm>> -> memref<1x1x40xi32, #tpu.memory_space<hbm>>
    %dma_wait3A_89 = tpu.memref_squeeze %dma_wait3A_88 : memref<1x1x40xi32, #tpu.memory_space<hbm>> -> memref<40xi32, #tpu.memory_space<hbm>>
    tpu.wait_dma2 semaphore(%arg25 : memref<!tpu.dma_semaphore, #tpu.memory_space<semaphore_mem>>) src(%dma_wait3A_89 : memref<40xi32, #tpu.memory_space<hbm>>) dst(%arg12 : memref<40xi32, #tpu.memory_space<vmem>>)
    %dma_start3A_90 = arith.constant 0 : i32
    %dma_start3A_91 = arith.constant 0 : i32
    %dma_start3A_92 = tpu.memref_slice %arg2[%dma_start3A_90, %dma_start3A_91] : memref<10000x128xf32, #tpu.memory_space<hbm>> -> memref<10000x128xf32, #tpu.memory_space<hbm>>
    tpu.enqueue_indirect_dma source(%dma_start3A_92 : memref<10000x128xf32, #tpu.memory_space<hbm>>) target(%arg20 : memref<40x128xf32, #tpu.memory_space<vmem>>) offsets(%arg8 : memref<40xi32, #tpu.memory_space<vmem>>) semaphore(%arg29 : memref<!tpu.dma_semaphore, #tpu.memory_space<semaphore_mem>>)
    %scan3A = arith.constant 0 : i32
    %scan3A_93 = arith.constant 0 : i32
    %scan3A_94 = arith.constant 125 : i32
    %scan3A_95 = arith.addi %scan3A_93, %scan3A_94 : i32
    %scan3A_96 = arith.constant 1 : i32
    scf.for %scan3A_116 = %scan3A_93 to %scan3A_95 step %scan3A_96  : i32 {
      %jit3A = arith.constant 4 : i32
      %eq3A_117 = arith.constant 0 : i32
      %eq3A_118 = arith.cmpi eq, %jit3A, %eq3A_117 : i32
      %jit3A_119 = arith.constant 1 : i32
      %select_n3A = arith.select %eq3A_118, %jit3A_119, %jit3A : i32
      %rem3A = arith.remsi %scan3A_116, %select_n3A : i32
      %ne3A = arith.constant 0 : i32
      %ne3A_120 = arith.cmpi ne, %rem3A, %ne3A : i32
      %lt3A = arith.constant 0 : i32
      %lt3A_121 = arith.cmpi slt, %rem3A, %lt3A : i32
      %lt3A_122 = arith.constant 0 : i32
      %lt3A_123 = arith.cmpi slt, %select_n3A, %lt3A_122 : i32
      %ne3A_124 = arith.xori %lt3A_121, %lt3A_123 : i1
      %and3A = arith.andi %ne3A_124, %ne3A_120 : i1
      %add3A_125 = arith.addi %rem3A, %select_n3A : i32
      %select_n3A_126 = arith.select %and3A, %add3A_125, %rem3A : i32
      %eq3A_127 = arith.constant 0 : i32
      %eq3A_128 = arith.cmpi eq, %select_n3A_126, %eq3A_127 : i32
      %convert_element_type3A_129 = arith.extui %eq3A_128 : i1 to i32
      %cond3A_130 = arith.constant 0 : i32
      %cond3A_131 = arith.cmpi ne, %convert_element_type3A_129, %cond3A_130 : i32
      scf.if %cond3A_131 {
        %mul3A_147 = arith.constant 2 : i32
        %mul3A_148 = arith.muli %mul3A_147, %scan3A_116 : i32
        %dma_wait3A_149 = arith.constant 0 : i32
        %dma_wait3A_150 = arith.constant 0 : i32
        %dma_wait3A_151 = tpu.memref_slice %arg2[%dma_wait3A_149, %dma_wait3A_150] : memref<10000x128xf32, #tpu.memory_space<hbm>> -> memref<10000x128xf32, #tpu.memory_space<hbm>>
        tpu.wait_indirect_dma semaphore(%arg28 : memref<!tpu.dma_semaphore, #tpu.memory_space<semaphore_mem>>) src(%dma_wait3A_151 : memref<10000x128xf32, #tpu.memory_space<hbm>>) dst(%arg19 : memref<40x128xf32, #tpu.memory_space<vmem>>)
        %dma_start3A_152 = arith.constant 0 : i32
        %dma_start3A_153 = arith.constant 0 : i32
        %dma_start3A_154 = tpu.memref_slice %arg23[%dma_start3A_152, %dma_start3A_153] : memref<10000x128xf32, #tpu.memory_space<vmem_shared>> -> memref<10000x128xf32, #tpu.memory_space<vmem_shared>>
        tpu.enqueue_indirect_dma source(%arg19 : memref<40x128xf32, #tpu.memory_space<vmem>>) target(%dma_start3A_154 : memref<10000x128xf32, #tpu.memory_space<vmem_shared>>) offsets(%arg11 : memref<40xi32, #tpu.memory_space<vmem>>) semaphore(%arg32 : memref<!tpu.dma_semaphore, #tpu.memory_space<semaphore_mem>>) {add = true}
        %dma_wait3A_155 = arith.constant 0 : i32
        %dma_wait3A_156 = arith.constant 0 : i32
        %dma_wait3A_157 = tpu.memref_slice %arg2[%dma_wait3A_155, %dma_wait3A_156] : memref<10000x128xf32, #tpu.memory_space<hbm>> -> memref<10000x128xf32, #tpu.memory_space<hbm>>
        tpu.wait_indirect_dma semaphore(%arg29 : memref<!tpu.dma_semaphore, #tpu.memory_space<semaphore_mem>>) src(%dma_wait3A_157 : memref<10000x128xf32, #tpu.memory_space<hbm>>) dst(%arg20 : memref<40x128xf32, #tpu.memory_space<vmem>>)
        %dma_start3A_158 = arith.constant 0 : i32
        %dma_start3A_159 = arith.constant 0 : i32
        %dma_start3A_160 = tpu.memref_slice %arg23[%dma_start3A_158, %dma_start3A_159] : memref<10000x128xf32, #tpu.memory_space<vmem_shared>> -> memref<10000x128xf32, #tpu.memory_space<vmem_shared>>
        tpu.enqueue_indirect_dma source(%arg20 : memref<40x128xf32, #tpu.memory_space<vmem>>) target(%dma_start3A_160 : memref<10000x128xf32, #tpu.memory_space<vmem_shared>>) offsets(%arg12 : memref<40xi32, #tpu.memory_space<vmem>>) semaphore(%arg33 : memref<!tpu.dma_semaphore, #tpu.memory_space<semaphore_mem>>) {add = true}
        %add3A_161 = arith.constant 2 : i32
        %add3A_162 = arith.addi %mul3A_148, %add3A_161 : i32
        %lt3A_163 = arith.constant 250 : i32
        %lt3A_164 = arith.cmpi slt, %add3A_162, %lt3A_163 : i32
        %convert_element_type3A_165 = arith.extui %lt3A_164 : i1 to i32
        %cond3A_166 = arith.constant 0 : i32
        %cond3A_167 = arith.cmpi ne, %convert_element_type3A_165, %cond3A_166 : i32
        scf.if %cond3A_167 {
          %ge3A = arith.constant 1 : i32
          %ge3A_175 = arith.cmpi sge, %scan3A_116, %ge3A : i32
          %convert_element_type3A_176 = arith.extui %ge3A_175 : i1 to i32
          %cond3A_177 = arith.constant 0 : i32
          %cond3A_178 = arith.cmpi ne, %convert_element_type3A_176, %cond3A_177 : i32
          scf.if %cond3A_178 {
            %dma_wait3A_213 = arith.constant 0 : i32
            %dma_wait3A_214 = arith.constant 0 : i32
            %dma_wait3A_215 = tpu.memref_slice %arg23[%dma_wait3A_213, %dma_wait3A_214] : memref<10000x128xf32, #tpu.memory_space<vmem_shared>> -> memref<10000x128xf32, #tpu.memory_space<vmem_shared>>
            tpu.wait_indirect_dma semaphore(%arg34 : memref<!tpu.dma_semaphore, #tpu.memory_space<semaphore_mem>>) src(%arg21 : memref<40x128xf32, #tpu.memory_space<vmem>>) dst(%dma_wait3A_215 : memref<10000x128xf32, #tpu.memory_space<vmem_shared>>)
            %dma_wait3A_216 = arith.constant 0 : i32
            %dma_wait3A_217 = arith.constant 0 : i32
            %dma_wait3A_218 = tpu.memref_slice %arg23[%dma_wait3A_216, %dma_wait3A_217] : memref<10000x128xf32, #tpu.memory_space<vmem_shared>> -> memref<10000x128xf32, #tpu.memory_space<vmem_shared>>
            tpu.wait_indirect_dma semaphore(%arg35 : memref<!tpu.dma_semaphore, #tpu.memory_space<semaphore_mem>>) src(%arg22 : memref<40x128xf32, #tpu.memory_space<vmem>>) dst(%dma_wait3A_218 : memref<10000x128xf32, #tpu.memory_space<vmem_shared>>)
          } else {
          }
          %add3A_179 = arith.constant 2 : i32
          %add3A_180 = arith.addi %mul3A_148, %add3A_179 : i32
          %dma_wait3A_181 = arith.constant 0 : i32
          %dma_wait3A_182 = tpu.memref_slice %arg3[%add3A, %add3A_180, %dma_wait3A_181] : memref<32x250x40xi32, #tpu.memory_space<hbm>> -> memref<1x1x40xi32, #tpu.memory_space<hbm>>
          %dma_wait3A_183 = tpu.memref_squeeze %dma_wait3A_182 : memref<1x1x40xi32, #tpu.memory_space<hbm>> -> memref<40xi32, #tpu.memory_space<hbm>>
          %dma_wait3A_184 = arith.constant 0 : i32
          %dma_wait3A_185 = tpu.memref_slice %arg3[%add3A, %add3A_180, %dma_wait3A_184] : memref<32x250x40xi32, #tpu.memory_space<hbm>> -> memref<1x1x40xi32, #tpu.memory_space<hbm>>
          %dma_wait3A_186 = tpu.memref_squeeze %dma_wait3A_185 : memref<1x1x40xi32, #tpu.memory_space<hbm>> -> memref<40xi32, #tpu.memory_space<hbm>>
          tpu.wait_dma2 semaphore(%arg26 : memref<!tpu.dma_semaphore, #tpu.memory_space<semaphore_mem>>) src(%dma_wait3A_186 : memref<40xi32, #tpu.memory_space<hbm>>) dst(%arg9 : memref<40xi32, #tpu.memory_space<vmem>>)
          %dma_wait3A_187 = arith.constant 0 : i32
          %dma_wait3A_188 = tpu.memref_slice %arg4[%add3A, %add3A_180, %dma_wait3A_187] : memref<32x250x40xi32, #tpu.memory_space<hbm>> -> memref<1x1x40xi32, #tpu.memory_space<hbm>>
          %dma_wait3A_189 = tpu.memref_squeeze %dma_wait3A_188 : memref<1x1x40xi32, #tpu.memory_space<hbm>> -> memref<40xi32, #tpu.memory_space<hbm>>
          %dma_wait3A_190 = arith.constant 0 : i32
          %dma_wait3A_191 = tpu.memref_slice %arg4[%add3A, %add3A_180, %dma_wait3A_190] : memref<32x250x40xi32, #tpu.memory_space<hbm>> -> memref<1x1x40xi32, #tpu.memory_space<hbm>>
          %dma_wait3A_192 = tpu.memref_squeeze %dma_wait3A_191 : memref<1x1x40xi32, #tpu.memory_space<hbm>> -> memref<40xi32, #tpu.memory_space<hbm>>
          tpu.wait_dma2 semaphore(%arg26 : memref<!tpu.dma_semaphore, #tpu.memory_space<semaphore_mem>>) src(%dma_wait3A_192 : memref<40xi32, #tpu.memory_space<hbm>>) dst(%arg13 : memref<40xi32, #tpu.memory_space<vmem>>)
          %add3A_193 = arith.constant 3 : i32
          %add3A_194 = arith.addi %mul3A_148, %add3A_193 : i32
          %dma_wait3A_195 = arith.constant 0 : i32
          %dma_wait3A_196 = tpu.memref_slice %arg3[%add3A, %add3A_194, %dma_wait3A_195] : memref<32x250x40xi32, #tpu.memory_space<hbm>> -> memref<1x1x40xi32, #tpu.memory_space<hbm>>
          %dma_wait3A_197 = tpu.memref_squeeze %dma_wait3A_196 : memref<1x1x40xi32, #tpu.memory_space<hbm>> -> memref<40xi32, #tpu.memory_space<hbm>>
          %dma_wait3A_198 = arith.constant 0 : i32
          %dma_wait3A_199 = tpu.memref_slice %arg3[%add3A, %add3A_194, %dma_wait3A_198] : memref<32x250x40xi32, #tpu.memory_space<hbm>> -> memref<1x1x40xi32, #tpu.memory_space<hbm>>
          %dma_wait3A_200 = tpu.memref_squeeze %dma_wait3A_199 : memref<1x1x40xi32, #tpu.memory_space<hbm>> -> memref<40xi32, #tpu.memory_space<hbm>>
          tpu.wait_dma2 semaphore(%arg27 : memref<!tpu.dma_semaphore, #tpu.memory_space<semaphore_mem>>) src(%dma_wait3A_200 : memref<40xi32, #tpu.memory_space<hbm>>) dst(%arg10 : memref<40xi32, #tpu.memory_space<vmem>>)
          %dma_wait3A_201 = arith.constant 0 : i32
          %dma_wait3A_202 = tpu.memref_slice %arg4[%add3A, %add3A_194, %dma_wait3A_201] : memref<32x250x40xi32, #tpu.memory_space<hbm>> -> memref<1x1x40xi32, #tpu.memory_space<hbm>>
          %dma_wait3A_203 = tpu.memref_squeeze %dma_wait3A_202 : memref<1x1x40xi32, #tpu.memory_space<hbm>> -> memref<40xi32, #tpu.memory_space<hbm>>
          %dma_wait3A_204 = arith.constant 0 : i32
          %dma_wait3A_205 = tpu.memref_slice %arg4[%add3A, %add3A_194, %dma_wait3A_204] : memref<32x250x40xi32, #tpu.memory_space<hbm>> -> memref<1x1x40xi32, #tpu.memory_space<hbm>>
          %dma_wait3A_206 = tpu.memref_squeeze %dma_wait3A_205 : memref<1x1x40xi32, #tpu.memory_space<hbm>> -> memref<40xi32, #tpu.memory_space<hbm>>
          tpu.wait_dma2 semaphore(%arg27 : memref<!tpu.dma_semaphore, #tpu.memory_space<semaphore_mem>>) src(%dma_wait3A_206 : memref<40xi32, #tpu.memory_space<hbm>>) dst(%arg14 : memref<40xi32, #tpu.memory_space<vmem>>)
          %dma_start3A_207 = arith.constant 0 : i32
          %dma_start3A_208 = arith.constant 0 : i32
          %dma_start3A_209 = tpu.memref_slice %arg2[%dma_start3A_207, %dma_start3A_208] : memref<10000x128xf32, #tpu.memory_space<hbm>> -> memref<10000x128xf32, #tpu.memory_space<hbm>>
          tpu.enqueue_indirect_dma source(%dma_start3A_209 : memref<10000x128xf32, #tpu.memory_space<hbm>>) target(%arg21 : memref<40x128xf32, #tpu.memory_space<vmem>>) offsets(%arg9 : memref<40xi32, #tpu.memory_space<vmem>>) semaphore(%arg30 : memref<!tpu.dma_semaphore, #tpu.memory_space<semaphore_mem>>)
          %dma_start3A_210 = arith.constant 0 : i32
          %dma_start3A_211 = arith.constant 0 : i32
          %dma_start3A_212 = tpu.memref_slice %arg2[%dma_start3A_210, %dma_start3A_211] : memref<10000x128xf32, #tpu.memory_space<hbm>> -> memref<10000x128xf32, #tpu.memory_space<hbm>>
          tpu.enqueue_indirect_dma source(%dma_start3A_212 : memref<10000x128xf32, #tpu.memory_space<hbm>>) target(%arg22 : memref<40x128xf32, #tpu.memory_space<vmem>>) offsets(%arg10 : memref<40xi32, #tpu.memory_space<vmem>>) semaphore(%arg31 : memref<!tpu.dma_semaphore, #tpu.memory_space<semaphore_mem>>)
        } else {
        }
        %add3A_168 = arith.constant 4 : i32
        %add3A_169 = arith.addi %mul3A_148, %add3A_168 : i32
        %lt3A_170 = arith.constant 250 : i32
        %lt3A_171 = arith.cmpi slt, %add3A_169, %lt3A_170 : i32
        %convert_element_type3A_172 = arith.extui %lt3A_171 : i1 to i32
        %cond3A_173 = arith.constant 0 : i32
        %cond3A_174 = arith.cmpi ne, %convert_element_type3A_172, %cond3A_173 : i32
        scf.if %cond3A_174 {
          %add3A_175 = arith.constant 4 : i32
          %add3A_176 = arith.addi %mul3A_148, %add3A_175 : i32
          %dma_start3A_177 = arith.constant 0 : i32
          %dma_start3A_178 = tpu.memref_slice %arg3[%add3A, %add3A_176, %dma_start3A_177] : memref<32x250x40xi32, #tpu.memory_space<hbm>> -> memref<1x1x40xi32, #tpu.memory_space<hbm>>
          %dma_start3A_179 = tpu.memref_squeeze %dma_start3A_178 : memref<1x1x40xi32, #tpu.memory_space<hbm>> -> memref<40xi32, #tpu.memory_space<hbm>>
          %dma_start3A_180 = arith.constant 0 : i32
          %dma_start3A_181 = tpu.memref_slice %arg3[%add3A, %add3A_176, %dma_start3A_180] : memref<32x250x40xi32, #tpu.memory_space<hbm>> -> memref<1x1x40xi32, #tpu.memory_space<hbm>>
          %dma_start3A_182 = tpu.memref_squeeze %dma_start3A_181 : memref<1x1x40xi32, #tpu.memory_space<hbm>> -> memref<40xi32, #tpu.memory_space<hbm>>
          tpu.enqueue_dma source(%dma_start3A_182 : memref<40xi32, #tpu.memory_space<hbm>>) target(%arg7 : memref<40xi32, #tpu.memory_space<vmem>>) target_semaphore(%arg24 : memref<!tpu.dma_semaphore, #tpu.memory_space<semaphore_mem>>)
          %dma_start3A_183 = arith.constant 0 : i32
          %dma_start3A_184 = tpu.memref_slice %arg4[%add3A, %add3A_176, %dma_start3A_183] : memref<32x250x40xi32, #tpu.memory_space<hbm>> -> memref<1x1x40xi32, #tpu.memory_space<hbm>>
          %dma_start3A_185 = tpu.memref_squeeze %dma_start3A_184 : memref<1x1x40xi32, #tpu.memory_space<hbm>> -> memref<40xi32, #tpu.memory_space<hbm>>
          %dma_start3A_186 = arith.constant 0 : i32
          %dma_start3A_187 = tpu.memref_slice %arg4[%add3A, %add3A_176, %dma_start3A_186] : memref<32x250x40xi32, #tpu.memory_space<hbm>> -> memref<1x1x40xi32, #tpu.memory_space<hbm>>
          %dma_start3A_188 = tpu.memref_squeeze %dma_start3A_187 : memref<1x1x40xi32, #tpu.memory_space<hbm>> -> memref<40xi32, #tpu.memory_space<hbm>>
          tpu.enqueue_dma source(%dma_start3A_188 : memref<40xi32, #tpu.memory_space<hbm>>) target(%arg15 : memref<40xi32, #tpu.memory_space<vmem>>) target_semaphore(%arg24 : memref<!tpu.dma_semaphore, #tpu.memory_space<semaphore_mem>>)
          %add3A_189 = arith.constant 5 : i32
          %add3A_190 = arith.addi %mul3A_148, %add3A_189 : i32
          %dma_start3A_191 = arith.constant 0 : i32
          %dma_start3A_192 = tpu.memref_slice %arg3[%add3A, %add3A_190, %dma_start3A_191] : memref<32x250x40xi32, #tpu.memory_space<hbm>> -> memref<1x1x40xi32, #tpu.memory_space<hbm>>
          %dma_start3A_193 = tpu.memref_squeeze %dma_start3A_192 : memref<1x1x40xi32, #tpu.memory_space<hbm>> -> memref<40xi32, #tpu.memory_space<hbm>>
          %dma_start3A_194 = arith.constant 0 : i32
          %dma_start3A_195 = tpu.memref_slice %arg3[%add3A, %add3A_190, %dma_start3A_194] : memref<32x250x40xi32, #tpu.memory_space<hbm>> -> memref<1x1x40xi32, #tpu.memory_space<hbm>>
          %dma_start3A_196 = tpu.memref_squeeze %dma_start3A_195 : memref<1x1x40xi32, #tpu.memory_space<hbm>> -> memref<40xi32, #tpu.memory_space<hbm>>
          tpu.enqueue_dma source(%dma_start3A_196 : memref<40xi32, #tpu.memory_space<hbm>>) target(%arg8 : memref<40xi32, #tpu.memory_space<vmem>>) target_semaphore(%arg25 : memref<!tpu.dma_semaphore, #tpu.memory_space<semaphore_mem>>)
          %dma_start3A_197 = arith.constant 0 : i32
          %dma_start3A_198 = tpu.memref_slice %arg4[%add3A, %add3A_190, %dma_start3A_197] : memref<32x250x40xi32, #tpu.memory_space<hbm>> -> memref<1x1x40xi32, #tpu.memory_space<hbm>>
          %dma_start3A_199 = tpu.memref_squeeze %dma_start3A_198 : memref<1x1x40xi32, #tpu.memory_space<hbm>> -> memref<40xi32, #tpu.memory_space<hbm>>
          %dma_start3A_200 = arith.constant 0 : i32
          %dma_start3A_201 = tpu.memref_slice %arg4[%add3A, %add3A_190, %dma_start3A_200] : memref<32x250x40xi32, #tpu.memory_space<hbm>> -> memref<1x1x40xi32, #tpu.memory_space<hbm>>
          %dma_start3A_202 = tpu.memref_squeeze %dma_start3A_201 : memref<1x1x40xi32, #tpu.memory_space<hbm>> -> memref<40xi32, #tpu.memory_space<hbm>>
          tpu.enqueue_dma source(%dma_start3A_202 : memref<40xi32, #tpu.memory_space<hbm>>) target(%arg16 : memref<40xi32, #tpu.memory_space<vmem>>) target_semaphore(%arg25 : memref<!tpu.dma_semaphore, #tpu.memory_space<semaphore_mem>>)
        } else {
        }
      } else {
      }
      %eq3A_132 = arith.constant 1 : i32
      %eq3A_133 = arith.cmpi eq, %select_n3A_126, %eq3A_132 : i32
      %convert_element_type3A_134 = arith.extui %eq3A_133 : i1 to i32
      %cond3A_135 = arith.constant 0 : i32
      %cond3A_136 = arith.cmpi ne, %convert_element_type3A_134, %cond3A_135 : i32
      scf.if %cond3A_136 {
        %mul3A_147 = arith.constant 2 : i32
        %mul3A_148 = arith.muli %mul3A_147, %scan3A_116 : i32
        %dma_wait3A_149 = arith.constant 0 : i32
        %dma_wait3A_150 = arith.constant 0 : i32
        %dma_wait3A_151 = tpu.memref_slice %arg2[%dma_wait3A_149, %dma_wait3A_150] : memref<10000x128xf32, #tpu.memory_space<hbm>> -> memref<10000x128xf32, #tpu.memory_space<hbm>>
        tpu.wait_indirect_dma semaphore(%arg30 : memref<!tpu.dma_semaphore, #tpu.memory_space<semaphore_mem>>) src(%dma_wait3A_151 : memref<10000x128xf32, #tpu.memory_space<hbm>>) dst(%arg21 : memref<40x128xf32, #tpu.memory_space<vmem>>)
        %dma_start3A_152 = arith.constant 0 : i32
        %dma_start3A_153 = arith.constant 0 : i32
        %dma_start3A_154 = tpu.memref_slice %arg23[%dma_start3A_152, %dma_start3A_153] : memref<10000x128xf32, #tpu.memory_space<vmem_shared>> -> memref<10000x128xf32, #tpu.memory_space<vmem_shared>>
        tpu.enqueue_indirect_dma source(%arg21 : memref<40x128xf32, #tpu.memory_space<vmem>>) target(%dma_start3A_154 : memref<10000x128xf32, #tpu.memory_space<vmem_shared>>) offsets(%arg13 : memref<40xi32, #tpu.memory_space<vmem>>) semaphore(%arg34 : memref<!tpu.dma_semaphore, #tpu.memory_space<semaphore_mem>>) {add = true}
        %dma_wait3A_155 = arith.constant 0 : i32
        %dma_wait3A_156 = arith.constant 0 : i32
        %dma_wait3A_157 = tpu.memref_slice %arg2[%dma_wait3A_155, %dma_wait3A_156] : memref<10000x128xf32, #tpu.memory_space<hbm>> -> memref<10000x128xf32, #tpu.memory_space<hbm>>
        tpu.wait_indirect_dma semaphore(%arg31 : memref<!tpu.dma_semaphore, #tpu.memory_space<semaphore_mem>>) src(%dma_wait3A_157 : memref<10000x128xf32, #tpu.memory_space<hbm>>) dst(%arg22 : memref<40x128xf32, #tpu.memory_space<vmem>>)
        %dma_start3A_158 = arith.constant 0 : i32
        %dma_start3A_159 = arith.constant 0 : i32
        %dma_start3A_160 = tpu.memref_slice %arg23[%dma_start3A_158, %dma_start3A_159] : memref<10000x128xf32, #tpu.memory_space<vmem_shared>> -> memref<10000x128xf32, #tpu.memory_space<vmem_shared>>
        tpu.enqueue_indirect_dma source(%arg22 : memref<40x128xf32, #tpu.memory_space<vmem>>) target(%dma_start3A_160 : memref<10000x128xf32, #tpu.memory_space<vmem_shared>>) offsets(%arg14 : memref<40xi32, #tpu.memory_space<vmem>>) semaphore(%arg35 : memref<!tpu.dma_semaphore, #tpu.memory_space<semaphore_mem>>) {add = true}
        %add3A_161 = arith.constant 2 : i32
        %add3A_162 = arith.addi %mul3A_148, %add3A_161 : i32
        %lt3A_163 = arith.constant 250 : i32
        %lt3A_164 = arith.cmpi slt, %add3A_162, %lt3A_163 : i32
        %convert_element_type3A_165 = arith.extui %lt3A_164 : i1 to i32
        %cond3A_166 = arith.constant 0 : i32
        %cond3A_167 = arith.cmpi ne, %convert_element_type3A_165, %cond3A_166 : i32
        scf.if %cond3A_167 {
          %ge3A = arith.constant 1 : i32
          %ge3A_175 = arith.cmpi sge, %scan3A_116, %ge3A : i32
          %convert_element_type3A_176 = arith.extui %ge3A_175 : i1 to i32
          %cond3A_177 = arith.constant 0 : i32
          %cond3A_178 = arith.cmpi ne, %convert_element_type3A_176, %cond3A_177 : i32
          scf.if %cond3A_178 {
            %dma_wait3A_213 = arith.constant 0 : i32
            %dma_wait3A_214 = arith.constant 0 : i32
            %dma_wait3A_215 = tpu.memref_slice %arg23[%dma_wait3A_213, %dma_wait3A_214] : memref<10000x128xf32, #tpu.memory_space<vmem_shared>> -> memref<10000x128xf32, #tpu.memory_space<vmem_shared>>
            tpu.wait_indirect_dma semaphore(%arg32 : memref<!tpu.dma_semaphore, #tpu.memory_space<semaphore_mem>>) src(%arg19 : memref<40x128xf32, #tpu.memory_space<vmem>>) dst(%dma_wait3A_215 : memref<10000x128xf32, #tpu.memory_space<vmem_shared>>)
            %dma_wait3A_216 = arith.constant 0 : i32
            %dma_wait3A_217 = arith.constant 0 : i32
            %dma_wait3A_218 = tpu.memref_slice %arg23[%dma_wait3A_216, %dma_wait3A_217] : memref<10000x128xf32, #tpu.memory_space<vmem_shared>> -> memref<10000x128xf32, #tpu.memory_space<vmem_shared>>
            tpu.wait_indirect_dma semaphore(%arg33 : memref<!tpu.dma_semaphore, #tpu.memory_space<semaphore_mem>>) src(%arg20 : memref<40x128xf32, #tpu.memory_space<vmem>>) dst(%dma_wait3A_218 : memref<10000x128xf32, #tpu.memory_space<vmem_shared>>)
          } else {
          }
          %add3A_179 = arith.constant 2 : i32
          %add3A_180 = arith.addi %mul3A_148, %add3A_179 : i32
          %dma_wait3A_181 = arith.constant 0 : i32
          %dma_wait3A_182 = tpu.memref_slice %arg3[%add3A, %add3A_180, %dma_wait3A_181] : memref<32x250x40xi32, #tpu.memory_space<hbm>> -> memref<1x1x40xi32, #tpu.memory_space<hbm>>
          %dma_wait3A_183 = tpu.memref_squeeze %dma_wait3A_182 : memref<1x1x40xi32, #tpu.memory_space<hbm>> -> memref<40xi32, #tpu.memory_space<hbm>>
          %dma_wait3A_184 = arith.constant 0 : i32
          %dma_wait3A_185 = tpu.memref_slice %arg3[%add3A, %add3A_180, %dma_wait3A_184] : memref<32x250x40xi32, #tpu.memory_space<hbm>> -> memref<1x1x40xi32, #tpu.memory_space<hbm>>
          %dma_wait3A_186 = tpu.memref_squeeze %dma_wait3A_185 : memref<1x1x40xi32, #tpu.memory_space<hbm>> -> memref<40xi32, #tpu.memory_space<hbm>>
          tpu.wait_dma2 semaphore(%arg24 : memref<!tpu.dma_semaphore, #tpu.memory_space<semaphore_mem>>) src(%dma_wait3A_186 : memref<40xi32, #tpu.memory_space<hbm>>) dst(%arg7 : memref<40xi32, #tpu.memory_space<vmem>>)
          %dma_wait3A_187 = arith.constant 0 : i32
          %dma_wait3A_188 = tpu.memref_slice %arg4[%add3A, %add3A_180, %dma_wait3A_187] : memref<32x250x40xi32, #tpu.memory_space<hbm>> -> memref<1x1x40xi32, #tpu.memory_space<hbm>>
          %dma_wait3A_189 = tpu.memref_squeeze %dma_wait3A_188 : memref<1x1x40xi32, #tpu.memory_space<hbm>> -> memref<40xi32, #tpu.memory_space<hbm>>
          %dma_wait3A_190 = arith.constant 0 : i32
          %dma_wait3A_191 = tpu.memref_slice %arg4[%add3A, %add3A_180, %dma_wait3A_190] : memref<32x250x40xi32, #tpu.memory_space<hbm>> -> memref<1x1x40xi32, #tpu.memory_space<hbm>>
          %dma_wait3A_192 = tpu.memref_squeeze %dma_wait3A_191 : memref<1x1x40xi32, #tpu.memory_space<hbm>> -> memref<40xi32, #tpu.memory_space<hbm>>
          tpu.wait_dma2 semaphore(%arg24 : memref<!tpu.dma_semaphore, #tpu.memory_space<semaphore_mem>>) src(%dma_wait3A_192 : memref<40xi32, #tpu.memory_space<hbm>>) dst(%arg15 : memref<40xi32, #tpu.memory_space<vmem>>)
          %add3A_193 = arith.constant 3 : i32
          %add3A_194 = arith.addi %mul3A_148, %add3A_193 : i32
          %dma_wait3A_195 = arith.constant 0 : i32
          %dma_wait3A_196 = tpu.memref_slice %arg3[%add3A, %add3A_194, %dma_wait3A_195] : memref<32x250x40xi32, #tpu.memory_space<hbm>> -> memref<1x1x40xi32, #tpu.memory_space<hbm>>
          %dma_wait3A_197 = tpu.memref_squeeze %dma_wait3A_196 : memref<1x1x40xi32, #tpu.memory_space<hbm>> -> memref<40xi32, #tpu.memory_space<hbm>>
          %dma_wait3A_198 = arith.constant 0 : i32
          %dma_wait3A_199 = tpu.memref_slice %arg3[%add3A, %add3A_194, %dma_wait3A_198] : memref<32x250x40xi32, #tpu.memory_space<hbm>> -> memref<1x1x40xi32, #tpu.memory_space<hbm>>
          %dma_wait3A_200 = tpu.memref_squeeze %dma_wait3A_199 : memref<1x1x40xi32, #tpu.memory_space<hbm>> -> memref<40xi32, #tpu.memory_space<hbm>>
          tpu.wait_dma2 semaphore(%arg25 : memref<!tpu.dma_semaphore, #tpu.memory_space<semaphore_mem>>) src(%dma_wait3A_200 : memref<40xi32, #tpu.memory_space<hbm>>) dst(%arg8 : memref<40xi32, #tpu.memory_space<vmem>>)
          %dma_wait3A_201 = arith.constant 0 : i32
          %dma_wait3A_202 = tpu.memref_slice %arg4[%add3A, %add3A_194, %dma_wait3A_201] : memref<32x250x40xi32, #tpu.memory_space<hbm>> -> memref<1x1x40xi32, #tpu.memory_space<hbm>>
          %dma_wait3A_203 = tpu.memref_squeeze %dma_wait3A_202 : memref<1x1x40xi32, #tpu.memory_space<hbm>> -> memref<40xi32, #tpu.memory_space<hbm>>
          %dma_wait3A_204 = arith.constant 0 : i32
          %dma_wait3A_205 = tpu.memref_slice %arg4[%add3A, %add3A_194, %dma_wait3A_204] : memref<32x250x40xi32, #tpu.memory_space<hbm>> -> memref<1x1x40xi32, #tpu.memory_space<hbm>>
          %dma_wait3A_206 = tpu.memref_squeeze %dma_wait3A_205 : memref<1x1x40xi32, #tpu.memory_space<hbm>> -> memref<40xi32, #tpu.memory_space<hbm>>
          tpu.wait_dma2 semaphore(%arg25 : memref<!tpu.dma_semaphore, #tpu.memory_space<semaphore_mem>>) src(%dma_wait3A_206 : memref<40xi32, #tpu.memory_space<hbm>>) dst(%arg16 : memref<40xi32, #tpu.memory_space<vmem>>)
          %dma_start3A_207 = arith.constant 0 : i32
          %dma_start3A_208 = arith.constant 0 : i32
          %dma_start3A_209 = tpu.memref_slice %arg2[%dma_start3A_207, %dma_start3A_208] : memref<10000x128xf32, #tpu.memory_space<hbm>> -> memref<10000x128xf32, #tpu.memory_space<hbm>>
          tpu.enqueue_indirect_dma source(%dma_start3A_209 : memref<10000x128xf32, #tpu.memory_space<hbm>>) target(%arg19 : memref<40x128xf32, #tpu.memory_space<vmem>>) offsets(%arg7 : memref<40xi32, #tpu.memory_space<vmem>>) semaphore(%arg28 : memref<!tpu.dma_semaphore, #tpu.memory_space<semaphore_mem>>)
          %dma_start3A_210 = arith.constant 0 : i32
          %dma_start3A_211 = arith.constant 0 : i32
          %dma_start3A_212 = tpu.memref_slice %arg2[%dma_start3A_210, %dma_start3A_211] : memref<10000x128xf32, #tpu.memory_space<hbm>> -> memref<10000x128xf32, #tpu.memory_space<hbm>>
          tpu.enqueue_indirect_dma source(%dma_start3A_212 : memref<10000x128xf32, #tpu.memory_space<hbm>>) target(%arg20 : memref<40x128xf32, #tpu.memory_space<vmem>>) offsets(%arg8 : memref<40xi32, #tpu.memory_space<vmem>>) semaphore(%arg29 : memref<!tpu.dma_semaphore, #tpu.memory_space<semaphore_mem>>)
        } else {
        }
        %add3A_168 = arith.constant 4 : i32
        %add3A_169 = arith.addi %mul3A_148, %add3A_168 : i32
        %lt3A_170 = arith.constant 250 : i32
        %lt3A_171 = arith.cmpi slt, %add3A_169, %lt3A_170 : i32
        %convert_element_type3A_172 = arith.extui %lt3A_171 : i1 to i32
        %cond3A_173 = arith.constant 0 : i32
        %cond3A_174 = arith.cmpi ne, %convert_element_type3A_172, %cond3A_173 : i32
        scf.if %cond3A_174 {
          %add3A_175 = arith.constant 4 : i32
          %add3A_176 = arith.addi %mul3A_148, %add3A_175 : i32
          %dma_start3A_177 = arith.constant 0 : i32
          %dma_start3A_178 = tpu.memref_slice %arg3[%add3A, %add3A_176, %dma_start3A_177] : memref<32x250x40xi32, #tpu.memory_space<hbm>> -> memref<1x1x40xi32, #tpu.memory_space<hbm>>
          %dma_start3A_179 = tpu.memref_squeeze %dma_start3A_178 : memref<1x1x40xi32, #tpu.memory_space<hbm>> -> memref<40xi32, #tpu.memory_space<hbm>>
          %dma_start3A_180 = arith.constant 0 : i32
          %dma_start3A_181 = tpu.memref_slice %arg3[%add3A, %add3A_176, %dma_start3A_180] : memref<32x250x40xi32, #tpu.memory_space<hbm>> -> memref<1x1x40xi32, #tpu.memory_space<hbm>>
          %dma_start3A_182 = tpu.memref_squeeze %dma_start3A_181 : memref<1x1x40xi32, #tpu.memory_space<hbm>> -> memref<40xi32, #tpu.memory_space<hbm>>
          tpu.enqueue_dma source(%dma_start3A_182 : memref<40xi32, #tpu.memory_space<hbm>>) target(%arg9 : memref<40xi32, #tpu.memory_space<vmem>>) target_semaphore(%arg26 : memref<!tpu.dma_semaphore, #tpu.memory_space<semaphore_mem>>)
          %dma_start3A_183 = arith.constant 0 : i32
          %dma_start3A_184 = tpu.memref_slice %arg4[%add3A, %add3A_176, %dma_start3A_183] : memref<32x250x40xi32, #tpu.memory_space<hbm>> -> memref<1x1x40xi32, #tpu.memory_space<hbm>>
          %dma_start3A_185 = tpu.memref_squeeze %dma_start3A_184 : memref<1x1x40xi32, #tpu.memory_space<hbm>> -> memref<40xi32, #tpu.memory_space<hbm>>
          %dma_start3A_186 = arith.constant 0 : i32
          %dma_start3A_187 = tpu.memref_slice %arg4[%add3A, %add3A_176, %dma_start3A_186] : memref<32x250x40xi32, #tpu.memory_space<hbm>> -> memref<1x1x40xi32, #tpu.memory_space<hbm>>
          %dma_start3A_188 = tpu.memref_squeeze %dma_start3A_187 : memref<1x1x40xi32, #tpu.memory_space<hbm>> -> memref<40xi32, #tpu.memory_space<hbm>>
          tpu.enqueue_dma source(%dma_start3A_188 : memref<40xi32, #tpu.memory_space<hbm>>) target(%arg17 : memref<40xi32, #tpu.memory_space<vmem>>) target_semaphore(%arg26 : memref<!tpu.dma_semaphore, #tpu.memory_space<semaphore_mem>>)
          %add3A_189 = arith.constant 5 : i32
          %add3A_190 = arith.addi %mul3A_148, %add3A_189 : i32
          %dma_start3A_191 = arith.constant 0 : i32
          %dma_start3A_192 = tpu.memref_slice %arg3[%add3A, %add3A_190, %dma_start3A_191] : memref<32x250x40xi32, #tpu.memory_space<hbm>> -> memref<1x1x40xi32, #tpu.memory_space<hbm>>
          %dma_start3A_193 = tpu.memref_squeeze %dma_start3A_192 : memref<1x1x40xi32, #tpu.memory_space<hbm>> -> memref<40xi32, #tpu.memory_space<hbm>>
          %dma_start3A_194 = arith.constant 0 : i32
          %dma_start3A_195 = tpu.memref_slice %arg3[%add3A, %add3A_190, %dma_start3A_194] : memref<32x250x40xi32, #tpu.memory_space<hbm>> -> memref<1x1x40xi32, #tpu.memory_space<hbm>>
          %dma_start3A_196 = tpu.memref_squeeze %dma_start3A_195 : memref<1x1x40xi32, #tpu.memory_space<hbm>> -> memref<40xi32, #tpu.memory_space<hbm>>
          tpu.enqueue_dma source(%dma_start3A_196 : memref<40xi32, #tpu.memory_space<hbm>>) target(%arg10 : memref<40xi32, #tpu.memory_space<vmem>>) target_semaphore(%arg27 : memref<!tpu.dma_semaphore, #tpu.memory_space<semaphore_mem>>)
          %dma_start3A_197 = arith.constant 0 : i32
          %dma_start3A_198 = tpu.memref_slice %arg4[%add3A, %add3A_190, %dma_start3A_197] : memref<32x250x40xi32, #tpu.memory_space<hbm>> -> memref<1x1x40xi32, #tpu.memory_space<hbm>>
          %dma_start3A_199 = tpu.memref_squeeze %dma_start3A_198 : memref<1x1x40xi32, #tpu.memory_space<hbm>> -> memref<40xi32, #tpu.memory_space<hbm>>
          %dma_start3A_200 = arith.constant 0 : i32
          %dma_start3A_201 = tpu.memref_slice %arg4[%add3A, %add3A_190, %dma_start3A_200] : memref<32x250x40xi32, #tpu.memory_space<hbm>> -> memref<1x1x40xi32, #tpu.memory_space<hbm>>
          %dma_start3A_202 = tpu.memref_squeeze %dma_start3A_201 : memref<1x1x40xi32, #tpu.memory_space<hbm>> -> memref<40xi32, #tpu.memory_space<hbm>>
          tpu.enqueue_dma source(%dma_start3A_202 : memref<40xi32, #tpu.memory_space<hbm>>) target(%arg18 : memref<40xi32, #tpu.memory_space<vmem>>) target_semaphore(%arg27 : memref<!tpu.dma_semaphore, #tpu.memory_space<semaphore_mem>>)
        } else {
        }
      } else {
      }
      %eq3A_137 = arith.constant 2 : i32
      %eq3A_138 = arith.cmpi eq, %select_n3A_126, %eq3A_137 : i32
      %convert_element_type3A_139 = arith.extui %eq3A_138 : i1 to i32
      %cond3A_140 = arith.constant 0 : i32
      %cond3A_141 = arith.cmpi ne, %convert_element_type3A_139, %cond3A_140 : i32
      scf.if %cond3A_141 {
        %mul3A_147 = arith.constant 2 : i32
        %mul3A_148 = arith.muli %mul3A_147, %scan3A_116 : i32
        %dma_wait3A_149 = arith.constant 0 : i32
        %dma_wait3A_150 = arith.constant 0 : i32
        %dma_wait3A_151 = tpu.memref_slice %arg2[%dma_wait3A_149, %dma_wait3A_150] : memref<10000x128xf32, #tpu.memory_space<hbm>> -> memref<10000x128xf32, #tpu.memory_space<hbm>>
        tpu.wait_indirect_dma semaphore(%arg28 : memref<!tpu.dma_semaphore, #tpu.memory_space<semaphore_mem>>) src(%dma_wait3A_151 : memref<10000x128xf32, #tpu.memory_space<hbm>>) dst(%arg19 : memref<40x128xf32, #tpu.memory_space<vmem>>)
        %dma_start3A_152 = arith.constant 0 : i32
        %dma_start3A_153 = arith.constant 0 : i32
        %dma_start3A_154 = tpu.memref_slice %arg23[%dma_start3A_152, %dma_start3A_153] : memref<10000x128xf32, #tpu.memory_space<vmem_shared>> -> memref<10000x128xf32, #tpu.memory_space<vmem_shared>>
        tpu.enqueue_indirect_dma source(%arg19 : memref<40x128xf32, #tpu.memory_space<vmem>>) target(%dma_start3A_154 : memref<10000x128xf32, #tpu.memory_space<vmem_shared>>) offsets(%arg15 : memref<40xi32, #tpu.memory_space<vmem>>) semaphore(%arg32 : memref<!tpu.dma_semaphore, #tpu.memory_space<semaphore_mem>>) {add = true}
        %dma_wait3A_155 = arith.constant 0 : i32
        %dma_wait3A_156 = arith.constant 0 : i32
        %dma_wait3A_157 = tpu.memref_slice %arg2[%dma_wait3A_155, %dma_wait3A_156] : memref<10000x128xf32, #tpu.memory_space<hbm>> -> memref<10000x128xf32, #tpu.memory_space<hbm>>
        tpu.wait_indirect_dma semaphore(%arg29 : memref<!tpu.dma_semaphore, #tpu.memory_space<semaphore_mem>>) src(%dma_wait3A_157 : memref<10000x128xf32, #tpu.memory_space<hbm>>) dst(%arg20 : memref<40x128xf32, #tpu.memory_space<vmem>>)
        %dma_start3A_158 = arith.constant 0 : i32
        %dma_start3A_159 = arith.constant 0 : i32
        %dma_start3A_160 = tpu.memref_slice %arg23[%dma_start3A_158, %dma_start3A_159] : memref<10000x128xf32, #tpu.memory_space<vmem_shared>> -> memref<10000x128xf32, #tpu.memory_space<vmem_shared>>
        tpu.enqueue_indirect_dma source(%arg20 : memref<40x128xf32, #tpu.memory_space<vmem>>) target(%dma_start3A_160 : memref<10000x128xf32, #tpu.memory_space<vmem_shared>>) offsets(%arg16 : memref<40xi32, #tpu.memory_space<vmem>>) semaphore(%arg33 : memref<!tpu.dma_semaphore, #tpu.memory_space<semaphore_mem>>) {add = true}
        %add3A_161 = arith.constant 2 : i32
        %add3A_162 = arith.addi %mul3A_148, %add3A_161 : i32
        %lt3A_163 = arith.constant 250 : i32
        %lt3A_164 = arith.cmpi slt, %add3A_162, %lt3A_163 : i32
        %convert_element_type3A_165 = arith.extui %lt3A_164 : i1 to i32
        %cond3A_166 = arith.constant 0 : i32
        %cond3A_167 = arith.cmpi ne, %convert_element_type3A_165, %cond3A_166 : i32
        scf.if %cond3A_167 {
          %ge3A = arith.constant 1 : i32
          %ge3A_175 = arith.cmpi sge, %scan3A_116, %ge3A : i32
          %convert_element_type3A_176 = arith.extui %ge3A_175 : i1 to i32
          %cond3A_177 = arith.constant 0 : i32
          %cond3A_178 = arith.cmpi ne, %convert_element_type3A_176, %cond3A_177 : i32
          scf.if %cond3A_178 {
            %dma_wait3A_213 = arith.constant 0 : i32
            %dma_wait3A_214 = arith.constant 0 : i32
            %dma_wait3A_215 = tpu.memref_slice %arg23[%dma_wait3A_213, %dma_wait3A_214] : memref<10000x128xf32, #tpu.memory_space<vmem_shared>> -> memref<10000x128xf32, #tpu.memory_space<vmem_shared>>
            tpu.wait_indirect_dma semaphore(%arg34 : memref<!tpu.dma_semaphore, #tpu.memory_space<semaphore_mem>>) src(%arg21 : memref<40x128xf32, #tpu.memory_space<vmem>>) dst(%dma_wait3A_215 : memref<10000x128xf32, #tpu.memory_space<vmem_shared>>)
            %dma_wait3A_216 = arith.constant 0 : i32
            %dma_wait3A_217 = arith.constant 0 : i32
            %dma_wait3A_218 = tpu.memref_slice %arg23[%dma_wait3A_216, %dma_wait3A_217] : memref<10000x128xf32, #tpu.memory_space<vmem_shared>> -> memref<10000x128xf32, #tpu.memory_space<vmem_shared>>
            tpu.wait_indirect_dma semaphore(%arg35 : memref<!tpu.dma_semaphore, #tpu.memory_space<semaphore_mem>>) src(%arg22 : memref<40x128xf32, #tpu.memory_space<vmem>>) dst(%dma_wait3A_218 : memref<10000x128xf32, #tpu.memory_space<vmem_shared>>)
          } else {
          }
          %add3A_179 = arith.constant 2 : i32
          %add3A_180 = arith.addi %mul3A_148, %add3A_179 : i32
          %dma_wait3A_181 = arith.constant 0 : i32
          %dma_wait3A_182 = tpu.memref_slice %arg3[%add3A, %add3A_180, %dma_wait3A_181] : memref<32x250x40xi32, #tpu.memory_space<hbm>> -> memref<1x1x40xi32, #tpu.memory_space<hbm>>
          %dma_wait3A_183 = tpu.memref_squeeze %dma_wait3A_182 : memref<1x1x40xi32, #tpu.memory_space<hbm>> -> memref<40xi32, #tpu.memory_space<hbm>>
          %dma_wait3A_184 = arith.constant 0 : i32
          %dma_wait3A_185 = tpu.memref_slice %arg3[%add3A, %add3A_180, %dma_wait3A_184] : memref<32x250x40xi32, #tpu.memory_space<hbm>> -> memref<1x1x40xi32, #tpu.memory_space<hbm>>
          %dma_wait3A_186 = tpu.memref_squeeze %dma_wait3A_185 : memref<1x1x40xi32, #tpu.memory_space<hbm>> -> memref<40xi32, #tpu.memory_space<hbm>>
          tpu.wait_dma2 semaphore(%arg26 : memref<!tpu.dma_semaphore, #tpu.memory_space<semaphore_mem>>) src(%dma_wait3A_186 : memref<40xi32, #tpu.memory_space<hbm>>) dst(%arg9 : memref<40xi32, #tpu.memory_space<vmem>>)
          %dma_wait3A_187 = arith.constant 0 : i32
          %dma_wait3A_188 = tpu.memref_slice %arg4[%add3A, %add3A_180, %dma_wait3A_187] : memref<32x250x40xi32, #tpu.memory_space<hbm>> -> memref<1x1x40xi32, #tpu.memory_space<hbm>>
          %dma_wait3A_189 = tpu.memref_squeeze %dma_wait3A_188 : memref<1x1x40xi32, #tpu.memory_space<hbm>> -> memref<40xi32, #tpu.memory_space<hbm>>
          %dma_wait3A_190 = arith.constant 0 : i32
          %dma_wait3A_191 = tpu.memref_slice %arg4[%add3A, %add3A_180, %dma_wait3A_190] : memref<32x250x40xi32, #tpu.memory_space<hbm>> -> memref<1x1x40xi32, #tpu.memory_space<hbm>>
          %dma_wait3A_192 = tpu.memref_squeeze %dma_wait3A_191 : memref<1x1x40xi32, #tpu.memory_space<hbm>> -> memref<40xi32, #tpu.memory_space<hbm>>
          tpu.wait_dma2 semaphore(%arg26 : memref<!tpu.dma_semaphore, #tpu.memory_space<semaphore_mem>>) src(%dma_wait3A_192 : memref<40xi32, #tpu.memory_space<hbm>>) dst(%arg17 : memref<40xi32, #tpu.memory_space<vmem>>)
          %add3A_193 = arith.constant 3 : i32
          %add3A_194 = arith.addi %mul3A_148, %add3A_193 : i32
          %dma_wait3A_195 = arith.constant 0 : i32
          %dma_wait3A_196 = tpu.memref_slice %arg3[%add3A, %add3A_194, %dma_wait3A_195] : memref<32x250x40xi32, #tpu.memory_space<hbm>> -> memref<1x1x40xi32, #tpu.memory_space<hbm>>
          %dma_wait3A_197 = tpu.memref_squeeze %dma_wait3A_196 : memref<1x1x40xi32, #tpu.memory_space<hbm>> -> memref<40xi32, #tpu.memory_space<hbm>>
          %dma_wait3A_198 = arith.constant 0 : i32
          %dma_wait3A_199 = tpu.memref_slice %arg3[%add3A, %add3A_194, %dma_wait3A_198] : memref<32x250x40xi32, #tpu.memory_space<hbm>> -> memref<1x1x40xi32, #tpu.memory_space<hbm>>
          %dma_wait3A_200 = tpu.memref_squeeze %dma_wait3A_199 : memref<1x1x40xi32, #tpu.memory_space<hbm>> -> memref<40xi32, #tpu.memory_space<hbm>>
          tpu.wait_dma2 semaphore(%arg27 : memref<!tpu.dma_semaphore, #tpu.memory_space<semaphore_mem>>) src(%dma_wait3A_200 : memref<40xi32, #tpu.memory_space<hbm>>) dst(%arg10 : memref<40xi32, #tpu.memory_space<vmem>>)
          %dma_wait3A_201 = arith.constant 0 : i32
          %dma_wait3A_202 = tpu.memref_slice %arg4[%add3A, %add3A_194, %dma_wait3A_201] : memref<32x250x40xi32, #tpu.memory_space<hbm>> -> memref<1x1x40xi32, #tpu.memory_space<hbm>>
          %dma_wait3A_203 = tpu.memref_squeeze %dma_wait3A_202 : memref<1x1x40xi32, #tpu.memory_space<hbm>> -> memref<40xi32, #tpu.memory_space<hbm>>
          %dma_wait3A_204 = arith.constant 0 : i32
          %dma_wait3A_205 = tpu.memref_slice %arg4[%add3A, %add3A_194, %dma_wait3A_204] : memref<32x250x40xi32, #tpu.memory_space<hbm>> -> memref<1x1x40xi32, #tpu.memory_space<hbm>>
          %dma_wait3A_206 = tpu.memref_squeeze %dma_wait3A_205 : memref<1x1x40xi32, #tpu.memory_space<hbm>> -> memref<40xi32, #tpu.memory_space<hbm>>
          tpu.wait_dma2 semaphore(%arg27 : memref<!tpu.dma_semaphore, #tpu.memory_space<semaphore_mem>>) src(%dma_wait3A_206 : memref<40xi32, #tpu.memory_space<hbm>>) dst(%arg18 : memref<40xi32, #tpu.memory_space<vmem>>)
          %dma_start3A_207 = arith.constant 0 : i32
          %dma_start3A_208 = arith.constant 0 : i32
          %dma_start3A_209 = tpu.memref_slice %arg2[%dma_start3A_207, %dma_start3A_208] : memref<10000x128xf32, #tpu.memory_space<hbm>> -> memref<10000x128xf32, #tpu.memory_space<hbm>>
          tpu.enqueue_indirect_dma source(%dma_start3A_209 : memref<10000x128xf32, #tpu.memory_space<hbm>>) target(%arg21 : memref<40x128xf32, #tpu.memory_space<vmem>>) offsets(%arg9 : memref<40xi32, #tpu.memory_space<vmem>>) semaphore(%arg30 : memref<!tpu.dma_semaphore, #tpu.memory_space<semaphore_mem>>)
          %dma_start3A_210 = arith.constant 0 : i32
          %dma_start3A_211 = arith.constant 0 : i32
          %dma_start3A_212 = tpu.memref_slice %arg2[%dma_start3A_210, %dma_start3A_211] : memref<10000x128xf32, #tpu.memory_space<hbm>> -> memref<10000x128xf32, #tpu.memory_space<hbm>>
          tpu.enqueue_indirect_dma source(%dma_start3A_212 : memref<10000x128xf32, #tpu.memory_space<hbm>>) target(%arg22 : memref<40x128xf32, #tpu.memory_space<vmem>>) offsets(%arg10 : memref<40xi32, #tpu.memory_space<vmem>>) semaphore(%arg31 : memref<!tpu.dma_semaphore, #tpu.memory_space<semaphore_mem>>)
        } else {
        }
        %add3A_168 = arith.constant 4 : i32
        %add3A_169 = arith.addi %mul3A_148, %add3A_168 : i32
        %lt3A_170 = arith.constant 250 : i32
        %lt3A_171 = arith.cmpi slt, %add3A_169, %lt3A_170 : i32
        %convert_element_type3A_172 = arith.extui %lt3A_171 : i1 to i32
        %cond3A_173 = arith.constant 0 : i32
        %cond3A_174 = arith.cmpi ne, %convert_element_type3A_172, %cond3A_173 : i32
        scf.if %cond3A_174 {
          %add3A_175 = arith.constant 4 : i32
          %add3A_176 = arith.addi %mul3A_148, %add3A_175 : i32
          %dma_start3A_177 = arith.constant 0 : i32
          %dma_start3A_178 = tpu.memref_slice %arg3[%add3A, %add3A_176, %dma_start3A_177] : memref<32x250x40xi32, #tpu.memory_space<hbm>> -> memref<1x1x40xi32, #tpu.memory_space<hbm>>
          %dma_start3A_179 = tpu.memref_squeeze %dma_start3A_178 : memref<1x1x40xi32, #tpu.memory_space<hbm>> -> memref<40xi32, #tpu.memory_space<hbm>>
          %dma_start3A_180 = arith.constant 0 : i32
          %dma_start3A_181 = tpu.memref_slice %arg3[%add3A, %add3A_176, %dma_start3A_180] : memref<32x250x40xi32, #tpu.memory_space<hbm>> -> memref<1x1x40xi32, #tpu.memory_space<hbm>>
          %dma_start3A_182 = tpu.memref_squeeze %dma_start3A_181 : memref<1x1x40xi32, #tpu.memory_space<hbm>> -> memref<40xi32, #tpu.memory_space<hbm>>
          tpu.enqueue_dma source(%dma_start3A_182 : memref<40xi32, #tpu.memory_space<hbm>>) target(%arg7 : memref<40xi32, #tpu.memory_space<vmem>>) target_semaphore(%arg24 : memref<!tpu.dma_semaphore, #tpu.memory_space<semaphore_mem>>)
          %dma_start3A_183 = arith.constant 0 : i32
          %dma_start3A_184 = tpu.memref_slice %arg4[%add3A, %add3A_176, %dma_start3A_183] : memref<32x250x40xi32, #tpu.memory_space<hbm>> -> memref<1x1x40xi32, #tpu.memory_space<hbm>>
          %dma_start3A_185 = tpu.memref_squeeze %dma_start3A_184 : memref<1x1x40xi32, #tpu.memory_space<hbm>> -> memref<40xi32, #tpu.memory_space<hbm>>
          %dma_start3A_186 = arith.constant 0 : i32
          %dma_start3A_187 = tpu.memref_slice %arg4[%add3A, %add3A_176, %dma_start3A_186] : memref<32x250x40xi32, #tpu.memory_space<hbm>> -> memref<1x1x40xi32, #tpu.memory_space<hbm>>
          %dma_start3A_188 = tpu.memref_squeeze %dma_start3A_187 : memref<1x1x40xi32, #tpu.memory_space<hbm>> -> memref<40xi32, #tpu.memory_space<hbm>>
          tpu.enqueue_dma source(%dma_start3A_188 : memref<40xi32, #tpu.memory_space<hbm>>) target(%arg11 : memref<40xi32, #tpu.memory_space<vmem>>) target_semaphore(%arg24 : memref<!tpu.dma_semaphore, #tpu.memory_space<semaphore_mem>>)
          %add3A_189 = arith.constant 5 : i32
          %add3A_190 = arith.addi %mul3A_148, %add3A_189 : i32
          %dma_start3A_191 = arith.constant 0 : i32
          %dma_start3A_192 = tpu.memref_slice %arg3[%add3A, %add3A_190, %dma_start3A_191] : memref<32x250x40xi32, #tpu.memory_space<hbm>> -> memref<1x1x40xi32, #tpu.memory_space<hbm>>
          %dma_start3A_193 = tpu.memref_squeeze %dma_start3A_192 : memref<1x1x40xi32, #tpu.memory_space<hbm>> -> memref<40xi32, #tpu.memory_space<hbm>>
          %dma_start3A_194 = arith.constant 0 : i32
          %dma_start3A_195 = tpu.memref_slice %arg3[%add3A, %add3A_190, %dma_start3A_194] : memref<32x250x40xi32, #tpu.memory_space<hbm>> -> memref<1x1x40xi32, #tpu.memory_space<hbm>>
          %dma_start3A_196 = tpu.memref_squeeze %dma_start3A_195 : memref<1x1x40xi32, #tpu.memory_space<hbm>> -> memref<40xi32, #tpu.memory_space<hbm>>
          tpu.enqueue_dma source(%dma_start3A_196 : memref<40xi32, #tpu.memory_space<hbm>>) target(%arg8 : memref<40xi32, #tpu.memory_space<vmem>>) target_semaphore(%arg25 : memref<!tpu.dma_semaphore, #tpu.memory_space<semaphore_mem>>)
          %dma_start3A_197 = arith.constant 0 : i32
          %dma_start3A_198 = tpu.memref_slice %arg4[%add3A, %add3A_190, %dma_start3A_197] : memref<32x250x40xi32, #tpu.memory_space<hbm>> -> memref<1x1x40xi32, #tpu.memory_space<hbm>>
          %dma_start3A_199 = tpu.memref_squeeze %dma_start3A_198 : memref<1x1x40xi32, #tpu.memory_space<hbm>> -> memref<40xi32, #tpu.memory_space<hbm>>
          %dma_start3A_200 = arith.constant 0 : i32
          %dma_start3A_201 = tpu.memref_slice %arg4[%add3A, %add3A_190, %dma_start3A_200] : memref<32x250x40xi32, #tpu.memory_space<hbm>> -> memref<1x1x40xi32, #tpu.memory_space<hbm>>
          %dma_start3A_202 = tpu.memref_squeeze %dma_start3A_201 : memref<1x1x40xi32, #tpu.memory_space<hbm>> -> memref<40xi32, #tpu.memory_space<hbm>>
          tpu.enqueue_dma source(%dma_start3A_202 : memref<40xi32, #tpu.memory_space<hbm>>) target(%arg12 : memref<40xi32, #tpu.memory_space<vmem>>) target_semaphore(%arg25 : memref<!tpu.dma_semaphore, #tpu.memory_space<semaphore_mem>>)
        } else {
        }
      } else {
      }
      %eq3A_142 = arith.constant 3 : i32
      %eq3A_143 = arith.cmpi eq, %select_n3A_126, %eq3A_142 : i32
      %convert_element_type3A_144 = arith.extui %eq3A_143 : i1 to i32
      %cond3A_145 = arith.constant 0 : i32
      %cond3A_146 = arith.cmpi ne, %convert_element_type3A_144, %cond3A_145 : i32
      scf.if %cond3A_146 {
        %mul3A_147 = arith.constant 2 : i32
        %mul3A_148 = arith.muli %mul3A_147, %scan3A_116 : i32
        %dma_wait3A_149 = arith.constant 0 : i32
        %dma_wait3A_150 = arith.constant 0 : i32
        %dma_wait3A_151 = tpu.memref_slice %arg2[%dma_wait3A_149, %dma_wait3A_150] : memref<10000x128xf32, #tpu.memory_space<hbm>> -> memref<10000x128xf32, #tpu.memory_space<hbm>>
        tpu.wait_indirect_dma semaphore(%arg30 : memref<!tpu.dma_semaphore, #tpu.memory_space<semaphore_mem>>) src(%dma_wait3A_151 : memref<10000x128xf32, #tpu.memory_space<hbm>>) dst(%arg21 : memref<40x128xf32, #tpu.memory_space<vmem>>)
        %dma_start3A_152 = arith.constant 0 : i32
        %dma_start3A_153 = arith.constant 0 : i32
        %dma_start3A_154 = tpu.memref_slice %arg23[%dma_start3A_152, %dma_start3A_153] : memref<10000x128xf32, #tpu.memory_space<vmem_shared>> -> memref<10000x128xf32, #tpu.memory_space<vmem_shared>>
        tpu.enqueue_indirect_dma source(%arg21 : memref<40x128xf32, #tpu.memory_space<vmem>>) target(%dma_start3A_154 : memref<10000x128xf32, #tpu.memory_space<vmem_shared>>) offsets(%arg17 : memref<40xi32, #tpu.memory_space<vmem>>) semaphore(%arg34 : memref<!tpu.dma_semaphore, #tpu.memory_space<semaphore_mem>>) {add = true}
        %dma_wait3A_155 = arith.constant 0 : i32
        %dma_wait3A_156 = arith.constant 0 : i32
        %dma_wait3A_157 = tpu.memref_slice %arg2[%dma_wait3A_155, %dma_wait3A_156] : memref<10000x128xf32, #tpu.memory_space<hbm>> -> memref<10000x128xf32, #tpu.memory_space<hbm>>
        tpu.wait_indirect_dma semaphore(%arg31 : memref<!tpu.dma_semaphore, #tpu.memory_space<semaphore_mem>>) src(%dma_wait3A_157 : memref<10000x128xf32, #tpu.memory_space<hbm>>) dst(%arg22 : memref<40x128xf32, #tpu.memory_space<vmem>>)
        %dma_start3A_158 = arith.constant 0 : i32
        %dma_start3A_159 = arith.constant 0 : i32
        %dma_start3A_160 = tpu.memref_slice %arg23[%dma_start3A_158, %dma_start3A_159] : memref<10000x128xf32, #tpu.memory_space<vmem_shared>> -> memref<10000x128xf32, #tpu.memory_space<vmem_shared>>
        tpu.enqueue_indirect_dma source(%arg22 : memref<40x128xf32, #tpu.memory_space<vmem>>) target(%dma_start3A_160 : memref<10000x128xf32, #tpu.memory_space<vmem_shared>>) offsets(%arg18 : memref<40xi32, #tpu.memory_space<vmem>>) semaphore(%arg35 : memref<!tpu.dma_semaphore, #tpu.memory_space<semaphore_mem>>) {add = true}
        %add3A_161 = arith.constant 2 : i32
        %add3A_162 = arith.addi %mul3A_148, %add3A_161 : i32
        %lt3A_163 = arith.constant 250 : i32
        %lt3A_164 = arith.cmpi slt, %add3A_162, %lt3A_163 : i32
        %convert_element_type3A_165 = arith.extui %lt3A_164 : i1 to i32
        %cond3A_166 = arith.constant 0 : i32
        %cond3A_167 = arith.cmpi ne, %convert_element_type3A_165, %cond3A_166 : i32
        scf.if %cond3A_167 {
          %ge3A = arith.constant 1 : i32
          %ge3A_175 = arith.cmpi sge, %scan3A_116, %ge3A : i32
          %convert_element_type3A_176 = arith.extui %ge3A_175 : i1 to i32
          %cond3A_177 = arith.constant 0 : i32
          %cond3A_178 = arith.cmpi ne, %convert_element_type3A_176, %cond3A_177 : i32
          scf.if %cond3A_178 {
            %dma_wait3A_213 = arith.constant 0 : i32
            %dma_wait3A_214 = arith.constant 0 : i32
            %dma_wait3A_215 = tpu.memref_slice %arg23[%dma_wait3A_213, %dma_wait3A_214] : memref<10000x128xf32, #tpu.memory_space<vmem_shared>> -> memref<10000x128xf32, #tpu.memory_space<vmem_shared>>
            tpu.wait_indirect_dma semaphore(%arg32 : memref<!tpu.dma_semaphore, #tpu.memory_space<semaphore_mem>>) src(%arg19 : memref<40x128xf32, #tpu.memory_space<vmem>>) dst(%dma_wait3A_215 : memref<10000x128xf32, #tpu.memory_space<vmem_shared>>)
            %dma_wait3A_216 = arith.constant 0 : i32
            %dma_wait3A_217 = arith.constant 0 : i32
            %dma_wait3A_218 = tpu.memref_slice %arg23[%dma_wait3A_216, %dma_wait3A_217] : memref<10000x128xf32, #tpu.memory_space<vmem_shared>> -> memref<10000x128xf32, #tpu.memory_space<vmem_shared>>
            tpu.wait_indirect_dma semaphore(%arg33 : memref<!tpu.dma_semaphore, #tpu.memory_space<semaphore_mem>>) src(%arg20 : memref<40x128xf32, #tpu.memory_space<vmem>>) dst(%dma_wait3A_218 : memref<10000x128xf32, #tpu.memory_space<vmem_shared>>)
          } else {
          }
          %add3A_179 = arith.constant 2 : i32
          %add3A_180 = arith.addi %mul3A_148, %add3A_179 : i32
          %dma_wait3A_181 = arith.constant 0 : i32
          %dma_wait3A_182 = tpu.memref_slice %arg3[%add3A, %add3A_180, %dma_wait3A_181] : memref<32x250x40xi32, #tpu.memory_space<hbm>> -> memref<1x1x40xi32, #tpu.memory_space<hbm>>
          %dma_wait3A_183 = tpu.memref_squeeze %dma_wait3A_182 : memref<1x1x40xi32, #tpu.memory_space<hbm>> -> memref<40xi32, #tpu.memory_space<hbm>>
          %dma_wait3A_184 = arith.constant 0 : i32
          %dma_wait3A_185 = tpu.memref_slice %arg3[%add3A, %add3A_180, %dma_wait3A_184] : memref<32x250x40xi32, #tpu.memory_space<hbm>> -> memref<1x1x40xi32, #tpu.memory_space<hbm>>
          %dma_wait3A_186 = tpu.memref_squeeze %dma_wait3A_185 : memref<1x1x40xi32, #tpu.memory_space<hbm>> -> memref<40xi32, #tpu.memory_space<hbm>>
          tpu.wait_dma2 semaphore(%arg24 : memref<!tpu.dma_semaphore, #tpu.memory_space<semaphore_mem>>) src(%dma_wait3A_186 : memref<40xi32, #tpu.memory_space<hbm>>) dst(%arg7 : memref<40xi32, #tpu.memory_space<vmem>>)
          %dma_wait3A_187 = arith.constant 0 : i32
          %dma_wait3A_188 = tpu.memref_slice %arg4[%add3A, %add3A_180, %dma_wait3A_187] : memref<32x250x40xi32, #tpu.memory_space<hbm>> -> memref<1x1x40xi32, #tpu.memory_space<hbm>>
          %dma_wait3A_189 = tpu.memref_squeeze %dma_wait3A_188 : memref<1x1x40xi32, #tpu.memory_space<hbm>> -> memref<40xi32, #tpu.memory_space<hbm>>
          %dma_wait3A_190 = arith.constant 0 : i32
          %dma_wait3A_191 = tpu.memref_slice %arg4[%add3A, %add3A_180, %dma_wait3A_190] : memref<32x250x40xi32, #tpu.memory_space<hbm>> -> memref<1x1x40xi32, #tpu.memory_space<hbm>>
          %dma_wait3A_192 = tpu.memref_squeeze %dma_wait3A_191 : memref<1x1x40xi32, #tpu.memory_space<hbm>> -> memref<40xi32, #tpu.memory_space<hbm>>
          tpu.wait_dma2 semaphore(%arg24 : memref<!tpu.dma_semaphore, #tpu.memory_space<semaphore_mem>>) src(%dma_wait3A_192 : memref<40xi32, #tpu.memory_space<hbm>>) dst(%arg11 : memref<40xi32, #tpu.memory_space<vmem>>)
          %add3A_193 = arith.constant 3 : i32
          %add3A_194 = arith.addi %mul3A_148, %add3A_193 : i32
          %dma_wait3A_195 = arith.constant 0 : i32
          %dma_wait3A_196 = tpu.memref_slice %arg3[%add3A, %add3A_194, %dma_wait3A_195] : memref<32x250x40xi32, #tpu.memory_space<hbm>> -> memref<1x1x40xi32, #tpu.memory_space<hbm>>
          %dma_wait3A_197 = tpu.memref_squeeze %dma_wait3A_196 : memref<1x1x40xi32, #tpu.memory_space<hbm>> -> memref<40xi32, #tpu.memory_space<hbm>>
          %dma_wait3A_198 = arith.constant 0 : i32
          %dma_wait3A_199 = tpu.memref_slice %arg3[%add3A, %add3A_194, %dma_wait3A_198] : memref<32x250x40xi32, #tpu.memory_space<hbm>> -> memref<1x1x40xi32, #tpu.memory_space<hbm>>
          %dma_wait3A_200 = tpu.memref_squeeze %dma_wait3A_199 : memref<1x1x40xi32, #tpu.memory_space<hbm>> -> memref<40xi32, #tpu.memory_space<hbm>>
          tpu.wait_dma2 semaphore(%arg25 : memref<!tpu.dma_semaphore, #tpu.memory_space<semaphore_mem>>) src(%dma_wait3A_200 : memref<40xi32, #tpu.memory_space<hbm>>) dst(%arg8 : memref<40xi32, #tpu.memory_space<vmem>>)
          %dma_wait3A_201 = arith.constant 0 : i32
          %dma_wait3A_202 = tpu.memref_slice %arg4[%add3A, %add3A_194, %dma_wait3A_201] : memref<32x250x40xi32, #tpu.memory_space<hbm>> -> memref<1x1x40xi32, #tpu.memory_space<hbm>>
          %dma_wait3A_203 = tpu.memref_squeeze %dma_wait3A_202 : memref<1x1x40xi32, #tpu.memory_space<hbm>> -> memref<40xi32, #tpu.memory_space<hbm>>
          %dma_wait3A_204 = arith.constant 0 : i32
          %dma_wait3A_205 = tpu.memref_slice %arg4[%add3A, %add3A_194, %dma_wait3A_204] : memref<32x250x40xi32, #tpu.memory_space<hbm>> -> memref<1x1x40xi32, #tpu.memory_space<hbm>>
          %dma_wait3A_206 = tpu.memref_squeeze %dma_wait3A_205 : memref<1x1x40xi32, #tpu.memory_space<hbm>> -> memref<40xi32, #tpu.memory_space<hbm>>
          tpu.wait_dma2 semaphore(%arg25 : memref<!tpu.dma_semaphore, #tpu.memory_space<semaphore_mem>>) src(%dma_wait3A_206 : memref<40xi32, #tpu.memory_space<hbm>>) dst(%arg12 : memref<40xi32, #tpu.memory_space<vmem>>)
          %dma_start3A_207 = arith.constant 0 : i32
          %dma_start3A_208 = arith.constant 0 : i32
          %dma_start3A_209 = tpu.memref_slice %arg2[%dma_start3A_207, %dma_start3A_208] : memref<10000x128xf32, #tpu.memory_space<hbm>> -> memref<10000x128xf32, #tpu.memory_space<hbm>>
          tpu.enqueue_indirect_dma source(%dma_start3A_209 : memref<10000x128xf32, #tpu.memory_space<hbm>>) target(%arg19 : memref<40x128xf32, #tpu.memory_space<vmem>>) offsets(%arg7 : memref<40xi32, #tpu.memory_space<vmem>>) semaphore(%arg28 : memref<!tpu.dma_semaphore, #tpu.memory_space<semaphore_mem>>)
          %dma_start3A_210 = arith.constant 0 : i32
          %dma_start3A_211 = arith.constant 0 : i32
          %dma_start3A_212 = tpu.memref_slice %arg2[%dma_start3A_210, %dma_start3A_211] : memref<10000x128xf32, #tpu.memory_space<hbm>> -> memref<10000x128xf32, #tpu.memory_space<hbm>>
          tpu.enqueue_indirect_dma source(%dma_start3A_212 : memref<10000x128xf32, #tpu.memory_space<hbm>>) target(%arg20 : memref<40x128xf32, #tpu.memory_space<vmem>>) offsets(%arg8 : memref<40xi32, #tpu.memory_space<vmem>>) semaphore(%arg29 : memref<!tpu.dma_semaphore, #tpu.memory_space<semaphore_mem>>)
        } else {
        }
        %add3A_168 = arith.constant 4 : i32
        %add3A_169 = arith.addi %mul3A_148, %add3A_168 : i32
        %lt3A_170 = arith.constant 250 : i32
        %lt3A_171 = arith.cmpi slt, %add3A_169, %lt3A_170 : i32
        %convert_element_type3A_172 = arith.extui %lt3A_171 : i1 to i32
        %cond3A_173 = arith.constant 0 : i32
        %cond3A_174 = arith.cmpi ne, %convert_element_type3A_172, %cond3A_173 : i32
        scf.if %cond3A_174 {
          %add3A_175 = arith.constant 4 : i32
          %add3A_176 = arith.addi %mul3A_148, %add3A_175 : i32
          %dma_start3A_177 = arith.constant 0 : i32
          %dma_start3A_178 = tpu.memref_slice %arg3[%add3A, %add3A_176, %dma_start3A_177] : memref<32x250x40xi32, #tpu.memory_space<hbm>> -> memref<1x1x40xi32, #tpu.memory_space<hbm>>
          %dma_start3A_179 = tpu.memref_squeeze %dma_start3A_178 : memref<1x1x40xi32, #tpu.memory_space<hbm>> -> memref<40xi32, #tpu.memory_space<hbm>>
          %dma_start3A_180 = arith.constant 0 : i32
          %dma_start3A_181 = tpu.memref_slice %arg3[%add3A, %add3A_176, %dma_start3A_180] : memref<32x250x40xi32, #tpu.memory_space<hbm>> -> memref<1x1x40xi32, #tpu.memory_space<hbm>>
          %dma_start3A_182 = tpu.memref_squeeze %dma_start3A_181 : memref<1x1x40xi32, #tpu.memory_space<hbm>> -> memref<40xi32, #tpu.memory_space<hbm>>
          tpu.enqueue_dma source(%dma_start3A_182 : memref<40xi32, #tpu.memory_space<hbm>>) target(%arg9 : memref<40xi32, #tpu.memory_space<vmem>>) target_semaphore(%arg26 : memref<!tpu.dma_semaphore, #tpu.memory_space<semaphore_mem>>)
          %dma_start3A_183 = arith.constant 0 : i32
          %dma_start3A_184 = tpu.memref_slice %arg4[%add3A, %add3A_176, %dma_start3A_183] : memref<32x250x40xi32, #tpu.memory_space<hbm>> -> memref<1x1x40xi32, #tpu.memory_space<hbm>>
          %dma_start3A_185 = tpu.memref_squeeze %dma_start3A_184 : memref<1x1x40xi32, #tpu.memory_space<hbm>> -> memref<40xi32, #tpu.memory_space<hbm>>
          %dma_start3A_186 = arith.constant 0 : i32
          %dma_start3A_187 = tpu.memref_slice %arg4[%add3A, %add3A_176, %dma_start3A_186] : memref<32x250x40xi32, #tpu.memory_space<hbm>> -> memref<1x1x40xi32, #tpu.memory_space<hbm>>
          %dma_start3A_188 = tpu.memref_squeeze %dma_start3A_187 : memref<1x1x40xi32, #tpu.memory_space<hbm>> -> memref<40xi32, #tpu.memory_space<hbm>>
          tpu.enqueue_dma source(%dma_start3A_188 : memref<40xi32, #tpu.memory_space<hbm>>) target(%arg13 : memref<40xi32, #tpu.memory_space<vmem>>) target_semaphore(%arg26 : memref<!tpu.dma_semaphore, #tpu.memory_space<semaphore_mem>>)
          %add3A_189 = arith.constant 5 : i32
          %add3A_190 = arith.addi %mul3A_148, %add3A_189 : i32
          %dma_start3A_191 = arith.constant 0 : i32
          %dma_start3A_192 = tpu.memref_slice %arg3[%add3A, %add3A_190, %dma_start3A_191] : memref<32x250x40xi32, #tpu.memory_space<hbm>> -> memref<1x1x40xi32, #tpu.memory_space<hbm>>
          %dma_start3A_193 = tpu.memref_squeeze %dma_start3A_192 : memref<1x1x40xi32, #tpu.memory_space<hbm>> -> memref<40xi32, #tpu.memory_space<hbm>>
          %dma_start3A_194 = arith.constant 0 : i32
          %dma_start3A_195 = tpu.memref_slice %arg3[%add3A, %add3A_190, %dma_start3A_194] : memref<32x250x40xi32, #tpu.memory_space<hbm>> -> memref<1x1x40xi32, #tpu.memory_space<hbm>>
          %dma_start3A_196 = tpu.memref_squeeze %dma_start3A_195 : memref<1x1x40xi32, #tpu.memory_space<hbm>> -> memref<40xi32, #tpu.memory_space<hbm>>
          tpu.enqueue_dma source(%dma_start3A_196 : memref<40xi32, #tpu.memory_space<hbm>>) target(%arg10 : memref<40xi32, #tpu.memory_space<vmem>>) target_semaphore(%arg27 : memref<!tpu.dma_semaphore, #tpu.memory_space<semaphore_mem>>)
          %dma_start3A_197 = arith.constant 0 : i32
          %dma_start3A_198 = tpu.memref_slice %arg4[%add3A, %add3A_190, %dma_start3A_197] : memref<32x250x40xi32, #tpu.memory_space<hbm>> -> memref<1x1x40xi32, #tpu.memory_space<hbm>>
          %dma_start3A_199 = tpu.memref_squeeze %dma_start3A_198 : memref<1x1x40xi32, #tpu.memory_space<hbm>> -> memref<40xi32, #tpu.memory_space<hbm>>
          %dma_start3A_200 = arith.constant 0 : i32
          %dma_start3A_201 = tpu.memref_slice %arg4[%add3A, %add3A_190, %dma_start3A_200] : memref<32x250x40xi32, #tpu.memory_space<hbm>> -> memref<1x1x40xi32, #tpu.memory_space<hbm>>
          %dma_start3A_202 = tpu.memref_squeeze %dma_start3A_201 : memref<1x1x40xi32, #tpu.memory_space<hbm>> -> memref<40xi32, #tpu.memory_space<hbm>>
          tpu.enqueue_dma source(%dma_start3A_202 : memref<40xi32, #tpu.memory_space<hbm>>) target(%arg14 : memref<40xi32, #tpu.memory_space<vmem>>) target_semaphore(%arg27 : memref<!tpu.dma_semaphore, #tpu.memory_space<semaphore_mem>>)
        } else {
        }
      } else {
      }
    }
    %scan3A_97 = arith.constant 125 : i32
    %dma_wait3A_98 = arith.constant 0 : i32
    %dma_wait3A_99 = arith.constant 0 : i32
    %dma_wait3A_100 = tpu.memref_slice %arg23[%dma_wait3A_98, %dma_wait3A_99] : memref<10000x128xf32, #tpu.memory_space<vmem_shared>> -> memref<10000x128xf32, #tpu.memory_space<vmem_shared>>
    tpu.wait_indirect_dma semaphore(%arg34 : memref<!tpu.dma_semaphore, #tpu.memory_space<semaphore_mem>>) src(%arg21 : memref<40x128xf32, #tpu.memory_space<vmem>>) dst(%dma_wait3A_100 : memref<10000x128xf32, #tpu.memory_space<vmem_shared>>)
    %dma_wait3A_101 = arith.constant 0 : i32
    %dma_wait3A_102 = arith.constant 0 : i32
    %dma_wait3A_103 = tpu.memref_slice %arg23[%dma_wait3A_101, %dma_wait3A_102] : memref<10000x128xf32, #tpu.memory_space<vmem_shared>> -> memref<10000x128xf32, #tpu.memory_space<vmem_shared>>
    tpu.wait_indirect_dma semaphore(%arg35 : memref<!tpu.dma_semaphore, #tpu.memory_space<semaphore_mem>>) src(%arg22 : memref<40x128xf32, #tpu.memory_space<vmem>>) dst(%dma_wait3A_103 : memref<10000x128xf32, #tpu.memory_space<vmem_shared>>)
    %dma_wait3A_104 = arith.constant 0 : i32
    %dma_wait3A_105 = arith.constant 0 : i32
    %dma_wait3A_106 = tpu.memref_slice %arg23[%dma_wait3A_104, %dma_wait3A_105] : memref<10000x128xf32, #tpu.memory_space<vmem_shared>> -> memref<10000x128xf32, #tpu.memory_space<vmem_shared>>
    tpu.wait_indirect_dma semaphore(%arg32 : memref<!tpu.dma_semaphore, #tpu.memory_space<semaphore_mem>>) src(%arg19 : memref<40x128xf32, #tpu.memory_space<vmem>>) dst(%dma_wait3A_106 : memref<10000x128xf32, #tpu.memory_space<vmem_shared>>)
    %dma_wait3A_107 = arith.constant 0 : i32
    %dma_wait3A_108 = arith.constant 0 : i32
    %dma_wait3A_109 = tpu.memref_slice %arg23[%dma_wait3A_107, %dma_wait3A_108] : memref<10000x128xf32, #tpu.memory_space<vmem_shared>> -> memref<10000x128xf32, #tpu.memory_space<vmem_shared>>
    tpu.wait_indirect_dma semaphore(%arg33 : memref<!tpu.dma_semaphore, #tpu.memory_space<semaphore_mem>>) src(%arg20 : memref<40x128xf32, #tpu.memory_space<vmem>>) dst(%dma_wait3A_109 : memref<10000x128xf32, #tpu.memory_space<vmem_shared>>)
    %barrier3A_110 = arith.constant 0 : index
    tpu.barrier barrier_id(%barrier3A_110)
    "tpu.region"() ({
      %run_scoped3A = tpu.sem_alloc : memref<!tpu.dma_semaphore, #tpu.memory_space<semaphore_mem>>
      %dma_start3A_116 = arith.constant 0 : i32
      %dma_start3A_117 = tpu.memref_slice %arg6[%arg0, %mul3A_2, %dma_start3A_116] : memref<2x10000x128xf32, #tpu.memory_space<hbm>> -> memref<1x624x128xf32, #tpu.memory_space<hbm>>
      %dma_start3A_118 = tpu.memref_squeeze %dma_start3A_117 : memref<1x624x128xf32, #tpu.memory_space<hbm>> -> memref<624x128xf32, #tpu.memory_space<hbm>>
      %dma_start3A_119 = arith.constant 0 : i32
      %dma_start3A_120 = tpu.memref_slice %arg23[%mul3A_2, %dma_start3A_119] : memref<10000x128xf32, #tpu.memory_space<vmem_shared>> -> memref<624x128xf32, #tpu.memory_space<vmem_shared>>
      tpu.enqueue_dma source(%dma_start3A_120 : memref<624x128xf32, #tpu.memory_space<vmem_shared>>) target(%dma_start3A_118 : memref<624x128xf32, #tpu.memory_space<hbm>>) target_semaphore(%run_scoped3A : memref<!tpu.dma_semaphore, #tpu.memory_space<semaphore_mem>>)
      %dma_wait3A_121 = arith.constant 0 : i32
      %dma_wait3A_122 = tpu.memref_slice %arg6[%arg0, %mul3A_2, %dma_wait3A_121] : memref<2x10000x128xf32, #tpu.memory_space<hbm>> -> memref<1x624x128xf32, #tpu.memory_space<hbm>>
      %dma_wait3A_123 = tpu.memref_squeeze %dma_wait3A_122 : memref<1x624x128xf32, #tpu.memory_space<hbm>> -> memref<624x128xf32, #tpu.memory_space<hbm>>
      %dma_wait3A_124 = arith.constant 0 : i32
      %dma_wait3A_125 = tpu.memref_slice %arg23[%mul3A_2, %dma_wait3A_124] : memref<10000x128xf32, #tpu.memory_space<vmem_shared>> -> memref<624x128xf32, #tpu.memory_space<vmem_shared>>
      tpu.wait_dma2 semaphore(%run_scoped3A : memref<!tpu.dma_semaphore, #tpu.memory_space<semaphore_mem>>) src(%dma_wait3A_125 : memref<624x128xf32, #tpu.memory_space<vmem_shared>>) dst(%dma_wait3A_123 : memref<624x128xf32, #tpu.memory_space<hbm>>)
      tpu.yield
    }) : () -> ()
    %eq3A_111 = arith.constant 0 : i32
    %eq3A_112 = arith.cmpi eq, %arg1, %eq3A_111 : i32
    %convert_element_type3A_113 = arith.extui %eq3A_112 : i1 to i32
    %cond3A_114 = arith.constant 0 : i32
    %cond3A_115 = arith.cmpi ne, %convert_element_type3A_113, %cond3A_114 : i32
    scf.if %cond3A_115 {
      "tpu.region"() ({
        %run_scoped3A = tpu.sem_alloc : memref<!tpu.dma_semaphore, #tpu.memory_space<semaphore_mem>>
        %dma_start3A_116 = arith.constant 9984 : i32
        %dma_start3A_117 = arith.constant 0 : i32
        %dma_start3A_118 = tpu.memref_slice %arg6[%arg0, %dma_start3A_116, %dma_start3A_117] : memref<2x10000x128xf32, #tpu.memory_space<hbm>> -> memref<1x16x128xf32, #tpu.memory_space<hbm>>
        %dma_start3A_119 = tpu.memref_squeeze %dma_start3A_118 : memref<1x16x128xf32, #tpu.memory_space<hbm>> -> memref<16x128xf32, #tpu.memory_space<hbm>>
        %dma_start3A_120 = arith.constant 9984 : i32
        %dma_start3A_121 = arith.constant 0 : i32
        %dma_start3A_122 = tpu.memref_slice %arg23[%dma_start3A_120, %dma_start3A_121] : memref<10000x128xf32, #tpu.memory_space<vmem_shared>> -> memref<16x128xf32, #tpu.memory_space<vmem_shared>>
        tpu.enqueue_dma source(%dma_start3A_122 : memref<16x128xf32, #tpu.memory_space<vmem_shared>>) target(%dma_start3A_119 : memref<16x128xf32, #tpu.memory_space<hbm>>) target_semaphore(%run_scoped3A : memref<!tpu.dma_semaphore, #tpu.memory_space<semaphore_mem>>)
        %dma_wait3A_123 = arith.constant 9984 : i32
        %dma_wait3A_124 = arith.constant 0 : i32
        %dma_wait3A_125 = tpu.memref_slice %arg6[%arg0, %dma_wait3A_123, %dma_wait3A_124] : memref<2x10000x128xf32, #tpu.memory_space<hbm>> -> memref<1x16x128xf32, #tpu.memory_space<hbm>>
        %dma_wait3A_126 = tpu.memref_squeeze %dma_wait3A_125 : memref<1x16x128xf32, #tpu.memory_space<hbm>> -> memref<16x128xf32, #tpu.memory_space<hbm>>
        %dma_wait3A_127 = arith.constant 9984 : i32
        %dma_wait3A_128 = arith.constant 0 : i32
        %dma_wait3A_129 = tpu.memref_slice %arg23[%dma_wait3A_127, %dma_wait3A_128] : memref<10000x128xf32, #tpu.memory_space<vmem_shared>> -> memref<16x128xf32, #tpu.memory_space<vmem_shared>>
        tpu.wait_dma2 semaphore(%run_scoped3A : memref<!tpu.dma_semaphore, #tpu.memory_space<semaphore_mem>>) src(%dma_wait3A_129 : memref<16x128xf32, #tpu.memory_space<vmem_shared>>) dst(%dma_wait3A_126 : memref<16x128xf32, #tpu.memory_space<hbm>>)
        tpu.yield
      }) : () -> ()
    } else {
    }
    return
  }
}

module attributes {stable_mosaic.version = 14 : i64} {
  func.func @_dense1_body(%arg0: i32, %arg1: memref<1000x128xf32, #tpu.memory_space<vmem>>, %arg2: memref<128x128xf32, #tpu.memory_space<vmem>>, %arg3: memref<2x1000x1xf32, #tpu.memory_space<vmem>>, %arg4: memref<1000x128xf32, #tpu.memory_space<vmem>>) attributes {dimension_semantics = [#tpu.dimension_semantics<arbitrary>], iteration_bounds = array<i64: 10>, scalar_prefetch = 0 : i64, scratch_operands = 0 : i64, tpu.core_type = #tpu.core_type<tc>, window_params = [{transform_indices = @transform_0, window_bounds = array<i64: 1000, 128>}, {pipeline_mode = #tpu.pipeline_mode<synchronous>, transform_indices = @transform_1, window_bounds = array<i64: 128, 128>}, {transform_indices = @transform_2, window_bounds = array<i64: 2, 1000, 1>}, {transform_indices = @transform_3, window_bounds = array<i64: 1000, 128>}]} {
    %get3A = arith.constant 0 : index
    %get3A_0 = arith.constant 0 : index
    %get3A_1 = arith.constant 0 : index
    %get3A_2 = vector.load %arg3[%get3A, %get3A_0, %get3A_1] : memref<2x1000x1xf32, #tpu.memory_space<vmem>>, vector<1x1000x1xf32>
    %get3A_3 = vector.shape_cast %get3A_2 : vector<1x1000x1xf32> to vector<1000x1xf32>
    %get3A_4 = arith.constant 1 : index
    %get3A_5 = arith.constant 0 : index
    %get3A_6 = arith.constant 0 : index
    %get3A_7 = vector.load %arg3[%get3A_4, %get3A_5, %get3A_6] : memref<2x1000x1xf32, #tpu.memory_space<vmem>>, vector<1x1000x1xf32>
    %get3A_8 = vector.shape_cast %get3A_7 : vector<1x1000x1xf32> to vector<1000x1xf32>
    %add3A = arith.addf %get3A_3, %get3A_8 : vector<1000x1xf32>
    %max3A = arith.constant 1.000000e+00 : f32
    %max3A_9 = vector.broadcast %max3A : f32 to vector<1000x1xf32>
    %max3A_10 = arith.maximumf %add3A, %max3A_9 : vector<1000x1xf32>
    %rsqrt3A = math.rsqrt %max3A_10 : vector<1000x1xf32>
    %get3A_11 = arith.constant 0 : index
    %get3A_12 = arith.constant 0 : index
    %get3A_13 = vector.load %arg1[%get3A_11, %get3A_12] : memref<1000x128xf32, #tpu.memory_space<vmem>>, vector<1000x128xf32>
    %get3A_14 = arith.constant 0 : index
    %get3A_15 = arith.constant 0 : index
    %get3A_16 = vector.load %arg2[%get3A_14, %get3A_15] : memref<128x128xf32, #tpu.memory_space<vmem>>, vector<128x128xf32>
    %dot_general3A = arith.constant dense<0.000000e+00> : vector<1000x128xf32>
    %dot_general3A_17 = tpu.matmul %get3A_13, %get3A_16, %dot_general3A {dimension_numbers = #tpu.dot_dimension_numbers<[1], [0], [0], [1], [0, 0, 1, 1], [], []>, transpose_lhs_hint = false} : vector<1000x128xf32>, vector<128x128xf32>, vector<1000x128xf32> -> vector<1000x128xf32>
    %mul3A = vector.broadcast %rsqrt3A : vector<1000x1xf32> to vector<1000x128xf32>
    %mul3A_18 = arith.mulf %dot_general3A_17, %mul3A : vector<1000x128xf32>
    %swap3A = arith.constant 0 : index
    %swap3A_19 = arith.constant 0 : index
    %swap3A_20 = vector.load %arg4[%swap3A, %swap3A_19] : memref<1000x128xf32, #tpu.memory_space<vmem>>, vector<1000x128xf32>
    tpu.vector_store %arg4[%swap3A, %swap3A_19], %mul3A_18 {strides = array<i32>} : memref<1000x128xf32, #tpu.memory_space<vmem>>, vector<1000x128xf32>,
    return
  }
  func.func @transform_0(%arg0: i32) -> (i32, i32) {
    %c0_i32 = arith.constant 0 : i32
    %c0_i32_0 = arith.constant 0 : i32
    return %arg0, %c0_i32 : i32, i32
  }
  func.func @transform_1(%arg0: i32) -> (i32, i32) {
    %c0_i32 = arith.constant 0 : i32
    %c0_i32_0 = arith.constant 0 : i32
    %c0_i32_1 = arith.constant 0 : i32
    return %c0_i32, %c0_i32_0 : i32, i32
  }
  func.func @transform_2(%arg0: i32) -> (i32, i32, i32) {
    %c0_i32 = arith.constant 0 : i32
    %c0_i32_0 = arith.constant 0 : i32
    %c0_i32_1 = arith.constant 0 : i32
    return %c0_i32, %arg0, %c0_i32_0 : i32, i32, i32
  }
  func.func @transform_3(%arg0: i32) -> (i32, i32) {
    %c0_i32 = arith.constant 0 : i32
    %c0_i32_0 = arith.constant 0 : i32
    return %arg0, %c0_i32 : i32, i32
  }
}

module attributes {stable_mosaic.version = 14 : i64} {
  func.func @_dense2_body(%arg0: i32, %arg1: memref<2x1000x128xf32, #tpu.memory_space<vmem>>, %arg2: memref<2x1000x1xf32, #tpu.memory_space<vmem>>, %arg3: memref<2x1000x1xf32, #tpu.memory_space<vmem>>, %arg4: memref<1x128xf32, #tpu.memory_space<vmem>>, %arg5: memref<128x128xf32, #tpu.memory_space<vmem>>, %arg6: memref<1000x128xf32, #tpu.memory_space<vmem>>) attributes {dimension_semantics = [#tpu.dimension_semantics<arbitrary>], iteration_bounds = array<i64: 10>, scalar_prefetch = 0 : i64, scratch_operands = 0 : i64, tpu.core_type = #tpu.core_type<tc>, window_params = [{transform_indices = @transform_0, window_bounds = array<i64: 2, 1000, 128>}, {transform_indices = @transform_1, window_bounds = array<i64: 2, 1000, 1>}, {transform_indices = @transform_2, window_bounds = array<i64: 2, 1000, 1>}, {pipeline_mode = #tpu.pipeline_mode<synchronous>, transform_indices = @transform_3, window_bounds = array<i64: 1, 128>}, {pipeline_mode = #tpu.pipeline_mode<synchronous>, transform_indices = @transform_4, window_bounds = array<i64: 128, 128>}, {transform_indices = @transform_5, window_bounds = array<i64: 1000, 128>}]} {
    %get3A = arith.constant 0 : index
    %get3A_0 = arith.constant 0 : index
    %get3A_1 = arith.constant 0 : index
    %get3A_2 = vector.load %arg1[%get3A, %get3A_0, %get3A_1] : memref<2x1000x128xf32, #tpu.memory_space<vmem>>, vector<1x1000x128xf32>
    %get3A_3 = vector.shape_cast %get3A_2 : vector<1x1000x128xf32> to vector<1000x128xf32>
    %get3A_4 = arith.constant 1 : index
    %get3A_5 = arith.constant 0 : index
    %get3A_6 = arith.constant 0 : index
    %get3A_7 = vector.load %arg1[%get3A_4, %get3A_5, %get3A_6] : memref<2x1000x128xf32, #tpu.memory_space<vmem>>, vector<1x1000x128xf32>
    %get3A_8 = vector.shape_cast %get3A_7 : vector<1x1000x128xf32> to vector<1000x128xf32>
    %add3A = arith.addf %get3A_3, %get3A_8 : vector<1000x128xf32>
    %get3A_9 = arith.constant 0 : index
    %get3A_10 = arith.constant 0 : index
    %get3A_11 = arith.constant 0 : index
    %get3A_12 = vector.load %arg2[%get3A_9, %get3A_10, %get3A_11] : memref<2x1000x1xf32, #tpu.memory_space<vmem>>, vector<1x1000x1xf32>
    %get3A_13 = vector.shape_cast %get3A_12 : vector<1x1000x1xf32> to vector<1000x1xf32>
    %get3A_14 = arith.constant 1 : index
    %get3A_15 = arith.constant 0 : index
    %get3A_16 = arith.constant 0 : index
    %get3A_17 = vector.load %arg2[%get3A_14, %get3A_15, %get3A_16] : memref<2x1000x1xf32, #tpu.memory_space<vmem>>, vector<1x1000x1xf32>
    %get3A_18 = vector.shape_cast %get3A_17 : vector<1x1000x1xf32> to vector<1000x1xf32>
    %add3A_19 = arith.addf %get3A_13, %get3A_18 : vector<1000x1xf32>
    %max3A = arith.constant 1.000000e+00 : f32
    %max3A_20 = vector.broadcast %max3A : f32 to vector<1000x1xf32>
    %max3A_21 = arith.maximumf %add3A_19, %max3A_20 : vector<1000x1xf32>
    %rsqrt3A = math.rsqrt %max3A_21 : vector<1000x1xf32>
    %mul3A = vector.broadcast %rsqrt3A : vector<1000x1xf32> to vector<1000x128xf32>
    %mul3A_22 = arith.mulf %add3A, %mul3A : vector<1000x128xf32>
    %get3A_23 = arith.constant 0 : index
    %get3A_24 = arith.constant 0 : index
    %get3A_25 = vector.load %arg4[%get3A_23, %get3A_24] : memref<1x128xf32, #tpu.memory_space<vmem>>, vector<1x128xf32>
    %add3A_26 = vector.broadcast %get3A_25 : vector<1x128xf32> to vector<1000x128xf32>
    %add3A_27 = arith.addf %mul3A_22, %add3A_26 : vector<1000x128xf32>
    %gt3A = arith.constant 0.000000e+00 : f32
    %gt3A_28 = vector.broadcast %gt3A : f32 to vector<1000x128xf32>
    %gt3A_29 = arith.cmpf ogt, %add3A_27, %gt3A_28 : vector<1000x128xf32>
    %exp3A = math.exp %add3A_27 : vector<1000x128xf32>
    %sub3A = arith.constant 1.000000e+00 : f32
    %sub3A_30 = vector.broadcast %sub3A : f32 to vector<1000x128xf32>
    %sub3A_31 = arith.subf %exp3A, %sub3A_30 : vector<1000x128xf32>
    %select_n3A = arith.select %gt3A_29, %add3A_27, %sub3A_31 : vector<1000x128xi1>, vector<1000x128xf32>
    %get3A_32 = arith.constant 0 : index
    %get3A_33 = arith.constant 0 : index
    %get3A_34 = arith.constant 0 : index
    %get3A_35 = vector.load %arg3[%get3A_32, %get3A_33, %get3A_34] : memref<2x1000x1xf32, #tpu.memory_space<vmem>>, vector<1x1000x1xf32>
    %get3A_36 = vector.shape_cast %get3A_35 : vector<1x1000x1xf32> to vector<1000x1xf32>
    %get3A_37 = arith.constant 1 : index
    %get3A_38 = arith.constant 0 : index
    %get3A_39 = arith.constant 0 : index
    %get3A_40 = vector.load %arg3[%get3A_37, %get3A_38, %get3A_39] : memref<2x1000x1xf32, #tpu.memory_space<vmem>>, vector<1x1000x1xf32>
    %get3A_41 = vector.shape_cast %get3A_40 : vector<1x1000x1xf32> to vector<1000x1xf32>
    %add3A_42 = arith.addf %get3A_36, %get3A_41 : vector<1000x1xf32>
    %max3A_43 = arith.constant 1.000000e+00 : f32
    %max3A_44 = vector.broadcast %max3A_43 : f32 to vector<1000x1xf32>
    %max3A_45 = arith.maximumf %add3A_42, %max3A_44 : vector<1000x1xf32>
    %rsqrt3A_46 = math.rsqrt %max3A_45 : vector<1000x1xf32>
    %get3A_47 = arith.constant 0 : index
    %get3A_48 = arith.constant 0 : index
    %get3A_49 = vector.load %arg5[%get3A_47, %get3A_48] : memref<128x128xf32, #tpu.memory_space<vmem>>, vector<128x128xf32>
    %dot_general3A = arith.constant dense<0.000000e+00> : vector<1000x128xf32>
    %dot_general3A_50 = tpu.matmul %select_n3A, %get3A_49, %dot_general3A {dimension_numbers = #tpu.dot_dimension_numbers<[1], [0], [0], [1], [0, 0, 1, 1], [], []>, transpose_lhs_hint = false} : vector<1000x128xf32>, vector<128x128xf32>, vector<1000x128xf32> -> vector<1000x128xf32>
    %mul3A_51 = vector.broadcast %rsqrt3A_46 : vector<1000x1xf32> to vector<1000x128xf32>
    %mul3A_52 = arith.mulf %dot_general3A_50, %mul3A_51 : vector<1000x128xf32>
    %swap3A = arith.constant 0 : index
    %swap3A_53 = arith.constant 0 : index
    %swap3A_54 = vector.load %arg6[%swap3A, %swap3A_53] : memref<1000x128xf32, #tpu.memory_space<vmem>>, vector<1000x128xf32>
    tpu.vector_store %arg6[%swap3A, %swap3A_53], %mul3A_52 {strides = array<i32>} : memref<1000x128xf32, #tpu.memory_space<vmem>>, vector<1000x128xf32>,
    return
  }
  func.func @transform_0(%arg0: i32) -> (i32, i32, i32) {
    %c0_i32 = arith.constant 0 : i32
    %c0_i32_0 = arith.constant 0 : i32
    %c0_i32_1 = arith.constant 0 : i32
    return %c0_i32, %arg0, %c0_i32_0 : i32, i32, i32
  }
  func.func @transform_1(%arg0: i32) -> (i32, i32, i32) {
    %c0_i32 = arith.constant 0 : i32
    %c0_i32_0 = arith.constant 0 : i32
    %c0_i32_1 = arith.constant 0 : i32
    return %c0_i32, %arg0, %c0_i32_0 : i32, i32, i32
  }
  func.func @transform_2(%arg0: i32) -> (i32, i32, i32) {
    %c0_i32 = arith.constant 0 : i32
    %c0_i32_0 = arith.constant 0 : i32
    %c0_i32_1 = arith.constant 0 : i32
    return %c0_i32, %arg0, %c0_i32_0 : i32, i32, i32
  }
  func.func @transform_3(%arg0: i32) -> (i32, i32) {
    %c0_i32 = arith.constant 0 : i32
    %c0_i32_0 = arith.constant 0 : i32
    %c0_i32_1 = arith.constant 0 : i32
    return %c0_i32, %c0_i32_0 : i32, i32
  }
  func.func @transform_4(%arg0: i32) -> (i32, i32) {
    %c0_i32 = arith.constant 0 : i32
    %c0_i32_0 = arith.constant 0 : i32
    %c0_i32_1 = arith.constant 0 : i32
    return %c0_i32, %c0_i32_0 : i32, i32
  }
  func.func @transform_5(%arg0: i32) -> (i32, i32) {
    %c0_i32 = arith.constant 0 : i32
    %c0_i32_0 = arith.constant 0 : i32
    return %arg0, %c0_i32 : i32, i32
  }
}

module attributes {stable_mosaic.version = 14 : i64} {
  func.func @_final_body(%arg0: i32, %arg1: memref<2x1000x128xf32, #tpu.memory_space<vmem>>, %arg2: memref<2x1000x1xf32, #tpu.memory_space<vmem>>, %arg3: memref<1x128xf32, #tpu.memory_space<vmem>>, %arg4: memref<128x64xf32, #tpu.memory_space<vmem>>, %arg5: memref<1x64xf32, #tpu.memory_space<vmem>>, %arg6: memref<1x64xf32, #tpu.memory_space<vmem>>, %arg7: memref<1x128xf32, #tpu.memory_space<vmem>>) attributes {dimension_semantics = [#tpu.dimension_semantics<arbitrary>], iteration_bounds = array<i64: 10>, scalar_prefetch = 0 : i64, scratch_operands = 1 : i64, tpu.core_type = #tpu.core_type<tc>, window_params = [{transform_indices = @transform_0, window_bounds = array<i64: 2, 1000, 128>}, {transform_indices = @transform_1, window_bounds = array<i64: 2, 1000, 1>}, {pipeline_mode = #tpu.pipeline_mode<synchronous>, transform_indices = @transform_2, window_bounds = array<i64: 1, 128>}, {pipeline_mode = #tpu.pipeline_mode<synchronous>, transform_indices = @transform_3, window_bounds = array<i64: 128, 64>}, {pipeline_mode = #tpu.pipeline_mode<synchronous>, transform_indices = @transform_4, window_bounds = array<i64: 1, 64>}, {pipeline_mode = #tpu.pipeline_mode<synchronous>, transform_indices = @transform_5, window_bounds = array<i64: 1, 64>}]} {
    %eq3A = arith.constant 0 : i32
    %eq3A_0 = arith.cmpi eq, %arg0, %eq3A : i32
    %convert_element_type3A = arith.extui %eq3A_0 : i1 to i32
    %cond3A = arith.constant 0 : i32
    %cond3A_1 = arith.cmpi ne, %convert_element_type3A, %cond3A : i32
    scf.if %cond3A_1 {
      %broadcast_in_dim3A_46 = arith.constant 0.000000e+00 : f32
      %broadcast_in_dim3A_47 = vector.broadcast %broadcast_in_dim3A_46 : f32 to vector<1x128xf32>
      %swap3A_48 = arith.constant 0 : index
      %swap3A_49 = arith.constant 0 : index
      %swap3A_50 = vector.load %arg7[%swap3A_48, %swap3A_49] : memref<1x128xf32, #tpu.memory_space<vmem>>, vector<1x128xf32>
      tpu.vector_store %arg7[%swap3A_48, %swap3A_49], %broadcast_in_dim3A_47 {strides = array<i32>} : memref<1x128xf32, #tpu.memory_space<vmem>>, vector<1x128xf32>,
    } else {
    }
    %get3A = arith.constant 0 : index
    %get3A_2 = arith.constant 0 : index
    %get3A_3 = arith.constant 0 : index
    %get3A_4 = vector.load %arg1[%get3A, %get3A_2, %get3A_3] : memref<2x1000x128xf32, #tpu.memory_space<vmem>>, vector<1x1000x128xf32>
    %get3A_5 = vector.shape_cast %get3A_4 : vector<1x1000x128xf32> to vector<1000x128xf32>
    %get3A_6 = arith.constant 1 : index
    %get3A_7 = arith.constant 0 : index
    %get3A_8 = arith.constant 0 : index
    %get3A_9 = vector.load %arg1[%get3A_6, %get3A_7, %get3A_8] : memref<2x1000x128xf32, #tpu.memory_space<vmem>>, vector<1x1000x128xf32>
    %get3A_10 = vector.shape_cast %get3A_9 : vector<1x1000x128xf32> to vector<1000x128xf32>
    %add3A = arith.addf %get3A_5, %get3A_10 : vector<1000x128xf32>
    %get3A_11 = arith.constant 0 : index
    %get3A_12 = arith.constant 0 : index
    %get3A_13 = arith.constant 0 : index
    %get3A_14 = vector.load %arg2[%get3A_11, %get3A_12, %get3A_13] : memref<2x1000x1xf32, #tpu.memory_space<vmem>>, vector<1x1000x1xf32>
    %get3A_15 = vector.shape_cast %get3A_14 : vector<1x1000x1xf32> to vector<1000x1xf32>
    %get3A_16 = arith.constant 1 : index
    %get3A_17 = arith.constant 0 : index
    %get3A_18 = arith.constant 0 : index
    %get3A_19 = vector.load %arg2[%get3A_16, %get3A_17, %get3A_18] : memref<2x1000x1xf32, #tpu.memory_space<vmem>>, vector<1x1000x1xf32>
    %get3A_20 = vector.shape_cast %get3A_19 : vector<1x1000x1xf32> to vector<1000x1xf32>
    %add3A_21 = arith.addf %get3A_15, %get3A_20 : vector<1000x1xf32>
    %max3A = arith.constant 1.000000e+00 : f32
    %max3A_22 = vector.broadcast %max3A : f32 to vector<1000x1xf32>
    %max3A_23 = arith.maximumf %add3A_21, %max3A_22 : vector<1000x1xf32>
    %rsqrt3A = math.rsqrt %max3A_23 : vector<1000x1xf32>
    %mul3A = vector.broadcast %rsqrt3A : vector<1000x1xf32> to vector<1000x128xf32>
    %mul3A_24 = arith.mulf %add3A, %mul3A : vector<1000x128xf32>
    %get3A_25 = arith.constant 0 : index
    %get3A_26 = arith.constant 0 : index
    %get3A_27 = vector.load %arg3[%get3A_25, %get3A_26] : memref<1x128xf32, #tpu.memory_space<vmem>>, vector<1x128xf32>
    %add3A_28 = vector.broadcast %get3A_27 : vector<1x128xf32> to vector<1000x128xf32>
    %add3A_29 = arith.addf %mul3A_24, %add3A_28 : vector<1000x128xf32>
    %gt3A = arith.constant 0.000000e+00 : f32
    %gt3A_30 = vector.broadcast %gt3A : f32 to vector<1000x128xf32>
    %gt3A_31 = arith.cmpf ogt, %add3A_29, %gt3A_30 : vector<1000x128xf32>
    %exp3A = math.exp %add3A_29 : vector<1000x128xf32>
    %sub3A = arith.constant 1.000000e+00 : f32
    %sub3A_32 = vector.broadcast %sub3A : f32 to vector<1000x128xf32>
    %sub3A_33 = arith.subf %exp3A, %sub3A_32 : vector<1000x128xf32>
    %select_n3A = arith.select %gt3A_31, %add3A_29, %sub3A_33 : vector<1000x128xi1>, vector<1000x128xf32>
    %get3A_34 = arith.constant 0 : index
    %get3A_35 = arith.constant 0 : index
    %get3A_36 = vector.load %arg7[%get3A_34, %get3A_35] : memref<1x128xf32, #tpu.memory_space<vmem>>, vector<1x128xf32>
    %reduce_sum3A = arith.constant dense<0.000000e+00> : vector<128xf32>
    %reduce_sum3A_37 = vector.multi_reduction <add>, %select_n3A, %reduce_sum3A [0] : vector<1000x128xf32> to vector<128xf32>
    %broadcast_in_dim3A = vector.shape_cast %reduce_sum3A_37 : vector<128xf32> to vector<1x128xf32>
    %add3A_38 = arith.addf %get3A_36, %broadcast_in_dim3A : vector<1x128xf32>
    %swap3A = arith.constant 0 : index
    %swap3A_39 = arith.constant 0 : index
    %swap3A_40 = vector.load %arg7[%swap3A, %swap3A_39] : memref<1x128xf32, #tpu.memory_space<vmem>>, vector<1x128xf32>
    tpu.vector_store %arg7[%swap3A, %swap3A_39], %add3A_38 {strides = array<i32>} : memref<1x128xf32, #tpu.memory_space<vmem>>, vector<1x128xf32>,
    %eq3A_41 = arith.constant 9 : i32
    %eq3A_42 = arith.cmpi eq, %arg0, %eq3A_41 : i32
    %convert_element_type3A_43 = arith.extui %eq3A_42 : i1 to i32
    %cond3A_44 = arith.constant 0 : i32
    %cond3A_45 = arith.cmpi ne, %convert_element_type3A_43, %cond3A_44 : i32
    scf.if %cond3A_45 {
      %get3A_46 = arith.constant 0 : index
      %get3A_47 = arith.constant 0 : index
      %get3A_48 = vector.load %arg7[%get3A_46, %get3A_47] : memref<1x128xf32, #tpu.memory_space<vmem>>, vector<1x128xf32>
      %mul3A_49 = arith.constant 9.99999974E-5 : f32
      %mul3A_50 = vector.broadcast %mul3A_49 : f32 to vector<1x128xf32>
      %mul3A_51 = arith.mulf %get3A_48, %mul3A_50 : vector<1x128xf32>
      %get3A_52 = arith.constant 0 : index
      %get3A_53 = arith.constant 0 : index
      %get3A_54 = vector.load %arg4[%get3A_52, %get3A_53] : memref<128x64xf32, #tpu.memory_space<vmem>>, vector<128x64xf32>
      %dot_general3A = arith.constant dense<0.000000e+00> : vector<1x64xf32>
      %dot_general3A_55 = tpu.matmul %mul3A_51, %get3A_54, %dot_general3A {dimension_numbers = #tpu.dot_dimension_numbers<[1], [0], [0], [1], [0, 0, 1, 1], [], []>, transpose_lhs_hint = false} : vector<1x128xf32>, vector<128x64xf32>, vector<1x64xf32> -> vector<1x64xf32>
      %get3A_56 = arith.constant 0 : index
      %get3A_57 = arith.constant 0 : index
      %get3A_58 = vector.load %arg5[%get3A_56, %get3A_57] : memref<1x64xf32, #tpu.memory_space<vmem>>, vector<1x64xf32>
      %add3A_59 = arith.addf %dot_general3A_55, %get3A_58 : vector<1x64xf32>
      %swap3A_60 = arith.constant 0 : index
      %swap3A_61 = arith.constant 0 : index
      %swap3A_62 = vector.load %arg6[%swap3A_60, %swap3A_61] : memref<1x64xf32, #tpu.memory_space<vmem>>, vector<1x64xf32>
      tpu.vector_store %arg6[%swap3A_60, %swap3A_61], %add3A_59 {strides = array<i32>} : memref<1x64xf32, #tpu.memory_space<vmem>>, vector<1x64xf32>,
    } else {
    }
    return
  }
  func.func @transform_0(%arg0: i32) -> (i32, i32, i32) {
    %c0_i32 = arith.constant 0 : i32
    %c0_i32_0 = arith.constant 0 : i32
    %c0_i32_1 = arith.constant 0 : i32
    return %c0_i32, %arg0, %c0_i32_0 : i32, i32, i32
  }
  func.func @transform_1(%arg0: i32) -> (i32, i32, i32) {
    %c0_i32 = arith.constant 0 : i32
    %c0_i32_0 = arith.constant 0 : i32
    %c0_i32_1 = arith.constant 0 : i32
    return %c0_i32, %arg0, %c0_i32_0 : i32, i32, i32
  }
  func.func @transform_2(%arg0: i32) -> (i32, i32) {
    %c0_i32 = arith.constant 0 : i32
    %c0_i32_0 = arith.constant 0 : i32
    %c0_i32_1 = arith.constant 0 : i32
    return %c0_i32, %c0_i32_0 : i32, i32
  }
  func.func @transform_3(%arg0: i32) -> (i32, i32) {
    %c0_i32 = arith.constant 0 : i32
    %c0_i32_0 = arith.constant 0 : i32
    %c0_i32_1 = arith.constant 0 : i32
    return %c0_i32, %c0_i32_0 : i32, i32
  }
  func.func @transform_4(%arg0: i32) -> (i32, i32) {
    %c0_i32 = arith.constant 0 : i32
    %c0_i32_0 = arith.constant 0 : i32
    %c0_i32_1 = arith.constant 0 : i32
    return %c0_i32, %c0_i32_0 : i32, i32
  }
  func.func @transform_5(%arg0: i32) -> (i32, i32) {
    %c0_i32 = arith.constant 0 : i32
    %c0_i32_0 = arith.constant 0 : i32
    %c0_i32_1 = arith.constant 0 : i32
    return %c0_i32, %c0_i32_0 : i32, i32
  }
}

</mosaic_0001>

<sc_bundles>
// kernel: kernel.11.cloned.1.call-start
scs
__scs_entry_jumppad:
0x0: {  	(pc) =	sbr.rel $0x88, $3  }
0x1: {  	(tag) =	ssettag $0x0;
	lr =	simm.s32 $0x1  }
0x2: {  	[smem:$0x3F99] =	sst lr;
	_ =	strace $0xD0000000  }
0x3: {  	_ = 	snop  }
0x4: {  	_ = 	snop  }
0x5: {  	_ = 	snop  }
0x6: {  	_ = 	snop  }
0x7: {  	_ = 	snop  }
__scs_overlays_trampoline_lowered:
0x8: {  	[smem:$0x3FA8] =	sst s0  }
0x9: {  	[smem:$0x3FA9] =	sst s1  }
0xa: {  	[smem:$0x3FAA] =	sst s2  }
0xb: {  	[smem:$0x3FAB] =	sst s3  }
0xc: {  	[smem:$0x3FAC] =	sst s4  }
0xd: {  	[smem:$0x3FAD] =	sst s5  }
0xe: {  	[smem:$0x3FAE] =	sst s6  }
0xf: {  	[smem:$0x3FAF] =	sst s7  }
0x10: {  	[smem:$0x3FB0] =	sst s8  }
0x11: {  	[smem:$0x3FB1] =	sst s9;
	s0 =	simm.s32 @!p0 $0x0  }
0x12: {  	s1 =	sld [smem:$0x3F97];
	s0 =	simm.s32 @p0 $0x1  }
0x13: {  	[smem:$0x3FB2] =	sst s0;
	s0 =	simm.s32 @!p1 $0x0  }
0x14: {  	s2 =	sld [smem:$0x3F96];
	s0 =	simm.s32 @p1 $0x1  }
0x15: {  	[smem:$0x3FB3] =	sst s0;
	s0 =	simm.s32 @!p2 $0x0  }
0x16: {  	s3 =	sld [smem:$0x3FDB];
	s0 =	simm.s32 @p2 $0x1  }
0x17: {  	s4 =	simm.s32 $0x1BF5;
	[smem:$0x3FB5] =	sst s0  }
0x18: {  	s0 =	sld [smem:$0x3F98];
	_ =	swait.ge [sflag:s4], $0x0  }
0x19: {  	s7 =	sld [smem:$0x3F99]  }
0x1a: {  	s8 =	sadd.s32 $0xFFFFE003, lr  }
0x1b: {  	s9 =	sadd.s32 $0xFFFFFEF7, lr;
	s5 =	simm.s32 $0xFFFFFFFF;
	p2 =	slt.u32 s8, $0xFFFFF086  }
0x1c: {  	p1 =	slt.u32 s9, $0xF7A;
	s5 =	simm.s32 @!p2 $0x0  }
0x1d: {  	s5 =	simm.s32 @p1 $0x1;
	p0 =	seq.s32 s7, s2  }
0x1e: {  	s7 =	smul.u32 @!p0 $0xF7A, s2;
	p2 =	seq.s32 @!p0 s5, $0x0  }
0x1f: {  	s9 =	smul.u32 $0xF7A, s1;
	s8 =	simm.s32 @!p0 $0x1BF5;
	p2 =	por !p2, p0  }
0x20: {  	[sflag:s8] =	ssyncset.s32 @!p0 $0xFFFFF086;
	s6 =	sadd.s32 @!p0 s3, s7;
	s7 =	simm.s32 @!p0 $0x108  }
0x21: {  	s3 =	sadd.s32 s3, s9;
	s6 =	sadd.s32 @!p0 $0x88, s6;
	s7 =	simm.s32 @p2 $0x1082  }
0x22: {  	[simem:s7], [sflag:s8] =	dma.local @!p0 [hbm:s6], $0xF7A  }
0x23: {  	s9 =	sor.u32 $0xD0000000, s2;
	s6 =	simm.s32 $0x108;
	_ =	swait.ge @!p0 [sflag:s8], $0x0  }
0x24: {  	s3 =	sadd.s32 $0x88, s3;
	s6 =	simm.s32 @!p1 $0x1082;
	[sflag:s4] =	ssyncset.s32 $0xFFFFF086  }
0x25: {  	[simem:s6], [sflag:s4] =	dma.local [hbm:s3], $0xF7A  }
0x26: {  	[smem:$0x3F99] =	sst s1;
	(tag) =	ssettag s2;
	_ =	strace s9  }
0x27: {  	s1 =	sld [smem:$0x3FA9]  }
0x28: {  	s2 =	sld [smem:$0x3FAA]  }
0x29: {  	s4 =	sld [smem:$0x3FAC]  }
0x2a: {  	p0 =	seq.s32 s5, $0x0;
	s5 =	sld [smem:$0x3FAD]  }
0x2b: {  	s6 =	sld [smem:$0x3FAE]  }
0x2c: {  	s7 =	sld [smem:$0x3FAF]  }
0x2d: {  	s3 =	simm.s32 $0x108;
	s8 =	sld [smem:$0x3FB0]  }
0x2e: {  	s3 =	simm.s32 @!p0 $0x1082;
	s9 =	sld [smem:$0x3FB1]  }
0x2f: {  	lr =	sadd.s32 s0, s3;
	s0 =	sld [smem:$0x3FA8]  }
0x30: {  	s3 =	sld [smem:$0x3FAB]  }
0x31: {  	[smem:$0x3FB4] =	sst s10  }
0x32: {  	s10 =	sld [smem:$0x3FB2];
	_ =	sdelay $0x3  }
0x33: {  	p0 =	seq.s32 s10, $0x1;
	s10 =	sld [smem:$0x3FB4];
	_ =	sdelay $0x3  }
0x34: {  	[smem:$0x3FB4] =	sst s10  }
0x35: {  	s10 =	sld [smem:$0x3FB3];
	_ =	sdelay $0x3  }
0x36: {  	p1 =	seq.s32 s10, $0x1;
	s10 =	sld [smem:$0x3FB4];
	_ =	sdelay $0x3  }
0x37: {  	[smem:$0x3FB4] =	sst s10  }
0x38: {  	s10 =	sld [smem:$0x3FB5]  }
0x39: {  	_ = 	snop;
	(pc) =	sbr.ind lr, $3  }
0x3a: {  	_ = 	snop  }
0x3b: {  	_ = 	snop  }
0x3c: {  	p2 =	seq.s32 s10, $0x1;
	s10 =	sld [smem:$0x3FB4]  }
0x3d: {  	_ =	shalt  }
0x3e: {  	_ =	shalt  }
0x3f: {  	_ =	shalt  }
0x40: {  	_ =	shalt  }
0x41: {  	_ =	shalt  }
0x42: {  	_ =	shalt  }
0x43: {  	_ =	shalt  }
0x44: {  	_ =	shalt  }
0x45: {  	_ =	shalt  }
0x46: {  	_ =	shalt  }
0x47: {  	_ =	shalt  }
0x48: {  	_ =	shalt  }
0x49: {  	_ =	shalt  }
0x4a: {  	_ =	shalt  }
0x4b: {  	_ =	shalt  }
0x4c: {  	_ =	shalt  }
0x4d: {  	_ =	shalt  }
0x4e: {  	_ =	shalt  }
0x4f: {  	_ =	shalt  }
0x50: {  	_ =	shalt  }
0x51: {  	_ =	shalt  }
0x52: {  	_ =	shalt  }
0x53: {  	_ =	shalt  }
0x54: {  	_ =	shalt  }
0x55: {  	_ =	shalt  }
0x56: {  	_ =	shalt  }
0x57: {  	_ =	shalt  }
0x58: {  	_ =	shalt  }
0x59: {  	_ =	shalt  }
0x5a: {  	_ =	shalt  }
0x5b: {  	_ =	shalt  }
0x5c: {  	_ =	shalt  }
0x5d: {  	_ =	shalt  }
0x5e: {  	_ =	shalt  }
0x5f: {  	_ =	shalt  }
0x60: {  	_ =	shalt  }
0x61: {  	_ =	shalt  }
0x62: {  	_ =	shalt  }
0x63: {  	_ =	shalt  }
0x64: {  	_ =	shalt  }
0x65: {  	_ =	shalt  }
0x66: {  	_ =	shalt  }
0x67: {  	_ =	shalt  }
0x68: {  	_ =	shalt  }
0x69: {  	_ =	shalt  }
0x6a: {  	_ =	shalt  }
0x6b: {  	_ =	shalt  }
0x6c: {  	_ =	shalt  }
0x6d: {  	_ =	shalt  }
0x6e: {  	_ =	shalt  }
0x6f: {  	_ =	shalt  }
0x70: {  	_ =	shalt  }
0x71: {  	_ =	shalt  }
0x72: {  	_ =	shalt  }
0x73: {  	_ =	shalt  }
0x74: {  	_ =	shalt  }
0x75: {  	_ =	shalt  }
0x76: {  	_ =	shalt  }
0x77: {  	_ =	shalt  }
0x78: {  	_ =	shalt  }
0x79: {  	_ =	shalt  }
0x7a: {  	_ =	shalt  }
0x7b: {  	_ =	shalt  }
0x7c: {  	_ =	shalt  }
0x7d: {  	_ =	shalt  }
0x7e: {  	_ =	shalt  }
0x7f: {  	_ =	shalt  }
0x80: {  	_ =	shalt  }
0x81: {  	_ =	shalt  }
0x82: {  	_ =	shalt  }
0x83: {  	_ =	shalt  }
0x84: {  	_ =	shalt  }
0x85: {  	_ =	shalt  }
0x86: {  	_ =	shalt  }
0x87: {  	_ =	shalt  }
.Lfunc_end0:
.L_simem_size_0:
called_computation.1_lowered:
.L_overlay_start_0:
0x88: {  	s2 =	sld [smem:$0x3FD9]  }
0x89: {  	s3 =	sld [smem:$0x3FFE];
	_ =	sdelay $0x1  }
0x8a: {  	s1 =	srdreg.scid  }
0x8b: {  	s0 =	sand.u32 $0x1, s1  }
0x8c: {  	s16 =	sshll.u32 s0, $0xA;
	s2 =	sadd.s32 s3, s2  }
0x8d: {  	s2 =	sadd.s32 s2, s16  }
0x8e: {  	[smem:$0x3FC0] =	sst s2  }
0x8f: {  	_ = 	snop  }
0x90: {  	(tm) =	ssettm $0x1  }
0x91: {  	s17 =	sld [smem:$0x3FFB];
	_ =	sdelay $0x3  }
0x92: {  	_ =	strace s17  }
0x93: {  	s2 =	sld [smem:$0x3FFC];
	_ =	sdelay $0x3  }
0x94: {  	_ =	strace s2  }
0x95: {  	s2 =	sld [smem:$0x3FFD];
	_ =	sdelay $0x3  }
0x96: {  	_ =	strace s2  }
0x97: {  	_ =	strace $0x8FFFFFFF  }
0x98: {  	s18 =	sld [smem:$0x3FDB];
	_ =	sdelay $0x1  }
0x99: {  	s19 =	simm.s32 $_scs_section_size  }
0x9a: {  	s4 =	simm.s32 $_size__tile_overlayer_lowered;
	s5 =	simm.s32 $_tile_overlayer_lowered  }
0x9b: {  	s22 =	simm.s32 $0x1BFF;
	s21 =	sshll.u32 s5, $0x1;
	s2 =	sadd.s32 s19, s18  }
0x9c: {  	s6 =	simm.s32 $0x0;
	s20 =	sshll.u32 s4, $0x1;
	s4 =	sadd.s32 s21, s2  }
0x9d: {  	[timem:s6], [sflag:s22] =	dma.local [hbm:s4], s20  }
0x9e: {  	_ =	swait.ge [sflag:s22], s20  }
0x9f: {  	s3 =	ssub.s32 $0x0, s20;
	[sflag:s22] =	ssyncset.done $0x0  }
0xa0: {  	[sflag:s22] =	ssyncadd.s32 s3;
	_ =	sdelay $0x1  }
0xa1: {  	s23 =	simm.s32 $0x1B8B  }
0xa2: {  	_ =	swait.ge [sflag:s23], $0x1  }
0xa3: {  	[sflag:s23] =	ssyncset.done $0x0  }
0xa4: {  	s25 =	simm.s32 $0x1B8E;
	s24 =	sld [smem:$0x3FFE];
	[sflag:s23] =	ssyncadd.s32 $0xFFFFFFFF  }
0xa5: {  	s26 =	simm.s32 $execute0_lowered;
	[smem:$0x3FD2] =	sst s25  }
0xa6: {  	s4 =	sshll.u32 s26, $0x1;
	_ =	strace $0x80000049;
	[dreg:$0x1] =	wrdreg $0xFFFFFFFF  }
0xa7: {  	s28 =	simm.s32 $_size_execute0_lowered;
	s2 =	sadd.s32 s2, s4;
	[dreg:$0x0] =	wrdreg $0x0  }
0xa8: {  	s4 =	sshll.u32 s28, $0x1;
	[dreg:$0x2] =	wrdreg s2  }
0xa9: {  	[dreg:$0x3] =	wrdreg s4  }
0xaa: {  	[dreg:$0x4] =	wrdreg $0xC0  }
0xab: {  	_ =	task [dreg:s6], $0x5FFFF  }
0xac: {  	[dreg:$0x1] =	wrdreg $0xFFFFFFFF  }
0xad: {  	[dreg:$0x0] =	wrdreg $0x60  }
0xae: {  	[dreg:$0x2] =	wrdreg s24  }
0xaf: {  	[dreg:$0x3] =	wrdreg $0x56000  }
0xb0: {  	[dreg:$0x4] =	wrdreg $0x9  }
0xb1: {  	_ =	task.clear_ibuf [dreg:s6], $0x5FFFF;
	_ =	strace $0x90000049  }
0xb2: {  	s29 =	simm.s32 $0x9;
	_ =	strace $0x8000004B  }
0xb3: {  	_ =	swait.ge [sflag:s29], $0x1  }
0xb4: {  	[sflag:s29] =	ssyncadd.s32 $0xFFFFFFFF  }
0xb5: {  	_ =	strace $0x9000004B  }
0xb6: {  	_ =	sfence  }
0xb7: {  	s30 =	sld [smem:$0x0];
	_ =	sdelay $0x2  }
0xb8: {  	s31 =	sshll.u32 s1, $0xD;
	s1 =	sshrl.u32 s1, $0x2  }
0xb9: {  	s3 =	sand.u32 $0x4000, s31;
	s1 =	sadd.s32 s1, s30  }
0xba: {  	s0 =	sor.u32 s3, s0;
	s1 =	sshll.u32 s1, $0x11  }
0xbb: {  	s0 =	sor.u32 s1, s0  }
0xbc: {  	s0 =	sadd.s32 $0x8F2B, s0  }
0xbd: {  	[sflag:s0] =	ssyncadd.remote.s32 $0x1  }
0xbe: {  	_ =	sfence.sel $0xFFFF  }
0xbf: {  	[dreg:$0x0] =	wrdreg $0xFFFFFFFF;
	(pc) =	sbr.abs _section_cstart, $3  }
0xc0: {  	[dreg:$0x1] =	wrdreg $0xFFFFFFFF  }
0xc1: {  	_ =	task.clear_ibuf [dreg:s6], $0x2FFFF;
	_ =	strace $0x9FFFFFFF  }
0xc2: {  	(tm) =	ssettm $0x7FFFFFFF  }
0xc3: {  	_ =	shalt  }
tec
execute0_lowered:
.L_overlay_start_1:
0x0: {  	(tag) =	ssettag $0x1  }
0x1: {  	s0 =	rddreg [dreg:$0x0]  }
0x2: {  	s1 =	rddreg [dreg:$0x1];
	s2 =	simm.s32 $0x0  }
0x3: {  	s6 =	stileid.u32;
	s5 =	srdreg.scid;
	s28 =	simm.s32 $0xD  }
0x4: {  	s31 =	simm.s32 $0x1;
	[smem:$0x7FF] =	sst s2;
	s7 =	smul.u32 $0x13800, s6  }
0x5: {  	s3 =	sadd.s32 $0x11AE00, s0;
	s4 =	sadd.s32 $0x8CC00, s0;
	s10 =	sand.u32 $0x1, s5  }
0x6: {  	s11 =	smul.u32 $0x4E000, s6;
	s5 =	sadd.s32 $0xACC00, s0;
	s13 =	sadd.s32 $0x142000, s0  }
0x7: {  	s29 =	sshll.u32 s6, $0x10;
	s14 =	sshll.u32 s6, $0x6;
	s15 =	sadd.s32 $0x138000, s1  }
0x8: {  	p0 =	sne.s32 s6, $0x0;
	s6 =	simm.s32 $0x600;
	_ =	strace $0x8000004A  }
0x9: {  	s9 =	ssub.s32 $0x2, s10;
	s30 =	sshll.u32 s10, $0xF;
	[dreg:$0x6] =	wrdreg s15  }
0xa: {  	s10 =	smul.u32 $0x138800, s10;
	s15 =	simm.s32 $0x4;
	s8 =	sshrl.u32 s7, $0x3  }
0xb: {  	s12 =	sshrl.u32 s9, $0x1;
	s26 =	sshrl.u32 s11, $0x2;
	s8 =	sadd.s32 s8, s0  }
0xc: {  	s12 =	ssub.s32 s9, s12;
	s9 =	sadd.s32 s26, s1;
	s26 =	sor.u32 $0x1C0D, s14  }
0xd: {  	s0 =	sadd.s32 $0x3E800, s0;
	s7 =	sadd.s32 s7, s10;
	[dreg:$0x3] =	wrdreg s9  }
0xe: {  	s10 =	sshrl.u32 s10, $0x3;
	s14 =	simm.s32 $0x3;
	[dreg:$0x7] =	wrdreg s0  }
0xf: {  	s8 =	sadd.s32 $0x17800, s8;
	s7 =	sshrl.u32 s7, $0x3;
	[dreg:$0x5] =	wrdreg s26  }
0x10: {  	[dreg:$0x4] =	wrdreg s8;
	s8 =	sor.u32 s30, s29;
	s25 =	sadd.s32 s13, s7  }
0x11: {  	s29 =	sadd.s32 s13, s10;
	s30 =	smax.u32 s12, $0x1;
	s7 =	simm.s32 $0x2  }
0x12: {  	s10 =	simm.s32 $0x1A00;
	s12 =	simm.s32 $0x6;
	[dreg:$0x10] =	wrdreg s25  }
0x13: {  	s11 =	sshrl.u32 s8, $0x3;
	[dreg:$0x12] =	wrdreg s30;
	s25 =	simm.s32 $0x80  }
0x14: {  	s16 =	sadd.s32 s4, s11;
	s17 =	sadd.s32 s5, s11;
	s18 =	sor.u32 $0x10, s11  }
0x15: {  	s19 =	sor.u32 $0x20, s11;
	s23 =	sor.u32 $0x30, s11;
	[dreg:$0x8] =	wrdreg s16  }
0x16: {  	s11 =	simm.s32 $0x5;
	[dreg:$0x9] =	wrdreg s17;
	s20 =	sadd.s32 s4, s18  }
0x17: {  	s0 =	sadd.s32 s5, s18;
	s21 =	sadd.s32 s4, s19;
	[dreg:$0xa] =	wrdreg s20  }
0x18: {  	s22 =	sadd.s32 s5, s19;
	s24 =	sadd.s32 s4, s23;
	[dreg:$0xb] =	wrdreg s0  }
0x19: {  	s16 =	simm.s32 $0x2E00;
	s17 =	simm.s32 $0x4200;
	[dreg:$0xc] =	wrdreg s21  }
.Ltmp0:
0x1a: {  	s18 =	simm.s32 $0xB;
	[dreg:$0xd] =	wrdreg s22;
	(pc) =	sbr.rel .LBB2_1-.Ltmp0, $4  }
0x1b: {  	s19 =	simm.s32 $0xC;
	[dreg:$0xe] =	wrdreg s24;
	s0 =	sadd.s32 s5, s23  }
0x1c: {  	s20 =	simm.s32 $0x7;
	s21 =	simm.s32 $0x8;
	s22 =	simm.s32 $0x9  }
0x1d: {  	s23 =	simm.s32 $0xA;
	[dreg:$0xf] =	wrdreg s0;
	s0 =	sadd.s32 $0x27000, s29  }
0x1e: {  	s24 =	simm.s32 $0x0;
	[dreg:$0x11] =	wrdreg s0;
	s0 =	simm.s32 $0x28  }
.LBB2_22:
0x1f: {  	_ =	swait.ge [sflag:s18], $0x1400  }
0x20: {  	[sflag:s18] =	ssyncset.done $0x0  }
0x21: {  	[sflag:s18] =	ssyncadd.s32 $0xFFFFEC00  }
0x22: {  	_ =	swait.ge [sflag:s19], $0x1400  }
0x23: {  	[sflag:s19] =	ssyncset.done $0x0  }
0x24: {  	[sflag:s19] =	ssyncadd.s32 $0xFFFFEC00  }
0x25: {  	_ =	swait.ge [sflag:s22], $0x1400  }
0x26: {  	[sflag:s22] =	ssyncset.done $0x0  }
0x27: {  	[sflag:s22] =	ssyncadd.s32 $0xFFFFEC00  }
0x28: {  	_ =	swait.ge [sflag:s23], $0x1400  }
0x29: {  	[sflag:s23] =	ssyncset.done $0x0  }
0x2a: {  	[sflag:s23] =	ssyncadd.s32 $0xFFFFEC00  }
0x2b: {  	[bflag:$0x0] =	sbarrier.arrive $0xFFFF  }
0x2c: {  	s26 =	rddreg [dreg:$0x5]  }
0x2d: {  	s9 =	rddreg [dreg:$0x10]  }
0x2e: {  	s28 =	simm.s32 $0xD;
	s13 =	rddreg [dreg:$0x13]  }
0x2f: {  	[hbm:s9], [sflag:s26] =	dma.local [spmem:s13], $0x2700  }
0x30: {  	_ =	swait.ge [sflag:s28], $0x2700  }
0x31: {  	[sflag:s28] =	ssyncset.done $0x0;
	s9 =	rddreg [dreg:$0x11]  }
0x32: {  	s13 =	rddreg [dreg:$0x14];
	[sflag:s28] =	ssyncadd.s32 $0xFFFFD900  }
0x33: {  	[hbm:s9], [sflag:s26] =	dma.local @!p0 [spmem:s13], $0x100  }
0x34: {  	s9 =	simm.s32 @!p0 $0xD  }
0x35: {  	_ =	swait.ge @!p0 [sflag:s9], $0x100  }
0x36: {  	s24 =	sadd.s32 $0x1, s24;
	s30 =	rddreg [dreg:$0x12]  }
0x37: {  	p1 =	sne.s32 s24, s30  }
.Ltmp1:
0x38: {  	_ = 	snop;
	(pc) =	sbr.rel @!p1 .LBB2_23-.Ltmp1, $3  }
0x39: {  	_ =	sdelay $0x1  }
0x3a: {  	[sflag:s9] =	ssyncset.done @!p0 $0x0  }
0x3b: {  	[sflag:s9] =	ssyncadd.s32 @!p0 $0xFFFFFF00  }
.LBB2_1:
0x3c: {  	s9 =	rddreg [dreg:$0x3]  }
0x3d: {  	s30 =	rddreg [dreg:$0x4];
	s13 =	sshrl.u32 s9, $0x3  }
0x3e: {  	[dreg:$0x13] =	wrdreg s13  }
0x3f: {  	[spmem:s13], [sflag:s26] =	dma.local [hbm:s30], $0x2700  }
0x40: {  	_ =	swait.ge [sflag:s28], $0x2700  }
0x41: {  	s9 =	rddreg [dreg:$0x6]  }
0x42: {  	[sflag:s28] =	ssyncset.done $0x0;
	s13 =	sshrl.u32 @!p0 s9, $0x3;
	s9 =	rddreg [dreg:$0x7]  }
0x43: {  	[sflag:s28] =	ssyncadd.s32 $0xFFFFD900;
	[dreg:$0x14] =	wrdreg s13  }
0x44: {  	[spmem:s13], [sflag:s26] =	dma.local @!p0 [hbm:s9], $0x100  }
0x45: {  	s13 =	simm.s32 @!p0 $0xD  }
0x46: {  	_ =	swait.ge @!p0 [sflag:s13], $0x100  }
0x47: {  	[sflag:s13] =	ssyncset.done @!p0 $0x0  }
0x48: {  	[sflag:s13] =	ssyncadd.s32 @!p0 $0xFFFFFF00  }
0x49: {  	[bflag:$0x0] =	sbarrier.arrive $0xFFFF  }
0x4a: {  	s26 =	rddreg [dreg:$0x8]  }
0x4b: {  	[tilespmem:s2], [sflag:$0x1] =	stream.linear.gather [hbm4b:s26+s2], $0x80, $0x38;
	[tilespmem:$0x18E80] =	vst v63  }
0x4c: {  	s30 =	simm.s32 $0x200;
	s29 =	rddreg [dreg:$0x9]  }
0x4d: {  	[tilespmem:s30], [sflag:$0x1] =	stream.linear.gather [hbm4b:s29+s2], $0x80, $0x38;
	[tilespmem:$0x18E80] =	vst v63  }
0x4e: {  	s26 =	rddreg [dreg:$0xa]  }
0x4f: {  	[tilespmem:s25], [sflag:$0x2] =	stream.linear.gather [hbm4b:s26+s2], $0x80, $0x38;
	[tilespmem:$0x18E80] =	vst v63  }
0x50: {  	s29 =	rddreg [dreg:$0xb];
	s30 =	simm.s32 $0x280  }
0x51: {  	[tilespmem:s30], [sflag:$0x2] =	stream.linear.gather [hbm4b:s29+s2], $0x80, $0x38;
	[tilespmem:$0x18E80] =	vst v63  }
0x52: {  	s13 =	rddreg [dreg:$0xc];
	s26 =	simm.s32 $0x100  }
0x53: {  	[tilespmem:s26], [sflag:$0x3] =	stream.linear.gather [hbm4b:s13+s2], $0x80, $0x38;
	[tilespmem:$0x18E80] =	vst v63  }
0x54: {  	s29 =	rddreg [dreg:$0xd];
	s30 =	simm.s32 $0x300  }
0x55: {  	[tilespmem:s30], [sflag:$0x3] =	stream.linear.gather [hbm4b:s29+s2], $0x80, $0x38;
	[tilespmem:$0x18E80] =	vst v63  }
0x56: {  	s13 =	rddreg [dreg:$0xe];
	s26 =	simm.s32 $0x180  }
0x57: {  	[tilespmem:s26], [sflag:$0x4] =	stream.linear.gather [hbm4b:s13+s2], $0x80, $0x38;
	[tilespmem:$0x18E80] =	vst v63  }
0x58: {  	s29 =	rddreg [dreg:$0xf];
	s30 =	simm.s32 $0x380  }
0x59: {  	[tilespmem:s30], [sflag:$0x4] =	stream.linear.gather [hbm4b:s29+s2], $0x80, $0x38;
	[tilespmem:$0x18E80] =	vst v63  }
0x5a: {  	_ =	swait.ge [sflag:s31], $0x80  }
0x5b: {  	[sflag:s31] =	ssyncset.done $0x0  }
0x5c: {  	[sflag:s31] =	ssyncadd.s32 $0xFFFFFF80  }
0x5d: {  	_ =	swait.ge [sflag:s31], $0x80  }
0x5e: {  	[sflag:s31] =	ssyncset.done $0x0  }
0x5f: {  	[sflag:s31] =	ssyncadd.s32 $0xFFFFFF80  }
0x60: {  	[tilespmem:s6], [sflag:$0x5] =	stream.indirect.gather [hbm4b:s3+s0], $0x80, s2, s0, $0xb8;
	[tilespmem:$0x18E80] =	vst v63  }
0x61: {  	_ =	swait.ge [sflag:s7], $0x80  }
0x62: {  	[sflag:s7] =	ssyncset.done $0x0  }
.Ltmp2:
0x63: {  	[sflag:s7] =	ssyncadd.s32 $0xFFFFFF80;
	(pc) =	sbr.rel .LBB2_2-.Ltmp2, $4  }
0x64: {  	_ =	swait.ge [sflag:s7], $0x80  }
0x65: {  	[sflag:s7] =	ssyncset.done $0x0  }
0x66: {  	s28 =	simm.s32 $0x0;
	s13 =	simm.s32 $0x280;
	[sflag:s7] =	ssyncadd.s32 $0xFFFFFF80  }
0x67: {  	[tilespmem:s10], [sflag:$0x6] =	stream.indirect.gather [hbm4b:s3+s0], $0x80, s25, s0, $0xb8;
	[tilespmem:$0x18E80] =	vst v63  }
.LBB2_20:
0x68: {  	_ =	swait.ge [sflag:s31], $0x80  }
0x69: {  	[sflag:s31] =	ssyncset.done $0x0  }
0x6a: {  	[sflag:s31] =	ssyncadd.s32 $0xFFFFFF80  }
0x6b: {  	_ =	swait.ge [sflag:s31], $0x80  }
0x6c: {  	[sflag:s31] =	ssyncset.done $0x0  }
0x6d: {  	[sflag:s31] =	ssyncadd.s32 $0xFFFFFF80  }
0x6e: {  	_ =	swait.ge [sflag:s7], $0x80  }
0x6f: {  	p1 =	sgt.u32 s28, $0x7A;
	[sflag:s7] =	ssyncset.done $0x0  }
0x70: {  	s9 =	sadd.s32 @!p1 $0xFFFFFF80, s13;
	[sflag:s7] =	ssyncadd.s32 $0xFFFFFF80  }
0x71: {  	s26 =	sand.u32 @!p1 $0xFC00, s9;
	_ =	swait.ge [sflag:s7], $0x80  }
0x72: {  	s9 =	sand.u32 @!p1 $0x300, s9;
	s26 =	sadd.s32 @!p1 s8, s26;
	[sflag:s7] =	ssyncset.done $0x0  }
0x73: {  	s9 =	sor.u32 @!p1 s9, s26;
	[sflag:s7] =	ssyncadd.s32 $0xFFFFFF80  }
0x74: {  	[tilespmem:s6], [sflag:$0x5] =	stream.indirect.gather [hbm4b:s3+s0], $0x80, s2, s0, $0xb8;
	[tilespmem:$0x18E80] =	vst v63  }
0x75: {  	s9 =	sshrl.u32 @!p1 s9, $0x3  }
0x76: {  	[tilespmem:s10], [sflag:$0x6] =	stream.indirect.gather [hbm4b:s3+s0], $0x80, s25, s0, $0xb8;
	[tilespmem:$0x18E80] =	vst v63  }
0x77: {  	s29 =	simm.s32 @!p1 $0x0;
	s30 =	simm.s32 @!p1 $0x100;
	s26 =	sadd.s32 @!p1 s4, s9  }
0x78: {  	[tilespmem:s30], [sflag:$0x3] =	stream.linear.gather @!p1 [hbm4b:s26+s29], $0x80, $0x38;
	[tilespmem:$0x18E80] =	vst v63  }
0x79: {  	s9 =	sadd.s32 @!p1 s5, s9;
	s26 =	simm.s32 @!p1 $0x300  }
0x7a: {  	[tilespmem:s26], [sflag:$0x3] =	stream.linear.gather @!p1 [hbm4b:s9+s29], $0x80, $0x38;
	[tilespmem:$0x18E80] =	vst v63  }
0x7b: {  	s9 =	sand.u32 @!p1 $0xFC00, s13  }
0x7c: {  	s26 =	sand.u32 @!p1 $0x380, s13;
	s9 =	sadd.s32 @!p1 s8, s9  }
0x7d: {  	s9 =	sor.u32 @!p1 s26, s9  }
0x7e: {  	s9 =	sshrl.u32 @!p1 s9, $0x3  }
0x7f: {  	s30 =	simm.s32 @!p1 $0x180;
	s26 =	sadd.s32 @!p1 s4, s9  }
0x80: {  	[tilespmem:s30], [sflag:$0x4] =	stream.linear.gather @!p1 [hbm4b:s26+s29], $0x80, $0x38;
	[tilespmem:$0x18E80] =	vst v63  }
0x81: {  	s9 =	sadd.s32 @!p1 s5, s9;
	s26 =	simm.s32 @!p1 $0x380  }
0x82: {  	[tilespmem:s26], [sflag:$0x4] =	stream.linear.gather @!p1 [hbm4b:s9+s29], $0x80, $0x38;
	[tilespmem:$0x18E80] =	vst v63  }
.LBB2_21:
0x83: {  	s13 =	sadd.s32 $0x100, s13  }
0x84: {  	p1 =	sne.s32 s13, $0x7F80  }
.Ltmp3:
0x85: {  	_ = 	snop;
	(pc) =	sbr.rel @!p1 .LBB2_22-.Ltmp3, $2  }
0x86: {  	_ =	sdelay $0x2  }
0x87: {  	s28 =	sadd.s32 $0x1, s28  }
.LBB2_2:
0x88: {  	s30 =	sand.u32 $0x3, s28  }
0x89: {  	p1 =	sgt.s32 s30, $0x1  }
.Ltmp4:
0x8a: {  	_ = 	snop;
	(pc) =	sbr.rel @p1 .LBB2_16-.Ltmp4, $1  }
0x8b: {  	_ =	sdelay $0x3  }
0x8c: {  	p1 =	seq.s32 s30, $0x0  }
.Ltmp5:
0x8d: {  	_ = 	snop;
	(pc) =	sbr.rel @!p1 .LBB2_8-.Ltmp5, $1  }
0x8e: {  	_ =	sdelay $0x3  }
0x8f: {  	_ =	swait.ge [sflag:s11], $0x1400  }
0x90: {  	[sflag:s11] =	ssyncset.done $0x0  }
0x91: {  	s9 =	simm.s32 $0x200;
	p1 =	seq.s32 s28, $0x0;
	[sflag:s11] =	ssyncadd.s32 $0xFFFFEC00  }
0x92: {  	[spmem:s1] =	stream.indirect.scatter.add.f32 [tilespmem:s6], [sflag:$0x9], $0x80, s9, s0, $0xb8;
	[tilespmem:$0x18E80] =	vst v63  }
.Ltmp6:
0x93: {  	_ = 	snop;
	(pc) =	sbr.rel @p1 .LBB2_7-.Ltmp6, $4  }
0x94: {  	_ =	swait.ge [sflag:s12], $0x1400  }
0x95: {  	[sflag:s12] =	ssyncset.done $0x0  }
0x96: {  	s30 =	simm.s32 $0x280;
	[sflag:s12] =	ssyncadd.s32 $0xFFFFEC00  }
0x97: {  	[spmem:s1] =	stream.indirect.scatter.add.f32 [tilespmem:s10], [sflag:$0xA], $0x80, s30, s0, $0xb8;
	[tilespmem:$0x18E80] =	vst v63  }
0x98: {  	p1 =	seq.s32 s28, $0x7C  }
.Ltmp7:
0x99: {  	_ = 	snop;
	(pc) =	sbr.rel @p1 .LBB2_22-.Ltmp7, $1  }
0x9a: {  	_ =	sdelay $0x3  }
0x9b: {  	_ =	swait.ge [sflag:s18], $0x1400  }
0x9c: {  	[sflag:s18] =	ssyncset.done $0x0  }
0x9d: {  	[sflag:s18] =	ssyncadd.s32 $0xFFFFEC00  }
0x9e: {  	_ =	swait.ge [sflag:s19], $0x1400  }
0x9f: {  	[sflag:s19] =	ssyncset.done $0x0  }
0xa0: {  	[sflag:s19] =	ssyncadd.s32 $0xFFFFEC00  }
.LBB2_7:
0xa1: {  	_ =	swait.ge [sflag:s14], $0x80  }
0xa2: {  	[sflag:s14] =	ssyncset.done $0x0  }
0xa3: {  	[sflag:s14] =	ssyncadd.s32 $0xFFFFFF80  }
0xa4: {  	_ =	swait.ge [sflag:s14], $0x80  }
0xa5: {  	[sflag:s14] =	ssyncset.done $0x0  }
0xa6: {  	[sflag:s14] =	ssyncadd.s32 $0xFFFFFF80  }
0xa7: {  	_ =	swait.ge [sflag:s15], $0x80  }
0xa8: {  	[sflag:s15] =	ssyncset.done $0x0  }
0xa9: {  	[sflag:s15] =	ssyncadd.s32 $0xFFFFFF80  }
0xaa: {  	_ =	swait.ge [sflag:s15], $0x80  }
0xab: {  	[sflag:s15] =	ssyncset.done $0x0  }
0xac: {  	s9 =	simm.s32 $0x100;
	[sflag:s15] =	ssyncadd.s32 $0xFFFFFF80  }
0xad: {  	[tilespmem:s16], [sflag:$0x7] =	stream.indirect.gather [hbm4b:s3+s0], $0x80, s9, s0, $0xb8;
	[tilespmem:$0x18E80] =	vst v63  }
0xae: {  	s30 =	simm.s32 $0x180;
	p1 =	sgt.u32 s28, $0x7A  }
0xaf: {  	[tilespmem:s17], [sflag:$0x8] =	stream.indirect.gather [hbm4b:s3+s0], $0x80, s30, s0, $0xb8;
	[tilespmem:$0x18E80] =	vst v63  }
0xb0: {  	s30 =	sadd.s32 @!p1 $0xFFFFFF80, s13  }
0xb1: {  	s9 =	sand.u32 @!p1 $0xFC00, s30  }
0xb2: {  	s30 =	sand.u32 @!p1 $0x300, s30;
	s9 =	sadd.s32 @!p1 s8, s9  }
0xb3: {  	s9 =	sor.u32 @!p1 s30, s9  }
0xb4: {  	s9 =	sshrl.u32 @!p1 s9, $0x3  }
0xb5: {  	s26 =	simm.s32 @!p1 $0x0;
	s30 =	sadd.s32 @!p1 s4, s9  }
0xb6: {  	[tilespmem:s26], [sflag:$0x1] =	stream.linear.gather @!p1 [hbm4b:s30+s26], $0x80, $0x38;
	[tilespmem:$0x18E80] =	vst v63  }
0xb7: {  	s9 =	sadd.s32 @!p1 s5, s9;
	s30 =	simm.s32 @!p1 $0x400  }
0xb8: {  	[tilespmem:s30], [sflag:$0x1] =	stream.linear.gather @!p1 [hbm4b:s9+s26], $0x80, $0x38;
	[tilespmem:$0x18E80] =	vst v63  }
0xb9: {  	s9 =	sand.u32 @!p1 $0xFC00, s13  }
0xba: {  	s30 =	sand.u32 @!p1 $0x380, s13;
	s9 =	sadd.s32 @!p1 s8, s9  }
0xbb: {  	s9 =	sor.u32 @!p1 s30, s9  }
.Ltmp8:
0xbc: {  	s9 =	sshrl.u32 @!p1 s9, $0x3;
	(pc) =	sbr.rel .LBB2_21-.Ltmp8, $4  }
0xbd: {  	s29 =	simm.s32 @!p1 $0x80;
	s30 =	sadd.s32 @!p1 s4, s9  }
0xbe: {  	[tilespmem:s29], [sflag:$0x2] =	stream.linear.gather @!p1 [hbm4b:s30+s26], $0x80, $0x38;
	[tilespmem:$0x18E80] =	vst v63  }
0xbf: {  	s9 =	sadd.s32 @!p1 s5, s9;
	s29 =	simm.s32 @!p1 $0x480  }
0xc0: {  	[tilespmem:s29], [sflag:$0x2] =	stream.linear.gather @!p1 [hbm4b:s9+s26], $0x80, $0x38;
	[tilespmem:$0x18E80] =	vst v63  }
.LBB2_16:
0xc1: {  	p1 =	seq.s32 s30, $0x2  }
.Ltmp9:
0xc2: {  	_ = 	snop;
	(pc) =	sbr.rel @!p1 .LBB2_17-.Ltmp9, $1  }
0xc3: {  	_ =	sdelay $0x3  }
0xc4: {  	_ =	swait.ge [sflag:s11], $0x1400  }
0xc5: {  	[sflag:s11] =	ssyncset.done $0x0  }
0xc6: {  	s9 =	simm.s32 $0x400;
	p1 =	seq.s32 s28, $0x0;
	[sflag:s11] =	ssyncadd.s32 $0xFFFFEC00  }
0xc7: {  	[spmem:s1] =	stream.indirect.scatter.add.f32 [tilespmem:s6], [sflag:$0x9], $0x80, s9, s0, $0xb8;
	[tilespmem:$0x18E80] =	vst v63  }
.Ltmp10:
0xc8: {  	_ = 	snop;
	(pc) =	sbr.rel @p1 .LBB2_15-.Ltmp10, $4  }
0xc9: {  	_ =	swait.ge [sflag:s12], $0x1400  }
0xca: {  	[sflag:s12] =	ssyncset.done $0x0  }
0xcb: {  	s30 =	simm.s32 $0x480;
	[sflag:s12] =	ssyncadd.s32 $0xFFFFEC00  }
0xcc: {  	[spmem:s1] =	stream.indirect.scatter.add.f32 [tilespmem:s10], [sflag:$0xA], $0x80, s30, s0, $0xb8;
	[tilespmem:$0x18E80] =	vst v63  }
0xcd: {  	p1 =	seq.s32 s28, $0x7C  }
.Ltmp11:
0xce: {  	_ = 	snop;
	(pc) =	sbr.rel @p1 .LBB2_22-.Ltmp11, $1  }
0xcf: {  	_ =	sdelay $0x3  }
0xd0: {  	_ =	swait.ge [sflag:s18], $0x1400  }
0xd1: {  	[sflag:s18] =	ssyncset.done $0x0  }
0xd2: {  	[sflag:s18] =	ssyncadd.s32 $0xFFFFEC00  }
0xd3: {  	_ =	swait.ge [sflag:s19], $0x1400  }
0xd4: {  	[sflag:s19] =	ssyncset.done $0x0  }
0xd5: {  	[sflag:s19] =	ssyncadd.s32 $0xFFFFEC00  }
.LBB2_15:
0xd6: {  	_ =	swait.ge [sflag:s14], $0x80  }
0xd7: {  	[sflag:s14] =	ssyncset.done $0x0  }
0xd8: {  	[sflag:s14] =	ssyncadd.s32 $0xFFFFFF80  }
0xd9: {  	_ =	swait.ge [sflag:s14], $0x80  }
0xda: {  	[sflag:s14] =	ssyncset.done $0x0  }
0xdb: {  	[sflag:s14] =	ssyncadd.s32 $0xFFFFFF80  }
0xdc: {  	_ =	swait.ge [sflag:s15], $0x80  }
0xdd: {  	[sflag:s15] =	ssyncset.done $0x0  }
0xde: {  	[sflag:s15] =	ssyncadd.s32 $0xFFFFFF80  }
0xdf: {  	_ =	swait.ge [sflag:s15], $0x80  }
0xe0: {  	[sflag:s15] =	ssyncset.done $0x0  }
0xe1: {  	s9 =	simm.s32 $0x100;
	p1 =	sgt.u32 s28, $0x7A;
	[sflag:s15] =	ssyncadd.s32 $0xFFFFFF80  }
0xe2: {  	[tilespmem:s16], [sflag:$0x7] =	stream.indirect.gather [hbm4b:s3+s0], $0x80, s9, s0, $0xb8;
	[tilespmem:$0x18E80] =	vst v63  }
0xe3: {  	s9 =	sadd.s32 @!p1 $0xFFFFFF80, s13  }
0xe4: {  	s30 =	simm.s32 $0x180;
	s26 =	sand.u32 @!p1 $0xFC00, s9  }
0xe5: {  	[tilespmem:s17], [sflag:$0x8] =	stream.indirect.gather [hbm4b:s3+s0], $0x80, s30, s0, $0xb8;
	[tilespmem:$0x18E80] =	vst v63  }
0xe6: {  	s9 =	sand.u32 @!p1 $0x300, s9;
	s26 =	sadd.s32 @!p1 s8, s26  }
0xe7: {  	s9 =	sor.u32 @!p1 s9, s26  }
0xe8: {  	s9 =	sshrl.u32 @!p1 s9, $0x3  }
0xe9: {  	s29 =	simm.s32 @!p1 $0x0;
	s26 =	sadd.s32 @!p1 s4, s9  }
0xea: {  	[tilespmem:s29], [sflag:$0x1] =	stream.linear.gather @!p1 [hbm4b:s26+s29], $0x80, $0x38;
	[tilespmem:$0x18E80] =	vst v63  }
0xeb: {  	s9 =	sadd.s32 @!p1 s5, s9;
	s26 =	simm.s32 @!p1 $0x200  }
0xec: {  	[tilespmem:s26], [sflag:$0x1] =	stream.linear.gather @!p1 [hbm4b:s9+s29], $0x80, $0x38;
	[tilespmem:$0x18E80] =	vst v63  }
0xed: {  	s9 =	sand.u32 @!p1 $0xFC00, s13  }
0xee: {  	s26 =	sand.u32 @!p1 $0x380, s13;
	s9 =	sadd.s32 @!p1 s8, s9  }
0xef: {  	s9 =	sor.u32 @!p1 s26, s9  }
.Ltmp12:
0xf0: {  	s9 =	sshrl.u32 @!p1 s9, $0x3;
	(pc) =	sbr.rel .LBB2_21-.Ltmp12, $4  }
0xf1: {  	s30 =	simm.s32 @!p1 $0x80;
	s26 =	sadd.s32 @!p1 s4, s9  }
0xf2: {  	[tilespmem:s30], [sflag:$0x2] =	stream.linear.gather @!p1 [hbm4b:s26+s29], $0x80, $0x38;
	[tilespmem:$0x18E80] =	vst v63  }
0xf3: {  	s9 =	sadd.s32 @!p1 s5, s9;
	s26 =	simm.s32 @!p1 $0x280  }
0xf4: {  	[tilespmem:s26], [sflag:$0x2] =	stream.linear.gather @!p1 [hbm4b:s9+s29], $0x80, $0x38;
	[tilespmem:$0x18E80] =	vst v63  }
.LBB2_8:
0xf5: {  	_ =	swait.ge [sflag:s20], $0x1400  }
0xf6: {  	[sflag:s20] =	ssyncset.done $0x0  }
0xf7: {  	s9 =	simm.s32 $0x300;
	p1 =	seq.s32 s28, $0x0;
	[sflag:s20] =	ssyncadd.s32 $0xFFFFEC00  }
0xf8: {  	[spmem:s1] =	stream.indirect.scatter.add.f32 [tilespmem:s16], [sflag:$0xB], $0x80, s9, s0, $0xb8;
	[tilespmem:$0x18E80] =	vst v63  }
.Ltmp13:
0xf9: {  	_ = 	snop;
	(pc) =	sbr.rel @p1 .LBB2_11-.Ltmp13, $4  }
0xfa: {  	_ =	swait.ge [sflag:s21], $0x1400  }
0xfb: {  	[sflag:s21] =	ssyncset.done $0x0  }
0xfc: {  	s30 =	simm.s32 $0x380;
	[sflag:s21] =	ssyncadd.s32 $0xFFFFEC00  }
0xfd: {  	[spmem:s1] =	stream.indirect.scatter.add.f32 [tilespmem:s17], [sflag:$0xC], $0x80, s30, s0, $0xb8;
	[tilespmem:$0x18E80] =	vst v63  }
0xfe: {  	p1 =	seq.s32 s28, $0x7C  }
.Ltmp14:
0xff: {  	_ = 	snop;
	(pc) =	sbr.rel @p1 .LBB2_22-.Ltmp14, $1  }
0x100: {  	_ =	sdelay $0x3  }
0x101: {  	_ =	swait.ge [sflag:s22], $0x1400  }
0x102: {  	[sflag:s22] =	ssyncset.done $0x0  }
0x103: {  	[sflag:s22] =	ssyncadd.s32 $0xFFFFEC00  }
0x104: {  	_ =	swait.ge [sflag:s23], $0x1400  }
0x105: {  	[sflag:s23] =	ssyncset.done $0x0  }
0x106: {  	[sflag:s23] =	ssyncadd.s32 $0xFFFFEC00  }
.LBB2_11:
0x107: {  	_ =	swait.ge [sflag:s31], $0x80  }
0x108: {  	[sflag:s31] =	ssyncset.done $0x0  }
0x109: {  	[sflag:s31] =	ssyncadd.s32 $0xFFFFFF80  }
0x10a: {  	_ =	swait.ge [sflag:s31], $0x80  }
0x10b: {  	[sflag:s31] =	ssyncset.done $0x0  }
0x10c: {  	[sflag:s31] =	ssyncadd.s32 $0xFFFFFF80  }
0x10d: {  	_ =	swait.ge [sflag:s7], $0x80  }
0x10e: {  	p1 =	sgt.u32 s28, $0x7A;
	[sflag:s7] =	ssyncset.done $0x0  }
0x10f: {  	s9 =	sadd.s32 @!p1 $0xFFFFFF80, s13;
	[sflag:s7] =	ssyncadd.s32 $0xFFFFFF80  }
0x110: {  	s26 =	sand.u32 @!p1 $0xFC00, s9;
	_ =	swait.ge [sflag:s7], $0x80  }
0x111: {  	s9 =	sand.u32 @!p1 $0x300, s9;
	s26 =	sadd.s32 @!p1 s8, s26;
	[sflag:s7] =	ssyncset.done $0x0  }
0x112: {  	s9 =	sor.u32 @!p1 s9, s26;
	[sflag:s7] =	ssyncadd.s32 $0xFFFFFF80  }
0x113: {  	[tilespmem:s6], [sflag:$0x5] =	stream.indirect.gather [hbm4b:s3+s0], $0x80, s2, s0, $0xb8;
	[tilespmem:$0x18E80] =	vst v63  }
0x114: {  	s9 =	sshrl.u32 @!p1 s9, $0x3  }
0x115: {  	[tilespmem:s10], [sflag:$0x6] =	stream.indirect.gather [hbm4b:s3+s0], $0x80, s25, s0, $0xb8;
	[tilespmem:$0x18E80] =	vst v63  }
0x116: {  	s29 =	simm.s32 @!p1 $0x0;
	s30 =	simm.s32 @!p1 $0x100;
	s26 =	sadd.s32 @!p1 s4, s9  }
0x117: {  	[tilespmem:s30], [sflag:$0x3] =	stream.linear.gather @!p1 [hbm4b:s26+s29], $0x80, $0x38;
	[tilespmem:$0x18E80] =	vst v63  }
0x118: {  	s9 =	sadd.s32 @!p1 s5, s9;
	s26 =	simm.s32 @!p1 $0x500  }
0x119: {  	[tilespmem:s26], [sflag:$0x3] =	stream.linear.gather @!p1 [hbm4b:s9+s29], $0x80, $0x38;
	[tilespmem:$0x18E80] =	vst v63  }
0x11a: {  	s9 =	sand.u32 @!p1 $0xFC00, s13  }
0x11b: {  	s26 =	sand.u32 @!p1 $0x380, s13;
	s9 =	sadd.s32 @!p1 s8, s9  }
0x11c: {  	s9 =	sor.u32 @!p1 s26, s9  }
.Ltmp15:
0x11d: {  	s9 =	sshrl.u32 @!p1 s9, $0x3;
	(pc) =	sbr.rel .LBB2_21-.Ltmp15, $4  }
0x11e: {  	s30 =	simm.s32 @!p1 $0x180;
	s26 =	sadd.s32 @!p1 s4, s9  }
0x11f: {  	[tilespmem:s30], [sflag:$0x4] =	stream.linear.gather @!p1 [hbm4b:s26+s29], $0x80, $0x38;
	[tilespmem:$0x18E80] =	vst v63  }
0x120: {  	s9 =	sadd.s32 @!p1 s5, s9;
	s26 =	simm.s32 @!p1 $0x580  }
0x121: {  	[tilespmem:s26], [sflag:$0x4] =	stream.linear.gather @!p1 [hbm4b:s9+s29], $0x80, $0x38;
	[tilespmem:$0x18E80] =	vst v63  }
.LBB2_17:
0x122: {  	_ =	swait.ge [sflag:s20], $0x1400  }
0x123: {  	[sflag:s20] =	ssyncset.done $0x0  }
0x124: {  	s9 =	simm.s32 $0x500;
	p1 =	seq.s32 s28, $0x0;
	[sflag:s20] =	ssyncadd.s32 $0xFFFFEC00  }
0x125: {  	[spmem:s1] =	stream.indirect.scatter.add.f32 [tilespmem:s16], [sflag:$0xB], $0x80, s9, s0, $0xb8;
	[tilespmem:$0x18E80] =	vst v63  }
.Ltmp16:
0x126: {  	_ = 	snop;
	(pc) =	sbr.rel @p1 .LBB2_20-.Ltmp16, $4  }
0x127: {  	_ =	swait.ge [sflag:s21], $0x1400  }
0x128: {  	[sflag:s21] =	ssyncset.done $0x0  }
0x129: {  	s30 =	simm.s32 $0x580;
	[sflag:s21] =	ssyncadd.s32 $0xFFFFEC00  }
0x12a: {  	[spmem:s1] =	stream.indirect.scatter.add.f32 [tilespmem:s17], [sflag:$0xC], $0x80, s30, s0, $0xb8;
	[tilespmem:$0x18E80] =	vst v63  }
0x12b: {  	p1 =	seq.s32 s28, $0x7C  }
.Ltmp17:
0x12c: {  	_ = 	snop;
	(pc) =	sbr.rel @p1 .LBB2_22-.Ltmp17, $1  }
0x12d: {  	_ =	sdelay $0x3  }
0x12e: {  	_ =	swait.ge [sflag:s22], $0x1400  }
.Ltmp18:
0x12f: {  	[sflag:s22] =	ssyncset.done $0x0;
	(pc) =	sbr.rel .LBB2_20-.Ltmp18, $4  }
0x130: {  	[sflag:s22] =	ssyncadd.s32 $0xFFFFEC00  }
0x131: {  	_ =	swait.ge [sflag:s23], $0x1400  }
0x132: {  	[sflag:s23] =	ssyncset.done $0x0  }
0x133: {  	[sflag:s23] =	ssyncadd.s32 $0xFFFFEC00  }
.LBB2_23:
0x134: {  	_ =	sfence.sel $0x180000  }
0x135: {  	[bflag:$0x0] =	sbarrier.arrive $0xFFFF  }
0x136: {  	_ =	strace $0x9000004A  }
0x137: {  	[bflag:$0x2] =	sbarrier.arrive $0xFFFF  }
0x138: {  	s0 =	rddreg [dreg:$0x2]  }
0x139: {  	s0 =	sadd.s32 @!p0 $0x100000, s0  }
0x13a: {  	[sflag:s0] =	ssyncadd.tile.s32 @!p0 $0x1;
	_ =	shalt  }
.Lfunc_end2:
_tile_overlayer_lowered:
.L_overlay_start_2:
0x13b: {  	(tag) =	ssettag $0x2  }
0x13c: {  	s0 =	rddreg [dreg:$0x0];
	s2 =	stileid.u32  }
0x13d: {  	s1 =	rddreg [dreg:$0x1];
	p0 =	sne.s32 s2, $0x0  }
0x13e: {  	s3 =	rddreg [dreg:$0x2];
	[bflag:$0x3] =	sbarrier.arrive $0xFFFF;
	s2 =	simm.s32 @!p0 $0x1C0D  }
0x13f: {  	[timem:s3], [sflag:s2] =	dma.local @!p0 [hbm:s0], s1  }
0x140: {  	s0 =	simm.s32 @!p0 $0xD  }
0x141: {  	_ =	swait.ge @!p0 [sflag:s0], s1  }
0x142: {  	s1 =	ssub.s32 @!p0 $0x0, s1;
	[sflag:s0] =	ssyncset.done @!p0 $0x0  }
0x143: {  	[sflag:s0] =	ssyncadd.s32 @!p0 s1  }
0x144: {  	[bflag:$0x3] =	sbarrier.arrive $0xFFFF  }
0x145: {  	_ =	shalt  }

// kernel: kernel.14.cloned.1.call-start
scs
__scs_entry_jumppad:
0x0: {  	(pc) =	sbr.rel $0x88, $3  }
0x1: {  	(tag) =	ssettag $0x0;
	lr =	simm.s32 $0x1  }
0x2: {  	[smem:$0x3F99] =	sst lr;
	_ =	strace $0xD0000000  }
0x3: {  	_ = 	snop  }
0x4: {  	_ = 	snop  }
0x5: {  	_ = 	snop  }
0x6: {  	_ = 	snop  }
0x7: {  	_ = 	snop  }
__scs_overlays_trampoline_lowered:
0x8: {  	[smem:$0x3FA8] =	sst s0  }
0x9: {  	[smem:$0x3FA9] =	sst s1  }
0xa: {  	[smem:$0x3FAA] =	sst s2  }
0xb: {  	[smem:$0x3FAB] =	sst s3  }
0xc: {  	[smem:$0x3FAC] =	sst s4  }
0xd: {  	[smem:$0x3FAD] =	sst s5  }
0xe: {  	[smem:$0x3FAE] =	sst s6  }
0xf: {  	[smem:$0x3FAF] =	sst s7  }
0x10: {  	[smem:$0x3FB0] =	sst s8  }
0x11: {  	[smem:$0x3FB1] =	sst s9;
	s0 =	simm.s32 @!p0 $0x0  }
0x12: {  	s1 =	sld [smem:$0x3F97];
	s0 =	simm.s32 @p0 $0x1  }
0x13: {  	[smem:$0x3FB2] =	sst s0;
	s0 =	simm.s32 @!p1 $0x0  }
0x14: {  	s2 =	sld [smem:$0x3F96];
	s0 =	simm.s32 @p1 $0x1  }
0x15: {  	[smem:$0x3FB3] =	sst s0;
	s0 =	simm.s32 @!p2 $0x0  }
0x16: {  	s3 =	sld [smem:$0x3FDB];
	s0 =	simm.s32 @p2 $0x1  }
0x17: {  	s4 =	simm.s32 $0x1BF5;
	[smem:$0x3FB5] =	sst s0  }
0x18: {  	s0 =	sld [smem:$0x3F98];
	_ =	swait.ge [sflag:s4], $0x0  }
0x19: {  	s7 =	sld [smem:$0x3F99]  }
0x1a: {  	s8 =	sadd.s32 $0xFFFFE003, lr  }
0x1b: {  	s9 =	sadd.s32 $0xFFFFFEF7, lr;
	s5 =	simm.s32 $0xFFFFFFFF;
	p2 =	slt.u32 s8, $0xFFFFF086  }
0x1c: {  	p1 =	slt.u32 s9, $0xF7A;
	s5 =	simm.s32 @!p2 $0x0  }
0x1d: {  	s5 =	simm.s32 @p1 $0x1;
	p0 =	seq.s32 s7, s2  }
0x1e: {  	s7 =	smul.u32 @!p0 $0xF7A, s2;
	p2 =	seq.s32 @!p0 s5, $0x0  }
0x1f: {  	s9 =	smul.u32 $0xF7A, s1;
	s8 =	simm.s32 @!p0 $0x1BF5;
	p2 =	por !p2, p0  }
0x20: {  	[sflag:s8] =	ssyncset.s32 @!p0 $0xFFFFF086;
	s6 =	sadd.s32 @!p0 s3, s7;
	s7 =	simm.s32 @!p0 $0x108  }
0x21: {  	s3 =	sadd.s32 s3, s9;
	s6 =	sadd.s32 @!p0 $0x88, s6;
	s7 =	simm.s32 @p2 $0x1082  }
0x22: {  	[simem:s7], [sflag:s8] =	dma.local @!p0 [hbm:s6], $0xF7A  }
0x23: {  	s9 =	sor.u32 $0xD0000000, s2;
	s6 =	simm.s32 $0x108;
	_ =	swait.ge @!p0 [sflag:s8], $0x0  }
0x24: {  	s3 =	sadd.s32 $0x88, s3;
	s6 =	simm.s32 @!p1 $0x1082;
	[sflag:s4] =	ssyncset.s32 $0xFFFFF086  }
0x25: {  	[simem:s6], [sflag:s4] =	dma.local [hbm:s3], $0xF7A  }
0x26: {  	[smem:$0x3F99] =	sst s1;
	(tag) =	ssettag s2;
	_ =	strace s9  }
0x27: {  	s1 =	sld [smem:$0x3FA9]  }
0x28: {  	s2 =	sld [smem:$0x3FAA]  }
0x29: {  	s4 =	sld [smem:$0x3FAC]  }
0x2a: {  	p0 =	seq.s32 s5, $0x0;
	s5 =	sld [smem:$0x3FAD]  }
0x2b: {  	s6 =	sld [smem:$0x3FAE]  }
0x2c: {  	s7 =	sld [smem:$0x3FAF]  }
0x2d: {  	s3 =	simm.s32 $0x108;
	s8 =	sld [smem:$0x3FB0]  }
0x2e: {  	s3 =	simm.s32 @!p0 $0x1082;
	s9 =	sld [smem:$0x3FB1]  }
0x2f: {  	lr =	sadd.s32 s0, s3;
	s0 =	sld [smem:$0x3FA8]  }
0x30: {  	s3 =	sld [smem:$0x3FAB]  }
0x31: {  	[smem:$0x3FB4] =	sst s10  }
0x32: {  	s10 =	sld [smem:$0x3FB2];
	_ =	sdelay $0x3  }
0x33: {  	p0 =	seq.s32 s10, $0x1;
	s10 =	sld [smem:$0x3FB4];
	_ =	sdelay $0x3  }
0x34: {  	[smem:$0x3FB4] =	sst s10  }
0x35: {  	s10 =	sld [smem:$0x3FB3];
	_ =	sdelay $0x3  }
0x36: {  	p1 =	seq.s32 s10, $0x1;
	s10 =	sld [smem:$0x3FB4];
	_ =	sdelay $0x3  }
0x37: {  	[smem:$0x3FB4] =	sst s10  }
0x38: {  	s10 =	sld [smem:$0x3FB5]  }
0x39: {  	_ = 	snop;
	(pc) =	sbr.ind lr, $3  }
0x3a: {  	_ = 	snop  }
0x3b: {  	_ = 	snop  }
0x3c: {  	p2 =	seq.s32 s10, $0x1;
	s10 =	sld [smem:$0x3FB4]  }
0x3d: {  	_ =	shalt  }
0x3e: {  	_ =	shalt  }
0x3f: {  	_ =	shalt  }
0x40: {  	_ =	shalt  }
0x41: {  	_ =	shalt  }
0x42: {  	_ =	shalt  }
0x43: {  	_ =	shalt  }
0x44: {  	_ =	shalt  }
0x45: {  	_ =	shalt  }
0x46: {  	_ =	shalt  }
0x47: {  	_ =	shalt  }
0x48: {  	_ =	shalt  }
0x49: {  	_ =	shalt  }
0x4a: {  	_ =	shalt  }
0x4b: {  	_ =	shalt  }
0x4c: {  	_ =	shalt  }
0x4d: {  	_ =	shalt  }
0x4e: {  	_ =	shalt  }
0x4f: {  	_ =	shalt  }
0x50: {  	_ =	shalt  }
0x51: {  	_ =	shalt  }
0x52: {  	_ =	shalt  }
0x53: {  	_ =	shalt  }
0x54: {  	_ =	shalt  }
0x55: {  	_ =	shalt  }
0x56: {  	_ =	shalt  }
0x57: {  	_ =	shalt  }
0x58: {  	_ =	shalt  }
0x59: {  	_ =	shalt  }
0x5a: {  	_ =	shalt  }
0x5b: {  	_ =	shalt  }
0x5c: {  	_ =	shalt  }
0x5d: {  	_ =	shalt  }
0x5e: {  	_ =	shalt  }
0x5f: {  	_ =	shalt  }
0x60: {  	_ =	shalt  }
0x61: {  	_ =	shalt  }
0x62: {  	_ =	shalt  }
0x63: {  	_ =	shalt  }
0x64: {  	_ =	shalt  }
0x65: {  	_ =	shalt  }
0x66: {  	_ =	shalt  }
0x67: {  	_ =	shalt  }
0x68: {  	_ =	shalt  }
0x69: {  	_ =	shalt  }
0x6a: {  	_ =	shalt  }
0x6b: {  	_ =	shalt  }
0x6c: {  	_ =	shalt  }
0x6d: {  	_ =	shalt  }
0x6e: {  	_ =	shalt  }
0x6f: {  	_ =	shalt  }
0x70: {  	_ =	shalt  }
0x71: {  	_ =	shalt  }
0x72: {  	_ =	shalt  }
0x73: {  	_ =	shalt  }
0x74: {  	_ =	shalt  }
0x75: {  	_ =	shalt  }
0x76: {  	_ =	shalt  }
0x77: {  	_ =	shalt  }
0x78: {  	_ =	shalt  }
0x79: {  	_ =	shalt  }
0x7a: {  	_ =	shalt  }
0x7b: {  	_ =	shalt  }
0x7c: {  	_ =	shalt  }
0x7d: {  	_ =	shalt  }
0x7e: {  	_ =	shalt  }
0x7f: {  	_ =	shalt  }
0x80: {  	_ =	shalt  }
0x81: {  	_ =	shalt  }
0x82: {  	_ =	shalt  }
0x83: {  	_ =	shalt  }
0x84: {  	_ =	shalt  }
0x85: {  	_ =	shalt  }
0x86: {  	_ =	shalt  }
0x87: {  	_ =	shalt  }
.Lfunc_end0:
.L_simem_size_0:
called_computation.2_lowered:
.L_overlay_start_0:
0x88: {  	s2 =	sld [smem:$0x3FD9]  }
0x89: {  	s3 =	sld [smem:$0x3FFE];
	_ =	sdelay $0x1  }
0x8a: {  	s1 =	srdreg.scid  }
0x8b: {  	s0 =	sand.u32 $0x1, s1  }
0x8c: {  	s16 =	sshll.u32 s0, $0xA;
	s2 =	sadd.s32 s3, s2  }
0x8d: {  	s2 =	sadd.s32 s2, s16  }
0x8e: {  	[smem:$0x3FC0] =	sst s2  }
0x8f: {  	_ = 	snop  }
0x90: {  	(tm) =	ssettm $0x1  }
0x91: {  	s17 =	sld [smem:$0x3FFB];
	_ =	sdelay $0x3  }
0x92: {  	_ =	strace s17  }
0x93: {  	s2 =	sld [smem:$0x3FFC];
	_ =	sdelay $0x3  }
0x94: {  	_ =	strace s2  }
0x95: {  	s2 =	sld [smem:$0x3FFD];
	_ =	sdelay $0x3  }
0x96: {  	_ =	strace s2  }
0x97: {  	_ =	strace $0x8FFFFFFF  }
0x98: {  	s18 =	sld [smem:$0x3FDB];
	_ =	sdelay $0x1  }
0x99: {  	s19 =	simm.s32 $_scs_section_size  }
0x9a: {  	s4 =	simm.s32 $_size__tile_overlayer_lowered;
	s5 =	simm.s32 $_tile_overlayer_lowered  }
0x9b: {  	s22 =	simm.s32 $0x1BFF;
	s21 =	sshll.u32 s5, $0x1;
	s2 =	sadd.s32 s19, s18  }
0x9c: {  	s6 =	simm.s32 $0x0;
	s20 =	sshll.u32 s4, $0x1;
	s4 =	sadd.s32 s21, s2  }
0x9d: {  	[timem:s6], [sflag:s22] =	dma.local [hbm:s4], s20  }
0x9e: {  	_ =	swait.ge [sflag:s22], s20  }
0x9f: {  	s3 =	ssub.s32 $0x0, s20;
	[sflag:s22] =	ssyncset.done $0x0  }
0xa0: {  	[sflag:s22] =	ssyncadd.s32 s3;
	_ =	sdelay $0x1  }
0xa1: {  	s23 =	simm.s32 $0x1B8B  }
0xa2: {  	_ =	swait.ge [sflag:s23], $0x1  }
0xa3: {  	[sflag:s23] =	ssyncset.done $0x0  }
0xa4: {  	s25 =	simm.s32 $0x1B8E;
	s24 =	sld [smem:$0x3FFE];
	[sflag:s23] =	ssyncadd.s32 $0xFFFFFFFF  }
0xa5: {  	s26 =	simm.s32 $execute0_lowered;
	[smem:$0x3FD2] =	sst s25  }
0xa6: {  	s4 =	sshll.u32 s26, $0x1;
	_ =	strace $0x8000004C;
	[dreg:$0x1] =	wrdreg $0xFFFFFFFF  }
0xa7: {  	s28 =	simm.s32 $_size_execute0_lowered;
	s2 =	sadd.s32 s2, s4;
	[dreg:$0x0] =	wrdreg $0x0  }
0xa8: {  	s4 =	sshll.u32 s28, $0x1;
	[dreg:$0x2] =	wrdreg s2  }
0xa9: {  	[dreg:$0x3] =	wrdreg s4  }
0xaa: {  	[dreg:$0x4] =	wrdreg $0xC0  }
0xab: {  	_ =	task [dreg:s6], $0x5FFFF  }
0xac: {  	[dreg:$0x1] =	wrdreg $0xFFFFFFFF  }
0xad: {  	[dreg:$0x0] =	wrdreg $0x60  }
0xae: {  	[dreg:$0x2] =	wrdreg s24  }
0xaf: {  	[dreg:$0x3] =	wrdreg $0x56000  }
0xb0: {  	[dreg:$0x4] =	wrdreg $0x9  }
0xb1: {  	_ =	task.clear_ibuf [dreg:s6], $0x5FFFF;
	_ =	strace $0x9000004C  }
0xb2: {  	s29 =	simm.s32 $0x9;
	_ =	strace $0x8000004E  }
0xb3: {  	_ =	swait.ge [sflag:s29], $0x1  }
0xb4: {  	[sflag:s29] =	ssyncadd.s32 $0xFFFFFFFF  }
0xb5: {  	_ =	strace $0x9000004E  }
0xb6: {  	_ =	sfence  }
0xb7: {  	s30 =	sld [smem:$0x0];
	_ =	sdelay $0x2  }
0xb8: {  	s31 =	sshll.u32 s1, $0xD;
	s1 =	sshrl.u32 s1, $0x2  }
0xb9: {  	s3 =	sand.u32 $0x4000, s31;
	s1 =	sadd.s32 s1, s30  }
0xba: {  	s0 =	sor.u32 s3, s0;
	s1 =	sshll.u32 s1, $0x11  }
0xbb: {  	s0 =	sor.u32 s1, s0  }
0xbc: {  	s0 =	sadd.s32 $0x8F2B, s0  }
0xbd: {  	[sflag:s0] =	ssyncadd.remote.s32 $0x1  }
0xbe: {  	_ =	sfence.sel $0xFFFF  }
0xbf: {  	[dreg:$0x0] =	wrdreg $0xFFFFFFFF;
	(pc) =	sbr.abs _section_cstart, $3  }
0xc0: {  	[dreg:$0x1] =	wrdreg $0xFFFFFFFF  }
0xc1: {  	_ =	task.clear_ibuf [dreg:s6], $0x2FFFF;
	_ =	strace $0x9FFFFFFF  }
0xc2: {  	(tm) =	ssettm $0x7FFFFFFF  }
0xc3: {  	_ =	shalt  }
tec
execute0_lowered:
.L_overlay_start_1:
0x0: {  	(tag) =	ssettag $0x1  }
0x1: {  	s0 =	rddreg [dreg:$0x0]  }
0x2: {  	s1 =	rddreg [dreg:$0x1];
	s2 =	simm.s32 $0x0  }
0x3: {  	s6 =	stileid.u32;
	s5 =	srdreg.scid;
	s28 =	simm.s32 $0xD  }
0x4: {  	s31 =	simm.s32 $0x1;
	[smem:$0x7FF] =	sst s2;
	s7 =	smul.u32 $0x13800, s6  }
0x5: {  	s3 =	sadd.s32 $0x3EA00, s0;
	s4 =	sadd.s32 $0x8CC00, s0;
	s10 =	sand.u32 $0x1, s5  }
0x6: {  	s11 =	smul.u32 $0x4E000, s6;
	s5 =	sadd.s32 $0xACC00, s0;
	s13 =	sadd.s32 $0x11AE00, s0  }
0x7: {  	s29 =	sshll.u32 s6, $0x10;
	s14 =	sshll.u32 s6, $0x6;
	s15 =	sadd.s32 $0x138000, s1  }
0x8: {  	p0 =	sne.s32 s6, $0x0;
	s6 =	simm.s32 $0x600;
	_ =	strace $0x8000004D  }
0x9: {  	s9 =	ssub.s32 $0x2, s10;
	s30 =	sshll.u32 s10, $0xF;
	[dreg:$0x6] =	wrdreg s15  }
0xa: {  	s10 =	smul.u32 $0x138800, s10;
	s15 =	simm.s32 $0x4;
	s8 =	sshrl.u32 s7, $0x3  }
0xb: {  	s12 =	sshrl.u32 s9, $0x1;
	s26 =	sshrl.u32 s11, $0x2;
	s8 =	sadd.s32 s8, s0  }
0xc: {  	s12 =	ssub.s32 s9, s12;
	s9 =	sadd.s32 s26, s1;
	s26 =	sor.u32 $0x1C0D, s14  }
0xd: {  	s0 =	sadd.s32 $0x3E800, s0;
	s7 =	sadd.s32 s7, s10;
	[dreg:$0x3] =	wrdreg s9  }
0xe: {  	s10 =	sshrl.u32 s10, $0x3;
	s14 =	simm.s32 $0x3;
	[dreg:$0x7] =	wrdreg s0  }
0xf: {  	s8 =	sadd.s32 $0x17800, s8;
	s7 =	sshrl.u32 s7, $0x3;
	[dreg:$0x5] =	wrdreg s26  }
0x10: {  	[dreg:$0x4] =	wrdreg s8;
	s8 =	sor.u32 s30, s29;
	s25 =	sadd.s32 s13, s7  }
0x11: {  	s29 =	sadd.s32 s13, s10;
	s30 =	smax.u32 s12, $0x1;
	s7 =	simm.s32 $0x2  }
0x12: {  	s10 =	simm.s32 $0x1A00;
	s12 =	simm.s32 $0x6;
	[dreg:$0x10] =	wrdreg s25  }
0x13: {  	s11 =	sshrl.u32 s8, $0x3;
	[dreg:$0x12] =	wrdreg s30;
	s25 =	simm.s32 $0x80  }
0x14: {  	s16 =	sadd.s32 s4, s11;
	s17 =	sadd.s32 s5, s11;
	s18 =	sor.u32 $0x10, s11  }
0x15: {  	s19 =	sor.u32 $0x20, s11;
	s23 =	sor.u32 $0x30, s11;
	[dreg:$0x8] =	wrdreg s16  }
0x16: {  	s11 =	simm.s32 $0x5;
	[dreg:$0x9] =	wrdreg s17;
	s20 =	sadd.s32 s4, s18  }
0x17: {  	s0 =	sadd.s32 s5, s18;
	s21 =	sadd.s32 s4, s19;
	[dreg:$0xa] =	wrdreg s20  }
0x18: {  	s22 =	sadd.s32 s5, s19;
	s24 =	sadd.s32 s4, s23;
	[dreg:$0xb] =	wrdreg s0  }
0x19: {  	s16 =	simm.s32 $0x2E00;
	s17 =	simm.s32 $0x4200;
	[dreg:$0xc] =	wrdreg s21  }
.Ltmp0:
0x1a: {  	s18 =	simm.s32 $0xB;
	[dreg:$0xd] =	wrdreg s22;
	(pc) =	sbr.rel .LBB2_1-.Ltmp0, $4  }
0x1b: {  	s19 =	simm.s32 $0xC;
	[dreg:$0xe] =	wrdreg s24;
	s0 =	sadd.s32 s5, s23  }
0x1c: {  	s20 =	simm.s32 $0x7;
	s21 =	simm.s32 $0x8;
	s22 =	simm.s32 $0x9  }
0x1d: {  	s23 =	simm.s32 $0xA;
	[dreg:$0xf] =	wrdreg s0;
	s0 =	sadd.s32 $0x27000, s29  }
0x1e: {  	s24 =	simm.s32 $0x0;
	[dreg:$0x11] =	wrdreg s0;
	s0 =	simm.s32 $0x28  }
.LBB2_22:
0x1f: {  	_ =	swait.ge [sflag:s18], $0x1400  }
0x20: {  	[sflag:s18] =	ssyncset.done $0x0  }
0x21: {  	[sflag:s18] =	ssyncadd.s32 $0xFFFFEC00  }
0x22: {  	_ =	swait.ge [sflag:s19], $0x1400  }
0x23: {  	[sflag:s19] =	ssyncset.done $0x0  }
0x24: {  	[sflag:s19] =	ssyncadd.s32 $0xFFFFEC00  }
0x25: {  	_ =	swait.ge [sflag:s22], $0x1400  }
0x26: {  	[sflag:s22] =	ssyncset.done $0x0  }
0x27: {  	[sflag:s22] =	ssyncadd.s32 $0xFFFFEC00  }
0x28: {  	_ =	swait.ge [sflag:s23], $0x1400  }
0x29: {  	[sflag:s23] =	ssyncset.done $0x0  }
0x2a: {  	[sflag:s23] =	ssyncadd.s32 $0xFFFFEC00  }
0x2b: {  	[bflag:$0x0] =	sbarrier.arrive $0xFFFF  }
0x2c: {  	s26 =	rddreg [dreg:$0x5]  }
0x2d: {  	s9 =	rddreg [dreg:$0x10]  }
0x2e: {  	s28 =	simm.s32 $0xD;
	s13 =	rddreg [dreg:$0x13]  }
0x2f: {  	[hbm:s9], [sflag:s26] =	dma.local [spmem:s13], $0x2700  }
0x30: {  	_ =	swait.ge [sflag:s28], $0x2700  }
0x31: {  	[sflag:s28] =	ssyncset.done $0x0;
	s9 =	rddreg [dreg:$0x11]  }
0x32: {  	s13 =	rddreg [dreg:$0x14];
	[sflag:s28] =	ssyncadd.s32 $0xFFFFD900  }
0x33: {  	[hbm:s9], [sflag:s26] =	dma.local @!p0 [spmem:s13], $0x100  }
0x34: {  	s9 =	simm.s32 @!p0 $0xD  }
0x35: {  	_ =	swait.ge @!p0 [sflag:s9], $0x100  }
0x36: {  	s24 =	sadd.s32 $0x1, s24;
	s30 =	rddreg [dreg:$0x12]  }
0x37: {  	p1 =	sne.s32 s24, s30  }
.Ltmp1:
0x38: {  	_ = 	snop;
	(pc) =	sbr.rel @!p1 .LBB2_23-.Ltmp1, $3  }
0x39: {  	_ =	sdelay $0x1  }
0x3a: {  	[sflag:s9] =	ssyncset.done @!p0 $0x0  }
0x3b: {  	[sflag:s9] =	ssyncadd.s32 @!p0 $0xFFFFFF00  }
.LBB2_1:
0x3c: {  	s9 =	rddreg [dreg:$0x3]  }
0x3d: {  	s30 =	rddreg [dreg:$0x4];
	s13 =	sshrl.u32 s9, $0x3  }
0x3e: {  	[dreg:$0x13] =	wrdreg s13  }
0x3f: {  	[spmem:s13], [sflag:s26] =	dma.local [hbm:s30], $0x2700  }
0x40: {  	_ =	swait.ge [sflag:s28], $0x2700  }
0x41: {  	s9 =	rddreg [dreg:$0x6]  }
0x42: {  	[sflag:s28] =	ssyncset.done $0x0;
	s13 =	sshrl.u32 @!p0 s9, $0x3;
	s9 =	rddreg [dreg:$0x7]  }
0x43: {  	[sflag:s28] =	ssyncadd.s32 $0xFFFFD900;
	[dreg:$0x14] =	wrdreg s13  }
0x44: {  	[spmem:s13], [sflag:s26] =	dma.local @!p0 [hbm:s9], $0x100  }
0x45: {  	s13 =	simm.s32 @!p0 $0xD  }
0x46: {  	_ =	swait.ge @!p0 [sflag:s13], $0x100  }
0x47: {  	[sflag:s13] =	ssyncset.done @!p0 $0x0  }
0x48: {  	[sflag:s13] =	ssyncadd.s32 @!p0 $0xFFFFFF00  }
0x49: {  	[bflag:$0x0] =	sbarrier.arrive $0xFFFF  }
0x4a: {  	s26 =	rddreg [dreg:$0x8]  }
0x4b: {  	[tilespmem:s2], [sflag:$0x1] =	stream.linear.gather [hbm4b:s26+s2], $0x80, $0x38;
	[tilespmem:$0x18E80] =	vst v63  }
0x4c: {  	s30 =	simm.s32 $0x200;
	s29 =	rddreg [dreg:$0x9]  }
0x4d: {  	[tilespmem:s30], [sflag:$0x1] =	stream.linear.gather [hbm4b:s29+s2], $0x80, $0x38;
	[tilespmem:$0x18E80] =	vst v63  }
0x4e: {  	s26 =	rddreg [dreg:$0xa]  }
0x4f: {  	[tilespmem:s25], [sflag:$0x2] =	stream.linear.gather [hbm4b:s26+s2], $0x80, $0x38;
	[tilespmem:$0x18E80] =	vst v63  }
0x50: {  	s29 =	rddreg [dreg:$0xb];
	s30 =	simm.s32 $0x280  }
0x51: {  	[tilespmem:s30], [sflag:$0x2] =	stream.linear.gather [hbm4b:s29+s2], $0x80, $0x38;
	[tilespmem:$0x18E80] =	vst v63  }
0x52: {  	s13 =	rddreg [dreg:$0xc];
	s26 =	simm.s32 $0x100  }
0x53: {  	[tilespmem:s26], [sflag:$0x3] =	stream.linear.gather [hbm4b:s13+s2], $0x80, $0x38;
	[tilespmem:$0x18E80] =	vst v63  }
0x54: {  	s29 =	rddreg [dreg:$0xd];
	s30 =	simm.s32 $0x300  }
0x55: {  	[tilespmem:s30], [sflag:$0x3] =	stream.linear.gather [hbm4b:s29+s2], $0x80, $0x38;
	[tilespmem:$0x18E80] =	vst v63  }
0x56: {  	s13 =	rddreg [dreg:$0xe];
	s26 =	simm.s32 $0x180  }
0x57: {  	[tilespmem:s26], [sflag:$0x4] =	stream.linear.gather [hbm4b:s13+s2], $0x80, $0x38;
	[tilespmem:$0x18E80] =	vst v63  }
0x58: {  	s29 =	rddreg [dreg:$0xf];
	s30 =	simm.s32 $0x380  }
0x59: {  	[tilespmem:s30], [sflag:$0x4] =	stream.linear.gather [hbm4b:s29+s2], $0x80, $0x38;
	[tilespmem:$0x18E80] =	vst v63  }
0x5a: {  	_ =	swait.ge [sflag:s31], $0x80  }
0x5b: {  	[sflag:s31] =	ssyncset.done $0x0  }
0x5c: {  	[sflag:s31] =	ssyncadd.s32 $0xFFFFFF80  }
0x5d: {  	_ =	swait.ge [sflag:s31], $0x80  }
0x5e: {  	[sflag:s31] =	ssyncset.done $0x0  }
0x5f: {  	[sflag:s31] =	ssyncadd.s32 $0xFFFFFF80  }
0x60: {  	[tilespmem:s6], [sflag:$0x5] =	stream.indirect.gather [hbm4b:s3+s0], $0x80, s2, s0, $0xb8;
	[tilespmem:$0x18E80] =	vst v63  }
0x61: {  	_ =	swait.ge [sflag:s7], $0x80  }
0x62: {  	[sflag:s7] =	ssyncset.done $0x0  }
.Ltmp2:
0x63: {  	[sflag:s7] =	ssyncadd.s32 $0xFFFFFF80;
	(pc) =	sbr.rel .LBB2_2-.Ltmp2, $4  }
0x64: {  	_ =	swait.ge [sflag:s7], $0x80  }
0x65: {  	[sflag:s7] =	ssyncset.done $0x0  }
0x66: {  	s28 =	simm.s32 $0x0;
	s13 =	simm.s32 $0x280;
	[sflag:s7] =	ssyncadd.s32 $0xFFFFFF80  }
0x67: {  	[tilespmem:s10], [sflag:$0x6] =	stream.indirect.gather [hbm4b:s3+s0], $0x80, s25, s0, $0xb8;
	[tilespmem:$0x18E80] =	vst v63  }
.LBB2_20:
0x68: {  	_ =	swait.ge [sflag:s31], $0x80  }
0x69: {  	[sflag:s31] =	ssyncset.done $0x0  }
0x6a: {  	[sflag:s31] =	ssyncadd.s32 $0xFFFFFF80  }
0x6b: {  	_ =	swait.ge [sflag:s31], $0x80  }
0x6c: {  	[sflag:s31] =	ssyncset.done $0x0  }
0x6d: {  	[sflag:s31] =	ssyncadd.s32 $0xFFFFFF80  }
0x6e: {  	_ =	swait.ge [sflag:s7], $0x80  }
0x6f: {  	p1 =	sgt.u32 s28, $0x7A;
	[sflag:s7] =	ssyncset.done $0x0  }
0x70: {  	s9 =	sadd.s32 @!p1 $0xFFFFFF80, s13;
	[sflag:s7] =	ssyncadd.s32 $0xFFFFFF80  }
0x71: {  	s26 =	sand.u32 @!p1 $0xFC00, s9;
	_ =	swait.ge [sflag:s7], $0x80  }
0x72: {  	s9 =	sand.u32 @!p1 $0x300, s9;
	s26 =	sadd.s32 @!p1 s8, s26;
	[sflag:s7] =	ssyncset.done $0x0  }
0x73: {  	s9 =	sor.u32 @!p1 s9, s26;
	[sflag:s7] =	ssyncadd.s32 $0xFFFFFF80  }
0x74: {  	[tilespmem:s6], [sflag:$0x5] =	stream.indirect.gather [hbm4b:s3+s0], $0x80, s2, s0, $0xb8;
	[tilespmem:$0x18E80] =	vst v63  }
0x75: {  	s9 =	sshrl.u32 @!p1 s9, $0x3  }
0x76: {  	[tilespmem:s10], [sflag:$0x6] =	stream.indirect.gather [hbm4b:s3+s0], $0x80, s25, s0, $0xb8;
	[tilespmem:$0x18E80] =	vst v63  }
0x77: {  	s29 =	simm.s32 @!p1 $0x0;
	s30 =	simm.s32 @!p1 $0x100;
	s26 =	sadd.s32 @!p1 s4, s9  }
0x78: {  	[tilespmem:s30], [sflag:$0x3] =	stream.linear.gather @!p1 [hbm4b:s26+s29], $0x80, $0x38;
	[tilespmem:$0x18E80] =	vst v63  }
0x79: {  	s9 =	sadd.s32 @!p1 s5, s9;
	s26 =	simm.s32 @!p1 $0x300  }
0x7a: {  	[tilespmem:s26], [sflag:$0x3] =	stream.linear.gather @!p1 [hbm4b:s9+s29], $0x80, $0x38;
	[tilespmem:$0x18E80] =	vst v63  }
0x7b: {  	s9 =	sand.u32 @!p1 $0xFC00, s13  }
0x7c: {  	s26 =	sand.u32 @!p1 $0x380, s13;
	s9 =	sadd.s32 @!p1 s8, s9  }
0x7d: {  	s9 =	sor.u32 @!p1 s26, s9  }
0x7e: {  	s9 =	sshrl.u32 @!p1 s9, $0x3  }
0x7f: {  	s30 =	simm.s32 @!p1 $0x180;
	s26 =	sadd.s32 @!p1 s4, s9  }
0x80: {  	[tilespmem:s30], [sflag:$0x4] =	stream.linear.gather @!p1 [hbm4b:s26+s29], $0x80, $0x38;
	[tilespmem:$0x18E80] =	vst v63  }
0x81: {  	s9 =	sadd.s32 @!p1 s5, s9;
	s26 =	simm.s32 @!p1 $0x380  }
0x82: {  	[tilespmem:s26], [sflag:$0x4] =	stream.linear.gather @!p1 [hbm4b:s9+s29], $0x80, $0x38;
	[tilespmem:$0x18E80] =	vst v63  }
.LBB2_21:
0x83: {  	s13 =	sadd.s32 $0x100, s13  }
0x84: {  	p1 =	sne.s32 s13, $0x7F80  }
.Ltmp3:
0x85: {  	_ = 	snop;
	(pc) =	sbr.rel @!p1 .LBB2_22-.Ltmp3, $2  }
0x86: {  	_ =	sdelay $0x2  }
0x87: {  	s28 =	sadd.s32 $0x1, s28  }
.LBB2_2:
0x88: {  	s30 =	sand.u32 $0x3, s28  }
0x89: {  	p1 =	sgt.s32 s30, $0x1  }
.Ltmp4:
0x8a: {  	_ = 	snop;
	(pc) =	sbr.rel @p1 .LBB2_16-.Ltmp4, $1  }
0x8b: {  	_ =	sdelay $0x3  }
0x8c: {  	p1 =	seq.s32 s30, $0x0  }
.Ltmp5:
0x8d: {  	_ = 	snop;
	(pc) =	sbr.rel @!p1 .LBB2_8-.Ltmp5, $1  }
0x8e: {  	_ =	sdelay $0x3  }
0x8f: {  	_ =	swait.ge [sflag:s11], $0x1400  }
0x90: {  	[sflag:s11] =	ssyncset.done $0x0  }
0x91: {  	s9 =	simm.s32 $0x200;
	p1 =	seq.s32 s28, $0x0;
	[sflag:s11] =	ssyncadd.s32 $0xFFFFEC00  }
0x92: {  	[spmem:s1] =	stream.indirect.scatter.add.f32 [tilespmem:s6], [sflag:$0x9], $0x80, s9, s0, $0xb8;
	[tilespmem:$0x18E80] =	vst v63  }
.Ltmp6:
0x93: {  	_ = 	snop;
	(pc) =	sbr.rel @p1 .LBB2_7-.Ltmp6, $4  }
0x94: {  	_ =	swait.ge [sflag:s12], $0x1400  }
0x95: {  	[sflag:s12] =	ssyncset.done $0x0  }
0x96: {  	s30 =	simm.s32 $0x280;
	[sflag:s12] =	ssyncadd.s32 $0xFFFFEC00  }
0x97: {  	[spmem:s1] =	stream.indirect.scatter.add.f32 [tilespmem:s10], [sflag:$0xA], $0x80, s30, s0, $0xb8;
	[tilespmem:$0x18E80] =	vst v63  }
0x98: {  	p1 =	seq.s32 s28, $0x7C  }
.Ltmp7:
0x99: {  	_ = 	snop;
	(pc) =	sbr.rel @p1 .LBB2_22-.Ltmp7, $1  }
0x9a: {  	_ =	sdelay $0x3  }
0x9b: {  	_ =	swait.ge [sflag:s18], $0x1400  }
0x9c: {  	[sflag:s18] =	ssyncset.done $0x0  }
0x9d: {  	[sflag:s18] =	ssyncadd.s32 $0xFFFFEC00  }
0x9e: {  	_ =	swait.ge [sflag:s19], $0x1400  }
0x9f: {  	[sflag:s19] =	ssyncset.done $0x0  }
0xa0: {  	[sflag:s19] =	ssyncadd.s32 $0xFFFFEC00  }
.LBB2_7:
0xa1: {  	_ =	swait.ge [sflag:s14], $0x80  }
0xa2: {  	[sflag:s14] =	ssyncset.done $0x0  }
0xa3: {  	[sflag:s14] =	ssyncadd.s32 $0xFFFFFF80  }
0xa4: {  	_ =	swait.ge [sflag:s14], $0x80  }
0xa5: {  	[sflag:s14] =	ssyncset.done $0x0  }
0xa6: {  	[sflag:s14] =	ssyncadd.s32 $0xFFFFFF80  }
0xa7: {  	_ =	swait.ge [sflag:s15], $0x80  }
0xa8: {  	[sflag:s15] =	ssyncset.done $0x0  }
0xa9: {  	[sflag:s15] =	ssyncadd.s32 $0xFFFFFF80  }
0xaa: {  	_ =	swait.ge [sflag:s15], $0x80  }
0xab: {  	[sflag:s15] =	ssyncset.done $0x0  }
0xac: {  	s9 =	simm.s32 $0x100;
	[sflag:s15] =	ssyncadd.s32 $0xFFFFFF80  }
0xad: {  	[tilespmem:s16], [sflag:$0x7] =	stream.indirect.gather [hbm4b:s3+s0], $0x80, s9, s0, $0xb8;
	[tilespmem:$0x18E80] =	vst v63  }
0xae: {  	s30 =	simm.s32 $0x180;
	p1 =	sgt.u32 s28, $0x7A  }
0xaf: {  	[tilespmem:s17], [sflag:$0x8] =	stream.indirect.gather [hbm4b:s3+s0], $0x80, s30, s0, $0xb8;
	[tilespmem:$0x18E80] =	vst v63  }
0xb0: {  	s30 =	sadd.s32 @!p1 $0xFFFFFF80, s13  }
0xb1: {  	s9 =	sand.u32 @!p1 $0xFC00, s30  }
0xb2: {  	s30 =	sand.u32 @!p1 $0x300, s30;
	s9 =	sadd.s32 @!p1 s8, s9  }
0xb3: {  	s9 =	sor.u32 @!p1 s30, s9  }
0xb4: {  	s9 =	sshrl.u32 @!p1 s9, $0x3  }
0xb5: {  	s26 =	simm.s32 @!p1 $0x0;
	s30 =	sadd.s32 @!p1 s4, s9  }
0xb6: {  	[tilespmem:s26], [sflag:$0x1] =	stream.linear.gather @!p1 [hbm4b:s30+s26], $0x80, $0x38;
	[tilespmem:$0x18E80] =	vst v63  }
0xb7: {  	s9 =	sadd.s32 @!p1 s5, s9;
	s30 =	simm.s32 @!p1 $0x400  }
0xb8: {  	[tilespmem:s30], [sflag:$0x1] =	stream.linear.gather @!p1 [hbm4b:s9+s26], $0x80, $0x38;
	[tilespmem:$0x18E80] =	vst v63  }
0xb9: {  	s9 =	sand.u32 @!p1 $0xFC00, s13  }
0xba: {  	s30 =	sand.u32 @!p1 $0x380, s13;
	s9 =	sadd.s32 @!p1 s8, s9  }
0xbb: {  	s9 =	sor.u32 @!p1 s30, s9  }
.Ltmp8:
0xbc: {  	s9 =	sshrl.u32 @!p1 s9, $0x3;
	(pc) =	sbr.rel .LBB2_21-.Ltmp8, $4  }
0xbd: {  	s29 =	simm.s32 @!p1 $0x80;
	s30 =	sadd.s32 @!p1 s4, s9  }
0xbe: {  	[tilespmem:s29], [sflag:$0x2] =	stream.linear.gather @!p1 [hbm4b:s30+s26], $0x80, $0x38;
	[tilespmem:$0x18E80] =	vst v63  }
0xbf: {  	s9 =	sadd.s32 @!p1 s5, s9;
	s29 =	simm.s32 @!p1 $0x480  }
0xc0: {  	[tilespmem:s29], [sflag:$0x2] =	stream.linear.gather @!p1 [hbm4b:s9+s26], $0x80, $0x38;
	[tilespmem:$0x18E80] =	vst v63  }
.LBB2_16:
0xc1: {  	p1 =	seq.s32 s30, $0x2  }
.Ltmp9:
0xc2: {  	_ = 	snop;
	(pc) =	sbr.rel @!p1 .LBB2_17-.Ltmp9, $1  }
0xc3: {  	_ =	sdelay $0x3  }
0xc4: {  	_ =	swait.ge [sflag:s11], $0x1400  }
0xc5: {  	[sflag:s11] =	ssyncset.done $0x0  }
0xc6: {  	s9 =	simm.s32 $0x400;
	p1 =	seq.s32 s28, $0x0;
	[sflag:s11] =	ssyncadd.s32 $0xFFFFEC00  }
0xc7: {  	[spmem:s1] =	stream.indirect.scatter.add.f32 [tilespmem:s6], [sflag:$0x9], $0x80, s9, s0, $0xb8;
	[tilespmem:$0x18E80] =	vst v63  }
.Ltmp10:
0xc8: {  	_ = 	snop;
	(pc) =	sbr.rel @p1 .LBB2_15-.Ltmp10, $4  }
0xc9: {  	_ =	swait.ge [sflag:s12], $0x1400  }
0xca: {  	[sflag:s12] =	ssyncset.done $0x0  }
0xcb: {  	s30 =	simm.s32 $0x480;
	[sflag:s12] =	ssyncadd.s32 $0xFFFFEC00  }
0xcc: {  	[spmem:s1] =	stream.indirect.scatter.add.f32 [tilespmem:s10], [sflag:$0xA], $0x80, s30, s0, $0xb8;
	[tilespmem:$0x18E80] =	vst v63  }
0xcd: {  	p1 =	seq.s32 s28, $0x7C  }
.Ltmp11:
0xce: {  	_ = 	snop;
	(pc) =	sbr.rel @p1 .LBB2_22-.Ltmp11, $1  }
0xcf: {  	_ =	sdelay $0x3  }
0xd0: {  	_ =	swait.ge [sflag:s18], $0x1400  }
0xd1: {  	[sflag:s18] =	ssyncset.done $0x0  }
0xd2: {  	[sflag:s18] =	ssyncadd.s32 $0xFFFFEC00  }
0xd3: {  	_ =	swait.ge [sflag:s19], $0x1400  }
0xd4: {  	[sflag:s19] =	ssyncset.done $0x0  }
0xd5: {  	[sflag:s19] =	ssyncadd.s32 $0xFFFFEC00  }
.LBB2_15:
0xd6: {  	_ =	swait.ge [sflag:s14], $0x80  }
0xd7: {  	[sflag:s14] =	ssyncset.done $0x0  }
0xd8: {  	[sflag:s14] =	ssyncadd.s32 $0xFFFFFF80  }
0xd9: {  	_ =	swait.ge [sflag:s14], $0x80  }
0xda: {  	[sflag:s14] =	ssyncset.done $0x0  }
0xdb: {  	[sflag:s14] =	ssyncadd.s32 $0xFFFFFF80  }
0xdc: {  	_ =	swait.ge [sflag:s15], $0x80  }
0xdd: {  	[sflag:s15] =	ssyncset.done $0x0  }
0xde: {  	[sflag:s15] =	ssyncadd.s32 $0xFFFFFF80  }
0xdf: {  	_ =	swait.ge [sflag:s15], $0x80  }
0xe0: {  	[sflag:s15] =	ssyncset.done $0x0  }
0xe1: {  	s9 =	simm.s32 $0x100;
	p1 =	sgt.u32 s28, $0x7A;
	[sflag:s15] =	ssyncadd.s32 $0xFFFFFF80  }
0xe2: {  	[tilespmem:s16], [sflag:$0x7] =	stream.indirect.gather [hbm4b:s3+s0], $0x80, s9, s0, $0xb8;
	[tilespmem:$0x18E80] =	vst v63  }
0xe3: {  	s9 =	sadd.s32 @!p1 $0xFFFFFF80, s13  }
0xe4: {  	s30 =	simm.s32 $0x180;
	s26 =	sand.u32 @!p1 $0xFC00, s9  }
0xe5: {  	[tilespmem:s17], [sflag:$0x8] =	stream.indirect.gather [hbm4b:s3+s0], $0x80, s30, s0, $0xb8;
	[tilespmem:$0x18E80] =	vst v63  }
0xe6: {  	s9 =	sand.u32 @!p1 $0x300, s9;
	s26 =	sadd.s32 @!p1 s8, s26  }
0xe7: {  	s9 =	sor.u32 @!p1 s9, s26  }
0xe8: {  	s9 =	sshrl.u32 @!p1 s9, $0x3  }
0xe9: {  	s29 =	simm.s32 @!p1 $0x0;
	s26 =	sadd.s32 @!p1 s4, s9  }
0xea: {  	[tilespmem:s29], [sflag:$0x1] =	stream.linear.gather @!p1 [hbm4b:s26+s29], $0x80, $0x38;
	[tilespmem:$0x18E80] =	vst v63  }
0xeb: {  	s9 =	sadd.s32 @!p1 s5, s9;
	s26 =	simm.s32 @!p1 $0x200  }
0xec: {  	[tilespmem:s26], [sflag:$0x1] =	stream.linear.gather @!p1 [hbm4b:s9+s29], $0x80, $0x38;
	[tilespmem:$0x18E80] =	vst v63  }
0xed: {  	s9 =	sand.u32 @!p1 $0xFC00, s13  }
0xee: {  	s26 =	sand.u32 @!p1 $0x380, s13;
	s9 =	sadd.s32 @!p1 s8, s9  }
0xef: {  	s9 =	sor.u32 @!p1 s26, s9  }
.Ltmp12:
0xf0: {  	s9 =	sshrl.u32 @!p1 s9, $0x3;
	(pc) =	sbr.rel .LBB2_21-.Ltmp12, $4  }
0xf1: {  	s30 =	simm.s32 @!p1 $0x80;
	s26 =	sadd.s32 @!p1 s4, s9  }
0xf2: {  	[tilespmem:s30], [sflag:$0x2] =	stream.linear.gather @!p1 [hbm4b:s26+s29], $0x80, $0x38;
	[tilespmem:$0x18E80] =	vst v63  }
0xf3: {  	s9 =	sadd.s32 @!p1 s5, s9;
	s26 =	simm.s32 @!p1 $0x280  }
0xf4: {  	[tilespmem:s26], [sflag:$0x2] =	stream.linear.gather @!p1 [hbm4b:s9+s29], $0x80, $0x38;
	[tilespmem:$0x18E80] =	vst v63  }
.LBB2_8:
0xf5: {  	_ =	swait.ge [sflag:s20], $0x1400  }
0xf6: {  	[sflag:s20] =	ssyncset.done $0x0  }
0xf7: {  	s9 =	simm.s32 $0x300;
	p1 =	seq.s32 s28, $0x0;
	[sflag:s20] =	ssyncadd.s32 $0xFFFFEC00  }
0xf8: {  	[spmem:s1] =	stream.indirect.scatter.add.f32 [tilespmem:s16], [sflag:$0xB], $0x80, s9, s0, $0xb8;
	[tilespmem:$0x18E80] =	vst v63  }
.Ltmp13:
0xf9: {  	_ = 	snop;
	(pc) =	sbr.rel @p1 .LBB2_11-.Ltmp13, $4  }
0xfa: {  	_ =	swait.ge [sflag:s21], $0x1400  }
0xfb: {  	[sflag:s21] =	ssyncset.done $0x0  }
0xfc: {  	s30 =	simm.s32 $0x380;
	[sflag:s21] =	ssyncadd.s32 $0xFFFFEC00  }
0xfd: {  	[spmem:s1] =	stream.indirect.scatter.add.f32 [tilespmem:s17], [sflag:$0xC], $0x80, s30, s0, $0xb8;
	[tilespmem:$0x18E80] =	vst v63  }
0xfe: {  	p1 =	seq.s32 s28, $0x7C  }
.Ltmp14:
0xff: {  	_ = 	snop;
	(pc) =	sbr.rel @p1 .LBB2_22-.Ltmp14, $1  }
0x100: {  	_ =	sdelay $0x3  }
0x101: {  	_ =	swait.ge [sflag:s22], $0x1400  }
0x102: {  	[sflag:s22] =	ssyncset.done $0x0  }
0x103: {  	[sflag:s22] =	ssyncadd.s32 $0xFFFFEC00  }
0x104: {  	_ =	swait.ge [sflag:s23], $0x1400  }
0x105: {  	[sflag:s23] =	ssyncset.done $0x0  }
0x106: {  	[sflag:s23] =	ssyncadd.s32 $0xFFFFEC00  }
.LBB2_11:
0x107: {  	_ =	swait.ge [sflag:s31], $0x80  }
0x108: {  	[sflag:s31] =	ssyncset.done $0x0  }
0x109: {  	[sflag:s31] =	ssyncadd.s32 $0xFFFFFF80  }
0x10a: {  	_ =	swait.ge [sflag:s31], $0x80  }
0x10b: {  	[sflag:s31] =	ssyncset.done $0x0  }
0x10c: {  	[sflag:s31] =	ssyncadd.s32 $0xFFFFFF80  }
0x10d: {  	_ =	swait.ge [sflag:s7], $0x80  }
0x10e: {  	p1 =	sgt.u32 s28, $0x7A;
	[sflag:s7] =	ssyncset.done $0x0  }
0x10f: {  	s9 =	sadd.s32 @!p1 $0xFFFFFF80, s13;
	[sflag:s7] =	ssyncadd.s32 $0xFFFFFF80  }
0x110: {  	s26 =	sand.u32 @!p1 $0xFC00, s9;
	_ =	swait.ge [sflag:s7], $0x80  }
0x111: {  	s9 =	sand.u32 @!p1 $0x300, s9;
	s26 =	sadd.s32 @!p1 s8, s26;
	[sflag:s7] =	ssyncset.done $0x0  }
0x112: {  	s9 =	sor.u32 @!p1 s9, s26;
	[sflag:s7] =	ssyncadd.s32 $0xFFFFFF80  }
0x113: {  	[tilespmem:s6], [sflag:$0x5] =	stream.indirect.gather [hbm4b:s3+s0], $0x80, s2, s0, $0xb8;
	[tilespmem:$0x18E80] =	vst v63  }
0x114: {  	s9 =	sshrl.u32 @!p1 s9, $0x3  }
0x115: {  	[tilespmem:s10], [sflag:$0x6] =	stream.indirect.gather [hbm4b:s3+s0], $0x80, s25, s0, $0xb8;
	[tilespmem:$0x18E80] =	vst v63  }
0x116: {  	s29 =	simm.s32 @!p1 $0x0;
	s30 =	simm.s32 @!p1 $0x100;
	s26 =	sadd.s32 @!p1 s4, s9  }
0x117: {  	[tilespmem:s30], [sflag:$0x3] =	stream.linear.gather @!p1 [hbm4b:s26+s29], $0x80, $0x38;
	[tilespmem:$0x18E80] =	vst v63  }
0x118: {  	s9 =	sadd.s32 @!p1 s5, s9;
	s26 =	simm.s32 @!p1 $0x500  }
0x119: {  	[tilespmem:s26], [sflag:$0x3] =	stream.linear.gather @!p1 [hbm4b:s9+s29], $0x80, $0x38;
	[tilespmem:$0x18E80] =	vst v63  }
0x11a: {  	s9 =	sand.u32 @!p1 $0xFC00, s13  }
0x11b: {  	s26 =	sand.u32 @!p1 $0x380, s13;
	s9 =	sadd.s32 @!p1 s8, s9  }
0x11c: {  	s9 =	sor.u32 @!p1 s26, s9  }
.Ltmp15:
0x11d: {  	s9 =	sshrl.u32 @!p1 s9, $0x3;
	(pc) =	sbr.rel .LBB2_21-.Ltmp15, $4  }
0x11e: {  	s30 =	simm.s32 @!p1 $0x180;
	s26 =	sadd.s32 @!p1 s4, s9  }
0x11f: {  	[tilespmem:s30], [sflag:$0x4] =	stream.linear.gather @!p1 [hbm4b:s26+s29], $0x80, $0x38;
	[tilespmem:$0x18E80] =	vst v63  }
0x120: {  	s9 =	sadd.s32 @!p1 s5, s9;
	s26 =	simm.s32 @!p1 $0x580  }
0x121: {  	[tilespmem:s26], [sflag:$0x4] =	stream.linear.gather @!p1 [hbm4b:s9+s29], $0x80, $0x38;
	[tilespmem:$0x18E80] =	vst v63  }
.LBB2_17:
0x122: {  	_ =	swait.ge [sflag:s20], $0x1400  }
0x123: {  	[sflag:s20] =	ssyncset.done $0x0  }
0x124: {  	s9 =	simm.s32 $0x500;
	p1 =	seq.s32 s28, $0x0;
	[sflag:s20] =	ssyncadd.s32 $0xFFFFEC00  }
0x125: {  	[spmem:s1] =	stream.indirect.scatter.add.f32 [tilespmem:s16], [sflag:$0xB], $0x80, s9, s0, $0xb8;
	[tilespmem:$0x18E80] =	vst v63  }
.Ltmp16:
0x126: {  	_ = 	snop;
	(pc) =	sbr.rel @p1 .LBB2_20-.Ltmp16, $4  }
0x127: {  	_ =	swait.ge [sflag:s21], $0x1400  }
0x128: {  	[sflag:s21] =	ssyncset.done $0x0  }
0x129: {  	s30 =	simm.s32 $0x580;
	[sflag:s21] =	ssyncadd.s32 $0xFFFFEC00  }
0x12a: {  	[spmem:s1] =	stream.indirect.scatter.add.f32 [tilespmem:s17], [sflag:$0xC], $0x80, s30, s0, $0xb8;
	[tilespmem:$0x18E80] =	vst v63  }
0x12b: {  	p1 =	seq.s32 s28, $0x7C  }
.Ltmp17:
0x12c: {  	_ = 	snop;
	(pc) =	sbr.rel @p1 .LBB2_22-.Ltmp17, $1  }
0x12d: {  	_ =	sdelay $0x3  }
0x12e: {  	_ =	swait.ge [sflag:s22], $0x1400  }
.Ltmp18:
0x12f: {  	[sflag:s22] =	ssyncset.done $0x0;
	(pc) =	sbr.rel .LBB2_20-.Ltmp18, $4  }
0x130: {  	[sflag:s22] =	ssyncadd.s32 $0xFFFFEC00  }
0x131: {  	_ =	swait.ge [sflag:s23], $0x1400  }
0x132: {  	[sflag:s23] =	ssyncset.done $0x0  }
0x133: {  	[sflag:s23] =	ssyncadd.s32 $0xFFFFEC00  }
.LBB2_23:
0x134: {  	_ =	sfence.sel $0x180000  }
0x135: {  	[bflag:$0x0] =	sbarrier.arrive $0xFFFF  }
0x136: {  	_ =	strace $0x9000004D  }
0x137: {  	[bflag:$0x2] =	sbarrier.arrive $0xFFFF  }
0x138: {  	s0 =	rddreg [dreg:$0x2]  }
0x139: {  	s0 =	sadd.s32 @!p0 $0x100000, s0  }
0x13a: {  	[sflag:s0] =	ssyncadd.tile.s32 @!p0 $0x1;
	_ =	shalt  }
.Lfunc_end2:
_tile_overlayer_lowered:
.L_overlay_start_2:
0x13b: {  	(tag) =	ssettag $0x2  }
0x13c: {  	s0 =	rddreg [dreg:$0x0];
	s2 =	stileid.u32  }
0x13d: {  	s1 =	rddreg [dreg:$0x1];
	p0 =	sne.s32 s2, $0x0  }
0x13e: {  	s3 =	rddreg [dreg:$0x2];
	[bflag:$0x3] =	sbarrier.arrive $0xFFFF;
	s2 =	simm.s32 @!p0 $0x1C0D  }
0x13f: {  	[timem:s3], [sflag:s2] =	dma.local @!p0 [hbm:s0], s1  }
0x140: {  	s0 =	simm.s32 @!p0 $0xD  }
0x141: {  	_ =	swait.ge @!p0 [sflag:s0], s1  }
0x142: {  	s1 =	ssub.s32 @!p0 $0x0, s1;
	[sflag:s0] =	ssyncset.done @!p0 $0x0  }
0x143: {  	[sflag:s0] =	ssyncadd.s32 @!p0 s1  }
0x144: {  	[bflag:$0x3] =	sbarrier.arrive $0xFFFF  }
0x145: {  	_ =	shalt  }

// kernel: kernel.8.cloned.1.call-start
scs
__scs_entry_jumppad:
0x0: {  	(pc) =	sbr.rel $0x88, $3  }
0x1: {  	(tag) =	ssettag $0x0;
	lr =	simm.s32 $0x1  }
0x2: {  	[smem:$0x3F99] =	sst lr;
	_ =	strace $0xD0000000  }
0x3: {  	_ = 	snop  }
0x4: {  	_ = 	snop  }
0x5: {  	_ = 	snop  }
0x6: {  	_ = 	snop  }
0x7: {  	_ = 	snop  }
__scs_overlays_trampoline_lowered:
0x8: {  	[smem:$0x3FA8] =	sst s0  }
0x9: {  	[smem:$0x3FA9] =	sst s1  }
0xa: {  	[smem:$0x3FAA] =	sst s2  }
0xb: {  	[smem:$0x3FAB] =	sst s3  }
0xc: {  	[smem:$0x3FAC] =	sst s4  }
0xd: {  	[smem:$0x3FAD] =	sst s5  }
0xe: {  	[smem:$0x3FAE] =	sst s6  }
0xf: {  	[smem:$0x3FAF] =	sst s7  }
0x10: {  	[smem:$0x3FB0] =	sst s8  }
0x11: {  	[smem:$0x3FB1] =	sst s9;
	s0 =	simm.s32 @!p0 $0x0  }
0x12: {  	s1 =	sld [smem:$0x3F97];
	s0 =	simm.s32 @p0 $0x1  }
0x13: {  	[smem:$0x3FB2] =	sst s0;
	s0 =	simm.s32 @!p1 $0x0  }
0x14: {  	s2 =	sld [smem:$0x3F96];
	s0 =	simm.s32 @p1 $0x1  }
0x15: {  	[smem:$0x3FB3] =	sst s0;
	s0 =	simm.s32 @!p2 $0x0  }
0x16: {  	s3 =	sld [smem:$0x3FDB];
	s0 =	simm.s32 @p2 $0x1  }
0x17: {  	s4 =	simm.s32 $0x1BF5;
	[smem:$0x3FB5] =	sst s0  }
0x18: {  	s0 =	sld [smem:$0x3F98];
	_ =	swait.ge [sflag:s4], $0x0  }
0x19: {  	s7 =	sld [smem:$0x3F99]  }
0x1a: {  	s8 =	sadd.s32 $0xFFFFE003, lr  }
0x1b: {  	s9 =	sadd.s32 $0xFFFFFEF7, lr;
	s5 =	simm.s32 $0xFFFFFFFF;
	p2 =	slt.u32 s8, $0xFFFFF086  }
0x1c: {  	p1 =	slt.u32 s9, $0xF7A;
	s5 =	simm.s32 @!p2 $0x0  }
0x1d: {  	s5 =	simm.s32 @p1 $0x1;
	p0 =	seq.s32 s7, s2  }
0x1e: {  	s7 =	smul.u32 @!p0 $0xF7A, s2;
	p2 =	seq.s32 @!p0 s5, $0x0  }
0x1f: {  	s9 =	smul.u32 $0xF7A, s1;
	s8 =	simm.s32 @!p0 $0x1BF5;
	p2 =	por !p2, p0  }
0x20: {  	[sflag:s8] =	ssyncset.s32 @!p0 $0xFFFFF086;
	s6 =	sadd.s32 @!p0 s3, s7;
	s7 =	simm.s32 @!p0 $0x108  }
0x21: {  	s3 =	sadd.s32 s3, s9;
	s6 =	sadd.s32 @!p0 $0x88, s6;
	s7 =	simm.s32 @p2 $0x1082  }
0x22: {  	[simem:s7], [sflag:s8] =	dma.local @!p0 [hbm:s6], $0xF7A  }
0x23: {  	s9 =	sor.u32 $0xD0000000, s2;
	s6 =	simm.s32 $0x108;
	_ =	swait.ge @!p0 [sflag:s8], $0x0  }
0x24: {  	s3 =	sadd.s32 $0x88, s3;
	s6 =	simm.s32 @!p1 $0x1082;
	[sflag:s4] =	ssyncset.s32 $0xFFFFF086  }
0x25: {  	[simem:s6], [sflag:s4] =	dma.local [hbm:s3], $0xF7A  }
0x26: {  	[smem:$0x3F99] =	sst s1;
	(tag) =	ssettag s2;
	_ =	strace s9  }
0x27: {  	s1 =	sld [smem:$0x3FA9]  }
0x28: {  	s2 =	sld [smem:$0x3FAA]  }
0x29: {  	s4 =	sld [smem:$0x3FAC]  }
0x2a: {  	p0 =	seq.s32 s5, $0x0;
	s5 =	sld [smem:$0x3FAD]  }
0x2b: {  	s6 =	sld [smem:$0x3FAE]  }
0x2c: {  	s7 =	sld [smem:$0x3FAF]  }
0x2d: {  	s3 =	simm.s32 $0x108;
	s8 =	sld [smem:$0x3FB0]  }
0x2e: {  	s3 =	simm.s32 @!p0 $0x1082;
	s9 =	sld [smem:$0x3FB1]  }
0x2f: {  	lr =	sadd.s32 s0, s3;
	s0 =	sld [smem:$0x3FA8]  }
0x30: {  	s3 =	sld [smem:$0x3FAB]  }
0x31: {  	[smem:$0x3FB4] =	sst s10  }
0x32: {  	s10 =	sld [smem:$0x3FB2];
	_ =	sdelay $0x3  }
0x33: {  	p0 =	seq.s32 s10, $0x1;
	s10 =	sld [smem:$0x3FB4];
	_ =	sdelay $0x3  }
0x34: {  	[smem:$0x3FB4] =	sst s10  }
0x35: {  	s10 =	sld [smem:$0x3FB3];
	_ =	sdelay $0x3  }
0x36: {  	p1 =	seq.s32 s10, $0x1;
	s10 =	sld [smem:$0x3FB4];
	_ =	sdelay $0x3  }
0x37: {  	[smem:$0x3FB4] =	sst s10  }
0x38: {  	s10 =	sld [smem:$0x3FB5]  }
0x39: {  	_ = 	snop;
	(pc) =	sbr.ind lr, $3  }
0x3a: {  	_ = 	snop  }
0x3b: {  	_ = 	snop  }
0x3c: {  	p2 =	seq.s32 s10, $0x1;
	s10 =	sld [smem:$0x3FB4]  }
0x3d: {  	_ =	shalt  }
0x3e: {  	_ =	shalt  }
0x3f: {  	_ =	shalt  }
0x40: {  	_ =	shalt  }
0x41: {  	_ =	shalt  }
0x42: {  	_ =	shalt  }
0x43: {  	_ =	shalt  }
0x44: {  	_ =	shalt  }
0x45: {  	_ =	shalt  }
0x46: {  	_ =	shalt  }
0x47: {  	_ =	shalt  }
0x48: {  	_ =	shalt  }
0x49: {  	_ =	shalt  }
0x4a: {  	_ =	shalt  }
0x4b: {  	_ =	shalt  }
0x4c: {  	_ =	shalt  }
0x4d: {  	_ =	shalt  }
0x4e: {  	_ =	shalt  }
0x4f: {  	_ =	shalt  }
0x50: {  	_ =	shalt  }
0x51: {  	_ =	shalt  }
0x52: {  	_ =	shalt  }
0x53: {  	_ =	shalt  }
0x54: {  	_ =	shalt  }
0x55: {  	_ =	shalt  }
0x56: {  	_ =	shalt  }
0x57: {  	_ =	shalt  }
0x58: {  	_ =	shalt  }
0x59: {  	_ =	shalt  }
0x5a: {  	_ =	shalt  }
0x5b: {  	_ =	shalt  }
0x5c: {  	_ =	shalt  }
0x5d: {  	_ =	shalt  }
0x5e: {  	_ =	shalt  }
0x5f: {  	_ =	shalt  }
0x60: {  	_ =	shalt  }
0x61: {  	_ =	shalt  }
0x62: {  	_ =	shalt  }
0x63: {  	_ =	shalt  }
0x64: {  	_ =	shalt  }
0x65: {  	_ =	shalt  }
0x66: {  	_ =	shalt  }
0x67: {  	_ =	shalt  }
0x68: {  	_ =	shalt  }
0x69: {  	_ =	shalt  }
0x6a: {  	_ =	shalt  }
0x6b: {  	_ =	shalt  }
0x6c: {  	_ =	shalt  }
0x6d: {  	_ =	shalt  }
0x6e: {  	_ =	shalt  }
0x6f: {  	_ =	shalt  }
0x70: {  	_ =	shalt  }
0x71: {  	_ =	shalt  }
0x72: {  	_ =	shalt  }
0x73: {  	_ =	shalt  }
0x74: {  	_ =	shalt  }
0x75: {  	_ =	shalt  }
0x76: {  	_ =	shalt  }
0x77: {  	_ =	shalt  }
0x78: {  	_ =	shalt  }
0x79: {  	_ =	shalt  }
0x7a: {  	_ =	shalt  }
0x7b: {  	_ =	shalt  }
0x7c: {  	_ =	shalt  }
0x7d: {  	_ =	shalt  }
0x7e: {  	_ =	shalt  }
0x7f: {  	_ =	shalt  }
0x80: {  	_ =	shalt  }
0x81: {  	_ =	shalt  }
0x82: {  	_ =	shalt  }
0x83: {  	_ =	shalt  }
0x84: {  	_ =	shalt  }
0x85: {  	_ =	shalt  }
0x86: {  	_ =	shalt  }
0x87: {  	_ =	shalt  }
.Lfunc_end0:
.L_simem_size_0:
called_computation_lowered:
.L_overlay_start_0:
0x88: {  	s2 =	sld [smem:$0x3FD9]  }
0x89: {  	s3 =	sld [smem:$0x3FFE];
	_ =	sdelay $0x1  }
0x8a: {  	s1 =	srdreg.scid  }
0x8b: {  	s0 =	sand.u32 $0x1, s1  }
0x8c: {  	s16 =	sshll.u32 s0, $0xA;
	s2 =	sadd.s32 s3, s2  }
0x8d: {  	s2 =	sadd.s32 s2, s16  }
0x8e: {  	[smem:$0x3FC0] =	sst s2  }
0x8f: {  	_ = 	snop  }
0x90: {  	(tm) =	ssettm $0x1  }
0x91: {  	s17 =	sld [smem:$0x3FFB];
	_ =	sdelay $0x3  }
0x92: {  	_ =	strace s17  }
0x93: {  	s2 =	sld [smem:$0x3FFC];
	_ =	sdelay $0x3  }
0x94: {  	_ =	strace s2  }
0x95: {  	s2 =	sld [smem:$0x3FFD];
	_ =	sdelay $0x3  }
0x96: {  	_ =	strace s2  }
0x97: {  	_ =	strace $0x8FFFFFFF  }
0x98: {  	s18 =	sld [smem:$0x3FDB];
	_ =	sdelay $0x1  }
0x99: {  	s19 =	simm.s32 $_scs_section_size  }
0x9a: {  	s4 =	simm.s32 $_size__tile_overlayer_lowered;
	s5 =	simm.s32 $_tile_overlayer_lowered  }
0x9b: {  	s22 =	simm.s32 $0x1BFF;
	s21 =	sshll.u32 s5, $0x1;
	s2 =	sadd.s32 s19, s18  }
0x9c: {  	s6 =	simm.s32 $0x0;
	s20 =	sshll.u32 s4, $0x1;
	s4 =	sadd.s32 s21, s2  }
0x9d: {  	[timem:s6], [sflag:s22] =	dma.local [hbm:s4], s20  }
0x9e: {  	_ =	swait.ge [sflag:s22], s20  }
0x9f: {  	s3 =	ssub.s32 $0x0, s20;
	[sflag:s22] =	ssyncset.done $0x0  }
0xa0: {  	[sflag:s22] =	ssyncadd.s32 s3;
	_ =	sdelay $0x1  }
0xa1: {  	s23 =	simm.s32 $0x1B8B  }
0xa2: {  	_ =	swait.ge [sflag:s23], $0x1  }
0xa3: {  	[sflag:s23] =	ssyncset.done $0x0  }
0xa4: {  	s25 =	simm.s32 $0x1B8E;
	s24 =	sld [smem:$0x3FFE];
	[sflag:s23] =	ssyncadd.s32 $0xFFFFFFFF  }
0xa5: {  	s26 =	simm.s32 $execute0_lowered;
	[smem:$0x3FD2] =	sst s25  }
0xa6: {  	s4 =	sshll.u32 s26, $0x1;
	_ =	strace $0x80000046;
	[dreg:$0x1] =	wrdreg $0xFFFFFFFF  }
0xa7: {  	s28 =	simm.s32 $_size_execute0_lowered;
	s2 =	sadd.s32 s2, s4;
	[dreg:$0x0] =	wrdreg $0x0  }
0xa8: {  	s4 =	sshll.u32 s28, $0x1;
	[dreg:$0x2] =	wrdreg s2  }
0xa9: {  	[dreg:$0x3] =	wrdreg s4  }
0xaa: {  	[dreg:$0x4] =	wrdreg $0xC0  }
0xab: {  	_ =	task [dreg:s6], $0x5FFFF  }
0xac: {  	[dreg:$0x1] =	wrdreg $0xFFFFFFFF  }
0xad: {  	[dreg:$0x0] =	wrdreg $0x60  }
0xae: {  	[dreg:$0x2] =	wrdreg s24  }
0xaf: {  	[dreg:$0x3] =	wrdreg $0x2A000  }
0xb0: {  	[dreg:$0x4] =	wrdreg $0x9  }
0xb1: {  	_ =	task.clear_ibuf [dreg:s6], $0x5FFFF;
	_ =	strace $0x90000046  }
0xb2: {  	s29 =	simm.s32 $0x9;
	_ =	strace $0x80000048  }
0xb3: {  	_ =	swait.ge [sflag:s29], $0x1  }
0xb4: {  	[sflag:s29] =	ssyncadd.s32 $0xFFFFFFFF  }
0xb5: {  	_ =	strace $0x90000048  }
0xb6: {  	_ =	sfence  }
0xb7: {  	s30 =	sld [smem:$0x0];
	_ =	sdelay $0x2  }
0xb8: {  	s31 =	sshll.u32 s1, $0xD;
	s1 =	sshrl.u32 s1, $0x2  }
0xb9: {  	s3 =	sand.u32 $0x4000, s31;
	s1 =	sadd.s32 s1, s30  }
0xba: {  	s0 =	sor.u32 s3, s0;
	s1 =	sshll.u32 s1, $0x11  }
0xbb: {  	s0 =	sor.u32 s1, s0  }
0xbc: {  	s0 =	sadd.s32 $0x8F2B, s0  }
0xbd: {  	[sflag:s0] =	ssyncadd.remote.s32 $0x1  }
0xbe: {  	_ =	sfence.sel $0xFFFF  }
0xbf: {  	[dreg:$0x0] =	wrdreg $0xFFFFFFFF;
	(pc) =	sbr.abs _section_cstart, $3  }
0xc0: {  	[dreg:$0x1] =	wrdreg $0xFFFFFFFF  }
0xc1: {  	_ =	task.clear_ibuf [dreg:s6], $0x2FFFF;
	_ =	strace $0x9FFFFFFF  }
0xc2: {  	(tm) =	ssettm $0x7FFFFFFF  }
0xc3: {  	_ =	shalt  }
tec
execute0_lowered:
.L_overlay_start_1:
0x0: {  	(tag) =	ssettag $0x1  }
0x1: {  	s0 =	rddreg [dreg:$0x0]  }
0x2: {  	s1 =	rddreg [dreg:$0x1];
	s2 =	simm.s32 $0x0  }
0x3: {  	s3 =	stileid.u32;
	s25 =	srdreg.scid;
	s28 =	simm.s32 $0x1  }
0x4: {  	s29 =	simm.s32 $0x28;
	s30 =	simm.s32 $0x1600;
	s31 =	simm.s32 $0x2  }
0x5: {  	[smem:$0x7FF] =	sst s2;
	s4 =	sadd.s32 $0xD400, s0;
	s5 =	smul.u32 $0x13800, s3  }
0x6: {  	s7 =	sadd.s32 $0x3600, s0;
	s6 =	sadd.s32 $0x17200, s0;
	s12 =	sand.u32 $0x1, s25  }
0x7: {  	s26 =	smul.u32 $0x4E000, s3;
	s14 =	sadd.s32 $0x3EA00, s0;
	s11 =	sshll.u32 s3, $0x1  }
0x8: {  	s17 =	sshll.u32 s3, $0x6;
	s19 =	sadd.s32 $0x138000, s1;
	p0 =	sne.s32 s3, $0x0  }
0x9: {  	_ =	strace $0x80000047;
	[dreg:$0x3] =	wrdreg s6;
	s9 =	ssub.s32 $0x2, s12  }
0xa: {  	s13 =	sor.u32 s12, s11;
	[dreg:$0x6] =	wrdreg s19;
	s8 =	sshrl.u32 s5, $0x3  }
0xb: {  	s10 =	sshrl.u32 s9, $0x1;
	s6 =	sshrl.u32 s26, $0x2;
	s18 =	smul.u32 $0x2710, s13  }
0xc: {  	s13 =	smul.u32 $0x138800, s12;
	s8 =	sadd.s32 s8, s0;
	s6 =	sadd.s32 s6, s1  }
0xd: {  	s15 =	ssub.s32 s9, s10;
	s0 =	sadd.s32 $0x3E800, s0;
	[dreg:$0x4] =	wrdreg s6  }
0xe: {  	s16 =	sadd.s32 $0x17800, s8;
	s6 =	sor.u32 $0x1C05, s17;
	[dreg:$0x7] =	wrdreg s0  }
0xf: {  	s20 =	sshrl.u32 s18, $0x3;
	s8 =	sadd.s32 $0x28, s18;
	s5 =	sadd.s32 s5, s13  }
0x10: {  	s17 =	sshrl.u32 s13, $0x3;
	s18 =	smul.u32 $0x2710, s12;
	s15 =	smax.u32 s15, $0x1  }
0x11: {  	[dreg:$0x5] =	wrdreg s16;
	s21 =	sadd.s32 s4, s20;
	s10 =	sadd.s32 s7, s20  }
0x12: {  	s8 =	sshrl.u32 s8, $0x3;
	s16 =	smul.u32 $0x4E20, s3;
	s5 =	sshrl.u32 s5, $0x3  }
0x13: {  	s22 =	sadd.s32 s14, s17;
	s0 =	sadd.s32 $0xA, s20;
	s3 =	simm.s32 $0x4  }
0x14: {  	[dreg:$0x8] =	wrdreg s21;
	s11 =	sadd.s32 s4, s8;
	s12 =	sadd.s32 s7, s8  }
0x15: {  	s13 =	sadd.s32 s14, s5;
	s14 =	sadd.s32 $0x27000, s22;
	s17 =	sadd.s32 s7, s0  }
0x16: {  	s22 =	simm.s32 $0x5;
	s23 =	sadd.s32 s18, s16;
	s16 =	sadd.s32 s4, s0  }
.Ltmp0:
0x17: {  	s0 =	simm.s32 $0x3;
	s24 =	sadd.s32 $0xA0, s23;
	(pc) =	sbr.rel .LBB2_1-.Ltmp0, $4  }
0x18: {  	s5 =	sadd.s32 $0x78, s23;
	s23 =	simm.s32 $0x200;
	s25 =	sshrl.u32 s24, $0x3  }
0x19: {  	s26 =	sshrl.u32 s5, $0x3;
	s24 =	simm.s32 $0x80;
	s18 =	sadd.s32 s25, s7  }
0x1a: {  	s19 =	sadd.s32 s25, s4;
	s20 =	sadd.s32 s26, s7;
	s21 =	sadd.s32 s26, s4  }
0x1b: {  	s25 =	simm.s32 $0x100;
	s26 =	simm.s32 $0x180;
	s4 =	simm.s32 $0x0  }
.LBB2_4:
0x1c: {  	_ =	swait.ge [sflag:s3], $0x1400  }
0x1d: {  	[sflag:s3] =	ssyncset.done $0x0  }
0x1e: {  	[sflag:s3] =	ssyncadd.s32 $0xFFFFEC00  }
0x1f: {  	_ =	swait.ge [sflag:s3], $0x1400  }
0x20: {  	[sflag:s3] =	ssyncset.done $0x0  }
0x21: {  	[sflag:s3] =	ssyncadd.s32 $0xFFFFEC00  }
0x22: {  	[bflag:$0x0] =	sbarrier.arrive $0xFFFF  }
0x23: {  	[hbm:s13], [sflag:s6] =	dma.local [spmem:s5], $0x2700  }
0x24: {  	s4 =	sadd.s32 $0x1, s4;
	_ =	swait.ge [sflag:s22], $0x2700  }
0x25: {  	p1 =	sne.s32 s4, s15;
	[sflag:s22] =	ssyncset.done $0x0  }
.Ltmp1:
0x26: {  	s5 =	simm.s32 @!p0 $0x5;
	[sflag:s22] =	ssyncadd.s32 $0xFFFFD900;
	(pc) =	sbr.rel @!p1 .LBB2_5-.Ltmp1, $4  }
0x27: {  	[hbm:s14], [sflag:s6] =	dma.local @!p0 [spmem:s7], $0x100  }
0x28: {  	_ =	swait.ge @!p0 [sflag:s5], $0x100  }
0x29: {  	[sflag:s5] =	ssyncset.done @!p0 $0x0  }
0x2a: {  	[sflag:s5] =	ssyncadd.s32 @!p0 $0xFFFFFF00  }
.LBB2_1:
0x2b: {  	s5 =	rddreg [dreg:$0x4]  }
0x2c: {  	s7 =	rddreg [dreg:$0x5];
	s5 =	sshrl.u32 s5, $0x3  }
0x2d: {  	[spmem:s5], [sflag:s6] =	dma.local [hbm:s7], $0x2700  }
0x2e: {  	_ =	swait.ge [sflag:s22], $0x2700  }
0x2f: {  	[sflag:s22] =	ssyncset.done $0x0;
	s7 =	rddreg [dreg:$0x6]  }
0x30: {  	s8 =	rddreg [dreg:$0x7];
	[sflag:s22] =	ssyncadd.s32 $0xFFFFD900;
	s7 =	sshrl.u32 @!p0 s7, $0x3  }
0x31: {  	[spmem:s7], [sflag:s6] =	dma.local @!p0 [hbm:s8], $0x100  }
0x32: {  	s8 =	simm.s32 @!p0 $0x5  }
0x33: {  	_ =	swait.ge @!p0 [sflag:s8], $0x100  }
0x34: {  	[sflag:s8] =	ssyncset.done @!p0 $0x0  }
0x35: {  	s9 =	rddreg [dreg:$0x3];
	[sflag:s8] =	ssyncadd.s32 @!p0 $0xFFFFFF00  }
0x36: {  	[tilespmem:s23], [sflag:$0x5] =	stream.linear.gather [hbm4b:s9+s2], $0x2800, $0x38;
	[tilespmem:$0x16280] =	vst v63  }
0x37: {  	_ =	swait.ge [sflag:s22], $0x2800  }
0x38: {  	[sflag:s22] =	ssyncset.done $0x0  }
0x39: {  	[sflag:s22] =	ssyncadd.s32 $0xFFFFD800  }
0x3a: {  	[bflag:$0x0] =	sbarrier.arrive $0xFFFF  }
0x3b: {  	s9 =	rddreg [dreg:$0x8]  }
0x3c: {  	[tilespmem:s2], [sflag:$0x1] =	stream.linear.gather [hbm4b:s9+s2], $0x28, $0x38;
	[tilespmem:$0x16280] =	vst v63  }
0x3d: {  	_ = 	snop  }
0x3e: {  	[tilespmem:s24], [sflag:$0x1] =	stream.linear.gather [hbm4b:s10+s2], $0x28, $0x38;
	[tilespmem:$0x16280] =	vst v63  }
0x3f: {  	_ = 	snop  }
0x40: {  	[tilespmem:s25], [sflag:$0x2] =	stream.linear.gather [hbm4b:s11+s2], $0x28, $0x38;
	[tilespmem:$0x16280] =	vst v63  }
0x41: {  	_ = 	snop  }
0x42: {  	[tilespmem:s26], [sflag:$0x2] =	stream.linear.gather [hbm4b:s12+s2], $0x28, $0x38;
	[tilespmem:$0x16280] =	vst v63  }
0x43: {  	_ =	swait.ge [sflag:s28], $0x28  }
0x44: {  	[sflag:s28] =	ssyncset.done $0x0  }
0x45: {  	[sflag:s28] =	ssyncadd.s32 $0xFFFFFFD8  }
0x46: {  	_ =	swait.ge [sflag:s28], $0x28  }
0x47: {  	[sflag:s28] =	ssyncset.done $0x0  }
0x48: {  	[sflag:s28] =	ssyncadd.s32 $0xFFFFFFD8  }
0x49: {  	[spmem:s1] =	stream.indirect.scatter.add.f32 [tilespmem:s23], [sflag:$0x3], $0x80, s2, s29, $0xb8;
	[tilespmem:$0x16280] =	vst v63  }
0x4a: {  	_ = 	snop  }
0x4b: {  	[spmem:s1] =	stream.indirect.scatter.add.f32 [tilespmem:s30], [sflag:$0x3], $0x80, s24, s29, $0xb8;
	[tilespmem:$0x16280] =	vst v63  }
0x4c: {  	_ =	swait.ge [sflag:s31], $0x28  }
0x4d: {  	[sflag:s31] =	ssyncset.done $0x0  }
0x4e: {  	[sflag:s31] =	ssyncadd.s32 $0xFFFFFFD8  }
0x4f: {  	_ =	swait.ge [sflag:s31], $0x28  }
0x50: {  	[sflag:s31] =	ssyncset.done $0x0  }
0x51: {  	[sflag:s31] =	ssyncadd.s32 $0xFFFFFFD8  }
0x52: {  	[spmem:s1] =	stream.indirect.scatter.add.f32 [tilespmem:s23], [sflag:$0x4], $0x80, s25, s29, $0xb8;
	[tilespmem:$0x16280] =	vst v63  }
0x53: {  	_ = 	snop  }
0x54: {  	[spmem:s1] =	stream.indirect.scatter.add.f32 [tilespmem:s30], [sflag:$0x4], $0x80, s26, s29, $0xb8;
	[tilespmem:$0x16280] =	vst v63  }
0x55: {  	_ =	swait.ge [sflag:s0], $0x1400  }
0x56: {  	[sflag:s0] =	ssyncset.done $0x0  }
0x57: {  	[sflag:s0] =	ssyncadd.s32 $0xFFFFEC00  }
0x58: {  	_ =	swait.ge [sflag:s0], $0x1400  }
0x59: {  	[sflag:s0] =	ssyncset.done $0x0  }
0x5a: {  	[sflag:s0] =	ssyncadd.s32 $0xFFFFEC00  }
0x5b: {  	[tilespmem:s2], [sflag:$0x1] =	stream.linear.gather [hbm4b:s16+s2], $0x28, $0x38;
	[tilespmem:$0x16280] =	vst v63  }
0x5c: {  	s8 =	simm.s32 $0x0  }
0x5d: {  	[tilespmem:s24], [sflag:$0x1] =	stream.linear.gather [hbm4b:s17+s2], $0x28, $0x38;
	[tilespmem:$0x16280] =	vst v63  }
.LBB2_2:
0x5e: {  	_ =	swait.ge [sflag:s28], $0x28  }
0x5f: {  	[sflag:s28] =	ssyncset.done $0x0  }
0x60: {  	[sflag:s28] =	ssyncadd.s32 $0xFFFFFFD8  }
0x61: {  	_ =	swait.ge [sflag:s28], $0x28  }
0x62: {  	[sflag:s28] =	ssyncset.done $0x0  }
0x63: {  	[sflag:s28] =	ssyncadd.s32 $0xFFFFFFD8  }
0x64: {  	[spmem:s1] =	stream.indirect.scatter.add.f32 [tilespmem:s23], [sflag:$0x3], $0x80, s2, s29, $0xb8;
	[tilespmem:$0x16280] =	vst v63  }
0x65: {  	_ = 	snop  }
0x66: {  	[spmem:s1] =	stream.indirect.scatter.add.f32 [tilespmem:s30], [sflag:$0x3], $0x80, s24, s29, $0xb8;
	[tilespmem:$0x16280] =	vst v63  }
0x67: {  	_ =	swait.ge [sflag:s3], $0x1400  }
0x68: {  	[sflag:s3] =	ssyncset.done $0x0  }
0x69: {  	[sflag:s3] =	ssyncadd.s32 $0xFFFFEC00  }
0x6a: {  	_ =	swait.ge [sflag:s3], $0x1400  }
0x6b: {  	[sflag:s3] =	ssyncset.done $0x0  }
0x6c: {  	s9 =	sadd.s32 s8, s21;
	[sflag:s3] =	ssyncadd.s32 $0xFFFFEC00  }
0x6d: {  	[tilespmem:s25], [sflag:$0x2] =	stream.linear.gather [hbm4b:s9+s2], $0x28, $0x38;
	[tilespmem:$0x16280] =	vst v63  }
0x6e: {  	s9 =	sadd.s32 s8, s20  }
0x6f: {  	[tilespmem:s26], [sflag:$0x2] =	stream.linear.gather [hbm4b:s9+s2], $0x28, $0x38;
	[tilespmem:$0x16280] =	vst v63  }
0x70: {  	_ =	swait.ge [sflag:s31], $0x28  }
0x71: {  	[sflag:s31] =	ssyncset.done $0x0  }
0x72: {  	[sflag:s31] =	ssyncadd.s32 $0xFFFFFFD8  }
0x73: {  	_ =	swait.ge [sflag:s31], $0x28  }
0x74: {  	[sflag:s31] =	ssyncset.done $0x0  }
0x75: {  	[sflag:s31] =	ssyncadd.s32 $0xFFFFFFD8  }
0x76: {  	[spmem:s1] =	stream.indirect.scatter.add.f32 [tilespmem:s23], [sflag:$0x4], $0x80, s25, s29, $0xb8;
	[tilespmem:$0x16280] =	vst v63  }
0x77: {  	_ = 	snop  }
0x78: {  	[spmem:s1] =	stream.indirect.scatter.add.f32 [tilespmem:s30], [sflag:$0x4], $0x80, s26, s29, $0xb8;
	[tilespmem:$0x16280] =	vst v63  }
0x79: {  	p1 =	seq.s32 s8, $0x4CE;
	_ =	swait.ge [sflag:s0], $0x1400  }
.Ltmp2:
0x7a: {  	[sflag:s0] =	ssyncset.done $0x0;
	(pc) =	sbr.rel @p1 .LBB2_4-.Ltmp2, $4  }
0x7b: {  	[sflag:s0] =	ssyncadd.s32 $0xFFFFEC00  }
0x7c: {  	_ =	swait.ge [sflag:s0], $0x1400  }
0x7d: {  	[sflag:s0] =	ssyncset.done $0x0  }
0x7e: {  	[sflag:s0] =	ssyncadd.s32 $0xFFFFEC00  }
.Ltmp3:
0x7f: {  	(pc) =	sbr.rel .LBB2_2-.Ltmp3, $4  }
0x80: {  	s9 =	sadd.s32 s8, s19  }
0x81: {  	[tilespmem:s2], [sflag:$0x1] =	stream.linear.gather [hbm4b:s9+s2], $0x28, $0x38;
	[tilespmem:$0x16280] =	vst v63  }
0x82: {  	s9 =	sadd.s32 s8, s18;
	s8 =	sadd.s32 $0xA, s8  }
0x83: {  	[tilespmem:s24], [sflag:$0x1] =	stream.linear.gather [hbm4b:s9+s2], $0x28, $0x38;
	[tilespmem:$0x16280] =	vst v63  }
.LBB2_5:
0x84: {  	_ =	sfence.sel $0x180000  }
0x85: {  	[bflag:$0x0] =	sbarrier.arrive $0xFFFF  }
0x86: {  	_ =	strace $0x90000047  }
0x87: {  	[bflag:$0x2] =	sbarrier.arrive $0xFFFF  }
0x88: {  	s0 =	rddreg [dreg:$0x2]  }
0x89: {  	s0 =	sadd.s32 @!p0 $0x100000, s0  }
0x8a: {  	[sflag:s0] =	ssyncadd.tile.s32 @!p0 $0x1;
	_ =	shalt  }
.Lfunc_end2:
_tile_overlayer_lowered:
.L_overlay_start_2:
0x8b: {  	(tag) =	ssettag $0x2  }
0x8c: {  	s0 =	rddreg [dreg:$0x0];
	s2 =	stileid.u32  }
0x8d: {  	s1 =	rddreg [dreg:$0x1];
	p0 =	sne.s32 s2, $0x0  }
0x8e: {  	s3 =	rddreg [dreg:$0x2];
	[bflag:$0x3] =	sbarrier.arrive $0xFFFF;
	s2 =	simm.s32 @!p0 $0x1C05  }
0x8f: {  	[timem:s3], [sflag:s2] =	dma.local @!p0 [hbm:s0], s1  }
0x90: {  	s0 =	simm.s32 @!p0 $0x5  }
0x91: {  	_ =	swait.ge @!p0 [sflag:s0], s1  }
0x92: {  	s1 =	ssub.s32 @!p0 $0x0, s1;
	[sflag:s0] =	ssyncset.done @!p0 $0x0  }
0x93: {  	[sflag:s0] =	ssyncadd.s32 @!p0 s1  }
0x94: {  	[bflag:$0x3] =	sbarrier.arrive $0xFFFF  }
0x95: {  	_ =	shalt  }

</sc_bundles>
